<compile_context>
chip_gen: v7x
topology: tpu7x:2x2x1
jax: 0.10.2.dev20260603
libtpu: 0.0.44.dev20260713+nightly
codegen_flags: <defaults>
</compile_context>

<pallas_src>
import functools

import jax
import jax.numpy as jnp
from jax import lax
from jax.experimental import pallas as pl
from jax.experimental.pallas import tpu as pltpu
from jax.experimental.pallas import tpu_sc as plsc

B, N, FIN, FOUT, E = 4, 10000, 128, 128, 320000
KP1 = 4
NSC = 2
NT = 16
BPS = B // NSC
CH = 128
SCH = 16
EPT = 20480
E_PAD = EPT * NT
NCHUNK = EPT // CH
NSUPER = NCHUNK // SCH
NP = 10240
RPT = NP // NT
RJ = 128

BN = 400

_BCAST_DNUMS = lax.GatherDimensionNumbers(
    offset_dims=(), collapsed_slice_dims=(0,), start_index_map=(0,))


def _bcast_lane(vec, j):
    return lax.gather(
        vec, jnp.full((16, 1), j, jnp.int32), _BCAST_DNUMS, slice_sizes=(1,),
        mode=lax.GatherScatterMode.PROMISE_IN_BOUNDS)


def _mm_body(x_ref, w_ref, o_ref):
    o_ref[0] = lax.dot_general(
        x_ref[0], w_ref[0], (((1,), (0,)), ((), ())),
        preferred_element_type=jnp.float32)


def _tc_xw(x, weight):
    return pl.pallas_call(
        _mm_body,
        grid=(KP1 * B, N // BN),
        in_specs=[
            pl.BlockSpec((1, BN, FIN), lambda i, j: (i % B, j, 0)),
            pl.BlockSpec((1, FIN, FOUT), lambda i, j: (i // B, 0, 0)),
        ],
        out_specs=pl.BlockSpec((1, BN, FOUT), lambda i, j: (i, j, 0)),
        out_shape=jax.ShapeDtypeStruct((KP1 * B, N, FOUT), jnp.float32),
    )(x, weight)


@functools.partial(
    pl.kernel,
    out_type=jax.ShapeDtypeStruct((B, NP, FOUT), jnp.float32),
    mesh=plsc.VectorSubcoreMesh(core_axis_name="c", subcore_axis_name="s"),
    scratch_types=[
        pltpu.VMEM_SHARED((NP, FOUT), jnp.float32),
        pltpu.VMEM((SCH, CH), jnp.int32),
        pltpu.VMEM((SCH, CH), jnp.int32),
        pltpu.VMEM((SCH, CH), jnp.float32),
        pltpu.VMEM((CH, FOUT), jnp.float32),
        pltpu.VMEM((CH, FOUT), jnp.float32),
        pltpu.SemaphoreType.DMA,
        pltpu.SemaphoreType.DMA,
    ],
)
def _sc_spmm(xw_hbm, col_hbm, row_hbm, val_hbm, binit_hbm, out_hbm,
             acc, fcol, rowv, valv, gbuf0, gbuf1, sem0, sem1):
    cid = lax.axis_index("c")
    sid = lax.axis_index("s")

    def _scale(gb, c):
        def group_body(eg, _):
            vvec = valv[c, pl.ds(eg * 16, 16)]
            for j in range(16):
                vb = _bcast_lane(vvec, j)
                i = eg * 16 + j
                for g in range(FOUT // 16):
                    gb[i, pl.ds(g * 16, 16)] = gb[i, pl.ds(g * 16, 16)] * vb
            return 0

        lax.fori_loop(0, CH // 16, group_body, 0)

    for bl in range(BPS):
        b = cid * BPS + bl
        pltpu.sync_copy(binit_hbm, gbuf0)
        for j in range(RPT // RJ):
            pltpu.sync_copy(gbuf0, acc.at[pl.ds(sid * RPT + j * RJ, RJ)])
        plsc.subcore_barrier()
        for k in range(KP1):
            offv = jnp.full((16,), k * B * N, jnp.int32) + b * N

            def super_body(s, _, k=k, offv=offv):
                pltpu.sync_copy(col_hbm.at[k, sid, pl.ds(s * SCH, SCH)], fcol)
                pltpu.sync_copy(row_hbm.at[k, sid, pl.ds(s * SCH, SCH)], rowv)
                pltpu.sync_copy(val_hbm.at[k, sid, pl.ds(s * SCH, SCH)], valv)

                def add_off(r, _):
                    for g in range(CH // 16):
                        sl = pl.ds(g * 16, 16)
                        fcol[r, sl] = fcol[r, sl] + offv
                    return 0

                lax.fori_loop(0, SCH, add_off, 0)
                pltpu.async_copy(xw_hbm.at[fcol.at[0]], gbuf0, sem0)

                def pair_body(p, _):
                    c0 = 2 * p
                    c1 = c0 + 1
                    pltpu.async_copy(xw_hbm.at[fcol.at[c1]], gbuf1, sem1)
                    pltpu.make_async_copy(
                        xw_hbm.at[fcol.at[c0]], gbuf0, sem0).wait()

                    @pl.when(p < SCH // 2 - 1)
                    def _():
                        pltpu.async_copy(
                            xw_hbm.at[fcol.at[c0 + 2]], gbuf0, sem0)

                    pltpu.make_async_copy(
                        xw_hbm.at[fcol.at[c1]], gbuf1, sem1).wait()
                    return 0

                lax.fori_loop(0, SCH // 2, pair_body, 0)
                return 0

            lax.fori_loop(0, NSUPER, super_body, 0)
        plsc.subcore_barrier()
        for j in range(RPT // RJ):
            rs = sid * RPT + j * RJ
            pltpu.sync_copy(acc.at[pl.ds(rs, RJ)], out_hbm.at[b, pl.ds(rs, RJ)])
        plsc.subcore_barrier()


def kernel(x, cheb_indices, cheb_values, weight, bias):
    xw = _tc_xw(x, weight).reshape(KP1 * B * N, FOUT)
    pad = E_PAD - E
    padv = jnp.broadcast_to(
        (jnp.arange(pad, dtype=jnp.int32) * 16) % N, (KP1, pad))
    col = jnp.concatenate([cheb_indices[:, 1, :], padv], axis=1)
    row = jnp.concatenate([cheb_indices[:, 0, :], padv], axis=1)
    val = jnp.pad(cheb_values, ((0, 0), (0, pad)))
    col = col.reshape(KP1, NT, NCHUNK, CH)
    row = row.reshape(KP1, NT, NCHUNK, CH)
    val = val.reshape(KP1, NT, NCHUNK, CH)
    binit = jnp.broadcast_to(bias[None, :], (RJ, FOUT))
    return _sc_spmm(xw, col, row, val, binit)[:, :N, :]

# --- scband reference (transcript-rebuilt; emitter-appended) ---
"""Pipeline reference for scband-cheb-conv-24335284699204 (READ-ONLY COPY).

The authoritative reference and input builder live on the scoring server;
editing this copy changes nothing except your own understanding.
"""

import jax, jax.numpy as jnp
import numpy as np
import math

B, N, FIN, FOUT, K, E = 4, 10000, 128, 128, 3, 320000


def setup_inputs(seed: int = 0) -> dict:
    key = jax.random.key(seed)
    k1, k2, k3, k4, k5 = jax.random.split(key, 5)
    x = jax.random.normal(k1, (B, N, FIN), dtype=jnp.float32)
    # cheb_basis: K+1 sparse [N, N] matrices given as COO (row, col) indices + values
    cheb_indices = jax.random.randint(k2, (K + 1, 2, E), 0, N, dtype=jnp.int32)
    cheb_values = jax.random.normal(k3, (K + 1, E), dtype=jnp.float32) * 0.1
    stdv = 1.0 / math.sqrt(FOUT)
    weight = jax.random.uniform(k4, (K + 1, FIN, FOUT), minval=-stdv, maxval=stdv, dtype=jnp.float32)
    bias = jax.random.uniform(k5, (FOUT,), minval=-stdv, maxval=stdv, dtype=jnp.float32)
    return {"x": x, "cheb_indices": cheb_indices, "cheb_values": cheb_values, "weight": weight, "bias": bias}


def reference(x, cheb_indices, cheb_values, weight, bias):
    # x: (B, N, F_in); for each order k: support = T_k @ x_b (sparse mm == gather + scatter-add),
    # then support @ weight[k]; accumulate over k; add bias.
    Bv, Nv, Fv = x.shape
    out = None
    for k in range(weight.shape[0]):
        row = cheb_indices[k, 0]
        col = cheb_indices[k, 1]
        vals = cheb_values[k]
        gathered = x[:, col, :] * vals[None, :, None]          # (B, E, F_in) gather
        support = jnp.zeros((Bv, Nv, Fv), dtype=x.dtype).at[:, row, :].add(gathered)  # scatter-add
        support = jnp.einsum('bnf,fo->bno', support, weight[k])
        out = support if out is None else out + support
    return out + bias

if __name__ == "__main__":
    import jax
    _d = setup_inputs()
    print(jax.jit(kernel)(*tuple(_d.values())))

</pallas_src>

<mosaic_0001>
#map = affine_map<(d0, d1) -> (0, 0)>
#map1 = affine_map<(d0, d1) -> (0, 0, 0, 0)>
#map2 = affine_map<(d0, d1) -> (0, 0, 0)>
module attributes {stable_mosaic.version = 14 : i64} {
  func.func @_sc_spmm(%arg0: i32, %arg1: i32, %arg2: memref<160000x128xf32, #tpu.memory_space<hbm>>, %arg3: memref<4x16x160x128xi32, #tpu.memory_space<hbm>>, %arg4: memref<4x16x160x128xi32, #tpu.memory_space<hbm>>, %arg5: memref<4x16x160x128xf32, #tpu.memory_space<hbm>>, %arg6: memref<128x128xf32, #tpu.memory_space<hbm>>, %arg7: memref<4x10240x128xf32, #tpu.memory_space<hbm>>, %arg8: memref<10240x128xf32, #tpu.memory_space<vmem_shared>>, %arg9: memref<16x128xi32, #tpu.memory_space<vmem>>, %arg10: memref<16x128xi32, #tpu.memory_space<vmem>>, %arg11: memref<16x128xf32, #tpu.memory_space<vmem>>, %arg12: memref<128x128xf32, #tpu.memory_space<vmem>>, %arg13: memref<128x128xf32, #tpu.memory_space<vmem>>, %arg14: memref<!tpu.dma_semaphore, #tpu.memory_space<semaphore_mem>>, %arg15: memref<!tpu.dma_semaphore, #tpu.memory_space<semaphore_mem>>) attributes {dimension_semantics = [#tpu.dimension_semantics<core_parallel>, #tpu.dimension_semantics<subcore_parallel>], iteration_bounds = array<i64: 2, 16>, scalar_prefetch = 0 : i64, scratch_operands = 8 : i64, tpu.core_type = #tpu.core_type<sc_vector_subcore>, window_params = [{transform_indices = #map}, {transform_indices = #map1}, {transform_indices = #map1}, {transform_indices = #map1}, {transform_indices = #map}, {transform_indices = #map2}]} {
    %mul3A = arith.constant 2 : i32
    %mul3A_0 = arith.muli %arg0, %mul3A : i32
    %add3A = arith.constant 0 : i32
    %add3A_1 = arith.addi %mul3A_0, %add3A : i32
    "tpu.region"() ({
      %run_scoped3A = tpu.sem_alloc : memref<!tpu.dma_semaphore, #tpu.memory_space<semaphore_mem>>
      tpu.enqueue_dma source(%arg6 : memref<128x128xf32, #tpu.memory_space<hbm>>) target(%arg12 : memref<128x128xf32, #tpu.memory_space<vmem>>) target_semaphore(%run_scoped3A : memref<!tpu.dma_semaphore, #tpu.memory_space<semaphore_mem>>)
      tpu.wait_dma2 semaphore(%run_scoped3A : memref<!tpu.dma_semaphore, #tpu.memory_space<semaphore_mem>>) src(%arg6 : memref<128x128xf32, #tpu.memory_space<hbm>>) dst(%arg12 : memref<128x128xf32, #tpu.memory_space<vmem>>)
      tpu.yield
    }) : () -> ()
    %mul3A_2 = arith.constant 640 : i32
    %mul3A_3 = arith.muli %arg1, %mul3A_2 : i32
    %add3A_4 = arith.constant 0 : i32
    %add3A_5 = arith.addi %mul3A_3, %add3A_4 : i32
    "tpu.region"() ({
      %run_scoped3A = tpu.sem_alloc : memref<!tpu.dma_semaphore, #tpu.memory_space<semaphore_mem>>
      %dma_start3A = arith.constant 0 : i32
      %dma_start3A_193 = tpu.memref_slice %arg8[%add3A_5, %dma_start3A] : memref<10240x128xf32, #tpu.memory_space<vmem_shared>> -> memref<128x128xf32, #tpu.memory_space<vmem_shared>>
      %dma_start3A_194 = arith.constant 0 : i32
      %dma_start3A_195 = tpu.memref_slice %arg8[%add3A_5, %dma_start3A_194] : memref<10240x128xf32, #tpu.memory_space<vmem_shared>> -> memref<128x128xf32, #tpu.memory_space<vmem_shared>>
      tpu.enqueue_dma source(%arg12 : memref<128x128xf32, #tpu.memory_space<vmem>>) target(%dma_start3A_195 : memref<128x128xf32, #tpu.memory_space<vmem_shared>>) target_semaphore(%run_scoped3A : memref<!tpu.dma_semaphore, #tpu.memory_space<semaphore_mem>>)
      %dma_wait3A = arith.constant 0 : i32
      %dma_wait3A_196 = tpu.memref_slice %arg8[%add3A_5, %dma_wait3A] : memref<10240x128xf32, #tpu.memory_space<vmem_shared>> -> memref<128x128xf32, #tpu.memory_space<vmem_shared>>
      %dma_wait3A_197 = arith.constant 0 : i32
      %dma_wait3A_198 = tpu.memref_slice %arg8[%add3A_5, %dma_wait3A_197] : memref<10240x128xf32, #tpu.memory_space<vmem_shared>> -> memref<128x128xf32, #tpu.memory_space<vmem_shared>>
      tpu.wait_dma2 semaphore(%run_scoped3A : memref<!tpu.dma_semaphore, #tpu.memory_space<semaphore_mem>>) src(%arg12 : memref<128x128xf32, #tpu.memory_space<vmem>>) dst(%dma_wait3A_198 : memref<128x128xf32, #tpu.memory_space<vmem_shared>>)
      tpu.yield
    }) : () -> ()
    %mul3A_6 = arith.constant 640 : i32
    %mul3A_7 = arith.muli %arg1, %mul3A_6 : i32
    %add3A_8 = arith.constant 128 : i32
    %add3A_9 = arith.addi %mul3A_7, %add3A_8 : i32
    "tpu.region"() ({
      %run_scoped3A = tpu.sem_alloc : memref<!tpu.dma_semaphore, #tpu.memory_space<semaphore_mem>>
      %dma_start3A = arith.constant 0 : i32
      %dma_start3A_193 = tpu.memref_slice %arg8[%add3A_9, %dma_start3A] : memref<10240x128xf32, #tpu.memory_space<vmem_shared>> -> memref<128x128xf32, #tpu.memory_space<vmem_shared>>
      %dma_start3A_194 = arith.constant 0 : i32
      %dma_start3A_195 = tpu.memref_slice %arg8[%add3A_9, %dma_start3A_194] : memref<10240x128xf32, #tpu.memory_space<vmem_shared>> -> memref<128x128xf32, #tpu.memory_space<vmem_shared>>
      tpu.enqueue_dma source(%arg12 : memref<128x128xf32, #tpu.memory_space<vmem>>) target(%dma_start3A_195 : memref<128x128xf32, #tpu.memory_space<vmem_shared>>) target_semaphore(%run_scoped3A : memref<!tpu.dma_semaphore, #tpu.memory_space<semaphore_mem>>)
      %dma_wait3A = arith.constant 0 : i32
      %dma_wait3A_196 = tpu.memref_slice %arg8[%add3A_9, %dma_wait3A] : memref<10240x128xf32, #tpu.memory_space<vmem_shared>> -> memref<128x128xf32, #tpu.memory_space<vmem_shared>>
      %dma_wait3A_197 = arith.constant 0 : i32
      %dma_wait3A_198 = tpu.memref_slice %arg8[%add3A_9, %dma_wait3A_197] : memref<10240x128xf32, #tpu.memory_space<vmem_shared>> -> memref<128x128xf32, #tpu.memory_space<vmem_shared>>
      tpu.wait_dma2 semaphore(%run_scoped3A : memref<!tpu.dma_semaphore, #tpu.memory_space<semaphore_mem>>) src(%arg12 : memref<128x128xf32, #tpu.memory_space<vmem>>) dst(%dma_wait3A_198 : memref<128x128xf32, #tpu.memory_space<vmem_shared>>)
      tpu.yield
    }) : () -> ()
    %mul3A_10 = arith.constant 640 : i32
    %mul3A_11 = arith.muli %arg1, %mul3A_10 : i32
    %add3A_12 = arith.constant 256 : i32
    %add3A_13 = arith.addi %mul3A_11, %add3A_12 : i32
    "tpu.region"() ({
      %run_scoped3A = tpu.sem_alloc : memref<!tpu.dma_semaphore, #tpu.memory_space<semaphore_mem>>
      %dma_start3A = arith.constant 0 : i32
      %dma_start3A_193 = tpu.memref_slice %arg8[%add3A_13, %dma_start3A] : memref<10240x128xf32, #tpu.memory_space<vmem_shared>> -> memref<128x128xf32, #tpu.memory_space<vmem_shared>>
      %dma_start3A_194 = arith.constant 0 : i32
      %dma_start3A_195 = tpu.memref_slice %arg8[%add3A_13, %dma_start3A_194] : memref<10240x128xf32, #tpu.memory_space<vmem_shared>> -> memref<128x128xf32, #tpu.memory_space<vmem_shared>>
      tpu.enqueue_dma source(%arg12 : memref<128x128xf32, #tpu.memory_space<vmem>>) target(%dma_start3A_195 : memref<128x128xf32, #tpu.memory_space<vmem_shared>>) target_semaphore(%run_scoped3A : memref<!tpu.dma_semaphore, #tpu.memory_space<semaphore_mem>>)
      %dma_wait3A = arith.constant 0 : i32
      %dma_wait3A_196 = tpu.memref_slice %arg8[%add3A_13, %dma_wait3A] : memref<10240x128xf32, #tpu.memory_space<vmem_shared>> -> memref<128x128xf32, #tpu.memory_space<vmem_shared>>
      %dma_wait3A_197 = arith.constant 0 : i32
      %dma_wait3A_198 = tpu.memref_slice %arg8[%add3A_13, %dma_wait3A_197] : memref<10240x128xf32, #tpu.memory_space<vmem_shared>> -> memref<128x128xf32, #tpu.memory_space<vmem_shared>>
      tpu.wait_dma2 semaphore(%run_scoped3A : memref<!tpu.dma_semaphore, #tpu.memory_space<semaphore_mem>>) src(%arg12 : memref<128x128xf32, #tpu.memory_space<vmem>>) dst(%dma_wait3A_198 : memref<128x128xf32, #tpu.memory_space<vmem_shared>>)
      tpu.yield
    }) : () -> ()
    %mul3A_14 = arith.constant 640 : i32
    %mul3A_15 = arith.muli %arg1, %mul3A_14 : i32
    %add3A_16 = arith.constant 384 : i32
    %add3A_17 = arith.addi %mul3A_15, %add3A_16 : i32
    "tpu.region"() ({
      %run_scoped3A = tpu.sem_alloc : memref<!tpu.dma_semaphore, #tpu.memory_space<semaphore_mem>>
      %dma_start3A = arith.constant 0 : i32
      %dma_start3A_193 = tpu.memref_slice %arg8[%add3A_17, %dma_start3A] : memref<10240x128xf32, #tpu.memory_space<vmem_shared>> -> memref<128x128xf32, #tpu.memory_space<vmem_shared>>
      %dma_start3A_194 = arith.constant 0 : i32
      %dma_start3A_195 = tpu.memref_slice %arg8[%add3A_17, %dma_start3A_194] : memref<10240x128xf32, #tpu.memory_space<vmem_shared>> -> memref<128x128xf32, #tpu.memory_space<vmem_shared>>
      tpu.enqueue_dma source(%arg12 : memref<128x128xf32, #tpu.memory_space<vmem>>) target(%dma_start3A_195 : memref<128x128xf32, #tpu.memory_space<vmem_shared>>) target_semaphore(%run_scoped3A : memref<!tpu.dma_semaphore, #tpu.memory_space<semaphore_mem>>)
      %dma_wait3A = arith.constant 0 : i32
      %dma_wait3A_196 = tpu.memref_slice %arg8[%add3A_17, %dma_wait3A] : memref<10240x128xf32, #tpu.memory_space<vmem_shared>> -> memref<128x128xf32, #tpu.memory_space<vmem_shared>>
      %dma_wait3A_197 = arith.constant 0 : i32
      %dma_wait3A_198 = tpu.memref_slice %arg8[%add3A_17, %dma_wait3A_197] : memref<10240x128xf32, #tpu.memory_space<vmem_shared>> -> memref<128x128xf32, #tpu.memory_space<vmem_shared>>
      tpu.wait_dma2 semaphore(%run_scoped3A : memref<!tpu.dma_semaphore, #tpu.memory_space<semaphore_mem>>) src(%arg12 : memref<128x128xf32, #tpu.memory_space<vmem>>) dst(%dma_wait3A_198 : memref<128x128xf32, #tpu.memory_space<vmem_shared>>)
      tpu.yield
    }) : () -> ()
    %mul3A_18 = arith.constant 640 : i32
    %mul3A_19 = arith.muli %arg1, %mul3A_18 : i32
    %add3A_20 = arith.constant 512 : i32
    %add3A_21 = arith.addi %mul3A_19, %add3A_20 : i32
    "tpu.region"() ({
      %run_scoped3A = tpu.sem_alloc : memref<!tpu.dma_semaphore, #tpu.memory_space<semaphore_mem>>
      %dma_start3A = arith.constant 0 : i32
      %dma_start3A_193 = tpu.memref_slice %arg8[%add3A_21, %dma_start3A] : memref<10240x128xf32, #tpu.memory_space<vmem_shared>> -> memref<128x128xf32, #tpu.memory_space<vmem_shared>>
      %dma_start3A_194 = arith.constant 0 : i32
      %dma_start3A_195 = tpu.memref_slice %arg8[%add3A_21, %dma_start3A_194] : memref<10240x128xf32, #tpu.memory_space<vmem_shared>> -> memref<128x128xf32, #tpu.memory_space<vmem_shared>>
      tpu.enqueue_dma source(%arg12 : memref<128x128xf32, #tpu.memory_space<vmem>>) target(%dma_start3A_195 : memref<128x128xf32, #tpu.memory_space<vmem_shared>>) target_semaphore(%run_scoped3A : memref<!tpu.dma_semaphore, #tpu.memory_space<semaphore_mem>>)
      %dma_wait3A = arith.constant 0 : i32
      %dma_wait3A_196 = tpu.memref_slice %arg8[%add3A_21, %dma_wait3A] : memref<10240x128xf32, #tpu.memory_space<vmem_shared>> -> memref<128x128xf32, #tpu.memory_space<vmem_shared>>
      %dma_wait3A_197 = arith.constant 0 : i32
      %dma_wait3A_198 = tpu.memref_slice %arg8[%add3A_21, %dma_wait3A_197] : memref<10240x128xf32, #tpu.memory_space<vmem_shared>> -> memref<128x128xf32, #tpu.memory_space<vmem_shared>>
      tpu.wait_dma2 semaphore(%run_scoped3A : memref<!tpu.dma_semaphore, #tpu.memory_space<semaphore_mem>>) src(%arg12 : memref<128x128xf32, #tpu.memory_space<vmem>>) dst(%dma_wait3A_198 : memref<128x128xf32, #tpu.memory_space<vmem_shared>>)
      tpu.yield
    }) : () -> ()
    %barrier3A = arith.constant 0 : index
    tpu.barrier barrier_id(%barrier3A)
    %broadcast_in_dim3A = arith.constant 0 : i32
    %broadcast_in_dim3A_22 = vector.broadcast %broadcast_in_dim3A : i32 to vector<16xi32>
    %mul3A_23 = arith.constant 10000 : i32
    %mul3A_24 = arith.muli %add3A_1, %mul3A_23 : i32
    %add3A_25 = vector.broadcast %mul3A_24 : i32 to vector<16xi32>
    %add3A_26 = arith.addi %broadcast_in_dim3A_22, %add3A_25 : vector<16xi32>
    %scan3A = arith.constant 0 : i32
    %scan3A_27 = arith.constant 0 : i32
    %scan3A_28 = arith.constant 10 : i32
    %scan3A_29 = arith.addi %scan3A_27, %scan3A_28 : i32
    %scan3A_30 = arith.constant 1 : i32
    %scan3A_31 = scf.for %scan3A_193 = %scan3A_27 to %scan3A_29 step %scan3A_30 iter_args(%scan3A_194 = %scan3A) -> (i32)  : i32 {
      %mul3A_195 = arith.constant 16 : i32
      %mul3A_196 = arith.muli %scan3A_193, %mul3A_195 : i32
      %run_scoped3A = arith.constant 0 : i32
      "tpu.region"() ({
        %run_scoped3A_224 = tpu.sem_alloc : memref<!tpu.dma_semaphore, #tpu.memory_space<semaphore_mem>>
        %dma_start3A_225 = arith.constant 0 : i32
        %dma_start3A_226 = tpu.memref_slice %arg3[%run_scoped3A, %arg1, %mul3A_196, %dma_start3A_225] : memref<4x16x160x128xi32, #tpu.memory_space<hbm>> -> memref<1x1x16x128xi32, #tpu.memory_space<hbm>>
        %dma_start3A_227 = tpu.memref_squeeze %dma_start3A_226 : memref<1x1x16x128xi32, #tpu.memory_space<hbm>> -> memref<16x128xi32, #tpu.memory_space<hbm>>
        %dma_start3A_228 = arith.constant 0 : i32
        %dma_start3A_229 = tpu.memref_slice %arg3[%run_scoped3A, %arg1, %mul3A_196, %dma_start3A_228] : memref<4x16x160x128xi32, #tpu.memory_space<hbm>> -> memref<1x1x16x128xi32, #tpu.memory_space<hbm>>
        %dma_start3A_230 = tpu.memref_squeeze %dma_start3A_229 : memref<1x1x16x128xi32, #tpu.memory_space<hbm>> -> memref<16x128xi32, #tpu.memory_space<hbm>>
        tpu.enqueue_dma source(%dma_start3A_230 : memref<16x128xi32, #tpu.memory_space<hbm>>) target(%arg9 : memref<16x128xi32, #tpu.memory_space<vmem>>) target_semaphore(%run_scoped3A_224 : memref<!tpu.dma_semaphore, #tpu.memory_space<semaphore_mem>>)
        %dma_wait3A = arith.constant 0 : i32
        %dma_wait3A_231 = tpu.memref_slice %arg3[%run_scoped3A, %arg1, %mul3A_196, %dma_wait3A] : memref<4x16x160x128xi32, #tpu.memory_space<hbm>> -> memref<1x1x16x128xi32, #tpu.memory_space<hbm>>
        %dma_wait3A_232 = tpu.memref_squeeze %dma_wait3A_231 : memref<1x1x16x128xi32, #tpu.memory_space<hbm>> -> memref<16x128xi32, #tpu.memory_space<hbm>>
        %dma_wait3A_233 = arith.constant 0 : i32
        %dma_wait3A_234 = tpu.memref_slice %arg3[%run_scoped3A, %arg1, %mul3A_196, %dma_wait3A_233] : memref<4x16x160x128xi32, #tpu.memory_space<hbm>> -> memref<1x1x16x128xi32, #tpu.memory_space<hbm>>
        %dma_wait3A_235 = tpu.memref_squeeze %dma_wait3A_234 : memref<1x1x16x128xi32, #tpu.memory_space<hbm>> -> memref<16x128xi32, #tpu.memory_space<hbm>>
        tpu.wait_dma2 semaphore(%run_scoped3A_224 : memref<!tpu.dma_semaphore, #tpu.memory_space<semaphore_mem>>) src(%dma_wait3A_235 : memref<16x128xi32, #tpu.memory_space<hbm>>) dst(%arg9 : memref<16x128xi32, #tpu.memory_space<vmem>>)
        tpu.yield
      }) : () -> ()
      %mul3A_197 = arith.constant 16 : i32
      %mul3A_198 = arith.muli %scan3A_193, %mul3A_197 : i32
      %run_scoped3A_199 = arith.constant 0 : i32
      "tpu.region"() ({
        %run_scoped3A_224 = tpu.sem_alloc : memref<!tpu.dma_semaphore, #tpu.memory_space<semaphore_mem>>
        %dma_start3A_225 = arith.constant 0 : i32
        %dma_start3A_226 = tpu.memref_slice %arg4[%run_scoped3A_199, %arg1, %mul3A_198, %dma_start3A_225] : memref<4x16x160x128xi32, #tpu.memory_space<hbm>> -> memref<1x1x16x128xi32, #tpu.memory_space<hbm>>
        %dma_start3A_227 = tpu.memref_squeeze %dma_start3A_226 : memref<1x1x16x128xi32, #tpu.memory_space<hbm>> -> memref<16x128xi32, #tpu.memory_space<hbm>>
        %dma_start3A_228 = arith.constant 0 : i32
        %dma_start3A_229 = tpu.memref_slice %arg4[%run_scoped3A_199, %arg1, %mul3A_198, %dma_start3A_228] : memref<4x16x160x128xi32, #tpu.memory_space<hbm>> -> memref<1x1x16x128xi32, #tpu.memory_space<hbm>>
        %dma_start3A_230 = tpu.memref_squeeze %dma_start3A_229 : memref<1x1x16x128xi32, #tpu.memory_space<hbm>> -> memref<16x128xi32, #tpu.memory_space<hbm>>
        tpu.enqueue_dma source(%dma_start3A_230 : memref<16x128xi32, #tpu.memory_space<hbm>>) target(%arg10 : memref<16x128xi32, #tpu.memory_space<vmem>>) target_semaphore(%run_scoped3A_224 : memref<!tpu.dma_semaphore, #tpu.memory_space<semaphore_mem>>)
        %dma_wait3A = arith.constant 0 : i32
        %dma_wait3A_231 = tpu.memref_slice %arg4[%run_scoped3A_199, %arg1, %mul3A_198, %dma_wait3A] : memref<4x16x160x128xi32, #tpu.memory_space<hbm>> -> memref<1x1x16x128xi32, #tpu.memory_space<hbm>>
        %dma_wait3A_232 = tpu.memref_squeeze %dma_wait3A_231 : memref<1x1x16x128xi32, #tpu.memory_space<hbm>> -> memref<16x128xi32, #tpu.memory_space<hbm>>
        %dma_wait3A_233 = arith.constant 0 : i32
        %dma_wait3A_234 = tpu.memref_slice %arg4[%run_scoped3A_199, %arg1, %mul3A_198, %dma_wait3A_233] : memref<4x16x160x128xi32, #tpu.memory_space<hbm>> -> memref<1x1x16x128xi32, #tpu.memory_space<hbm>>
        %dma_wait3A_235 = tpu.memref_squeeze %dma_wait3A_234 : memref<1x1x16x128xi32, #tpu.memory_space<hbm>> -> memref<16x128xi32, #tpu.memory_space<hbm>>
        tpu.wait_dma2 semaphore(%run_scoped3A_224 : memref<!tpu.dma_semaphore, #tpu.memory_space<semaphore_mem>>) src(%dma_wait3A_235 : memref<16x128xi32, #tpu.memory_space<hbm>>) dst(%arg10 : memref<16x128xi32, #tpu.memory_space<vmem>>)
        tpu.yield
      }) : () -> ()
      %mul3A_200 = arith.constant 16 : i32
      %mul3A_201 = arith.muli %scan3A_193, %mul3A_200 : i32
      %run_scoped3A_202 = arith.constant 0 : i32
      "tpu.region"() ({
        %run_scoped3A_224 = tpu.sem_alloc : memref<!tpu.dma_semaphore, #tpu.memory_space<semaphore_mem>>
        %dma_start3A_225 = arith.constant 0 : i32
        %dma_start3A_226 = tpu.memref_slice %arg5[%run_scoped3A_202, %arg1, %mul3A_201, %dma_start3A_225] : memref<4x16x160x128xf32, #tpu.memory_space<hbm>> -> memref<1x1x16x128xf32, #tpu.memory_space<hbm>>
        %dma_start3A_227 = tpu.memref_squeeze %dma_start3A_226 : memref<1x1x16x128xf32, #tpu.memory_space<hbm>> -> memref<16x128xf32, #tpu.memory_space<hbm>>
        %dma_start3A_228 = arith.constant 0 : i32
        %dma_start3A_229 = tpu.memref_slice %arg5[%run_scoped3A_202, %arg1, %mul3A_201, %dma_start3A_228] : memref<4x16x160x128xf32, #tpu.memory_space<hbm>> -> memref<1x1x16x128xf32, #tpu.memory_space<hbm>>
        %dma_start3A_230 = tpu.memref_squeeze %dma_start3A_229 : memref<1x1x16x128xf32, #tpu.memory_space<hbm>> -> memref<16x128xf32, #tpu.memory_space<hbm>>
        tpu.enqueue_dma source(%dma_start3A_230 : memref<16x128xf32, #tpu.memory_space<hbm>>) target(%arg11 : memref<16x128xf32, #tpu.memory_space<vmem>>) target_semaphore(%run_scoped3A_224 : memref<!tpu.dma_semaphore, #tpu.memory_space<semaphore_mem>>)
        %dma_wait3A = arith.constant 0 : i32
        %dma_wait3A_231 = tpu.memref_slice %arg5[%run_scoped3A_202, %arg1, %mul3A_201, %dma_wait3A] : memref<4x16x160x128xf32, #tpu.memory_space<hbm>> -> memref<1x1x16x128xf32, #tpu.memory_space<hbm>>
        %dma_wait3A_232 = tpu.memref_squeeze %dma_wait3A_231 : memref<1x1x16x128xf32, #tpu.memory_space<hbm>> -> memref<16x128xf32, #tpu.memory_space<hbm>>
        %dma_wait3A_233 = arith.constant 0 : i32
        %dma_wait3A_234 = tpu.memref_slice %arg5[%run_scoped3A_202, %arg1, %mul3A_201, %dma_wait3A_233] : memref<4x16x160x128xf32, #tpu.memory_space<hbm>> -> memref<1x1x16x128xf32, #tpu.memory_space<hbm>>
        %dma_wait3A_235 = tpu.memref_squeeze %dma_wait3A_234 : memref<1x1x16x128xf32, #tpu.memory_space<hbm>> -> memref<16x128xf32, #tpu.memory_space<hbm>>
        tpu.wait_dma2 semaphore(%run_scoped3A_224 : memref<!tpu.dma_semaphore, #tpu.memory_space<semaphore_mem>>) src(%dma_wait3A_235 : memref<16x128xf32, #tpu.memory_space<hbm>>) dst(%arg11 : memref<16x128xf32, #tpu.memory_space<vmem>>)
        tpu.yield
      }) : () -> ()
      %scan3A_203 = arith.constant 0 : i32
      %scan3A_204 = arith.constant 0 : i32
      %scan3A_205 = arith.constant 16 : i32
      %scan3A_206 = arith.addi %scan3A_204, %scan3A_205 : i32
      %scan3A_207 = arith.constant 1 : i32
      %scan3A_208 = scf.for %scan3A_224 = %scan3A_204 to %scan3A_206 step %scan3A_207 iter_args(%scan3A_225 = %scan3A_203) -> (i32)  : i32 {
        %get3A = arith.index_cast %scan3A_224 : i32 to index
        %get3A_226 = arith.constant 0 : index
        %get3A_227 = tpu.vector_load %arg9[%get3A, %get3A_226] {strides = array<i32>} : memref<16x128xi32, #tpu.memory_space<vmem>>, vector<1x16xi32>,
        %get3A_228 = vector.shape_cast %get3A_227 : vector<1x16xi32> to vector<16xi32>
        %add3A_229 = arith.addi %get3A_228, %add3A_26 : vector<16xi32>
        %swap3A = arith.index_cast %scan3A_224 : i32 to index
        %swap3A_230 = arith.constant 0 : index
        %swap3A_231 = tpu.vector_load %arg9[%swap3A, %swap3A_230] {strides = array<i32>} : memref<16x128xi32, #tpu.memory_space<vmem>>, vector<1x16xi32>,
        %swap3A_232 = vector.shape_cast %swap3A_231 : vector<1x16xi32> to vector<16xi32>
        %swap3A_233 = vector.shape_cast %add3A_229 : vector<16xi32> to vector<1x16xi32>
        tpu.vector_store %arg9[%swap3A, %swap3A_230], %swap3A_233 {strides = array<i32>} : memref<16x128xi32, #tpu.memory_space<vmem>>, vector<1x16xi32>,
        %get3A_234 = arith.index_cast %scan3A_224 : i32 to index
        %get3A_235 = arith.constant 16 : index
        %get3A_236 = tpu.vector_load %arg9[%get3A_234, %get3A_235] {strides = array<i32>} : memref<16x128xi32, #tpu.memory_space<vmem>>, vector<1x16xi32>,
        %get3A_237 = vector.shape_cast %get3A_236 : vector<1x16xi32> to vector<16xi32>
        %add3A_238 = arith.addi %get3A_237, %add3A_26 : vector<16xi32>
        %swap3A_239 = arith.index_cast %scan3A_224 : i32 to index
        %swap3A_240 = arith.constant 16 : index
        %swap3A_241 = tpu.vector_load %arg9[%swap3A_239, %swap3A_240] {strides = array<i32>} : memref<16x128xi32, #tpu.memory_space<vmem>>, vector<1x16xi32>,
        %swap3A_242 = vector.shape_cast %swap3A_241 : vector<1x16xi32> to vector<16xi32>
        %swap3A_243 = vector.shape_cast %add3A_238 : vector<16xi32> to vector<1x16xi32>
        tpu.vector_store %arg9[%swap3A_239, %swap3A_240], %swap3A_243 {strides = array<i32>} : memref<16x128xi32, #tpu.memory_space<vmem>>, vector<1x16xi32>,
        %get3A_244 = arith.index_cast %scan3A_224 : i32 to index
        %get3A_245 = arith.constant 32 : index
        %get3A_246 = tpu.vector_load %arg9[%get3A_244, %get3A_245] {strides = array<i32>} : memref<16x128xi32, #tpu.memory_space<vmem>>, vector<1x16xi32>,
        %get3A_247 = vector.shape_cast %get3A_246 : vector<1x16xi32> to vector<16xi32>
        %add3A_248 = arith.addi %get3A_247, %add3A_26 : vector<16xi32>
        %swap3A_249 = arith.index_cast %scan3A_224 : i32 to index
        %swap3A_250 = arith.constant 32 : index
        %swap3A_251 = tpu.vector_load %arg9[%swap3A_249, %swap3A_250] {strides = array<i32>} : memref<16x128xi32, #tpu.memory_space<vmem>>, vector<1x16xi32>,
        %swap3A_252 = vector.shape_cast %swap3A_251 : vector<1x16xi32> to vector<16xi32>
        %swap3A_253 = vector.shape_cast %add3A_248 : vector<16xi32> to vector<1x16xi32>
        tpu.vector_store %arg9[%swap3A_249, %swap3A_250], %swap3A_253 {strides = array<i32>} : memref<16x128xi32, #tpu.memory_space<vmem>>, vector<1x16xi32>,
        %get3A_254 = arith.index_cast %scan3A_224 : i32 to index
        %get3A_255 = arith.constant 48 : index
        %get3A_256 = tpu.vector_load %arg9[%get3A_254, %get3A_255] {strides = array<i32>} : memref<16x128xi32, #tpu.memory_space<vmem>>, vector<1x16xi32>,
        %get3A_257 = vector.shape_cast %get3A_256 : vector<1x16xi32> to vector<16xi32>
        %add3A_258 = arith.addi %get3A_257, %add3A_26 : vector<16xi32>
        %swap3A_259 = arith.index_cast %scan3A_224 : i32 to index
        %swap3A_260 = arith.constant 48 : index
        %swap3A_261 = tpu.vector_load %arg9[%swap3A_259, %swap3A_260] {strides = array<i32>} : memref<16x128xi32, #tpu.memory_space<vmem>>, vector<1x16xi32>,
        %swap3A_262 = vector.shape_cast %swap3A_261 : vector<1x16xi32> to vector<16xi32>
        %swap3A_263 = vector.shape_cast %add3A_258 : vector<16xi32> to vector<1x16xi32>
        tpu.vector_store %arg9[%swap3A_259, %swap3A_260], %swap3A_263 {strides = array<i32>} : memref<16x128xi32, #tpu.memory_space<vmem>>, vector<1x16xi32>,
        %get3A_264 = arith.index_cast %scan3A_224 : i32 to index
        %get3A_265 = arith.constant 64 : index
        %get3A_266 = tpu.vector_load %arg9[%get3A_264, %get3A_265] {strides = array<i32>} : memref<16x128xi32, #tpu.memory_space<vmem>>, vector<1x16xi32>,
        %get3A_267 = vector.shape_cast %get3A_266 : vector<1x16xi32> to vector<16xi32>
        %add3A_268 = arith.addi %get3A_267, %add3A_26 : vector<16xi32>
        %swap3A_269 = arith.index_cast %scan3A_224 : i32 to index
        %swap3A_270 = arith.constant 64 : index
        %swap3A_271 = tpu.vector_load %arg9[%swap3A_269, %swap3A_270] {strides = array<i32>} : memref<16x128xi32, #tpu.memory_space<vmem>>, vector<1x16xi32>,
        %swap3A_272 = vector.shape_cast %swap3A_271 : vector<1x16xi32> to vector<16xi32>
        %swap3A_273 = vector.shape_cast %add3A_268 : vector<16xi32> to vector<1x16xi32>
        tpu.vector_store %arg9[%swap3A_269, %swap3A_270], %swap3A_273 {strides = array<i32>} : memref<16x128xi32, #tpu.memory_space<vmem>>, vector<1x16xi32>,
        %get3A_274 = arith.index_cast %scan3A_224 : i32 to index
        %get3A_275 = arith.constant 80 : index
        %get3A_276 = tpu.vector_load %arg9[%get3A_274, %get3A_275] {strides = array<i32>} : memref<16x128xi32, #tpu.memory_space<vmem>>, vector<1x16xi32>,
        %get3A_277 = vector.shape_cast %get3A_276 : vector<1x16xi32> to vector<16xi32>
        %add3A_278 = arith.addi %get3A_277, %add3A_26 : vector<16xi32>
        %swap3A_279 = arith.index_cast %scan3A_224 : i32 to index
        %swap3A_280 = arith.constant 80 : index
        %swap3A_281 = tpu.vector_load %arg9[%swap3A_279, %swap3A_280] {strides = array<i32>} : memref<16x128xi32, #tpu.memory_space<vmem>>, vector<1x16xi32>,
        %swap3A_282 = vector.shape_cast %swap3A_281 : vector<1x16xi32> to vector<16xi32>
        %swap3A_283 = vector.shape_cast %add3A_278 : vector<16xi32> to vector<1x16xi32>
        tpu.vector_store %arg9[%swap3A_279, %swap3A_280], %swap3A_283 {strides = array<i32>} : memref<16x128xi32, #tpu.memory_space<vmem>>, vector<1x16xi32>,
        %get3A_284 = arith.index_cast %scan3A_224 : i32 to index
        %get3A_285 = arith.constant 96 : index
        %get3A_286 = tpu.vector_load %arg9[%get3A_284, %get3A_285] {strides = array<i32>} : memref<16x128xi32, #tpu.memory_space<vmem>>, vector<1x16xi32>,
        %get3A_287 = vector.shape_cast %get3A_286 : vector<1x16xi32> to vector<16xi32>
        %add3A_288 = arith.addi %get3A_287, %add3A_26 : vector<16xi32>
        %swap3A_289 = arith.index_cast %scan3A_224 : i32 to index
        %swap3A_290 = arith.constant 96 : index
        %swap3A_291 = tpu.vector_load %arg9[%swap3A_289, %swap3A_290] {strides = array<i32>} : memref<16x128xi32, #tpu.memory_space<vmem>>, vector<1x16xi32>,
        %swap3A_292 = vector.shape_cast %swap3A_291 : vector<1x16xi32> to vector<16xi32>
        %swap3A_293 = vector.shape_cast %add3A_288 : vector<16xi32> to vector<1x16xi32>
        tpu.vector_store %arg9[%swap3A_289, %swap3A_290], %swap3A_293 {strides = array<i32>} : memref<16x128xi32, #tpu.memory_space<vmem>>, vector<1x16xi32>,
        %get3A_294 = arith.index_cast %scan3A_224 : i32 to index
        %get3A_295 = arith.constant 112 : index
        %get3A_296 = tpu.vector_load %arg9[%get3A_294, %get3A_295] {strides = array<i32>} : memref<16x128xi32, #tpu.memory_space<vmem>>, vector<1x16xi32>,
        %get3A_297 = vector.shape_cast %get3A_296 : vector<1x16xi32> to vector<16xi32>
        %add3A_298 = arith.addi %get3A_297, %add3A_26 : vector<16xi32>
        %swap3A_299 = arith.index_cast %scan3A_224 : i32 to index
        %swap3A_300 = arith.constant 112 : index
        %swap3A_301 = tpu.vector_load %arg9[%swap3A_299, %swap3A_300] {strides = array<i32>} : memref<16x128xi32, #tpu.memory_space<vmem>>, vector<1x16xi32>,
        %swap3A_302 = vector.shape_cast %swap3A_301 : vector<1x16xi32> to vector<16xi32>
        %swap3A_303 = vector.shape_cast %add3A_298 : vector<16xi32> to vector<1x16xi32>
        tpu.vector_store %arg9[%swap3A_299, %swap3A_300], %swap3A_303 {strides = array<i32>} : memref<16x128xi32, #tpu.memory_space<vmem>>, vector<1x16xi32>,
        %scan3A_304 = arith.constant 0 : i32
        scf.yield %scan3A_304 : i32
      }
      %scan3A_209 = arith.constant 16 : i32
      %dma_start3A = arith.constant 0 : i32
      %dma_start3A_210 = arith.constant 0 : i32
      %dma_start3A_211 = tpu.memref_slice %arg9[%dma_start3A, %dma_start3A_210] : memref<16x128xi32, #tpu.memory_space<vmem>> -> memref<1x128xi32, #tpu.memory_space<vmem>>
      %dma_start3A_212 = tpu.memref_squeeze %dma_start3A_211 : memref<1x128xi32, #tpu.memory_space<vmem>> -> memref<128xi32, #tpu.memory_space<vmem>>
      %dma_start3A_213 = arith.constant 0 : i32
      %dma_start3A_214 = arith.constant 0 : i32
      %dma_start3A_215 = tpu.memref_slice %arg2[%dma_start3A_213, %dma_start3A_214] : memref<160000x128xf32, #tpu.memory_space<hbm>> -> memref<160000x128xf32, #tpu.memory_space<hbm>>
      tpu.enqueue_indirect_dma source(%dma_start3A_215 : memref<160000x128xf32, #tpu.memory_space<hbm>>) target(%arg12 : memref<128x128xf32, #tpu.memory_space<vmem>>) offsets(%dma_start3A_212 : memref<128xi32, #tpu.memory_space<vmem>>) semaphore(%arg14 : memref<!tpu.dma_semaphore, #tpu.memory_space<semaphore_mem>>)
      %scan3A_216 = arith.constant 0 : i32
      %scan3A_217 = arith.constant 0 : i32
      %scan3A_218 = arith.constant 8 : i32
      %scan3A_219 = arith.addi %scan3A_217, %scan3A_218 : i32
      %scan3A_220 = arith.constant 1 : i32
      %scan3A_221 = scf.for %scan3A_224 = %scan3A_217 to %scan3A_219 step %scan3A_220 iter_args(%scan3A_225 = %scan3A_216) -> (i32)  : i32 {
        %mul3A_226 = arith.constant 2 : i32
        %mul3A_227 = arith.muli %mul3A_226, %scan3A_224 : i32
        %add3A_228 = arith.constant 1 : i32
        %add3A_229 = arith.addi %mul3A_227, %add3A_228 : i32
        %dma_start3A_230 = arith.constant 0 : i32
        %dma_start3A_231 = tpu.memref_slice %arg9[%add3A_229, %dma_start3A_230] : memref<16x128xi32, #tpu.memory_space<vmem>> -> memref<1x128xi32, #tpu.memory_space<vmem>>
        %dma_start3A_232 = tpu.memref_squeeze %dma_start3A_231 : memref<1x128xi32, #tpu.memory_space<vmem>> -> memref<128xi32, #tpu.memory_space<vmem>>
        %dma_start3A_233 = arith.constant 0 : i32
        %dma_start3A_234 = arith.constant 0 : i32
        %dma_start3A_235 = tpu.memref_slice %arg2[%dma_start3A_233, %dma_start3A_234] : memref<160000x128xf32, #tpu.memory_space<hbm>> -> memref<160000x128xf32, #tpu.memory_space<hbm>>
        tpu.enqueue_indirect_dma source(%dma_start3A_235 : memref<160000x128xf32, #tpu.memory_space<hbm>>) target(%arg13 : memref<128x128xf32, #tpu.memory_space<vmem>>) offsets(%dma_start3A_232 : memref<128xi32, #tpu.memory_space<vmem>>) semaphore(%arg15 : memref<!tpu.dma_semaphore, #tpu.memory_space<semaphore_mem>>)
        %dma_wait3A = arith.constant 0 : i32
        %dma_wait3A_236 = tpu.memref_slice %arg9[%mul3A_227, %dma_wait3A] : memref<16x128xi32, #tpu.memory_space<vmem>> -> memref<1x128xi32, #tpu.memory_space<vmem>>
        %dma_wait3A_237 = tpu.memref_squeeze %dma_wait3A_236 : memref<1x128xi32, #tpu.memory_space<vmem>> -> memref<128xi32, #tpu.memory_space<vmem>>
        %dma_wait3A_238 = arith.constant 0 : i32
        %dma_wait3A_239 = arith.constant 0 : i32
        %dma_wait3A_240 = tpu.memref_slice %arg2[%dma_wait3A_238, %dma_wait3A_239] : memref<160000x128xf32, #tpu.memory_space<hbm>> -> memref<160000x128xf32, #tpu.memory_space<hbm>>
        tpu.wait_indirect_dma semaphore(%arg14 : memref<!tpu.dma_semaphore, #tpu.memory_space<semaphore_mem>>) src(%dma_wait3A_240 : memref<160000x128xf32, #tpu.memory_space<hbm>>) dst(%arg12 : memref<128x128xf32, #tpu.memory_space<vmem>>)
        %lt3A = arith.constant 7 : i32
        %lt3A_241 = arith.cmpi slt, %scan3A_224, %lt3A : i32
        %convert_element_type3A = arith.extui %lt3A_241 : i1 to i32
        %cond3A = arith.constant 0 : i32
        %cond3A_242 = arith.cmpi ne, %convert_element_type3A, %cond3A : i32
        scf.if %cond3A_242 {
          %add3A_250 = arith.constant 2 : i32
          %add3A_251 = arith.addi %mul3A_227, %add3A_250 : i32
          %dma_start3A_252 = arith.constant 0 : i32
          %dma_start3A_253 = tpu.memref_slice %arg9[%add3A_251, %dma_start3A_252] : memref<16x128xi32, #tpu.memory_space<vmem>> -> memref<1x128xi32, #tpu.memory_space<vmem>>
          %dma_start3A_254 = tpu.memref_squeeze %dma_start3A_253 : memref<1x128xi32, #tpu.memory_space<vmem>> -> memref<128xi32, #tpu.memory_space<vmem>>
          %dma_start3A_255 = arith.constant 0 : i32
          %dma_start3A_256 = arith.constant 0 : i32
          %dma_start3A_257 = tpu.memref_slice %arg2[%dma_start3A_255, %dma_start3A_256] : memref<160000x128xf32, #tpu.memory_space<hbm>> -> memref<160000x128xf32, #tpu.memory_space<hbm>>
          tpu.enqueue_indirect_dma source(%dma_start3A_257 : memref<160000x128xf32, #tpu.memory_space<hbm>>) target(%arg12 : memref<128x128xf32, #tpu.memory_space<vmem>>) offsets(%dma_start3A_254 : memref<128xi32, #tpu.memory_space<vmem>>) semaphore(%arg14 : memref<!tpu.dma_semaphore, #tpu.memory_space<semaphore_mem>>)
        } else {
        }
        %dma_wait3A_243 = arith.constant 0 : i32
        %dma_wait3A_244 = tpu.memref_slice %arg9[%add3A_229, %dma_wait3A_243] : memref<16x128xi32, #tpu.memory_space<vmem>> -> memref<1x128xi32, #tpu.memory_space<vmem>>
        %dma_wait3A_245 = tpu.memref_squeeze %dma_wait3A_244 : memref<1x128xi32, #tpu.memory_space<vmem>> -> memref<128xi32, #tpu.memory_space<vmem>>
        %dma_wait3A_246 = arith.constant 0 : i32
        %dma_wait3A_247 = arith.constant 0 : i32
        %dma_wait3A_248 = tpu.memref_slice %arg2[%dma_wait3A_246, %dma_wait3A_247] : memref<160000x128xf32, #tpu.memory_space<hbm>> -> memref<160000x128xf32, #tpu.memory_space<hbm>>
        tpu.wait_indirect_dma semaphore(%arg15 : memref<!tpu.dma_semaphore, #tpu.memory_space<semaphore_mem>>) src(%dma_wait3A_248 : memref<160000x128xf32, #tpu.memory_space<hbm>>) dst(%arg13 : memref<128x128xf32, #tpu.memory_space<vmem>>)
        %scan3A_249 = arith.constant 0 : i32
        scf.yield %scan3A_249 : i32
      }
      %scan3A_222 = arith.constant 8 : i32
      %scan3A_223 = arith.constant 0 : i32
      scf.yield %scan3A_223 : i32
    }
    %scan3A_32 = arith.constant 10 : i32
    %broadcast_in_dim3A_33 = arith.constant 40000 : i32
    %broadcast_in_dim3A_34 = vector.broadcast %broadcast_in_dim3A_33 : i32 to vector<16xi32>
    %mul3A_35 = arith.constant 10000 : i32
    %mul3A_36 = arith.muli %add3A_1, %mul3A_35 : i32
    %add3A_37 = vector.broadcast %mul3A_36 : i32 to vector<16xi32>
    %add3A_38 = arith.addi %broadcast_in_dim3A_34, %add3A_37 : vector<16xi32>
    %scan3A_39 = arith.constant 0 : i32
    %scan3A_40 = arith.constant 0 : i32
    %scan3A_41 = arith.constant 10 : i32
    %scan3A_42 = arith.addi %scan3A_40, %scan3A_41 : i32
    %scan3A_43 = arith.constant 1 : i32
    %scan3A_44 = scf.for %scan3A_193 = %scan3A_40 to %scan3A_42 step %scan3A_43 iter_args(%scan3A_194 = %scan3A_39) -> (i32)  : i32 {
      %mul3A_195 = arith.constant 16 : i32
      %mul3A_196 = arith.muli %scan3A_193, %mul3A_195 : i32
      %run_scoped3A = arith.constant 1 : i32
      "tpu.region"() ({
        %run_scoped3A_224 = tpu.sem_alloc : memref<!tpu.dma_semaphore, #tpu.memory_space<semaphore_mem>>
        %dma_start3A_225 = arith.constant 0 : i32
        %dma_start3A_226 = tpu.memref_slice %arg3[%run_scoped3A, %arg1, %mul3A_196, %dma_start3A_225] : memref<4x16x160x128xi32, #tpu.memory_space<hbm>> -> memref<1x1x16x128xi32, #tpu.memory_space<hbm>>
        %dma_start3A_227 = tpu.memref_squeeze %dma_start3A_226 : memref<1x1x16x128xi32, #tpu.memory_space<hbm>> -> memref<16x128xi32, #tpu.memory_space<hbm>>
        %dma_start3A_228 = arith.constant 0 : i32
        %dma_start3A_229 = tpu.memref_slice %arg3[%run_scoped3A, %arg1, %mul3A_196, %dma_start3A_228] : memref<4x16x160x128xi32, #tpu.memory_space<hbm>> -> memref<1x1x16x128xi32, #tpu.memory_space<hbm>>
        %dma_start3A_230 = tpu.memref_squeeze %dma_start3A_229 : memref<1x1x16x128xi32, #tpu.memory_space<hbm>> -> memref<16x128xi32, #tpu.memory_space<hbm>>
        tpu.enqueue_dma source(%dma_start3A_230 : memref<16x128xi32, #tpu.memory_space<hbm>>) target(%arg9 : memref<16x128xi32, #tpu.memory_space<vmem>>) target_semaphore(%run_scoped3A_224 : memref<!tpu.dma_semaphore, #tpu.memory_space<semaphore_mem>>)
        %dma_wait3A = arith.constant 0 : i32
        %dma_wait3A_231 = tpu.memref_slice %arg3[%run_scoped3A, %arg1, %mul3A_196, %dma_wait3A] : memref<4x16x160x128xi32, #tpu.memory_space<hbm>> -> memref<1x1x16x128xi32, #tpu.memory_space<hbm>>
        %dma_wait3A_232 = tpu.memref_squeeze %dma_wait3A_231 : memref<1x1x16x128xi32, #tpu.memory_space<hbm>> -> memref<16x128xi32, #tpu.memory_space<hbm>>
        %dma_wait3A_233 = arith.constant 0 : i32
        %dma_wait3A_234 = tpu.memref_slice %arg3[%run_scoped3A, %arg1, %mul3A_196, %dma_wait3A_233] : memref<4x16x160x128xi32, #tpu.memory_space<hbm>> -> memref<1x1x16x128xi32, #tpu.memory_space<hbm>>
        %dma_wait3A_235 = tpu.memref_squeeze %dma_wait3A_234 : memref<1x1x16x128xi32, #tpu.memory_space<hbm>> -> memref<16x128xi32, #tpu.memory_space<hbm>>
        tpu.wait_dma2 semaphore(%run_scoped3A_224 : memref<!tpu.dma_semaphore, #tpu.memory_space<semaphore_mem>>) src(%dma_wait3A_235 : memref<16x128xi32, #tpu.memory_space<hbm>>) dst(%arg9 : memref<16x128xi32, #tpu.memory_space<vmem>>)
        tpu.yield
      }) : () -> ()
      %mul3A_197 = arith.constant 16 : i32
      %mul3A_198 = arith.muli %scan3A_193, %mul3A_197 : i32
      %run_scoped3A_199 = arith.constant 1 : i32
      "tpu.region"() ({
        %run_scoped3A_224 = tpu.sem_alloc : memref<!tpu.dma_semaphore, #tpu.memory_space<semaphore_mem>>
        %dma_start3A_225 = arith.constant 0 : i32
        %dma_start3A_226 = tpu.memref_slice %arg4[%run_scoped3A_199, %arg1, %mul3A_198, %dma_start3A_225] : memref<4x16x160x128xi32, #tpu.memory_space<hbm>> -> memref<1x1x16x128xi32, #tpu.memory_space<hbm>>
        %dma_start3A_227 = tpu.memref_squeeze %dma_start3A_226 : memref<1x1x16x128xi32, #tpu.memory_space<hbm>> -> memref<16x128xi32, #tpu.memory_space<hbm>>
        %dma_start3A_228 = arith.constant 0 : i32
        %dma_start3A_229 = tpu.memref_slice %arg4[%run_scoped3A_199, %arg1, %mul3A_198, %dma_start3A_228] : memref<4x16x160x128xi32, #tpu.memory_space<hbm>> -> memref<1x1x16x128xi32, #tpu.memory_space<hbm>>
        %dma_start3A_230 = tpu.memref_squeeze %dma_start3A_229 : memref<1x1x16x128xi32, #tpu.memory_space<hbm>> -> memref<16x128xi32, #tpu.memory_space<hbm>>
        tpu.enqueue_dma source(%dma_start3A_230 : memref<16x128xi32, #tpu.memory_space<hbm>>) target(%arg10 : memref<16x128xi32, #tpu.memory_space<vmem>>) target_semaphore(%run_scoped3A_224 : memref<!tpu.dma_semaphore, #tpu.memory_space<semaphore_mem>>)
        %dma_wait3A = arith.constant 0 : i32
        %dma_wait3A_231 = tpu.memref_slice %arg4[%run_scoped3A_199, %arg1, %mul3A_198, %dma_wait3A] : memref<4x16x160x128xi32, #tpu.memory_space<hbm>> -> memref<1x1x16x128xi32, #tpu.memory_space<hbm>>
        %dma_wait3A_232 = tpu.memref_squeeze %dma_wait3A_231 : memref<1x1x16x128xi32, #tpu.memory_space<hbm>> -> memref<16x128xi32, #tpu.memory_space<hbm>>
        %dma_wait3A_233 = arith.constant 0 : i32
        %dma_wait3A_234 = tpu.memref_slice %arg4[%run_scoped3A_199, %arg1, %mul3A_198, %dma_wait3A_233] : memref<4x16x160x128xi32, #tpu.memory_space<hbm>> -> memref<1x1x16x128xi32, #tpu.memory_space<hbm>>
        %dma_wait3A_235 = tpu.memref_squeeze %dma_wait3A_234 : memref<1x1x16x128xi32, #tpu.memory_space<hbm>> -> memref<16x128xi32, #tpu.memory_space<hbm>>
        tpu.wait_dma2 semaphore(%run_scoped3A_224 : memref<!tpu.dma_semaphore, #tpu.memory_space<semaphore_mem>>) src(%dma_wait3A_235 : memref<16x128xi32, #tpu.memory_space<hbm>>) dst(%arg10 : memref<16x128xi32, #tpu.memory_space<vmem>>)
        tpu.yield
      }) : () -> ()
      %mul3A_200 = arith.constant 16 : i32
      %mul3A_201 = arith.muli %scan3A_193, %mul3A_200 : i32
      %run_scoped3A_202 = arith.constant 1 : i32
      "tpu.region"() ({
        %run_scoped3A_224 = tpu.sem_alloc : memref<!tpu.dma_semaphore, #tpu.memory_space<semaphore_mem>>
        %dma_start3A_225 = arith.constant 0 : i32
        %dma_start3A_226 = tpu.memref_slice %arg5[%run_scoped3A_202, %arg1, %mul3A_201, %dma_start3A_225] : memref<4x16x160x128xf32, #tpu.memory_space<hbm>> -> memref<1x1x16x128xf32, #tpu.memory_space<hbm>>
        %dma_start3A_227 = tpu.memref_squeeze %dma_start3A_226 : memref<1x1x16x128xf32, #tpu.memory_space<hbm>> -> memref<16x128xf32, #tpu.memory_space<hbm>>
        %dma_start3A_228 = arith.constant 0 : i32
        %dma_start3A_229 = tpu.memref_slice %arg5[%run_scoped3A_202, %arg1, %mul3A_201, %dma_start3A_228] : memref<4x16x160x128xf32, #tpu.memory_space<hbm>> -> memref<1x1x16x128xf32, #tpu.memory_space<hbm>>
        %dma_start3A_230 = tpu.memref_squeeze %dma_start3A_229 : memref<1x1x16x128xf32, #tpu.memory_space<hbm>> -> memref<16x128xf32, #tpu.memory_space<hbm>>
        tpu.enqueue_dma source(%dma_start3A_230 : memref<16x128xf32, #tpu.memory_space<hbm>>) target(%arg11 : memref<16x128xf32, #tpu.memory_space<vmem>>) target_semaphore(%run_scoped3A_224 : memref<!tpu.dma_semaphore, #tpu.memory_space<semaphore_mem>>)
        %dma_wait3A = arith.constant 0 : i32
        %dma_wait3A_231 = tpu.memref_slice %arg5[%run_scoped3A_202, %arg1, %mul3A_201, %dma_wait3A] : memref<4x16x160x128xf32, #tpu.memory_space<hbm>> -> memref<1x1x16x128xf32, #tpu.memory_space<hbm>>
        %dma_wait3A_232 = tpu.memref_squeeze %dma_wait3A_231 : memref<1x1x16x128xf32, #tpu.memory_space<hbm>> -> memref<16x128xf32, #tpu.memory_space<hbm>>
        %dma_wait3A_233 = arith.constant 0 : i32
        %dma_wait3A_234 = tpu.memref_slice %arg5[%run_scoped3A_202, %arg1, %mul3A_201, %dma_wait3A_233] : memref<4x16x160x128xf32, #tpu.memory_space<hbm>> -> memref<1x1x16x128xf32, #tpu.memory_space<hbm>>
        %dma_wait3A_235 = tpu.memref_squeeze %dma_wait3A_234 : memref<1x1x16x128xf32, #tpu.memory_space<hbm>> -> memref<16x128xf32, #tpu.memory_space<hbm>>
        tpu.wait_dma2 semaphore(%run_scoped3A_224 : memref<!tpu.dma_semaphore, #tpu.memory_space<semaphore_mem>>) src(%dma_wait3A_235 : memref<16x128xf32, #tpu.memory_space<hbm>>) dst(%arg11 : memref<16x128xf32, #tpu.memory_space<vmem>>)
        tpu.yield
      }) : () -> ()
      %scan3A_203 = arith.constant 0 : i32
      %scan3A_204 = arith.constant 0 : i32
      %scan3A_205 = arith.constant 16 : i32
      %scan3A_206 = arith.addi %scan3A_204, %scan3A_205 : i32
      %scan3A_207 = arith.constant 1 : i32
      %scan3A_208 = scf.for %scan3A_224 = %scan3A_204 to %scan3A_206 step %scan3A_207 iter_args(%scan3A_225 = %scan3A_203) -> (i32)  : i32 {
        %get3A = arith.index_cast %scan3A_224 : i32 to index
        %get3A_226 = arith.constant 0 : index
        %get3A_227 = tpu.vector_load %arg9[%get3A, %get3A_226] {strides = array<i32>} : memref<16x128xi32, #tpu.memory_space<vmem>>, vector<1x16xi32>,
        %get3A_228 = vector.shape_cast %get3A_227 : vector<1x16xi32> to vector<16xi32>
        %add3A_229 = arith.addi %get3A_228, %add3A_38 : vector<16xi32>
        %swap3A = arith.index_cast %scan3A_224 : i32 to index
        %swap3A_230 = arith.constant 0 : index
        %swap3A_231 = tpu.vector_load %arg9[%swap3A, %swap3A_230] {strides = array<i32>} : memref<16x128xi32, #tpu.memory_space<vmem>>, vector<1x16xi32>,
        %swap3A_232 = vector.shape_cast %swap3A_231 : vector<1x16xi32> to vector<16xi32>
        %swap3A_233 = vector.shape_cast %add3A_229 : vector<16xi32> to vector<1x16xi32>
        tpu.vector_store %arg9[%swap3A, %swap3A_230], %swap3A_233 {strides = array<i32>} : memref<16x128xi32, #tpu.memory_space<vmem>>, vector<1x16xi32>,
        %get3A_234 = arith.index_cast %scan3A_224 : i32 to index
        %get3A_235 = arith.constant 16 : index
        %get3A_236 = tpu.vector_load %arg9[%get3A_234, %get3A_235] {strides = array<i32>} : memref<16x128xi32, #tpu.memory_space<vmem>>, vector<1x16xi32>,
        %get3A_237 = vector.shape_cast %get3A_236 : vector<1x16xi32> to vector<16xi32>
        %add3A_238 = arith.addi %get3A_237, %add3A_38 : vector<16xi32>
        %swap3A_239 = arith.index_cast %scan3A_224 : i32 to index
        %swap3A_240 = arith.constant 16 : index
        %swap3A_241 = tpu.vector_load %arg9[%swap3A_239, %swap3A_240] {strides = array<i32>} : memref<16x128xi32, #tpu.memory_space<vmem>>, vector<1x16xi32>,
        %swap3A_242 = vector.shape_cast %swap3A_241 : vector<1x16xi32> to vector<16xi32>
        %swap3A_243 = vector.shape_cast %add3A_238 : vector<16xi32> to vector<1x16xi32>
        tpu.vector_store %arg9[%swap3A_239, %swap3A_240], %swap3A_243 {strides = array<i32>} : memref<16x128xi32, #tpu.memory_space<vmem>>, vector<1x16xi32>,
        %get3A_244 = arith.index_cast %scan3A_224 : i32 to index
        %get3A_245 = arith.constant 32 : index
        %get3A_246 = tpu.vector_load %arg9[%get3A_244, %get3A_245] {strides = array<i32>} : memref<16x128xi32, #tpu.memory_space<vmem>>, vector<1x16xi32>,
        %get3A_247 = vector.shape_cast %get3A_246 : vector<1x16xi32> to vector<16xi32>
        %add3A_248 = arith.addi %get3A_247, %add3A_38 : vector<16xi32>
        %swap3A_249 = arith.index_cast %scan3A_224 : i32 to index
        %swap3A_250 = arith.constant 32 : index
        %swap3A_251 = tpu.vector_load %arg9[%swap3A_249, %swap3A_250] {strides = array<i32>} : memref<16x128xi32, #tpu.memory_space<vmem>>, vector<1x16xi32>,
        %swap3A_252 = vector.shape_cast %swap3A_251 : vector<1x16xi32> to vector<16xi32>
        %swap3A_253 = vector.shape_cast %add3A_248 : vector<16xi32> to vector<1x16xi32>
        tpu.vector_store %arg9[%swap3A_249, %swap3A_250], %swap3A_253 {strides = array<i32>} : memref<16x128xi32, #tpu.memory_space<vmem>>, vector<1x16xi32>,
        %get3A_254 = arith.index_cast %scan3A_224 : i32 to index
        %get3A_255 = arith.constant 48 : index
        %get3A_256 = tpu.vector_load %arg9[%get3A_254, %get3A_255] {strides = array<i32>} : memref<16x128xi32, #tpu.memory_space<vmem>>, vector<1x16xi32>,
        %get3A_257 = vector.shape_cast %get3A_256 : vector<1x16xi32> to vector<16xi32>
        %add3A_258 = arith.addi %get3A_257, %add3A_38 : vector<16xi32>
        %swap3A_259 = arith.index_cast %scan3A_224 : i32 to index
        %swap3A_260 = arith.constant 48 : index
        %swap3A_261 = tpu.vector_load %arg9[%swap3A_259, %swap3A_260] {strides = array<i32>} : memref<16x128xi32, #tpu.memory_space<vmem>>, vector<1x16xi32>,
        %swap3A_262 = vector.shape_cast %swap3A_261 : vector<1x16xi32> to vector<16xi32>
        %swap3A_263 = vector.shape_cast %add3A_258 : vector<16xi32> to vector<1x16xi32>
        tpu.vector_store %arg9[%swap3A_259, %swap3A_260], %swap3A_263 {strides = array<i32>} : memref<16x128xi32, #tpu.memory_space<vmem>>, vector<1x16xi32>,
        %get3A_264 = arith.index_cast %scan3A_224 : i32 to index
        %get3A_265 = arith.constant 64 : index
        %get3A_266 = tpu.vector_load %arg9[%get3A_264, %get3A_265] {strides = array<i32>} : memref<16x128xi32, #tpu.memory_space<vmem>>, vector<1x16xi32>,
        %get3A_267 = vector.shape_cast %get3A_266 : vector<1x16xi32> to vector<16xi32>
        %add3A_268 = arith.addi %get3A_267, %add3A_38 : vector<16xi32>
        %swap3A_269 = arith.index_cast %scan3A_224 : i32 to index
        %swap3A_270 = arith.constant 64 : index
        %swap3A_271 = tpu.vector_load %arg9[%swap3A_269, %swap3A_270] {strides = array<i32>} : memref<16x128xi32, #tpu.memory_space<vmem>>, vector<1x16xi32>,
        %swap3A_272 = vector.shape_cast %swap3A_271 : vector<1x16xi32> to vector<16xi32>
        %swap3A_273 = vector.shape_cast %add3A_268 : vector<16xi32> to vector<1x16xi32>
        tpu.vector_store %arg9[%swap3A_269, %swap3A_270], %swap3A_273 {strides = array<i32>} : memref<16x128xi32, #tpu.memory_space<vmem>>, vector<1x16xi32>,
        %get3A_274 = arith.index_cast %scan3A_224 : i32 to index
        %get3A_275 = arith.constant 80 : index
        %get3A_276 = tpu.vector_load %arg9[%get3A_274, %get3A_275] {strides = array<i32>} : memref<16x128xi32, #tpu.memory_space<vmem>>, vector<1x16xi32>,
        %get3A_277 = vector.shape_cast %get3A_276 : vector<1x16xi32> to vector<16xi32>
        %add3A_278 = arith.addi %get3A_277, %add3A_38 : vector<16xi32>
        %swap3A_279 = arith.index_cast %scan3A_224 : i32 to index
        %swap3A_280 = arith.constant 80 : index
        %swap3A_281 = tpu.vector_load %arg9[%swap3A_279, %swap3A_280] {strides = array<i32>} : memref<16x128xi32, #tpu.memory_space<vmem>>, vector<1x16xi32>,
        %swap3A_282 = vector.shape_cast %swap3A_281 : vector<1x16xi32> to vector<16xi32>
        %swap3A_283 = vector.shape_cast %add3A_278 : vector<16xi32> to vector<1x16xi32>
        tpu.vector_store %arg9[%swap3A_279, %swap3A_280], %swap3A_283 {strides = array<i32>} : memref<16x128xi32, #tpu.memory_space<vmem>>, vector<1x16xi32>,
        %get3A_284 = arith.index_cast %scan3A_224 : i32 to index
        %get3A_285 = arith.constant 96 : index
        %get3A_286 = tpu.vector_load %arg9[%get3A_284, %get3A_285] {strides = array<i32>} : memref<16x128xi32, #tpu.memory_space<vmem>>, vector<1x16xi32>,
        %get3A_287 = vector.shape_cast %get3A_286 : vector<1x16xi32> to vector<16xi32>
        %add3A_288 = arith.addi %get3A_287, %add3A_38 : vector<16xi32>
        %swap3A_289 = arith.index_cast %scan3A_224 : i32 to index
        %swap3A_290 = arith.constant 96 : index
        %swap3A_291 = tpu.vector_load %arg9[%swap3A_289, %swap3A_290] {strides = array<i32>} : memref<16x128xi32, #tpu.memory_space<vmem>>, vector<1x16xi32>,
        %swap3A_292 = vector.shape_cast %swap3A_291 : vector<1x16xi32> to vector<16xi32>
        %swap3A_293 = vector.shape_cast %add3A_288 : vector<16xi32> to vector<1x16xi32>
        tpu.vector_store %arg9[%swap3A_289, %swap3A_290], %swap3A_293 {strides = array<i32>} : memref<16x128xi32, #tpu.memory_space<vmem>>, vector<1x16xi32>,
        %get3A_294 = arith.index_cast %scan3A_224 : i32 to index
        %get3A_295 = arith.constant 112 : index
        %get3A_296 = tpu.vector_load %arg9[%get3A_294, %get3A_295] {strides = array<i32>} : memref<16x128xi32, #tpu.memory_space<vmem>>, vector<1x16xi32>,
        %get3A_297 = vector.shape_cast %get3A_296 : vector<1x16xi32> to vector<16xi32>
        %add3A_298 = arith.addi %get3A_297, %add3A_38 : vector<16xi32>
        %swap3A_299 = arith.index_cast %scan3A_224 : i32 to index
        %swap3A_300 = arith.constant 112 : index
        %swap3A_301 = tpu.vector_load %arg9[%swap3A_299, %swap3A_300] {strides = array<i32>} : memref<16x128xi32, #tpu.memory_space<vmem>>, vector<1x16xi32>,
        %swap3A_302 = vector.shape_cast %swap3A_301 : vector<1x16xi32> to vector<16xi32>
        %swap3A_303 = vector.shape_cast %add3A_298 : vector<16xi32> to vector<1x16xi32>
        tpu.vector_store %arg9[%swap3A_299, %swap3A_300], %swap3A_303 {strides = array<i32>} : memref<16x128xi32, #tpu.memory_space<vmem>>, vector<1x16xi32>,
        %scan3A_304 = arith.constant 0 : i32
        scf.yield %scan3A_304 : i32
      }
      %scan3A_209 = arith.constant 16 : i32
      %dma_start3A = arith.constant 0 : i32
      %dma_start3A_210 = arith.constant 0 : i32
      %dma_start3A_211 = tpu.memref_slice %arg9[%dma_start3A, %dma_start3A_210] : memref<16x128xi32, #tpu.memory_space<vmem>> -> memref<1x128xi32, #tpu.memory_space<vmem>>
      %dma_start3A_212 = tpu.memref_squeeze %dma_start3A_211 : memref<1x128xi32, #tpu.memory_space<vmem>> -> memref<128xi32, #tpu.memory_space<vmem>>
      %dma_start3A_213 = arith.constant 0 : i32
      %dma_start3A_214 = arith.constant 0 : i32
      %dma_start3A_215 = tpu.memref_slice %arg2[%dma_start3A_213, %dma_start3A_214] : memref<160000x128xf32, #tpu.memory_space<hbm>> -> memref<160000x128xf32, #tpu.memory_space<hbm>>
      tpu.enqueue_indirect_dma source(%dma_start3A_215 : memref<160000x128xf32, #tpu.memory_space<hbm>>) target(%arg12 : memref<128x128xf32, #tpu.memory_space<vmem>>) offsets(%dma_start3A_212 : memref<128xi32, #tpu.memory_space<vmem>>) semaphore(%arg14 : memref<!tpu.dma_semaphore, #tpu.memory_space<semaphore_mem>>)
      %scan3A_216 = arith.constant 0 : i32
      %scan3A_217 = arith.constant 0 : i32
      %scan3A_218 = arith.constant 8 : i32
      %scan3A_219 = arith.addi %scan3A_217, %scan3A_218 : i32
      %scan3A_220 = arith.constant 1 : i32
      %scan3A_221 = scf.for %scan3A_224 = %scan3A_217 to %scan3A_219 step %scan3A_220 iter_args(%scan3A_225 = %scan3A_216) -> (i32)  : i32 {
        %mul3A_226 = arith.constant 2 : i32
        %mul3A_227 = arith.muli %mul3A_226, %scan3A_224 : i32
        %add3A_228 = arith.constant 1 : i32
        %add3A_229 = arith.addi %mul3A_227, %add3A_228 : i32
        %dma_start3A_230 = arith.constant 0 : i32
        %dma_start3A_231 = tpu.memref_slice %arg9[%add3A_229, %dma_start3A_230] : memref<16x128xi32, #tpu.memory_space<vmem>> -> memref<1x128xi32, #tpu.memory_space<vmem>>
        %dma_start3A_232 = tpu.memref_squeeze %dma_start3A_231 : memref<1x128xi32, #tpu.memory_space<vmem>> -> memref<128xi32, #tpu.memory_space<vmem>>
        %dma_start3A_233 = arith.constant 0 : i32
        %dma_start3A_234 = arith.constant 0 : i32
        %dma_start3A_235 = tpu.memref_slice %arg2[%dma_start3A_233, %dma_start3A_234] : memref<160000x128xf32, #tpu.memory_space<hbm>> -> memref<160000x128xf32, #tpu.memory_space<hbm>>
        tpu.enqueue_indirect_dma source(%dma_start3A_235 : memref<160000x128xf32, #tpu.memory_space<hbm>>) target(%arg13 : memref<128x128xf32, #tpu.memory_space<vmem>>) offsets(%dma_start3A_232 : memref<128xi32, #tpu.memory_space<vmem>>) semaphore(%arg15 : memref<!tpu.dma_semaphore, #tpu.memory_space<semaphore_mem>>)
        %dma_wait3A = arith.constant 0 : i32
        %dma_wait3A_236 = tpu.memref_slice %arg9[%mul3A_227, %dma_wait3A] : memref<16x128xi32, #tpu.memory_space<vmem>> -> memref<1x128xi32, #tpu.memory_space<vmem>>
        %dma_wait3A_237 = tpu.memref_squeeze %dma_wait3A_236 : memref<1x128xi32, #tpu.memory_space<vmem>> -> memref<128xi32, #tpu.memory_space<vmem>>
        %dma_wait3A_238 = arith.constant 0 : i32
        %dma_wait3A_239 = arith.constant 0 : i32
        %dma_wait3A_240 = tpu.memref_slice %arg2[%dma_wait3A_238, %dma_wait3A_239] : memref<160000x128xf32, #tpu.memory_space<hbm>> -> memref<160000x128xf32, #tpu.memory_space<hbm>>
        tpu.wait_indirect_dma semaphore(%arg14 : memref<!tpu.dma_semaphore, #tpu.memory_space<semaphore_mem>>) src(%dma_wait3A_240 : memref<160000x128xf32, #tpu.memory_space<hbm>>) dst(%arg12 : memref<128x128xf32, #tpu.memory_space<vmem>>)
        %lt3A = arith.constant 7 : i32
        %lt3A_241 = arith.cmpi slt, %scan3A_224, %lt3A : i32
        %convert_element_type3A = arith.extui %lt3A_241 : i1 to i32
        %cond3A = arith.constant 0 : i32
        %cond3A_242 = arith.cmpi ne, %convert_element_type3A, %cond3A : i32
        scf.if %cond3A_242 {
          %add3A_250 = arith.constant 2 : i32
          %add3A_251 = arith.addi %mul3A_227, %add3A_250 : i32
          %dma_start3A_252 = arith.constant 0 : i32
          %dma_start3A_253 = tpu.memref_slice %arg9[%add3A_251, %dma_start3A_252] : memref<16x128xi32, #tpu.memory_space<vmem>> -> memref<1x128xi32, #tpu.memory_space<vmem>>
          %dma_start3A_254 = tpu.memref_squeeze %dma_start3A_253 : memref<1x128xi32, #tpu.memory_space<vmem>> -> memref<128xi32, #tpu.memory_space<vmem>>
          %dma_start3A_255 = arith.constant 0 : i32
          %dma_start3A_256 = arith.constant 0 : i32
          %dma_start3A_257 = tpu.memref_slice %arg2[%dma_start3A_255, %dma_start3A_256] : memref<160000x128xf32, #tpu.memory_space<hbm>> -> memref<160000x128xf32, #tpu.memory_space<hbm>>
          tpu.enqueue_indirect_dma source(%dma_start3A_257 : memref<160000x128xf32, #tpu.memory_space<hbm>>) target(%arg12 : memref<128x128xf32, #tpu.memory_space<vmem>>) offsets(%dma_start3A_254 : memref<128xi32, #tpu.memory_space<vmem>>) semaphore(%arg14 : memref<!tpu.dma_semaphore, #tpu.memory_space<semaphore_mem>>)
        } else {
        }
        %dma_wait3A_243 = arith.constant 0 : i32
        %dma_wait3A_244 = tpu.memref_slice %arg9[%add3A_229, %dma_wait3A_243] : memref<16x128xi32, #tpu.memory_space<vmem>> -> memref<1x128xi32, #tpu.memory_space<vmem>>
        %dma_wait3A_245 = tpu.memref_squeeze %dma_wait3A_244 : memref<1x128xi32, #tpu.memory_space<vmem>> -> memref<128xi32, #tpu.memory_space<vmem>>
        %dma_wait3A_246 = arith.constant 0 : i32
        %dma_wait3A_247 = arith.constant 0 : i32
        %dma_wait3A_248 = tpu.memref_slice %arg2[%dma_wait3A_246, %dma_wait3A_247] : memref<160000x128xf32, #tpu.memory_space<hbm>> -> memref<160000x128xf32, #tpu.memory_space<hbm>>
        tpu.wait_indirect_dma semaphore(%arg15 : memref<!tpu.dma_semaphore, #tpu.memory_space<semaphore_mem>>) src(%dma_wait3A_248 : memref<160000x128xf32, #tpu.memory_space<hbm>>) dst(%arg13 : memref<128x128xf32, #tpu.memory_space<vmem>>)
        %scan3A_249 = arith.constant 0 : i32
        scf.yield %scan3A_249 : i32
      }
      %scan3A_222 = arith.constant 8 : i32
      %scan3A_223 = arith.constant 0 : i32
      scf.yield %scan3A_223 : i32
    }
    %scan3A_45 = arith.constant 10 : i32
    %broadcast_in_dim3A_46 = arith.constant 80000 : i32
    %broadcast_in_dim3A_47 = vector.broadcast %broadcast_in_dim3A_46 : i32 to vector<16xi32>
    %mul3A_48 = arith.constant 10000 : i32
    %mul3A_49 = arith.muli %add3A_1, %mul3A_48 : i32
    %add3A_50 = vector.broadcast %mul3A_49 : i32 to vector<16xi32>
    %add3A_51 = arith.addi %broadcast_in_dim3A_47, %add3A_50 : vector<16xi32>
    %scan3A_52 = arith.constant 0 : i32
    %scan3A_53 = arith.constant 0 : i32
    %scan3A_54 = arith.constant 10 : i32
    %scan3A_55 = arith.addi %scan3A_53, %scan3A_54 : i32
    %scan3A_56 = arith.constant 1 : i32
    %scan3A_57 = scf.for %scan3A_193 = %scan3A_53 to %scan3A_55 step %scan3A_56 iter_args(%scan3A_194 = %scan3A_52) -> (i32)  : i32 {
      %mul3A_195 = arith.constant 16 : i32
      %mul3A_196 = arith.muli %scan3A_193, %mul3A_195 : i32
      %run_scoped3A = arith.constant 2 : i32
      "tpu.region"() ({
        %run_scoped3A_224 = tpu.sem_alloc : memref<!tpu.dma_semaphore, #tpu.memory_space<semaphore_mem>>
        %dma_start3A_225 = arith.constant 0 : i32
        %dma_start3A_226 = tpu.memref_slice %arg3[%run_scoped3A, %arg1, %mul3A_196, %dma_start3A_225] : memref<4x16x160x128xi32, #tpu.memory_space<hbm>> -> memref<1x1x16x128xi32, #tpu.memory_space<hbm>>
        %dma_start3A_227 = tpu.memref_squeeze %dma_start3A_226 : memref<1x1x16x128xi32, #tpu.memory_space<hbm>> -> memref<16x128xi32, #tpu.memory_space<hbm>>
        %dma_start3A_228 = arith.constant 0 : i32
        %dma_start3A_229 = tpu.memref_slice %arg3[%run_scoped3A, %arg1, %mul3A_196, %dma_start3A_228] : memref<4x16x160x128xi32, #tpu.memory_space<hbm>> -> memref<1x1x16x128xi32, #tpu.memory_space<hbm>>
        %dma_start3A_230 = tpu.memref_squeeze %dma_start3A_229 : memref<1x1x16x128xi32, #tpu.memory_space<hbm>> -> memref<16x128xi32, #tpu.memory_space<hbm>>
        tpu.enqueue_dma source(%dma_start3A_230 : memref<16x128xi32, #tpu.memory_space<hbm>>) target(%arg9 : memref<16x128xi32, #tpu.memory_space<vmem>>) target_semaphore(%run_scoped3A_224 : memref<!tpu.dma_semaphore, #tpu.memory_space<semaphore_mem>>)
        %dma_wait3A = arith.constant 0 : i32
        %dma_wait3A_231 = tpu.memref_slice %arg3[%run_scoped3A, %arg1, %mul3A_196, %dma_wait3A] : memref<4x16x160x128xi32, #tpu.memory_space<hbm>> -> memref<1x1x16x128xi32, #tpu.memory_space<hbm>>
        %dma_wait3A_232 = tpu.memref_squeeze %dma_wait3A_231 : memref<1x1x16x128xi32, #tpu.memory_space<hbm>> -> memref<16x128xi32, #tpu.memory_space<hbm>>
        %dma_wait3A_233 = arith.constant 0 : i32
        %dma_wait3A_234 = tpu.memref_slice %arg3[%run_scoped3A, %arg1, %mul3A_196, %dma_wait3A_233] : memref<4x16x160x128xi32, #tpu.memory_space<hbm>> -> memref<1x1x16x128xi32, #tpu.memory_space<hbm>>
        %dma_wait3A_235 = tpu.memref_squeeze %dma_wait3A_234 : memref<1x1x16x128xi32, #tpu.memory_space<hbm>> -> memref<16x128xi32, #tpu.memory_space<hbm>>
        tpu.wait_dma2 semaphore(%run_scoped3A_224 : memref<!tpu.dma_semaphore, #tpu.memory_space<semaphore_mem>>) src(%dma_wait3A_235 : memref<16x128xi32, #tpu.memory_space<hbm>>) dst(%arg9 : memref<16x128xi32, #tpu.memory_space<vmem>>)
        tpu.yield
      }) : () -> ()
      %mul3A_197 = arith.constant 16 : i32
      %mul3A_198 = arith.muli %scan3A_193, %mul3A_197 : i32
      %run_scoped3A_199 = arith.constant 2 : i32
      "tpu.region"() ({
        %run_scoped3A_224 = tpu.sem_alloc : memref<!tpu.dma_semaphore, #tpu.memory_space<semaphore_mem>>
        %dma_start3A_225 = arith.constant 0 : i32
        %dma_start3A_226 = tpu.memref_slice %arg4[%run_scoped3A_199, %arg1, %mul3A_198, %dma_start3A_225] : memref<4x16x160x128xi32, #tpu.memory_space<hbm>> -> memref<1x1x16x128xi32, #tpu.memory_space<hbm>>
        %dma_start3A_227 = tpu.memref_squeeze %dma_start3A_226 : memref<1x1x16x128xi32, #tpu.memory_space<hbm>> -> memref<16x128xi32, #tpu.memory_space<hbm>>
        %dma_start3A_228 = arith.constant 0 : i32
        %dma_start3A_229 = tpu.memref_slice %arg4[%run_scoped3A_199, %arg1, %mul3A_198, %dma_start3A_228] : memref<4x16x160x128xi32, #tpu.memory_space<hbm>> -> memref<1x1x16x128xi32, #tpu.memory_space<hbm>>
        %dma_start3A_230 = tpu.memref_squeeze %dma_start3A_229 : memref<1x1x16x128xi32, #tpu.memory_space<hbm>> -> memref<16x128xi32, #tpu.memory_space<hbm>>
        tpu.enqueue_dma source(%dma_start3A_230 : memref<16x128xi32, #tpu.memory_space<hbm>>) target(%arg10 : memref<16x128xi32, #tpu.memory_space<vmem>>) target_semaphore(%run_scoped3A_224 : memref<!tpu.dma_semaphore, #tpu.memory_space<semaphore_mem>>)
        %dma_wait3A = arith.constant 0 : i32
        %dma_wait3A_231 = tpu.memref_slice %arg4[%run_scoped3A_199, %arg1, %mul3A_198, %dma_wait3A] : memref<4x16x160x128xi32, #tpu.memory_space<hbm>> -> memref<1x1x16x128xi32, #tpu.memory_space<hbm>>
        %dma_wait3A_232 = tpu.memref_squeeze %dma_wait3A_231 : memref<1x1x16x128xi32, #tpu.memory_space<hbm>> -> memref<16x128xi32, #tpu.memory_space<hbm>>
        %dma_wait3A_233 = arith.constant 0 : i32
        %dma_wait3A_234 = tpu.memref_slice %arg4[%run_scoped3A_199, %arg1, %mul3A_198, %dma_wait3A_233] : memref<4x16x160x128xi32, #tpu.memory_space<hbm>> -> memref<1x1x16x128xi32, #tpu.memory_space<hbm>>
        %dma_wait3A_235 = tpu.memref_squeeze %dma_wait3A_234 : memref<1x1x16x128xi32, #tpu.memory_space<hbm>> -> memref<16x128xi32, #tpu.memory_space<hbm>>
        tpu.wait_dma2 semaphore(%run_scoped3A_224 : memref<!tpu.dma_semaphore, #tpu.memory_space<semaphore_mem>>) src(%dma_wait3A_235 : memref<16x128xi32, #tpu.memory_space<hbm>>) dst(%arg10 : memref<16x128xi32, #tpu.memory_space<vmem>>)
        tpu.yield
      }) : () -> ()
      %mul3A_200 = arith.constant 16 : i32
      %mul3A_201 = arith.muli %scan3A_193, %mul3A_200 : i32
      %run_scoped3A_202 = arith.constant 2 : i32
      "tpu.region"() ({
        %run_scoped3A_224 = tpu.sem_alloc : memref<!tpu.dma_semaphore, #tpu.memory_space<semaphore_mem>>
        %dma_start3A_225 = arith.constant 0 : i32
        %dma_start3A_226 = tpu.memref_slice %arg5[%run_scoped3A_202, %arg1, %mul3A_201, %dma_start3A_225] : memref<4x16x160x128xf32, #tpu.memory_space<hbm>> -> memref<1x1x16x128xf32, #tpu.memory_space<hbm>>
        %dma_start3A_227 = tpu.memref_squeeze %dma_start3A_226 : memref<1x1x16x128xf32, #tpu.memory_space<hbm>> -> memref<16x128xf32, #tpu.memory_space<hbm>>
        %dma_start3A_228 = arith.constant 0 : i32
        %dma_start3A_229 = tpu.memref_slice %arg5[%run_scoped3A_202, %arg1, %mul3A_201, %dma_start3A_228] : memref<4x16x160x128xf32, #tpu.memory_space<hbm>> -> memref<1x1x16x128xf32, #tpu.memory_space<hbm>>
        %dma_start3A_230 = tpu.memref_squeeze %dma_start3A_229 : memref<1x1x16x128xf32, #tpu.memory_space<hbm>> -> memref<16x128xf32, #tpu.memory_space<hbm>>
        tpu.enqueue_dma source(%dma_start3A_230 : memref<16x128xf32, #tpu.memory_space<hbm>>) target(%arg11 : memref<16x128xf32, #tpu.memory_space<vmem>>) target_semaphore(%run_scoped3A_224 : memref<!tpu.dma_semaphore, #tpu.memory_space<semaphore_mem>>)
        %dma_wait3A = arith.constant 0 : i32
        %dma_wait3A_231 = tpu.memref_slice %arg5[%run_scoped3A_202, %arg1, %mul3A_201, %dma_wait3A] : memref<4x16x160x128xf32, #tpu.memory_space<hbm>> -> memref<1x1x16x128xf32, #tpu.memory_space<hbm>>
        %dma_wait3A_232 = tpu.memref_squeeze %dma_wait3A_231 : memref<1x1x16x128xf32, #tpu.memory_space<hbm>> -> memref<16x128xf32, #tpu.memory_space<hbm>>
        %dma_wait3A_233 = arith.constant 0 : i32
        %dma_wait3A_234 = tpu.memref_slice %arg5[%run_scoped3A_202, %arg1, %mul3A_201, %dma_wait3A_233] : memref<4x16x160x128xf32, #tpu.memory_space<hbm>> -> memref<1x1x16x128xf32, #tpu.memory_space<hbm>>
        %dma_wait3A_235 = tpu.memref_squeeze %dma_wait3A_234 : memref<1x1x16x128xf32, #tpu.memory_space<hbm>> -> memref<16x128xf32, #tpu.memory_space<hbm>>
        tpu.wait_dma2 semaphore(%run_scoped3A_224 : memref<!tpu.dma_semaphore, #tpu.memory_space<semaphore_mem>>) src(%dma_wait3A_235 : memref<16x128xf32, #tpu.memory_space<hbm>>) dst(%arg11 : memref<16x128xf32, #tpu.memory_space<vmem>>)
        tpu.yield
      }) : () -> ()
      %scan3A_203 = arith.constant 0 : i32
      %scan3A_204 = arith.constant 0 : i32
      %scan3A_205 = arith.constant 16 : i32
      %scan3A_206 = arith.addi %scan3A_204, %scan3A_205 : i32
      %scan3A_207 = arith.constant 1 : i32
      %scan3A_208 = scf.for %scan3A_224 = %scan3A_204 to %scan3A_206 step %scan3A_207 iter_args(%scan3A_225 = %scan3A_203) -> (i32)  : i32 {
        %get3A = arith.index_cast %scan3A_224 : i32 to index
        %get3A_226 = arith.constant 0 : index
        %get3A_227 = tpu.vector_load %arg9[%get3A, %get3A_226] {strides = array<i32>} : memref<16x128xi32, #tpu.memory_space<vmem>>, vector<1x16xi32>,
        %get3A_228 = vector.shape_cast %get3A_227 : vector<1x16xi32> to vector<16xi32>
        %add3A_229 = arith.addi %get3A_228, %add3A_51 : vector<16xi32>
        %swap3A = arith.index_cast %scan3A_224 : i32 to index
        %swap3A_230 = arith.constant 0 : index
        %swap3A_231 = tpu.vector_load %arg9[%swap3A, %swap3A_230] {strides = array<i32>} : memref<16x128xi32, #tpu.memory_space<vmem>>, vector<1x16xi32>,
        %swap3A_232 = vector.shape_cast %swap3A_231 : vector<1x16xi32> to vector<16xi32>
        %swap3A_233 = vector.shape_cast %add3A_229 : vector<16xi32> to vector<1x16xi32>
        tpu.vector_store %arg9[%swap3A, %swap3A_230], %swap3A_233 {strides = array<i32>} : memref<16x128xi32, #tpu.memory_space<vmem>>, vector<1x16xi32>,
        %get3A_234 = arith.index_cast %scan3A_224 : i32 to index
        %get3A_235 = arith.constant 16 : index
        %get3A_236 = tpu.vector_load %arg9[%get3A_234, %get3A_235] {strides = array<i32>} : memref<16x128xi32, #tpu.memory_space<vmem>>, vector<1x16xi32>,
        %get3A_237 = vector.shape_cast %get3A_236 : vector<1x16xi32> to vector<16xi32>
        %add3A_238 = arith.addi %get3A_237, %add3A_51 : vector<16xi32>
        %swap3A_239 = arith.index_cast %scan3A_224 : i32 to index
        %swap3A_240 = arith.constant 16 : index
        %swap3A_241 = tpu.vector_load %arg9[%swap3A_239, %swap3A_240] {strides = array<i32>} : memref<16x128xi32, #tpu.memory_space<vmem>>, vector<1x16xi32>,
        %swap3A_242 = vector.shape_cast %swap3A_241 : vector<1x16xi32> to vector<16xi32>
        %swap3A_243 = vector.shape_cast %add3A_238 : vector<16xi32> to vector<1x16xi32>
        tpu.vector_store %arg9[%swap3A_239, %swap3A_240], %swap3A_243 {strides = array<i32>} : memref<16x128xi32, #tpu.memory_space<vmem>>, vector<1x16xi32>,
        %get3A_244 = arith.index_cast %scan3A_224 : i32 to index
        %get3A_245 = arith.constant 32 : index
        %get3A_246 = tpu.vector_load %arg9[%get3A_244, %get3A_245] {strides = array<i32>} : memref<16x128xi32, #tpu.memory_space<vmem>>, vector<1x16xi32>,
        %get3A_247 = vector.shape_cast %get3A_246 : vector<1x16xi32> to vector<16xi32>
        %add3A_248 = arith.addi %get3A_247, %add3A_51 : vector<16xi32>
        %swap3A_249 = arith.index_cast %scan3A_224 : i32 to index
        %swap3A_250 = arith.constant 32 : index
        %swap3A_251 = tpu.vector_load %arg9[%swap3A_249, %swap3A_250] {strides = array<i32>} : memref<16x128xi32, #tpu.memory_space<vmem>>, vector<1x16xi32>,
        %swap3A_252 = vector.shape_cast %swap3A_251 : vector<1x16xi32> to vector<16xi32>
        %swap3A_253 = vector.shape_cast %add3A_248 : vector<16xi32> to vector<1x16xi32>
        tpu.vector_store %arg9[%swap3A_249, %swap3A_250], %swap3A_253 {strides = array<i32>} : memref<16x128xi32, #tpu.memory_space<vmem>>, vector<1x16xi32>,
        %get3A_254 = arith.index_cast %scan3A_224 : i32 to index
        %get3A_255 = arith.constant 48 : index
        %get3A_256 = tpu.vector_load %arg9[%get3A_254, %get3A_255] {strides = array<i32>} : memref<16x128xi32, #tpu.memory_space<vmem>>, vector<1x16xi32>,
        %get3A_257 = vector.shape_cast %get3A_256 : vector<1x16xi32> to vector<16xi32>
        %add3A_258 = arith.addi %get3A_257, %add3A_51 : vector<16xi32>
        %swap3A_259 = arith.index_cast %scan3A_224 : i32 to index
        %swap3A_260 = arith.constant 48 : index
        %swap3A_261 = tpu.vector_load %arg9[%swap3A_259, %swap3A_260] {strides = array<i32>} : memref<16x128xi32, #tpu.memory_space<vmem>>, vector<1x16xi32>,
        %swap3A_262 = vector.shape_cast %swap3A_261 : vector<1x16xi32> to vector<16xi32>
        %swap3A_263 = vector.shape_cast %add3A_258 : vector<16xi32> to vector<1x16xi32>
        tpu.vector_store %arg9[%swap3A_259, %swap3A_260], %swap3A_263 {strides = array<i32>} : memref<16x128xi32, #tpu.memory_space<vmem>>, vector<1x16xi32>,
        %get3A_264 = arith.index_cast %scan3A_224 : i32 to index
        %get3A_265 = arith.constant 64 : index
        %get3A_266 = tpu.vector_load %arg9[%get3A_264, %get3A_265] {strides = array<i32>} : memref<16x128xi32, #tpu.memory_space<vmem>>, vector<1x16xi32>,
        %get3A_267 = vector.shape_cast %get3A_266 : vector<1x16xi32> to vector<16xi32>
        %add3A_268 = arith.addi %get3A_267, %add3A_51 : vector<16xi32>
        %swap3A_269 = arith.index_cast %scan3A_224 : i32 to index
        %swap3A_270 = arith.constant 64 : index
        %swap3A_271 = tpu.vector_load %arg9[%swap3A_269, %swap3A_270] {strides = array<i32>} : memref<16x128xi32, #tpu.memory_space<vmem>>, vector<1x16xi32>,
        %swap3A_272 = vector.shape_cast %swap3A_271 : vector<1x16xi32> to vector<16xi32>
        %swap3A_273 = vector.shape_cast %add3A_268 : vector<16xi32> to vector<1x16xi32>
        tpu.vector_store %arg9[%swap3A_269, %swap3A_270], %swap3A_273 {strides = array<i32>} : memref<16x128xi32, #tpu.memory_space<vmem>>, vector<1x16xi32>,
        %get3A_274 = arith.index_cast %scan3A_224 : i32 to index
        %get3A_275 = arith.constant 80 : index
        %get3A_276 = tpu.vector_load %arg9[%get3A_274, %get3A_275] {strides = array<i32>} : memref<16x128xi32, #tpu.memory_space<vmem>>, vector<1x16xi32>,
        %get3A_277 = vector.shape_cast %get3A_276 : vector<1x16xi32> to vector<16xi32>
        %add3A_278 = arith.addi %get3A_277, %add3A_51 : vector<16xi32>
        %swap3A_279 = arith.index_cast %scan3A_224 : i32 to index
        %swap3A_280 = arith.constant 80 : index
        %swap3A_281 = tpu.vector_load %arg9[%swap3A_279, %swap3A_280] {strides = array<i32>} : memref<16x128xi32, #tpu.memory_space<vmem>>, vector<1x16xi32>,
        %swap3A_282 = vector.shape_cast %swap3A_281 : vector<1x16xi32> to vector<16xi32>
        %swap3A_283 = vector.shape_cast %add3A_278 : vector<16xi32> to vector<1x16xi32>
        tpu.vector_store %arg9[%swap3A_279, %swap3A_280], %swap3A_283 {strides = array<i32>} : memref<16x128xi32, #tpu.memory_space<vmem>>, vector<1x16xi32>,
        %get3A_284 = arith.index_cast %scan3A_224 : i32 to index
        %get3A_285 = arith.constant 96 : index
        %get3A_286 = tpu.vector_load %arg9[%get3A_284, %get3A_285] {strides = array<i32>} : memref<16x128xi32, #tpu.memory_space<vmem>>, vector<1x16xi32>,
        %get3A_287 = vector.shape_cast %get3A_286 : vector<1x16xi32> to vector<16xi32>
        %add3A_288 = arith.addi %get3A_287, %add3A_51 : vector<16xi32>
        %swap3A_289 = arith.index_cast %scan3A_224 : i32 to index
        %swap3A_290 = arith.constant 96 : index
        %swap3A_291 = tpu.vector_load %arg9[%swap3A_289, %swap3A_290] {strides = array<i32>} : memref<16x128xi32, #tpu.memory_space<vmem>>, vector<1x16xi32>,
        %swap3A_292 = vector.shape_cast %swap3A_291 : vector<1x16xi32> to vector<16xi32>
        %swap3A_293 = vector.shape_cast %add3A_288 : vector<16xi32> to vector<1x16xi32>
        tpu.vector_store %arg9[%swap3A_289, %swap3A_290], %swap3A_293 {strides = array<i32>} : memref<16x128xi32, #tpu.memory_space<vmem>>, vector<1x16xi32>,
        %get3A_294 = arith.index_cast %scan3A_224 : i32 to index
        %get3A_295 = arith.constant 112 : index
        %get3A_296 = tpu.vector_load %arg9[%get3A_294, %get3A_295] {strides = array<i32>} : memref<16x128xi32, #tpu.memory_space<vmem>>, vector<1x16xi32>,
        %get3A_297 = vector.shape_cast %get3A_296 : vector<1x16xi32> to vector<16xi32>
        %add3A_298 = arith.addi %get3A_297, %add3A_51 : vector<16xi32>
        %swap3A_299 = arith.index_cast %scan3A_224 : i32 to index
        %swap3A_300 = arith.constant 112 : index
        %swap3A_301 = tpu.vector_load %arg9[%swap3A_299, %swap3A_300] {strides = array<i32>} : memref<16x128xi32, #tpu.memory_space<vmem>>, vector<1x16xi32>,
        %swap3A_302 = vector.shape_cast %swap3A_301 : vector<1x16xi32> to vector<16xi32>
        %swap3A_303 = vector.shape_cast %add3A_298 : vector<16xi32> to vector<1x16xi32>
        tpu.vector_store %arg9[%swap3A_299, %swap3A_300], %swap3A_303 {strides = array<i32>} : memref<16x128xi32, #tpu.memory_space<vmem>>, vector<1x16xi32>,
        %scan3A_304 = arith.constant 0 : i32
        scf.yield %scan3A_304 : i32
      }
      %scan3A_209 = arith.constant 16 : i32
      %dma_start3A = arith.constant 0 : i32
      %dma_start3A_210 = arith.constant 0 : i32
      %dma_start3A_211 = tpu.memref_slice %arg9[%dma_start3A, %dma_start3A_210] : memref<16x128xi32, #tpu.memory_space<vmem>> -> memref<1x128xi32, #tpu.memory_space<vmem>>
      %dma_start3A_212 = tpu.memref_squeeze %dma_start3A_211 : memref<1x128xi32, #tpu.memory_space<vmem>> -> memref<128xi32, #tpu.memory_space<vmem>>
      %dma_start3A_213 = arith.constant 0 : i32
      %dma_start3A_214 = arith.constant 0 : i32
      %dma_start3A_215 = tpu.memref_slice %arg2[%dma_start3A_213, %dma_start3A_214] : memref<160000x128xf32, #tpu.memory_space<hbm>> -> memref<160000x128xf32, #tpu.memory_space<hbm>>
      tpu.enqueue_indirect_dma source(%dma_start3A_215 : memref<160000x128xf32, #tpu.memory_space<hbm>>) target(%arg12 : memref<128x128xf32, #tpu.memory_space<vmem>>) offsets(%dma_start3A_212 : memref<128xi32, #tpu.memory_space<vmem>>) semaphore(%arg14 : memref<!tpu.dma_semaphore, #tpu.memory_space<semaphore_mem>>)
      %scan3A_216 = arith.constant 0 : i32
      %scan3A_217 = arith.constant 0 : i32
      %scan3A_218 = arith.constant 8 : i32
      %scan3A_219 = arith.addi %scan3A_217, %scan3A_218 : i32
      %scan3A_220 = arith.constant 1 : i32
      %scan3A_221 = scf.for %scan3A_224 = %scan3A_217 to %scan3A_219 step %scan3A_220 iter_args(%scan3A_225 = %scan3A_216) -> (i32)  : i32 {
        %mul3A_226 = arith.constant 2 : i32
        %mul3A_227 = arith.muli %mul3A_226, %scan3A_224 : i32
        %add3A_228 = arith.constant 1 : i32
        %add3A_229 = arith.addi %mul3A_227, %add3A_228 : i32
        %dma_start3A_230 = arith.constant 0 : i32
        %dma_start3A_231 = tpu.memref_slice %arg9[%add3A_229, %dma_start3A_230] : memref<16x128xi32, #tpu.memory_space<vmem>> -> memref<1x128xi32, #tpu.memory_space<vmem>>
        %dma_start3A_232 = tpu.memref_squeeze %dma_start3A_231 : memref<1x128xi32, #tpu.memory_space<vmem>> -> memref<128xi32, #tpu.memory_space<vmem>>
        %dma_start3A_233 = arith.constant 0 : i32
        %dma_start3A_234 = arith.constant 0 : i32
        %dma_start3A_235 = tpu.memref_slice %arg2[%dma_start3A_233, %dma_start3A_234] : memref<160000x128xf32, #tpu.memory_space<hbm>> -> memref<160000x128xf32, #tpu.memory_space<hbm>>
        tpu.enqueue_indirect_dma source(%dma_start3A_235 : memref<160000x128xf32, #tpu.memory_space<hbm>>) target(%arg13 : memref<128x128xf32, #tpu.memory_space<vmem>>) offsets(%dma_start3A_232 : memref<128xi32, #tpu.memory_space<vmem>>) semaphore(%arg15 : memref<!tpu.dma_semaphore, #tpu.memory_space<semaphore_mem>>)
        %dma_wait3A = arith.constant 0 : i32
        %dma_wait3A_236 = tpu.memref_slice %arg9[%mul3A_227, %dma_wait3A] : memref<16x128xi32, #tpu.memory_space<vmem>> -> memref<1x128xi32, #tpu.memory_space<vmem>>
        %dma_wait3A_237 = tpu.memref_squeeze %dma_wait3A_236 : memref<1x128xi32, #tpu.memory_space<vmem>> -> memref<128xi32, #tpu.memory_space<vmem>>
        %dma_wait3A_238 = arith.constant 0 : i32
        %dma_wait3A_239 = arith.constant 0 : i32
        %dma_wait3A_240 = tpu.memref_slice %arg2[%dma_wait3A_238, %dma_wait3A_239] : memref<160000x128xf32, #tpu.memory_space<hbm>> -> memref<160000x128xf32, #tpu.memory_space<hbm>>
        tpu.wait_indirect_dma semaphore(%arg14 : memref<!tpu.dma_semaphore, #tpu.memory_space<semaphore_mem>>) src(%dma_wait3A_240 : memref<160000x128xf32, #tpu.memory_space<hbm>>) dst(%arg12 : memref<128x128xf32, #tpu.memory_space<vmem>>)
        %lt3A = arith.constant 7 : i32
        %lt3A_241 = arith.cmpi slt, %scan3A_224, %lt3A : i32
        %convert_element_type3A = arith.extui %lt3A_241 : i1 to i32
        %cond3A = arith.constant 0 : i32
        %cond3A_242 = arith.cmpi ne, %convert_element_type3A, %cond3A : i32
        scf.if %cond3A_242 {
          %add3A_250 = arith.constant 2 : i32
          %add3A_251 = arith.addi %mul3A_227, %add3A_250 : i32
          %dma_start3A_252 = arith.constant 0 : i32
          %dma_start3A_253 = tpu.memref_slice %arg9[%add3A_251, %dma_start3A_252] : memref<16x128xi32, #tpu.memory_space<vmem>> -> memref<1x128xi32, #tpu.memory_space<vmem>>
          %dma_start3A_254 = tpu.memref_squeeze %dma_start3A_253 : memref<1x128xi32, #tpu.memory_space<vmem>> -> memref<128xi32, #tpu.memory_space<vmem>>
          %dma_start3A_255 = arith.constant 0 : i32
          %dma_start3A_256 = arith.constant 0 : i32
          %dma_start3A_257 = tpu.memref_slice %arg2[%dma_start3A_255, %dma_start3A_256] : memref<160000x128xf32, #tpu.memory_space<hbm>> -> memref<160000x128xf32, #tpu.memory_space<hbm>>
          tpu.enqueue_indirect_dma source(%dma_start3A_257 : memref<160000x128xf32, #tpu.memory_space<hbm>>) target(%arg12 : memref<128x128xf32, #tpu.memory_space<vmem>>) offsets(%dma_start3A_254 : memref<128xi32, #tpu.memory_space<vmem>>) semaphore(%arg14 : memref<!tpu.dma_semaphore, #tpu.memory_space<semaphore_mem>>)
        } else {
        }
        %dma_wait3A_243 = arith.constant 0 : i32
        %dma_wait3A_244 = tpu.memref_slice %arg9[%add3A_229, %dma_wait3A_243] : memref<16x128xi32, #tpu.memory_space<vmem>> -> memref<1x128xi32, #tpu.memory_space<vmem>>
        %dma_wait3A_245 = tpu.memref_squeeze %dma_wait3A_244 : memref<1x128xi32, #tpu.memory_space<vmem>> -> memref<128xi32, #tpu.memory_space<vmem>>
        %dma_wait3A_246 = arith.constant 0 : i32
        %dma_wait3A_247 = arith.constant 0 : i32
        %dma_wait3A_248 = tpu.memref_slice %arg2[%dma_wait3A_246, %dma_wait3A_247] : memref<160000x128xf32, #tpu.memory_space<hbm>> -> memref<160000x128xf32, #tpu.memory_space<hbm>>
        tpu.wait_indirect_dma semaphore(%arg15 : memref<!tpu.dma_semaphore, #tpu.memory_space<semaphore_mem>>) src(%dma_wait3A_248 : memref<160000x128xf32, #tpu.memory_space<hbm>>) dst(%arg13 : memref<128x128xf32, #tpu.memory_space<vmem>>)
        %scan3A_249 = arith.constant 0 : i32
        scf.yield %scan3A_249 : i32
      }
      %scan3A_222 = arith.constant 8 : i32
      %scan3A_223 = arith.constant 0 : i32
      scf.yield %scan3A_223 : i32
    }
    %scan3A_58 = arith.constant 10 : i32
    %broadcast_in_dim3A_59 = arith.constant 120000 : i32
    %broadcast_in_dim3A_60 = vector.broadcast %broadcast_in_dim3A_59 : i32 to vector<16xi32>
    %mul3A_61 = arith.constant 10000 : i32
    %mul3A_62 = arith.muli %add3A_1, %mul3A_61 : i32
    %add3A_63 = vector.broadcast %mul3A_62 : i32 to vector<16xi32>
    %add3A_64 = arith.addi %broadcast_in_dim3A_60, %add3A_63 : vector<16xi32>
    %scan3A_65 = arith.constant 0 : i32
    %scan3A_66 = arith.constant 0 : i32
    %scan3A_67 = arith.constant 10 : i32
    %scan3A_68 = arith.addi %scan3A_66, %scan3A_67 : i32
    %scan3A_69 = arith.constant 1 : i32
    %scan3A_70 = scf.for %scan3A_193 = %scan3A_66 to %scan3A_68 step %scan3A_69 iter_args(%scan3A_194 = %scan3A_65) -> (i32)  : i32 {
      %mul3A_195 = arith.constant 16 : i32
      %mul3A_196 = arith.muli %scan3A_193, %mul3A_195 : i32
      %run_scoped3A = arith.constant 3 : i32
      "tpu.region"() ({
        %run_scoped3A_224 = tpu.sem_alloc : memref<!tpu.dma_semaphore, #tpu.memory_space<semaphore_mem>>
        %dma_start3A_225 = arith.constant 0 : i32
        %dma_start3A_226 = tpu.memref_slice %arg3[%run_scoped3A, %arg1, %mul3A_196, %dma_start3A_225] : memref<4x16x160x128xi32, #tpu.memory_space<hbm>> -> memref<1x1x16x128xi32, #tpu.memory_space<hbm>>
        %dma_start3A_227 = tpu.memref_squeeze %dma_start3A_226 : memref<1x1x16x128xi32, #tpu.memory_space<hbm>> -> memref<16x128xi32, #tpu.memory_space<hbm>>
        %dma_start3A_228 = arith.constant 0 : i32
        %dma_start3A_229 = tpu.memref_slice %arg3[%run_scoped3A, %arg1, %mul3A_196, %dma_start3A_228] : memref<4x16x160x128xi32, #tpu.memory_space<hbm>> -> memref<1x1x16x128xi32, #tpu.memory_space<hbm>>
        %dma_start3A_230 = tpu.memref_squeeze %dma_start3A_229 : memref<1x1x16x128xi32, #tpu.memory_space<hbm>> -> memref<16x128xi32, #tpu.memory_space<hbm>>
        tpu.enqueue_dma source(%dma_start3A_230 : memref<16x128xi32, #tpu.memory_space<hbm>>) target(%arg9 : memref<16x128xi32, #tpu.memory_space<vmem>>) target_semaphore(%run_scoped3A_224 : memref<!tpu.dma_semaphore, #tpu.memory_space<semaphore_mem>>)
        %dma_wait3A = arith.constant 0 : i32
        %dma_wait3A_231 = tpu.memref_slice %arg3[%run_scoped3A, %arg1, %mul3A_196, %dma_wait3A] : memref<4x16x160x128xi32, #tpu.memory_space<hbm>> -> memref<1x1x16x128xi32, #tpu.memory_space<hbm>>
        %dma_wait3A_232 = tpu.memref_squeeze %dma_wait3A_231 : memref<1x1x16x128xi32, #tpu.memory_space<hbm>> -> memref<16x128xi32, #tpu.memory_space<hbm>>
        %dma_wait3A_233 = arith.constant 0 : i32
        %dma_wait3A_234 = tpu.memref_slice %arg3[%run_scoped3A, %arg1, %mul3A_196, %dma_wait3A_233] : memref<4x16x160x128xi32, #tpu.memory_space<hbm>> -> memref<1x1x16x128xi32, #tpu.memory_space<hbm>>
        %dma_wait3A_235 = tpu.memref_squeeze %dma_wait3A_234 : memref<1x1x16x128xi32, #tpu.memory_space<hbm>> -> memref<16x128xi32, #tpu.memory_space<hbm>>
        tpu.wait_dma2 semaphore(%run_scoped3A_224 : memref<!tpu.dma_semaphore, #tpu.memory_space<semaphore_mem>>) src(%dma_wait3A_235 : memref<16x128xi32, #tpu.memory_space<hbm>>) dst(%arg9 : memref<16x128xi32, #tpu.memory_space<vmem>>)
        tpu.yield
      }) : () -> ()
      %mul3A_197 = arith.constant 16 : i32
      %mul3A_198 = arith.muli %scan3A_193, %mul3A_197 : i32
      %run_scoped3A_199 = arith.constant 3 : i32
      "tpu.region"() ({
        %run_scoped3A_224 = tpu.sem_alloc : memref<!tpu.dma_semaphore, #tpu.memory_space<semaphore_mem>>
        %dma_start3A_225 = arith.constant 0 : i32
        %dma_start3A_226 = tpu.memref_slice %arg4[%run_scoped3A_199, %arg1, %mul3A_198, %dma_start3A_225] : memref<4x16x160x128xi32, #tpu.memory_space<hbm>> -> memref<1x1x16x128xi32, #tpu.memory_space<hbm>>
        %dma_start3A_227 = tpu.memref_squeeze %dma_start3A_226 : memref<1x1x16x128xi32, #tpu.memory_space<hbm>> -> memref<16x128xi32, #tpu.memory_space<hbm>>
        %dma_start3A_228 = arith.constant 0 : i32
        %dma_start3A_229 = tpu.memref_slice %arg4[%run_scoped3A_199, %arg1, %mul3A_198, %dma_start3A_228] : memref<4x16x160x128xi32, #tpu.memory_space<hbm>> -> memref<1x1x16x128xi32, #tpu.memory_space<hbm>>
        %dma_start3A_230 = tpu.memref_squeeze %dma_start3A_229 : memref<1x1x16x128xi32, #tpu.memory_space<hbm>> -> memref<16x128xi32, #tpu.memory_space<hbm>>
        tpu.enqueue_dma source(%dma_start3A_230 : memref<16x128xi32, #tpu.memory_space<hbm>>) target(%arg10 : memref<16x128xi32, #tpu.memory_space<vmem>>) target_semaphore(%run_scoped3A_224 : memref<!tpu.dma_semaphore, #tpu.memory_space<semaphore_mem>>)
        %dma_wait3A = arith.constant 0 : i32
        %dma_wait3A_231 = tpu.memref_slice %arg4[%run_scoped3A_199, %arg1, %mul3A_198, %dma_wait3A] : memref<4x16x160x128xi32, #tpu.memory_space<hbm>> -> memref<1x1x16x128xi32, #tpu.memory_space<hbm>>
        %dma_wait3A_232 = tpu.memref_squeeze %dma_wait3A_231 : memref<1x1x16x128xi32, #tpu.memory_space<hbm>> -> memref<16x128xi32, #tpu.memory_space<hbm>>
        %dma_wait3A_233 = arith.constant 0 : i32
        %dma_wait3A_234 = tpu.memref_slice %arg4[%run_scoped3A_199, %arg1, %mul3A_198, %dma_wait3A_233] : memref<4x16x160x128xi32, #tpu.memory_space<hbm>> -> memref<1x1x16x128xi32, #tpu.memory_space<hbm>>
        %dma_wait3A_235 = tpu.memref_squeeze %dma_wait3A_234 : memref<1x1x16x128xi32, #tpu.memory_space<hbm>> -> memref<16x128xi32, #tpu.memory_space<hbm>>
        tpu.wait_dma2 semaphore(%run_scoped3A_224 : memref<!tpu.dma_semaphore, #tpu.memory_space<semaphore_mem>>) src(%dma_wait3A_235 : memref<16x128xi32, #tpu.memory_space<hbm>>) dst(%arg10 : memref<16x128xi32, #tpu.memory_space<vmem>>)
        tpu.yield
      }) : () -> ()
      %mul3A_200 = arith.constant 16 : i32
      %mul3A_201 = arith.muli %scan3A_193, %mul3A_200 : i32
      %run_scoped3A_202 = arith.constant 3 : i32
      "tpu.region"() ({
        %run_scoped3A_224 = tpu.sem_alloc : memref<!tpu.dma_semaphore, #tpu.memory_space<semaphore_mem>>
        %dma_start3A_225 = arith.constant 0 : i32
        %dma_start3A_226 = tpu.memref_slice %arg5[%run_scoped3A_202, %arg1, %mul3A_201, %dma_start3A_225] : memref<4x16x160x128xf32, #tpu.memory_space<hbm>> -> memref<1x1x16x128xf32, #tpu.memory_space<hbm>>
        %dma_start3A_227 = tpu.memref_squeeze %dma_start3A_226 : memref<1x1x16x128xf32, #tpu.memory_space<hbm>> -> memref<16x128xf32, #tpu.memory_space<hbm>>
        %dma_start3A_228 = arith.constant 0 : i32
        %dma_start3A_229 = tpu.memref_slice %arg5[%run_scoped3A_202, %arg1, %mul3A_201, %dma_start3A_228] : memref<4x16x160x128xf32, #tpu.memory_space<hbm>> -> memref<1x1x16x128xf32, #tpu.memory_space<hbm>>
        %dma_start3A_230 = tpu.memref_squeeze %dma_start3A_229 : memref<1x1x16x128xf32, #tpu.memory_space<hbm>> -> memref<16x128xf32, #tpu.memory_space<hbm>>
        tpu.enqueue_dma source(%dma_start3A_230 : memref<16x128xf32, #tpu.memory_space<hbm>>) target(%arg11 : memref<16x128xf32, #tpu.memory_space<vmem>>) target_semaphore(%run_scoped3A_224 : memref<!tpu.dma_semaphore, #tpu.memory_space<semaphore_mem>>)
        %dma_wait3A = arith.constant 0 : i32
        %dma_wait3A_231 = tpu.memref_slice %arg5[%run_scoped3A_202, %arg1, %mul3A_201, %dma_wait3A] : memref<4x16x160x128xf32, #tpu.memory_space<hbm>> -> memref<1x1x16x128xf32, #tpu.memory_space<hbm>>
        %dma_wait3A_232 = tpu.memref_squeeze %dma_wait3A_231 : memref<1x1x16x128xf32, #tpu.memory_space<hbm>> -> memref<16x128xf32, #tpu.memory_space<hbm>>
        %dma_wait3A_233 = arith.constant 0 : i32
        %dma_wait3A_234 = tpu.memref_slice %arg5[%run_scoped3A_202, %arg1, %mul3A_201, %dma_wait3A_233] : memref<4x16x160x128xf32, #tpu.memory_space<hbm>> -> memref<1x1x16x128xf32, #tpu.memory_space<hbm>>
        %dma_wait3A_235 = tpu.memref_squeeze %dma_wait3A_234 : memref<1x1x16x128xf32, #tpu.memory_space<hbm>> -> memref<16x128xf32, #tpu.memory_space<hbm>>
        tpu.wait_dma2 semaphore(%run_scoped3A_224 : memref<!tpu.dma_semaphore, #tpu.memory_space<semaphore_mem>>) src(%dma_wait3A_235 : memref<16x128xf32, #tpu.memory_space<hbm>>) dst(%arg11 : memref<16x128xf32, #tpu.memory_space<vmem>>)
        tpu.yield
      }) : () -> ()
      %scan3A_203 = arith.constant 0 : i32
      %scan3A_204 = arith.constant 0 : i32
      %scan3A_205 = arith.constant 16 : i32
      %scan3A_206 = arith.addi %scan3A_204, %scan3A_205 : i32
      %scan3A_207 = arith.constant 1 : i32
      %scan3A_208 = scf.for %scan3A_224 = %scan3A_204 to %scan3A_206 step %scan3A_207 iter_args(%scan3A_225 = %scan3A_203) -> (i32)  : i32 {
        %get3A = arith.index_cast %scan3A_224 : i32 to index
        %get3A_226 = arith.constant 0 : index
        %get3A_227 = tpu.vector_load %arg9[%get3A, %get3A_226] {strides = array<i32>} : memref<16x128xi32, #tpu.memory_space<vmem>>, vector<1x16xi32>,
        %get3A_228 = vector.shape_cast %get3A_227 : vector<1x16xi32> to vector<16xi32>
        %add3A_229 = arith.addi %get3A_228, %add3A_64 : vector<16xi32>
        %swap3A = arith.index_cast %scan3A_224 : i32 to index
        %swap3A_230 = arith.constant 0 : index
        %swap3A_231 = tpu.vector_load %arg9[%swap3A, %swap3A_230] {strides = array<i32>} : memref<16x128xi32, #tpu.memory_space<vmem>>, vector<1x16xi32>,
        %swap3A_232 = vector.shape_cast %swap3A_231 : vector<1x16xi32> to vector<16xi32>
        %swap3A_233 = vector.shape_cast %add3A_229 : vector<16xi32> to vector<1x16xi32>
        tpu.vector_store %arg9[%swap3A, %swap3A_230], %swap3A_233 {strides = array<i32>} : memref<16x128xi32, #tpu.memory_space<vmem>>, vector<1x16xi32>,
        %get3A_234 = arith.index_cast %scan3A_224 : i32 to index
        %get3A_235 = arith.constant 16 : index
        %get3A_236 = tpu.vector_load %arg9[%get3A_234, %get3A_235] {strides = array<i32>} : memref<16x128xi32, #tpu.memory_space<vmem>>, vector<1x16xi32>,
        %get3A_237 = vector.shape_cast %get3A_236 : vector<1x16xi32> to vector<16xi32>
        %add3A_238 = arith.addi %get3A_237, %add3A_64 : vector<16xi32>
        %swap3A_239 = arith.index_cast %scan3A_224 : i32 to index
        %swap3A_240 = arith.constant 16 : index
        %swap3A_241 = tpu.vector_load %arg9[%swap3A_239, %swap3A_240] {strides = array<i32>} : memref<16x128xi32, #tpu.memory_space<vmem>>, vector<1x16xi32>,
        %swap3A_242 = vector.shape_cast %swap3A_241 : vector<1x16xi32> to vector<16xi32>
        %swap3A_243 = vector.shape_cast %add3A_238 : vector<16xi32> to vector<1x16xi32>
        tpu.vector_store %arg9[%swap3A_239, %swap3A_240], %swap3A_243 {strides = array<i32>} : memref<16x128xi32, #tpu.memory_space<vmem>>, vector<1x16xi32>,
        %get3A_244 = arith.index_cast %scan3A_224 : i32 to index
        %get3A_245 = arith.constant 32 : index
        %get3A_246 = tpu.vector_load %arg9[%get3A_244, %get3A_245] {strides = array<i32>} : memref<16x128xi32, #tpu.memory_space<vmem>>, vector<1x16xi32>,
        %get3A_247 = vector.shape_cast %get3A_246 : vector<1x16xi32> to vector<16xi32>
        %add3A_248 = arith.addi %get3A_247, %add3A_64 : vector<16xi32>
        %swap3A_249 = arith.index_cast %scan3A_224 : i32 to index
        %swap3A_250 = arith.constant 32 : index
        %swap3A_251 = tpu.vector_load %arg9[%swap3A_249, %swap3A_250] {strides = array<i32>} : memref<16x128xi32, #tpu.memory_space<vmem>>, vector<1x16xi32>,
        %swap3A_252 = vector.shape_cast %swap3A_251 : vector<1x16xi32> to vector<16xi32>
        %swap3A_253 = vector.shape_cast %add3A_248 : vector<16xi32> to vector<1x16xi32>
        tpu.vector_store %arg9[%swap3A_249, %swap3A_250], %swap3A_253 {strides = array<i32>} : memref<16x128xi32, #tpu.memory_space<vmem>>, vector<1x16xi32>,
        %get3A_254 = arith.index_cast %scan3A_224 : i32 to index
        %get3A_255 = arith.constant 48 : index
        %get3A_256 = tpu.vector_load %arg9[%get3A_254, %get3A_255] {strides = array<i32>} : memref<16x128xi32, #tpu.memory_space<vmem>>, vector<1x16xi32>,
        %get3A_257 = vector.shape_cast %get3A_256 : vector<1x16xi32> to vector<16xi32>
        %add3A_258 = arith.addi %get3A_257, %add3A_64 : vector<16xi32>
        %swap3A_259 = arith.index_cast %scan3A_224 : i32 to index
        %swap3A_260 = arith.constant 48 : index
        %swap3A_261 = tpu.vector_load %arg9[%swap3A_259, %swap3A_260] {strides = array<i32>} : memref<16x128xi32, #tpu.memory_space<vmem>>, vector<1x16xi32>,
        %swap3A_262 = vector.shape_cast %swap3A_261 : vector<1x16xi32> to vector<16xi32>
        %swap3A_263 = vector.shape_cast %add3A_258 : vector<16xi32> to vector<1x16xi32>
        tpu.vector_store %arg9[%swap3A_259, %swap3A_260], %swap3A_263 {strides = array<i32>} : memref<16x128xi32, #tpu.memory_space<vmem>>, vector<1x16xi32>,
        %get3A_264 = arith.index_cast %scan3A_224 : i32 to index
        %get3A_265 = arith.constant 64 : index
        %get3A_266 = tpu.vector_load %arg9[%get3A_264, %get3A_265] {strides = array<i32>} : memref<16x128xi32, #tpu.memory_space<vmem>>, vector<1x16xi32>,
        %get3A_267 = vector.shape_cast %get3A_266 : vector<1x16xi32> to vector<16xi32>
        %add3A_268 = arith.addi %get3A_267, %add3A_64 : vector<16xi32>
        %swap3A_269 = arith.index_cast %scan3A_224 : i32 to index
        %swap3A_270 = arith.constant 64 : index
        %swap3A_271 = tpu.vector_load %arg9[%swap3A_269, %swap3A_270] {strides = array<i32>} : memref<16x128xi32, #tpu.memory_space<vmem>>, vector<1x16xi32>,
        %swap3A_272 = vector.shape_cast %swap3A_271 : vector<1x16xi32> to vector<16xi32>
        %swap3A_273 = vector.shape_cast %add3A_268 : vector<16xi32> to vector<1x16xi32>
        tpu.vector_store %arg9[%swap3A_269, %swap3A_270], %swap3A_273 {strides = array<i32>} : memref<16x128xi32, #tpu.memory_space<vmem>>, vector<1x16xi32>,
        %get3A_274 = arith.index_cast %scan3A_224 : i32 to index
        %get3A_275 = arith.constant 80 : index
        %get3A_276 = tpu.vector_load %arg9[%get3A_274, %get3A_275] {strides = array<i32>} : memref<16x128xi32, #tpu.memory_space<vmem>>, vector<1x16xi32>,
        %get3A_277 = vector.shape_cast %get3A_276 : vector<1x16xi32> to vector<16xi32>
        %add3A_278 = arith.addi %get3A_277, %add3A_64 : vector<16xi32>
        %swap3A_279 = arith.index_cast %scan3A_224 : i32 to index
        %swap3A_280 = arith.constant 80 : index
        %swap3A_281 = tpu.vector_load %arg9[%swap3A_279, %swap3A_280] {strides = array<i32>} : memref<16x128xi32, #tpu.memory_space<vmem>>, vector<1x16xi32>,
        %swap3A_282 = vector.shape_cast %swap3A_281 : vector<1x16xi32> to vector<16xi32>
        %swap3A_283 = vector.shape_cast %add3A_278 : vector<16xi32> to vector<1x16xi32>
        tpu.vector_store %arg9[%swap3A_279, %swap3A_280], %swap3A_283 {strides = array<i32>} : memref<16x128xi32, #tpu.memory_space<vmem>>, vector<1x16xi32>,
        %get3A_284 = arith.index_cast %scan3A_224 : i32 to index
        %get3A_285 = arith.constant 96 : index
        %get3A_286 = tpu.vector_load %arg9[%get3A_284, %get3A_285] {strides = array<i32>} : memref<16x128xi32, #tpu.memory_space<vmem>>, vector<1x16xi32>,
        %get3A_287 = vector.shape_cast %get3A_286 : vector<1x16xi32> to vector<16xi32>
        %add3A_288 = arith.addi %get3A_287, %add3A_64 : vector<16xi32>
        %swap3A_289 = arith.index_cast %scan3A_224 : i32 to index
        %swap3A_290 = arith.constant 96 : index
        %swap3A_291 = tpu.vector_load %arg9[%swap3A_289, %swap3A_290] {strides = array<i32>} : memref<16x128xi32, #tpu.memory_space<vmem>>, vector<1x16xi32>,
        %swap3A_292 = vector.shape_cast %swap3A_291 : vector<1x16xi32> to vector<16xi32>
        %swap3A_293 = vector.shape_cast %add3A_288 : vector<16xi32> to vector<1x16xi32>
        tpu.vector_store %arg9[%swap3A_289, %swap3A_290], %swap3A_293 {strides = array<i32>} : memref<16x128xi32, #tpu.memory_space<vmem>>, vector<1x16xi32>,
        %get3A_294 = arith.index_cast %scan3A_224 : i32 to index
        %get3A_295 = arith.constant 112 : index
        %get3A_296 = tpu.vector_load %arg9[%get3A_294, %get3A_295] {strides = array<i32>} : memref<16x128xi32, #tpu.memory_space<vmem>>, vector<1x16xi32>,
        %get3A_297 = vector.shape_cast %get3A_296 : vector<1x16xi32> to vector<16xi32>
        %add3A_298 = arith.addi %get3A_297, %add3A_64 : vector<16xi32>
        %swap3A_299 = arith.index_cast %scan3A_224 : i32 to index
        %swap3A_300 = arith.constant 112 : index
        %swap3A_301 = tpu.vector_load %arg9[%swap3A_299, %swap3A_300] {strides = array<i32>} : memref<16x128xi32, #tpu.memory_space<vmem>>, vector<1x16xi32>,
        %swap3A_302 = vector.shape_cast %swap3A_301 : vector<1x16xi32> to vector<16xi32>
        %swap3A_303 = vector.shape_cast %add3A_298 : vector<16xi32> to vector<1x16xi32>
        tpu.vector_store %arg9[%swap3A_299, %swap3A_300], %swap3A_303 {strides = array<i32>} : memref<16x128xi32, #tpu.memory_space<vmem>>, vector<1x16xi32>,
        %scan3A_304 = arith.constant 0 : i32
        scf.yield %scan3A_304 : i32
      }
      %scan3A_209 = arith.constant 16 : i32
      %dma_start3A = arith.constant 0 : i32
      %dma_start3A_210 = arith.constant 0 : i32
      %dma_start3A_211 = tpu.memref_slice %arg9[%dma_start3A, %dma_start3A_210] : memref<16x128xi32, #tpu.memory_space<vmem>> -> memref<1x128xi32, #tpu.memory_space<vmem>>
      %dma_start3A_212 = tpu.memref_squeeze %dma_start3A_211 : memref<1x128xi32, #tpu.memory_space<vmem>> -> memref<128xi32, #tpu.memory_space<vmem>>
      %dma_start3A_213 = arith.constant 0 : i32
      %dma_start3A_214 = arith.constant 0 : i32
      %dma_start3A_215 = tpu.memref_slice %arg2[%dma_start3A_213, %dma_start3A_214] : memref<160000x128xf32, #tpu.memory_space<hbm>> -> memref<160000x128xf32, #tpu.memory_space<hbm>>
      tpu.enqueue_indirect_dma source(%dma_start3A_215 : memref<160000x128xf32, #tpu.memory_space<hbm>>) target(%arg12 : memref<128x128xf32, #tpu.memory_space<vmem>>) offsets(%dma_start3A_212 : memref<128xi32, #tpu.memory_space<vmem>>) semaphore(%arg14 : memref<!tpu.dma_semaphore, #tpu.memory_space<semaphore_mem>>)
      %scan3A_216 = arith.constant 0 : i32
      %scan3A_217 = arith.constant 0 : i32
      %scan3A_218 = arith.constant 8 : i32
      %scan3A_219 = arith.addi %scan3A_217, %scan3A_218 : i32
      %scan3A_220 = arith.constant 1 : i32
      %scan3A_221 = scf.for %scan3A_224 = %scan3A_217 to %scan3A_219 step %scan3A_220 iter_args(%scan3A_225 = %scan3A_216) -> (i32)  : i32 {
        %mul3A_226 = arith.constant 2 : i32
        %mul3A_227 = arith.muli %mul3A_226, %scan3A_224 : i32
        %add3A_228 = arith.constant 1 : i32
        %add3A_229 = arith.addi %mul3A_227, %add3A_228 : i32
        %dma_start3A_230 = arith.constant 0 : i32
        %dma_start3A_231 = tpu.memref_slice %arg9[%add3A_229, %dma_start3A_230] : memref<16x128xi32, #tpu.memory_space<vmem>> -> memref<1x128xi32, #tpu.memory_space<vmem>>
        %dma_start3A_232 = tpu.memref_squeeze %dma_start3A_231 : memref<1x128xi32, #tpu.memory_space<vmem>> -> memref<128xi32, #tpu.memory_space<vmem>>
        %dma_start3A_233 = arith.constant 0 : i32
        %dma_start3A_234 = arith.constant 0 : i32
        %dma_start3A_235 = tpu.memref_slice %arg2[%dma_start3A_233, %dma_start3A_234] : memref<160000x128xf32, #tpu.memory_space<hbm>> -> memref<160000x128xf32, #tpu.memory_space<hbm>>
        tpu.enqueue_indirect_dma source(%dma_start3A_235 : memref<160000x128xf32, #tpu.memory_space<hbm>>) target(%arg13 : memref<128x128xf32, #tpu.memory_space<vmem>>) offsets(%dma_start3A_232 : memref<128xi32, #tpu.memory_space<vmem>>) semaphore(%arg15 : memref<!tpu.dma_semaphore, #tpu.memory_space<semaphore_mem>>)
        %dma_wait3A = arith.constant 0 : i32
        %dma_wait3A_236 = tpu.memref_slice %arg9[%mul3A_227, %dma_wait3A] : memref<16x128xi32, #tpu.memory_space<vmem>> -> memref<1x128xi32, #tpu.memory_space<vmem>>
        %dma_wait3A_237 = tpu.memref_squeeze %dma_wait3A_236 : memref<1x128xi32, #tpu.memory_space<vmem>> -> memref<128xi32, #tpu.memory_space<vmem>>
        %dma_wait3A_238 = arith.constant 0 : i32
        %dma_wait3A_239 = arith.constant 0 : i32
        %dma_wait3A_240 = tpu.memref_slice %arg2[%dma_wait3A_238, %dma_wait3A_239] : memref<160000x128xf32, #tpu.memory_space<hbm>> -> memref<160000x128xf32, #tpu.memory_space<hbm>>
        tpu.wait_indirect_dma semaphore(%arg14 : memref<!tpu.dma_semaphore, #tpu.memory_space<semaphore_mem>>) src(%dma_wait3A_240 : memref<160000x128xf32, #tpu.memory_space<hbm>>) dst(%arg12 : memref<128x128xf32, #tpu.memory_space<vmem>>)
        %lt3A = arith.constant 7 : i32
        %lt3A_241 = arith.cmpi slt, %scan3A_224, %lt3A : i32
        %convert_element_type3A = arith.extui %lt3A_241 : i1 to i32
        %cond3A = arith.constant 0 : i32
        %cond3A_242 = arith.cmpi ne, %convert_element_type3A, %cond3A : i32
        scf.if %cond3A_242 {
          %add3A_250 = arith.constant 2 : i32
          %add3A_251 = arith.addi %mul3A_227, %add3A_250 : i32
          %dma_start3A_252 = arith.constant 0 : i32
          %dma_start3A_253 = tpu.memref_slice %arg9[%add3A_251, %dma_start3A_252] : memref<16x128xi32, #tpu.memory_space<vmem>> -> memref<1x128xi32, #tpu.memory_space<vmem>>
          %dma_start3A_254 = tpu.memref_squeeze %dma_start3A_253 : memref<1x128xi32, #tpu.memory_space<vmem>> -> memref<128xi32, #tpu.memory_space<vmem>>
          %dma_start3A_255 = arith.constant 0 : i32
          %dma_start3A_256 = arith.constant 0 : i32
          %dma_start3A_257 = tpu.memref_slice %arg2[%dma_start3A_255, %dma_start3A_256] : memref<160000x128xf32, #tpu.memory_space<hbm>> -> memref<160000x128xf32, #tpu.memory_space<hbm>>
          tpu.enqueue_indirect_dma source(%dma_start3A_257 : memref<160000x128xf32, #tpu.memory_space<hbm>>) target(%arg12 : memref<128x128xf32, #tpu.memory_space<vmem>>) offsets(%dma_start3A_254 : memref<128xi32, #tpu.memory_space<vmem>>) semaphore(%arg14 : memref<!tpu.dma_semaphore, #tpu.memory_space<semaphore_mem>>)
        } else {
        }
        %dma_wait3A_243 = arith.constant 0 : i32
        %dma_wait3A_244 = tpu.memref_slice %arg9[%add3A_229, %dma_wait3A_243] : memref<16x128xi32, #tpu.memory_space<vmem>> -> memref<1x128xi32, #tpu.memory_space<vmem>>
        %dma_wait3A_245 = tpu.memref_squeeze %dma_wait3A_244 : memref<1x128xi32, #tpu.memory_space<vmem>> -> memref<128xi32, #tpu.memory_space<vmem>>
        %dma_wait3A_246 = arith.constant 0 : i32
        %dma_wait3A_247 = arith.constant 0 : i32
        %dma_wait3A_248 = tpu.memref_slice %arg2[%dma_wait3A_246, %dma_wait3A_247] : memref<160000x128xf32, #tpu.memory_space<hbm>> -> memref<160000x128xf32, #tpu.memory_space<hbm>>
        tpu.wait_indirect_dma semaphore(%arg15 : memref<!tpu.dma_semaphore, #tpu.memory_space<semaphore_mem>>) src(%dma_wait3A_248 : memref<160000x128xf32, #tpu.memory_space<hbm>>) dst(%arg13 : memref<128x128xf32, #tpu.memory_space<vmem>>)
        %scan3A_249 = arith.constant 0 : i32
        scf.yield %scan3A_249 : i32
      }
      %scan3A_222 = arith.constant 8 : i32
      %scan3A_223 = arith.constant 0 : i32
      scf.yield %scan3A_223 : i32
    }
    %scan3A_71 = arith.constant 10 : i32
    %barrier3A_72 = arith.constant 0 : index
    tpu.barrier barrier_id(%barrier3A_72)
    %mul3A_73 = arith.constant 640 : i32
    %mul3A_74 = arith.muli %arg1, %mul3A_73 : i32
    %add3A_75 = arith.constant 0 : i32
    %add3A_76 = arith.addi %mul3A_74, %add3A_75 : i32
    "tpu.region"() ({
      %run_scoped3A = tpu.sem_alloc : memref<!tpu.dma_semaphore, #tpu.memory_space<semaphore_mem>>
      %dma_start3A = arith.constant 0 : i32
      %dma_start3A_193 = tpu.memref_slice %arg7[%add3A_1, %add3A_76, %dma_start3A] : memref<4x10240x128xf32, #tpu.memory_space<hbm>> -> memref<1x128x128xf32, #tpu.memory_space<hbm>>
      %dma_start3A_194 = tpu.memref_squeeze %dma_start3A_193 : memref<1x128x128xf32, #tpu.memory_space<hbm>> -> memref<128x128xf32, #tpu.memory_space<hbm>>
      %dma_start3A_195 = arith.constant 0 : i32
      %dma_start3A_196 = tpu.memref_slice %arg8[%add3A_76, %dma_start3A_195] : memref<10240x128xf32, #tpu.memory_space<vmem_shared>> -> memref<128x128xf32, #tpu.memory_space<vmem_shared>>
      tpu.enqueue_dma source(%dma_start3A_196 : memref<128x128xf32, #tpu.memory_space<vmem_shared>>) target(%dma_start3A_194 : memref<128x128xf32, #tpu.memory_space<hbm>>) target_semaphore(%run_scoped3A : memref<!tpu.dma_semaphore, #tpu.memory_space<semaphore_mem>>)
      %dma_wait3A = arith.constant 0 : i32
      %dma_wait3A_197 = tpu.memref_slice %arg7[%add3A_1, %add3A_76, %dma_wait3A] : memref<4x10240x128xf32, #tpu.memory_space<hbm>> -> memref<1x128x128xf32, #tpu.memory_space<hbm>>
      %dma_wait3A_198 = tpu.memref_squeeze %dma_wait3A_197 : memref<1x128x128xf32, #tpu.memory_space<hbm>> -> memref<128x128xf32, #tpu.memory_space<hbm>>
      %dma_wait3A_199 = arith.constant 0 : i32
      %dma_wait3A_200 = tpu.memref_slice %arg8[%add3A_76, %dma_wait3A_199] : memref<10240x128xf32, #tpu.memory_space<vmem_shared>> -> memref<128x128xf32, #tpu.memory_space<vmem_shared>>
      tpu.wait_dma2 semaphore(%run_scoped3A : memref<!tpu.dma_semaphore, #tpu.memory_space<semaphore_mem>>) src(%dma_wait3A_200 : memref<128x128xf32, #tpu.memory_space<vmem_shared>>) dst(%dma_wait3A_198 : memref<128x128xf32, #tpu.memory_space<hbm>>)
      tpu.yield
    }) : () -> ()
    %mul3A_77 = arith.constant 640 : i32
    %mul3A_78 = arith.muli %arg1, %mul3A_77 : i32
    %add3A_79 = arith.constant 128 : i32
    %add3A_80 = arith.addi %mul3A_78, %add3A_79 : i32
    "tpu.region"() ({
      %run_scoped3A = tpu.sem_alloc : memref<!tpu.dma_semaphore, #tpu.memory_space<semaphore_mem>>
      %dma_start3A = arith.constant 0 : i32
      %dma_start3A_193 = tpu.memref_slice %arg7[%add3A_1, %add3A_80, %dma_start3A] : memref<4x10240x128xf32, #tpu.memory_space<hbm>> -> memref<1x128x128xf32, #tpu.memory_space<hbm>>
      %dma_start3A_194 = tpu.memref_squeeze %dma_start3A_193 : memref<1x128x128xf32, #tpu.memory_space<hbm>> -> memref<128x128xf32, #tpu.memory_space<hbm>>
      %dma_start3A_195 = arith.constant 0 : i32
      %dma_start3A_196 = tpu.memref_slice %arg8[%add3A_80, %dma_start3A_195] : memref<10240x128xf32, #tpu.memory_space<vmem_shared>> -> memref<128x128xf32, #tpu.memory_space<vmem_shared>>
      tpu.enqueue_dma source(%dma_start3A_196 : memref<128x128xf32, #tpu.memory_space<vmem_shared>>) target(%dma_start3A_194 : memref<128x128xf32, #tpu.memory_space<hbm>>) target_semaphore(%run_scoped3A : memref<!tpu.dma_semaphore, #tpu.memory_space<semaphore_mem>>)
      %dma_wait3A = arith.constant 0 : i32
      %dma_wait3A_197 = tpu.memref_slice %arg7[%add3A_1, %add3A_80, %dma_wait3A] : memref<4x10240x128xf32, #tpu.memory_space<hbm>> -> memref<1x128x128xf32, #tpu.memory_space<hbm>>
      %dma_wait3A_198 = tpu.memref_squeeze %dma_wait3A_197 : memref<1x128x128xf32, #tpu.memory_space<hbm>> -> memref<128x128xf32, #tpu.memory_space<hbm>>
      %dma_wait3A_199 = arith.constant 0 : i32
      %dma_wait3A_200 = tpu.memref_slice %arg8[%add3A_80, %dma_wait3A_199] : memref<10240x128xf32, #tpu.memory_space<vmem_shared>> -> memref<128x128xf32, #tpu.memory_space<vmem_shared>>
      tpu.wait_dma2 semaphore(%run_scoped3A : memref<!tpu.dma_semaphore, #tpu.memory_space<semaphore_mem>>) src(%dma_wait3A_200 : memref<128x128xf32, #tpu.memory_space<vmem_shared>>) dst(%dma_wait3A_198 : memref<128x128xf32, #tpu.memory_space<hbm>>)
      tpu.yield
    }) : () -> ()
    %mul3A_81 = arith.constant 640 : i32
    %mul3A_82 = arith.muli %arg1, %mul3A_81 : i32
    %add3A_83 = arith.constant 256 : i32
    %add3A_84 = arith.addi %mul3A_82, %add3A_83 : i32
    "tpu.region"() ({
      %run_scoped3A = tpu.sem_alloc : memref<!tpu.dma_semaphore, #tpu.memory_space<semaphore_mem>>
      %dma_start3A = arith.constant 0 : i32
      %dma_start3A_193 = tpu.memref_slice %arg7[%add3A_1, %add3A_84, %dma_start3A] : memref<4x10240x128xf32, #tpu.memory_space<hbm>> -> memref<1x128x128xf32, #tpu.memory_space<hbm>>
      %dma_start3A_194 = tpu.memref_squeeze %dma_start3A_193 : memref<1x128x128xf32, #tpu.memory_space<hbm>> -> memref<128x128xf32, #tpu.memory_space<hbm>>
      %dma_start3A_195 = arith.constant 0 : i32
      %dma_start3A_196 = tpu.memref_slice %arg8[%add3A_84, %dma_start3A_195] : memref<10240x128xf32, #tpu.memory_space<vmem_shared>> -> memref<128x128xf32, #tpu.memory_space<vmem_shared>>
      tpu.enqueue_dma source(%dma_start3A_196 : memref<128x128xf32, #tpu.memory_space<vmem_shared>>) target(%dma_start3A_194 : memref<128x128xf32, #tpu.memory_space<hbm>>) target_semaphore(%run_scoped3A : memref<!tpu.dma_semaphore, #tpu.memory_space<semaphore_mem>>)
      %dma_wait3A = arith.constant 0 : i32
      %dma_wait3A_197 = tpu.memref_slice %arg7[%add3A_1, %add3A_84, %dma_wait3A] : memref<4x10240x128xf32, #tpu.memory_space<hbm>> -> memref<1x128x128xf32, #tpu.memory_space<hbm>>
      %dma_wait3A_198 = tpu.memref_squeeze %dma_wait3A_197 : memref<1x128x128xf32, #tpu.memory_space<hbm>> -> memref<128x128xf32, #tpu.memory_space<hbm>>
      %dma_wait3A_199 = arith.constant 0 : i32
      %dma_wait3A_200 = tpu.memref_slice %arg8[%add3A_84, %dma_wait3A_199] : memref<10240x128xf32, #tpu.memory_space<vmem_shared>> -> memref<128x128xf32, #tpu.memory_space<vmem_shared>>
      tpu.wait_dma2 semaphore(%run_scoped3A : memref<!tpu.dma_semaphore, #tpu.memory_space<semaphore_mem>>) src(%dma_wait3A_200 : memref<128x128xf32, #tpu.memory_space<vmem_shared>>) dst(%dma_wait3A_198 : memref<128x128xf32, #tpu.memory_space<hbm>>)
      tpu.yield
    }) : () -> ()
    %mul3A_85 = arith.constant 640 : i32
    %mul3A_86 = arith.muli %arg1, %mul3A_85 : i32
    %add3A_87 = arith.constant 384 : i32
    %add3A_88 = arith.addi %mul3A_86, %add3A_87 : i32
    "tpu.region"() ({
      %run_scoped3A = tpu.sem_alloc : memref<!tpu.dma_semaphore, #tpu.memory_space<semaphore_mem>>
      %dma_start3A = arith.constant 0 : i32
      %dma_start3A_193 = tpu.memref_slice %arg7[%add3A_1, %add3A_88, %dma_start3A] : memref<4x10240x128xf32, #tpu.memory_space<hbm>> -> memref<1x128x128xf32, #tpu.memory_space<hbm>>
      %dma_start3A_194 = tpu.memref_squeeze %dma_start3A_193 : memref<1x128x128xf32, #tpu.memory_space<hbm>> -> memref<128x128xf32, #tpu.memory_space<hbm>>
      %dma_start3A_195 = arith.constant 0 : i32
      %dma_start3A_196 = tpu.memref_slice %arg8[%add3A_88, %dma_start3A_195] : memref<10240x128xf32, #tpu.memory_space<vmem_shared>> -> memref<128x128xf32, #tpu.memory_space<vmem_shared>>
      tpu.enqueue_dma source(%dma_start3A_196 : memref<128x128xf32, #tpu.memory_space<vmem_shared>>) target(%dma_start3A_194 : memref<128x128xf32, #tpu.memory_space<hbm>>) target_semaphore(%run_scoped3A : memref<!tpu.dma_semaphore, #tpu.memory_space<semaphore_mem>>)
      %dma_wait3A = arith.constant 0 : i32
      %dma_wait3A_197 = tpu.memref_slice %arg7[%add3A_1, %add3A_88, %dma_wait3A] : memref<4x10240x128xf32, #tpu.memory_space<hbm>> -> memref<1x128x128xf32, #tpu.memory_space<hbm>>
      %dma_wait3A_198 = tpu.memref_squeeze %dma_wait3A_197 : memref<1x128x128xf32, #tpu.memory_space<hbm>> -> memref<128x128xf32, #tpu.memory_space<hbm>>
      %dma_wait3A_199 = arith.constant 0 : i32
      %dma_wait3A_200 = tpu.memref_slice %arg8[%add3A_88, %dma_wait3A_199] : memref<10240x128xf32, #tpu.memory_space<vmem_shared>> -> memref<128x128xf32, #tpu.memory_space<vmem_shared>>
      tpu.wait_dma2 semaphore(%run_scoped3A : memref<!tpu.dma_semaphore, #tpu.memory_space<semaphore_mem>>) src(%dma_wait3A_200 : memref<128x128xf32, #tpu.memory_space<vmem_shared>>) dst(%dma_wait3A_198 : memref<128x128xf32, #tpu.memory_space<hbm>>)
      tpu.yield
    }) : () -> ()
    %mul3A_89 = arith.constant 640 : i32
    %mul3A_90 = arith.muli %arg1, %mul3A_89 : i32
    %add3A_91 = arith.constant 512 : i32
    %add3A_92 = arith.addi %mul3A_90, %add3A_91 : i32
    "tpu.region"() ({
      %run_scoped3A = tpu.sem_alloc : memref<!tpu.dma_semaphore, #tpu.memory_space<semaphore_mem>>
      %dma_start3A = arith.constant 0 : i32
      %dma_start3A_193 = tpu.memref_slice %arg7[%add3A_1, %add3A_92, %dma_start3A] : memref<4x10240x128xf32, #tpu.memory_space<hbm>> -> memref<1x128x128xf32, #tpu.memory_space<hbm>>
      %dma_start3A_194 = tpu.memref_squeeze %dma_start3A_193 : memref<1x128x128xf32, #tpu.memory_space<hbm>> -> memref<128x128xf32, #tpu.memory_space<hbm>>
      %dma_start3A_195 = arith.constant 0 : i32
      %dma_start3A_196 = tpu.memref_slice %arg8[%add3A_92, %dma_start3A_195] : memref<10240x128xf32, #tpu.memory_space<vmem_shared>> -> memref<128x128xf32, #tpu.memory_space<vmem_shared>>
      tpu.enqueue_dma source(%dma_start3A_196 : memref<128x128xf32, #tpu.memory_space<vmem_shared>>) target(%dma_start3A_194 : memref<128x128xf32, #tpu.memory_space<hbm>>) target_semaphore(%run_scoped3A : memref<!tpu.dma_semaphore, #tpu.memory_space<semaphore_mem>>)
      %dma_wait3A = arith.constant 0 : i32
      %dma_wait3A_197 = tpu.memref_slice %arg7[%add3A_1, %add3A_92, %dma_wait3A] : memref<4x10240x128xf32, #tpu.memory_space<hbm>> -> memref<1x128x128xf32, #tpu.memory_space<hbm>>
      %dma_wait3A_198 = tpu.memref_squeeze %dma_wait3A_197 : memref<1x128x128xf32, #tpu.memory_space<hbm>> -> memref<128x128xf32, #tpu.memory_space<hbm>>
      %dma_wait3A_199 = arith.constant 0 : i32
      %dma_wait3A_200 = tpu.memref_slice %arg8[%add3A_92, %dma_wait3A_199] : memref<10240x128xf32, #tpu.memory_space<vmem_shared>> -> memref<128x128xf32, #tpu.memory_space<vmem_shared>>
      tpu.wait_dma2 semaphore(%run_scoped3A : memref<!tpu.dma_semaphore, #tpu.memory_space<semaphore_mem>>) src(%dma_wait3A_200 : memref<128x128xf32, #tpu.memory_space<vmem_shared>>) dst(%dma_wait3A_198 : memref<128x128xf32, #tpu.memory_space<hbm>>)
      tpu.yield
    }) : () -> ()
    %barrier3A_93 = arith.constant 0 : index
    tpu.barrier barrier_id(%barrier3A_93)
    %mul3A_94 = arith.constant 2 : i32
    %mul3A_95 = arith.muli %arg0, %mul3A_94 : i32
    %add3A_96 = arith.constant 1 : i32
    %add3A_97 = arith.addi %mul3A_95, %add3A_96 : i32
    "tpu.region"() ({
      %run_scoped3A = tpu.sem_alloc : memref<!tpu.dma_semaphore, #tpu.memory_space<semaphore_mem>>
      tpu.enqueue_dma source(%arg6 : memref<128x128xf32, #tpu.memory_space<hbm>>) target(%arg12 : memref<128x128xf32, #tpu.memory_space<vmem>>) target_semaphore(%run_scoped3A : memref<!tpu.dma_semaphore, #tpu.memory_space<semaphore_mem>>)
      tpu.wait_dma2 semaphore(%run_scoped3A : memref<!tpu.dma_semaphore, #tpu.memory_space<semaphore_mem>>) src(%arg6 : memref<128x128xf32, #tpu.memory_space<hbm>>) dst(%arg12 : memref<128x128xf32, #tpu.memory_space<vmem>>)
      tpu.yield
    }) : () -> ()
    %mul3A_98 = arith.constant 640 : i32
    %mul3A_99 = arith.muli %arg1, %mul3A_98 : i32
    %add3A_100 = arith.constant 0 : i32
    %add3A_101 = arith.addi %mul3A_99, %add3A_100 : i32
    "tpu.region"() ({
      %run_scoped3A = tpu.sem_alloc : memref<!tpu.dma_semaphore, #tpu.memory_space<semaphore_mem>>
      %dma_start3A = arith.constant 0 : i32
      %dma_start3A_193 = tpu.memref_slice %arg8[%add3A_101, %dma_start3A] : memref<10240x128xf32, #tpu.memory_space<vmem_shared>> -> memref<128x128xf32, #tpu.memory_space<vmem_shared>>
      %dma_start3A_194 = arith.constant 0 : i32
      %dma_start3A_195 = tpu.memref_slice %arg8[%add3A_101, %dma_start3A_194] : memref<10240x128xf32, #tpu.memory_space<vmem_shared>> -> memref<128x128xf32, #tpu.memory_space<vmem_shared>>
      tpu.enqueue_dma source(%arg12 : memref<128x128xf32, #tpu.memory_space<vmem>>) target(%dma_start3A_195 : memref<128x128xf32, #tpu.memory_space<vmem_shared>>) target_semaphore(%run_scoped3A : memref<!tpu.dma_semaphore, #tpu.memory_space<semaphore_mem>>)
      %dma_wait3A = arith.constant 0 : i32
      %dma_wait3A_196 = tpu.memref_slice %arg8[%add3A_101, %dma_wait3A] : memref<10240x128xf32, #tpu.memory_space<vmem_shared>> -> memref<128x128xf32, #tpu.memory_space<vmem_shared>>
      %dma_wait3A_197 = arith.constant 0 : i32
      %dma_wait3A_198 = tpu.memref_slice %arg8[%add3A_101, %dma_wait3A_197] : memref<10240x128xf32, #tpu.memory_space<vmem_shared>> -> memref<128x128xf32, #tpu.memory_space<vmem_shared>>
      tpu.wait_dma2 semaphore(%run_scoped3A : memref<!tpu.dma_semaphore, #tpu.memory_space<semaphore_mem>>) src(%arg12 : memref<128x128xf32, #tpu.memory_space<vmem>>) dst(%dma_wait3A_198 : memref<128x128xf32, #tpu.memory_space<vmem_shared>>)
      tpu.yield
    }) : () -> ()
    %mul3A_102 = arith.constant 640 : i32
    %mul3A_103 = arith.muli %arg1, %mul3A_102 : i32
    %add3A_104 = arith.constant 128 : i32
    %add3A_105 = arith.addi %mul3A_103, %add3A_104 : i32
    "tpu.region"() ({
      %run_scoped3A = tpu.sem_alloc : memref<!tpu.dma_semaphore, #tpu.memory_space<semaphore_mem>>
      %dma_start3A = arith.constant 0 : i32
      %dma_start3A_193 = tpu.memref_slice %arg8[%add3A_105, %dma_start3A] : memref<10240x128xf32, #tpu.memory_space<vmem_shared>> -> memref<128x128xf32, #tpu.memory_space<vmem_shared>>
      %dma_start3A_194 = arith.constant 0 : i32
      %dma_start3A_195 = tpu.memref_slice %arg8[%add3A_105, %dma_start3A_194] : memref<10240x128xf32, #tpu.memory_space<vmem_shared>> -> memref<128x128xf32, #tpu.memory_space<vmem_shared>>
      tpu.enqueue_dma source(%arg12 : memref<128x128xf32, #tpu.memory_space<vmem>>) target(%dma_start3A_195 : memref<128x128xf32, #tpu.memory_space<vmem_shared>>) target_semaphore(%run_scoped3A : memref<!tpu.dma_semaphore, #tpu.memory_space<semaphore_mem>>)
      %dma_wait3A = arith.constant 0 : i32
      %dma_wait3A_196 = tpu.memref_slice %arg8[%add3A_105, %dma_wait3A] : memref<10240x128xf32, #tpu.memory_space<vmem_shared>> -> memref<128x128xf32, #tpu.memory_space<vmem_shared>>
      %dma_wait3A_197 = arith.constant 0 : i32
      %dma_wait3A_198 = tpu.memref_slice %arg8[%add3A_105, %dma_wait3A_197] : memref<10240x128xf32, #tpu.memory_space<vmem_shared>> -> memref<128x128xf32, #tpu.memory_space<vmem_shared>>
      tpu.wait_dma2 semaphore(%run_scoped3A : memref<!tpu.dma_semaphore, #tpu.memory_space<semaphore_mem>>) src(%arg12 : memref<128x128xf32, #tpu.memory_space<vmem>>) dst(%dma_wait3A_198 : memref<128x128xf32, #tpu.memory_space<vmem_shared>>)
      tpu.yield
    }) : () -> ()
    %mul3A_106 = arith.constant 640 : i32
    %mul3A_107 = arith.muli %arg1, %mul3A_106 : i32
    %add3A_108 = arith.constant 256 : i32
    %add3A_109 = arith.addi %mul3A_107, %add3A_108 : i32
    "tpu.region"() ({
      %run_scoped3A = tpu.sem_alloc : memref<!tpu.dma_semaphore, #tpu.memory_space<semaphore_mem>>
      %dma_start3A = arith.constant 0 : i32
      %dma_start3A_193 = tpu.memref_slice %arg8[%add3A_109, %dma_start3A] : memref<10240x128xf32, #tpu.memory_space<vmem_shared>> -> memref<128x128xf32, #tpu.memory_space<vmem_shared>>
      %dma_start3A_194 = arith.constant 0 : i32
      %dma_start3A_195 = tpu.memref_slice %arg8[%add3A_109, %dma_start3A_194] : memref<10240x128xf32, #tpu.memory_space<vmem_shared>> -> memref<128x128xf32, #tpu.memory_space<vmem_shared>>
      tpu.enqueue_dma source(%arg12 : memref<128x128xf32, #tpu.memory_space<vmem>>) target(%dma_start3A_195 : memref<128x128xf32, #tpu.memory_space<vmem_shared>>) target_semaphore(%run_scoped3A : memref<!tpu.dma_semaphore, #tpu.memory_space<semaphore_mem>>)
      %dma_wait3A = arith.constant 0 : i32
      %dma_wait3A_196 = tpu.memref_slice %arg8[%add3A_109, %dma_wait3A] : memref<10240x128xf32, #tpu.memory_space<vmem_shared>> -> memref<128x128xf32, #tpu.memory_space<vmem_shared>>
      %dma_wait3A_197 = arith.constant 0 : i32
      %dma_wait3A_198 = tpu.memref_slice %arg8[%add3A_109, %dma_wait3A_197] : memref<10240x128xf32, #tpu.memory_space<vmem_shared>> -> memref<128x128xf32, #tpu.memory_space<vmem_shared>>
      tpu.wait_dma2 semaphore(%run_scoped3A : memref<!tpu.dma_semaphore, #tpu.memory_space<semaphore_mem>>) src(%arg12 : memref<128x128xf32, #tpu.memory_space<vmem>>) dst(%dma_wait3A_198 : memref<128x128xf32, #tpu.memory_space<vmem_shared>>)
      tpu.yield
    }) : () -> ()
    %mul3A_110 = arith.constant 640 : i32
    %mul3A_111 = arith.muli %arg1, %mul3A_110 : i32
    %add3A_112 = arith.constant 384 : i32
    %add3A_113 = arith.addi %mul3A_111, %add3A_112 : i32
    "tpu.region"() ({
      %run_scoped3A = tpu.sem_alloc : memref<!tpu.dma_semaphore, #tpu.memory_space<semaphore_mem>>
      %dma_start3A = arith.constant 0 : i32
      %dma_start3A_193 = tpu.memref_slice %arg8[%add3A_113, %dma_start3A] : memref<10240x128xf32, #tpu.memory_space<vmem_shared>> -> memref<128x128xf32, #tpu.memory_space<vmem_shared>>
      %dma_start3A_194 = arith.constant 0 : i32
      %dma_start3A_195 = tpu.memref_slice %arg8[%add3A_113, %dma_start3A_194] : memref<10240x128xf32, #tpu.memory_space<vmem_shared>> -> memref<128x128xf32, #tpu.memory_space<vmem_shared>>
      tpu.enqueue_dma source(%arg12 : memref<128x128xf32, #tpu.memory_space<vmem>>) target(%dma_start3A_195 : memref<128x128xf32, #tpu.memory_space<vmem_shared>>) target_semaphore(%run_scoped3A : memref<!tpu.dma_semaphore, #tpu.memory_space<semaphore_mem>>)
      %dma_wait3A = arith.constant 0 : i32
      %dma_wait3A_196 = tpu.memref_slice %arg8[%add3A_113, %dma_wait3A] : memref<10240x128xf32, #tpu.memory_space<vmem_shared>> -> memref<128x128xf32, #tpu.memory_space<vmem_shared>>
      %dma_wait3A_197 = arith.constant 0 : i32
      %dma_wait3A_198 = tpu.memref_slice %arg8[%add3A_113, %dma_wait3A_197] : memref<10240x128xf32, #tpu.memory_space<vmem_shared>> -> memref<128x128xf32, #tpu.memory_space<vmem_shared>>
      tpu.wait_dma2 semaphore(%run_scoped3A : memref<!tpu.dma_semaphore, #tpu.memory_space<semaphore_mem>>) src(%arg12 : memref<128x128xf32, #tpu.memory_space<vmem>>) dst(%dma_wait3A_198 : memref<128x128xf32, #tpu.memory_space<vmem_shared>>)
      tpu.yield
    }) : () -> ()
    %mul3A_114 = arith.constant 640 : i32
    %mul3A_115 = arith.muli %arg1, %mul3A_114 : i32
    %add3A_116 = arith.constant 512 : i32
    %add3A_117 = arith.addi %mul3A_115, %add3A_116 : i32
    "tpu.region"() ({
      %run_scoped3A = tpu.sem_alloc : memref<!tpu.dma_semaphore, #tpu.memory_space<semaphore_mem>>
      %dma_start3A = arith.constant 0 : i32
      %dma_start3A_193 = tpu.memref_slice %arg8[%add3A_117, %dma_start3A] : memref<10240x128xf32, #tpu.memory_space<vmem_shared>> -> memref<128x128xf32, #tpu.memory_space<vmem_shared>>
      %dma_start3A_194 = arith.constant 0 : i32
      %dma_start3A_195 = tpu.memref_slice %arg8[%add3A_117, %dma_start3A_194] : memref<10240x128xf32, #tpu.memory_space<vmem_shared>> -> memref<128x128xf32, #tpu.memory_space<vmem_shared>>
      tpu.enqueue_dma source(%arg12 : memref<128x128xf32, #tpu.memory_space<vmem>>) target(%dma_start3A_195 : memref<128x128xf32, #tpu.memory_space<vmem_shared>>) target_semaphore(%run_scoped3A : memref<!tpu.dma_semaphore, #tpu.memory_space<semaphore_mem>>)
      %dma_wait3A = arith.constant 0 : i32
      %dma_wait3A_196 = tpu.memref_slice %arg8[%add3A_117, %dma_wait3A] : memref<10240x128xf32, #tpu.memory_space<vmem_shared>> -> memref<128x128xf32, #tpu.memory_space<vmem_shared>>
      %dma_wait3A_197 = arith.constant 0 : i32
      %dma_wait3A_198 = tpu.memref_slice %arg8[%add3A_117, %dma_wait3A_197] : memref<10240x128xf32, #tpu.memory_space<vmem_shared>> -> memref<128x128xf32, #tpu.memory_space<vmem_shared>>
      tpu.wait_dma2 semaphore(%run_scoped3A : memref<!tpu.dma_semaphore, #tpu.memory_space<semaphore_mem>>) src(%arg12 : memref<128x128xf32, #tpu.memory_space<vmem>>) dst(%dma_wait3A_198 : memref<128x128xf32, #tpu.memory_space<vmem_shared>>)
      tpu.yield
    }) : () -> ()
    %barrier3A_118 = arith.constant 0 : index
    tpu.barrier barrier_id(%barrier3A_118)
    %broadcast_in_dim3A_119 = arith.constant 0 : i32
    %broadcast_in_dim3A_120 = vector.broadcast %broadcast_in_dim3A_119 : i32 to vector<16xi32>
    %mul3A_121 = arith.constant 10000 : i32
    %mul3A_122 = arith.muli %add3A_97, %mul3A_121 : i32
    %add3A_123 = vector.broadcast %mul3A_122 : i32 to vector<16xi32>
    %add3A_124 = arith.addi %broadcast_in_dim3A_120, %add3A_123 : vector<16xi32>
    %scan3A_125 = arith.constant 0 : i32
    %scan3A_126 = arith.constant 0 : i32
    %scan3A_127 = arith.constant 10 : i32
    %scan3A_128 = arith.addi %scan3A_126, %scan3A_127 : i32
    %scan3A_129 = arith.constant 1 : i32
    %scan3A_130 = scf.for %scan3A_193 = %scan3A_126 to %scan3A_128 step %scan3A_129 iter_args(%scan3A_194 = %scan3A_125) -> (i32)  : i32 {
      %mul3A_195 = arith.constant 16 : i32
      %mul3A_196 = arith.muli %scan3A_193, %mul3A_195 : i32
      %run_scoped3A = arith.constant 0 : i32
      "tpu.region"() ({
        %run_scoped3A_224 = tpu.sem_alloc : memref<!tpu.dma_semaphore, #tpu.memory_space<semaphore_mem>>
        %dma_start3A_225 = arith.constant 0 : i32
        %dma_start3A_226 = tpu.memref_slice %arg3[%run_scoped3A, %arg1, %mul3A_196, %dma_start3A_225] : memref<4x16x160x128xi32, #tpu.memory_space<hbm>> -> memref<1x1x16x128xi32, #tpu.memory_space<hbm>>
        %dma_start3A_227 = tpu.memref_squeeze %dma_start3A_226 : memref<1x1x16x128xi32, #tpu.memory_space<hbm>> -> memref<16x128xi32, #tpu.memory_space<hbm>>
        %dma_start3A_228 = arith.constant 0 : i32
        %dma_start3A_229 = tpu.memref_slice %arg3[%run_scoped3A, %arg1, %mul3A_196, %dma_start3A_228] : memref<4x16x160x128xi32, #tpu.memory_space<hbm>> -> memref<1x1x16x128xi32, #tpu.memory_space<hbm>>
        %dma_start3A_230 = tpu.memref_squeeze %dma_start3A_229 : memref<1x1x16x128xi32, #tpu.memory_space<hbm>> -> memref<16x128xi32, #tpu.memory_space<hbm>>
        tpu.enqueue_dma source(%dma_start3A_230 : memref<16x128xi32, #tpu.memory_space<hbm>>) target(%arg9 : memref<16x128xi32, #tpu.memory_space<vmem>>) target_semaphore(%run_scoped3A_224 : memref<!tpu.dma_semaphore, #tpu.memory_space<semaphore_mem>>)
        %dma_wait3A = arith.constant 0 : i32
        %dma_wait3A_231 = tpu.memref_slice %arg3[%run_scoped3A, %arg1, %mul3A_196, %dma_wait3A] : memref<4x16x160x128xi32, #tpu.memory_space<hbm>> -> memref<1x1x16x128xi32, #tpu.memory_space<hbm>>
        %dma_wait3A_232 = tpu.memref_squeeze %dma_wait3A_231 : memref<1x1x16x128xi32, #tpu.memory_space<hbm>> -> memref<16x128xi32, #tpu.memory_space<hbm>>
        %dma_wait3A_233 = arith.constant 0 : i32
        %dma_wait3A_234 = tpu.memref_slice %arg3[%run_scoped3A, %arg1, %mul3A_196, %dma_wait3A_233] : memref<4x16x160x128xi32, #tpu.memory_space<hbm>> -> memref<1x1x16x128xi32, #tpu.memory_space<hbm>>
        %dma_wait3A_235 = tpu.memref_squeeze %dma_wait3A_234 : memref<1x1x16x128xi32, #tpu.memory_space<hbm>> -> memref<16x128xi32, #tpu.memory_space<hbm>>
        tpu.wait_dma2 semaphore(%run_scoped3A_224 : memref<!tpu.dma_semaphore, #tpu.memory_space<semaphore_mem>>) src(%dma_wait3A_235 : memref<16x128xi32, #tpu.memory_space<hbm>>) dst(%arg9 : memref<16x128xi32, #tpu.memory_space<vmem>>)
        tpu.yield
      }) : () -> ()
      %mul3A_197 = arith.constant 16 : i32
      %mul3A_198 = arith.muli %scan3A_193, %mul3A_197 : i32
      %run_scoped3A_199 = arith.constant 0 : i32
      "tpu.region"() ({
        %run_scoped3A_224 = tpu.sem_alloc : memref<!tpu.dma_semaphore, #tpu.memory_space<semaphore_mem>>
        %dma_start3A_225 = arith.constant 0 : i32
        %dma_start3A_226 = tpu.memref_slice %arg4[%run_scoped3A_199, %arg1, %mul3A_198, %dma_start3A_225] : memref<4x16x160x128xi32, #tpu.memory_space<hbm>> -> memref<1x1x16x128xi32, #tpu.memory_space<hbm>>
        %dma_start3A_227 = tpu.memref_squeeze %dma_start3A_226 : memref<1x1x16x128xi32, #tpu.memory_space<hbm>> -> memref<16x128xi32, #tpu.memory_space<hbm>>
        %dma_start3A_228 = arith.constant 0 : i32
        %dma_start3A_229 = tpu.memref_slice %arg4[%run_scoped3A_199, %arg1, %mul3A_198, %dma_start3A_228] : memref<4x16x160x128xi32, #tpu.memory_space<hbm>> -> memref<1x1x16x128xi32, #tpu.memory_space<hbm>>
        %dma_start3A_230 = tpu.memref_squeeze %dma_start3A_229 : memref<1x1x16x128xi32, #tpu.memory_space<hbm>> -> memref<16x128xi32, #tpu.memory_space<hbm>>
        tpu.enqueue_dma source(%dma_start3A_230 : memref<16x128xi32, #tpu.memory_space<hbm>>) target(%arg10 : memref<16x128xi32, #tpu.memory_space<vmem>>) target_semaphore(%run_scoped3A_224 : memref<!tpu.dma_semaphore, #tpu.memory_space<semaphore_mem>>)
        %dma_wait3A = arith.constant 0 : i32
        %dma_wait3A_231 = tpu.memref_slice %arg4[%run_scoped3A_199, %arg1, %mul3A_198, %dma_wait3A] : memref<4x16x160x128xi32, #tpu.memory_space<hbm>> -> memref<1x1x16x128xi32, #tpu.memory_space<hbm>>
        %dma_wait3A_232 = tpu.memref_squeeze %dma_wait3A_231 : memref<1x1x16x128xi32, #tpu.memory_space<hbm>> -> memref<16x128xi32, #tpu.memory_space<hbm>>
        %dma_wait3A_233 = arith.constant 0 : i32
        %dma_wait3A_234 = tpu.memref_slice %arg4[%run_scoped3A_199, %arg1, %mul3A_198, %dma_wait3A_233] : memref<4x16x160x128xi32, #tpu.memory_space<hbm>> -> memref<1x1x16x128xi32, #tpu.memory_space<hbm>>
        %dma_wait3A_235 = tpu.memref_squeeze %dma_wait3A_234 : memref<1x1x16x128xi32, #tpu.memory_space<hbm>> -> memref<16x128xi32, #tpu.memory_space<hbm>>
        tpu.wait_dma2 semaphore(%run_scoped3A_224 : memref<!tpu.dma_semaphore, #tpu.memory_space<semaphore_mem>>) src(%dma_wait3A_235 : memref<16x128xi32, #tpu.memory_space<hbm>>) dst(%arg10 : memref<16x128xi32, #tpu.memory_space<vmem>>)
        tpu.yield
      }) : () -> ()
      %mul3A_200 = arith.constant 16 : i32
      %mul3A_201 = arith.muli %scan3A_193, %mul3A_200 : i32
      %run_scoped3A_202 = arith.constant 0 : i32
      "tpu.region"() ({
        %run_scoped3A_224 = tpu.sem_alloc : memref<!tpu.dma_semaphore, #tpu.memory_space<semaphore_mem>>
        %dma_start3A_225 = arith.constant 0 : i32
        %dma_start3A_226 = tpu.memref_slice %arg5[%run_scoped3A_202, %arg1, %mul3A_201, %dma_start3A_225] : memref<4x16x160x128xf32, #tpu.memory_space<hbm>> -> memref<1x1x16x128xf32, #tpu.memory_space<hbm>>
        %dma_start3A_227 = tpu.memref_squeeze %dma_start3A_226 : memref<1x1x16x128xf32, #tpu.memory_space<hbm>> -> memref<16x128xf32, #tpu.memory_space<hbm>>
        %dma_start3A_228 = arith.constant 0 : i32
        %dma_start3A_229 = tpu.memref_slice %arg5[%run_scoped3A_202, %arg1, %mul3A_201, %dma_start3A_228] : memref<4x16x160x128xf32, #tpu.memory_space<hbm>> -> memref<1x1x16x128xf32, #tpu.memory_space<hbm>>
        %dma_start3A_230 = tpu.memref_squeeze %dma_start3A_229 : memref<1x1x16x128xf32, #tpu.memory_space<hbm>> -> memref<16x128xf32, #tpu.memory_space<hbm>>
        tpu.enqueue_dma source(%dma_start3A_230 : memref<16x128xf32, #tpu.memory_space<hbm>>) target(%arg11 : memref<16x128xf32, #tpu.memory_space<vmem>>) target_semaphore(%run_scoped3A_224 : memref<!tpu.dma_semaphore, #tpu.memory_space<semaphore_mem>>)
        %dma_wait3A = arith.constant 0 : i32
        %dma_wait3A_231 = tpu.memref_slice %arg5[%run_scoped3A_202, %arg1, %mul3A_201, %dma_wait3A] : memref<4x16x160x128xf32, #tpu.memory_space<hbm>> -> memref<1x1x16x128xf32, #tpu.memory_space<hbm>>
        %dma_wait3A_232 = tpu.memref_squeeze %dma_wait3A_231 : memref<1x1x16x128xf32, #tpu.memory_space<hbm>> -> memref<16x128xf32, #tpu.memory_space<hbm>>
        %dma_wait3A_233 = arith.constant 0 : i32
        %dma_wait3A_234 = tpu.memref_slice %arg5[%run_scoped3A_202, %arg1, %mul3A_201, %dma_wait3A_233] : memref<4x16x160x128xf32, #tpu.memory_space<hbm>> -> memref<1x1x16x128xf32, #tpu.memory_space<hbm>>
        %dma_wait3A_235 = tpu.memref_squeeze %dma_wait3A_234 : memref<1x1x16x128xf32, #tpu.memory_space<hbm>> -> memref<16x128xf32, #tpu.memory_space<hbm>>
        tpu.wait_dma2 semaphore(%run_scoped3A_224 : memref<!tpu.dma_semaphore, #tpu.memory_space<semaphore_mem>>) src(%dma_wait3A_235 : memref<16x128xf32, #tpu.memory_space<hbm>>) dst(%arg11 : memref<16x128xf32, #tpu.memory_space<vmem>>)
        tpu.yield
      }) : () -> ()
      %scan3A_203 = arith.constant 0 : i32
      %scan3A_204 = arith.constant 0 : i32
      %scan3A_205 = arith.constant 16 : i32
      %scan3A_206 = arith.addi %scan3A_204, %scan3A_205 : i32
      %scan3A_207 = arith.constant 1 : i32
      %scan3A_208 = scf.for %scan3A_224 = %scan3A_204 to %scan3A_206 step %scan3A_207 iter_args(%scan3A_225 = %scan3A_203) -> (i32)  : i32 {
        %get3A = arith.index_cast %scan3A_224 : i32 to index
        %get3A_226 = arith.constant 0 : index
        %get3A_227 = tpu.vector_load %arg9[%get3A, %get3A_226] {strides = array<i32>} : memref<16x128xi32, #tpu.memory_space<vmem>>, vector<1x16xi32>,
        %get3A_228 = vector.shape_cast %get3A_227 : vector<1x16xi32> to vector<16xi32>
        %add3A_229 = arith.addi %get3A_228, %add3A_124 : vector<16xi32>
        %swap3A = arith.index_cast %scan3A_224 : i32 to index
        %swap3A_230 = arith.constant 0 : index
        %swap3A_231 = tpu.vector_load %arg9[%swap3A, %swap3A_230] {strides = array<i32>} : memref<16x128xi32, #tpu.memory_space<vmem>>, vector<1x16xi32>,
        %swap3A_232 = vector.shape_cast %swap3A_231 : vector<1x16xi32> to vector<16xi32>
        %swap3A_233 = vector.shape_cast %add3A_229 : vector<16xi32> to vector<1x16xi32>
        tpu.vector_store %arg9[%swap3A, %swap3A_230], %swap3A_233 {strides = array<i32>} : memref<16x128xi32, #tpu.memory_space<vmem>>, vector<1x16xi32>,
        %get3A_234 = arith.index_cast %scan3A_224 : i32 to index
        %get3A_235 = arith.constant 16 : index
        %get3A_236 = tpu.vector_load %arg9[%get3A_234, %get3A_235] {strides = array<i32>} : memref<16x128xi32, #tpu.memory_space<vmem>>, vector<1x16xi32>,
        %get3A_237 = vector.shape_cast %get3A_236 : vector<1x16xi32> to vector<16xi32>
        %add3A_238 = arith.addi %get3A_237, %add3A_124 : vector<16xi32>
        %swap3A_239 = arith.index_cast %scan3A_224 : i32 to index
        %swap3A_240 = arith.constant 16 : index
        %swap3A_241 = tpu.vector_load %arg9[%swap3A_239, %swap3A_240] {strides = array<i32>} : memref<16x128xi32, #tpu.memory_space<vmem>>, vector<1x16xi32>,
        %swap3A_242 = vector.shape_cast %swap3A_241 : vector<1x16xi32> to vector<16xi32>
        %swap3A_243 = vector.shape_cast %add3A_238 : vector<16xi32> to vector<1x16xi32>
        tpu.vector_store %arg9[%swap3A_239, %swap3A_240], %swap3A_243 {strides = array<i32>} : memref<16x128xi32, #tpu.memory_space<vmem>>, vector<1x16xi32>,
        %get3A_244 = arith.index_cast %scan3A_224 : i32 to index
        %get3A_245 = arith.constant 32 : index
        %get3A_246 = tpu.vector_load %arg9[%get3A_244, %get3A_245] {strides = array<i32>} : memref<16x128xi32, #tpu.memory_space<vmem>>, vector<1x16xi32>,
        %get3A_247 = vector.shape_cast %get3A_246 : vector<1x16xi32> to vector<16xi32>
        %add3A_248 = arith.addi %get3A_247, %add3A_124 : vector<16xi32>
        %swap3A_249 = arith.index_cast %scan3A_224 : i32 to index
        %swap3A_250 = arith.constant 32 : index
        %swap3A_251 = tpu.vector_load %arg9[%swap3A_249, %swap3A_250] {strides = array<i32>} : memref<16x128xi32, #tpu.memory_space<vmem>>, vector<1x16xi32>,
        %swap3A_252 = vector.shape_cast %swap3A_251 : vector<1x16xi32> to vector<16xi32>
        %swap3A_253 = vector.shape_cast %add3A_248 : vector<16xi32> to vector<1x16xi32>
        tpu.vector_store %arg9[%swap3A_249, %swap3A_250], %swap3A_253 {strides = array<i32>} : memref<16x128xi32, #tpu.memory_space<vmem>>, vector<1x16xi32>,
        %get3A_254 = arith.index_cast %scan3A_224 : i32 to index
        %get3A_255 = arith.constant 48 : index
        %get3A_256 = tpu.vector_load %arg9[%get3A_254, %get3A_255] {strides = array<i32>} : memref<16x128xi32, #tpu.memory_space<vmem>>, vector<1x16xi32>,
        %get3A_257 = vector.shape_cast %get3A_256 : vector<1x16xi32> to vector<16xi32>
        %add3A_258 = arith.addi %get3A_257, %add3A_124 : vector<16xi32>
        %swap3A_259 = arith.index_cast %scan3A_224 : i32 to index
        %swap3A_260 = arith.constant 48 : index
        %swap3A_261 = tpu.vector_load %arg9[%swap3A_259, %swap3A_260] {strides = array<i32>} : memref<16x128xi32, #tpu.memory_space<vmem>>, vector<1x16xi32>,
        %swap3A_262 = vector.shape_cast %swap3A_261 : vector<1x16xi32> to vector<16xi32>
        %swap3A_263 = vector.shape_cast %add3A_258 : vector<16xi32> to vector<1x16xi32>
        tpu.vector_store %arg9[%swap3A_259, %swap3A_260], %swap3A_263 {strides = array<i32>} : memref<16x128xi32, #tpu.memory_space<vmem>>, vector<1x16xi32>,
        %get3A_264 = arith.index_cast %scan3A_224 : i32 to index
        %get3A_265 = arith.constant 64 : index
        %get3A_266 = tpu.vector_load %arg9[%get3A_264, %get3A_265] {strides = array<i32>} : memref<16x128xi32, #tpu.memory_space<vmem>>, vector<1x16xi32>,
        %get3A_267 = vector.shape_cast %get3A_266 : vector<1x16xi32> to vector<16xi32>
        %add3A_268 = arith.addi %get3A_267, %add3A_124 : vector<16xi32>
        %swap3A_269 = arith.index_cast %scan3A_224 : i32 to index
        %swap3A_270 = arith.constant 64 : index
        %swap3A_271 = tpu.vector_load %arg9[%swap3A_269, %swap3A_270] {strides = array<i32>} : memref<16x128xi32, #tpu.memory_space<vmem>>, vector<1x16xi32>,
        %swap3A_272 = vector.shape_cast %swap3A_271 : vector<1x16xi32> to vector<16xi32>
        %swap3A_273 = vector.shape_cast %add3A_268 : vector<16xi32> to vector<1x16xi32>
        tpu.vector_store %arg9[%swap3A_269, %swap3A_270], %swap3A_273 {strides = array<i32>} : memref<16x128xi32, #tpu.memory_space<vmem>>, vector<1x16xi32>,
        %get3A_274 = arith.index_cast %scan3A_224 : i32 to index
        %get3A_275 = arith.constant 80 : index
        %get3A_276 = tpu.vector_load %arg9[%get3A_274, %get3A_275] {strides = array<i32>} : memref<16x128xi32, #tpu.memory_space<vmem>>, vector<1x16xi32>,
        %get3A_277 = vector.shape_cast %get3A_276 : vector<1x16xi32> to vector<16xi32>
        %add3A_278 = arith.addi %get3A_277, %add3A_124 : vector<16xi32>
        %swap3A_279 = arith.index_cast %scan3A_224 : i32 to index
        %swap3A_280 = arith.constant 80 : index
        %swap3A_281 = tpu.vector_load %arg9[%swap3A_279, %swap3A_280] {strides = array<i32>} : memref<16x128xi32, #tpu.memory_space<vmem>>, vector<1x16xi32>,
        %swap3A_282 = vector.shape_cast %swap3A_281 : vector<1x16xi32> to vector<16xi32>
        %swap3A_283 = vector.shape_cast %add3A_278 : vector<16xi32> to vector<1x16xi32>
        tpu.vector_store %arg9[%swap3A_279, %swap3A_280], %swap3A_283 {strides = array<i32>} : memref<16x128xi32, #tpu.memory_space<vmem>>, vector<1x16xi32>,
        %get3A_284 = arith.index_cast %scan3A_224 : i32 to index
        %get3A_285 = arith.constant 96 : index
        %get3A_286 = tpu.vector_load %arg9[%get3A_284, %get3A_285] {strides = array<i32>} : memref<16x128xi32, #tpu.memory_space<vmem>>, vector<1x16xi32>,
        %get3A_287 = vector.shape_cast %get3A_286 : vector<1x16xi32> to vector<16xi32>
        %add3A_288 = arith.addi %get3A_287, %add3A_124 : vector<16xi32>
        %swap3A_289 = arith.index_cast %scan3A_224 : i32 to index
        %swap3A_290 = arith.constant 96 : index
        %swap3A_291 = tpu.vector_load %arg9[%swap3A_289, %swap3A_290] {strides = array<i32>} : memref<16x128xi32, #tpu.memory_space<vmem>>, vector<1x16xi32>,
        %swap3A_292 = vector.shape_cast %swap3A_291 : vector<1x16xi32> to vector<16xi32>
        %swap3A_293 = vector.shape_cast %add3A_288 : vector<16xi32> to vector<1x16xi32>
        tpu.vector_store %arg9[%swap3A_289, %swap3A_290], %swap3A_293 {strides = array<i32>} : memref<16x128xi32, #tpu.memory_space<vmem>>, vector<1x16xi32>,
        %get3A_294 = arith.index_cast %scan3A_224 : i32 to index
        %get3A_295 = arith.constant 112 : index
        %get3A_296 = tpu.vector_load %arg9[%get3A_294, %get3A_295] {strides = array<i32>} : memref<16x128xi32, #tpu.memory_space<vmem>>, vector<1x16xi32>,
        %get3A_297 = vector.shape_cast %get3A_296 : vector<1x16xi32> to vector<16xi32>
        %add3A_298 = arith.addi %get3A_297, %add3A_124 : vector<16xi32>
        %swap3A_299 = arith.index_cast %scan3A_224 : i32 to index
        %swap3A_300 = arith.constant 112 : index
        %swap3A_301 = tpu.vector_load %arg9[%swap3A_299, %swap3A_300] {strides = array<i32>} : memref<16x128xi32, #tpu.memory_space<vmem>>, vector<1x16xi32>,
        %swap3A_302 = vector.shape_cast %swap3A_301 : vector<1x16xi32> to vector<16xi32>
        %swap3A_303 = vector.shape_cast %add3A_298 : vector<16xi32> to vector<1x16xi32>
        tpu.vector_store %arg9[%swap3A_299, %swap3A_300], %swap3A_303 {strides = array<i32>} : memref<16x128xi32, #tpu.memory_space<vmem>>, vector<1x16xi32>,
        %scan3A_304 = arith.constant 0 : i32
        scf.yield %scan3A_304 : i32
      }
      %scan3A_209 = arith.constant 16 : i32
      %dma_start3A = arith.constant 0 : i32
      %dma_start3A_210 = arith.constant 0 : i32
      %dma_start3A_211 = tpu.memref_slice %arg9[%dma_start3A, %dma_start3A_210] : memref<16x128xi32, #tpu.memory_space<vmem>> -> memref<1x128xi32, #tpu.memory_space<vmem>>
      %dma_start3A_212 = tpu.memref_squeeze %dma_start3A_211 : memref<1x128xi32, #tpu.memory_space<vmem>> -> memref<128xi32, #tpu.memory_space<vmem>>
      %dma_start3A_213 = arith.constant 0 : i32
      %dma_start3A_214 = arith.constant 0 : i32
      %dma_start3A_215 = tpu.memref_slice %arg2[%dma_start3A_213, %dma_start3A_214] : memref<160000x128xf32, #tpu.memory_space<hbm>> -> memref<160000x128xf32, #tpu.memory_space<hbm>>
      tpu.enqueue_indirect_dma source(%dma_start3A_215 : memref<160000x128xf32, #tpu.memory_space<hbm>>) target(%arg12 : memref<128x128xf32, #tpu.memory_space<vmem>>) offsets(%dma_start3A_212 : memref<128xi32, #tpu.memory_space<vmem>>) semaphore(%arg14 : memref<!tpu.dma_semaphore, #tpu.memory_space<semaphore_mem>>)
      %scan3A_216 = arith.constant 0 : i32
      %scan3A_217 = arith.constant 0 : i32
      %scan3A_218 = arith.constant 8 : i32
      %scan3A_219 = arith.addi %scan3A_217, %scan3A_218 : i32
      %scan3A_220 = arith.constant 1 : i32
      %scan3A_221 = scf.for %scan3A_224 = %scan3A_217 to %scan3A_219 step %scan3A_220 iter_args(%scan3A_225 = %scan3A_216) -> (i32)  : i32 {
        %mul3A_226 = arith.constant 2 : i32
        %mul3A_227 = arith.muli %mul3A_226, %scan3A_224 : i32
        %add3A_228 = arith.constant 1 : i32
        %add3A_229 = arith.addi %mul3A_227, %add3A_228 : i32
        %dma_start3A_230 = arith.constant 0 : i32
        %dma_start3A_231 = tpu.memref_slice %arg9[%add3A_229, %dma_start3A_230] : memref<16x128xi32, #tpu.memory_space<vmem>> -> memref<1x128xi32, #tpu.memory_space<vmem>>
        %dma_start3A_232 = tpu.memref_squeeze %dma_start3A_231 : memref<1x128xi32, #tpu.memory_space<vmem>> -> memref<128xi32, #tpu.memory_space<vmem>>
        %dma_start3A_233 = arith.constant 0 : i32
        %dma_start3A_234 = arith.constant 0 : i32
        %dma_start3A_235 = tpu.memref_slice %arg2[%dma_start3A_233, %dma_start3A_234] : memref<160000x128xf32, #tpu.memory_space<hbm>> -> memref<160000x128xf32, #tpu.memory_space<hbm>>
        tpu.enqueue_indirect_dma source(%dma_start3A_235 : memref<160000x128xf32, #tpu.memory_space<hbm>>) target(%arg13 : memref<128x128xf32, #tpu.memory_space<vmem>>) offsets(%dma_start3A_232 : memref<128xi32, #tpu.memory_space<vmem>>) semaphore(%arg15 : memref<!tpu.dma_semaphore, #tpu.memory_space<semaphore_mem>>)
        %dma_wait3A = arith.constant 0 : i32
        %dma_wait3A_236 = tpu.memref_slice %arg9[%mul3A_227, %dma_wait3A] : memref<16x128xi32, #tpu.memory_space<vmem>> -> memref<1x128xi32, #tpu.memory_space<vmem>>
        %dma_wait3A_237 = tpu.memref_squeeze %dma_wait3A_236 : memref<1x128xi32, #tpu.memory_space<vmem>> -> memref<128xi32, #tpu.memory_space<vmem>>
        %dma_wait3A_238 = arith.constant 0 : i32
        %dma_wait3A_239 = arith.constant 0 : i32
        %dma_wait3A_240 = tpu.memref_slice %arg2[%dma_wait3A_238, %dma_wait3A_239] : memref<160000x128xf32, #tpu.memory_space<hbm>> -> memref<160000x128xf32, #tpu.memory_space<hbm>>
        tpu.wait_indirect_dma semaphore(%arg14 : memref<!tpu.dma_semaphore, #tpu.memory_space<semaphore_mem>>) src(%dma_wait3A_240 : memref<160000x128xf32, #tpu.memory_space<hbm>>) dst(%arg12 : memref<128x128xf32, #tpu.memory_space<vmem>>)
        %lt3A = arith.constant 7 : i32
        %lt3A_241 = arith.cmpi slt, %scan3A_224, %lt3A : i32
        %convert_element_type3A = arith.extui %lt3A_241 : i1 to i32
        %cond3A = arith.constant 0 : i32
        %cond3A_242 = arith.cmpi ne, %convert_element_type3A, %cond3A : i32
        scf.if %cond3A_242 {
          %add3A_250 = arith.constant 2 : i32
          %add3A_251 = arith.addi %mul3A_227, %add3A_250 : i32
          %dma_start3A_252 = arith.constant 0 : i32
          %dma_start3A_253 = tpu.memref_slice %arg9[%add3A_251, %dma_start3A_252] : memref<16x128xi32, #tpu.memory_space<vmem>> -> memref<1x128xi32, #tpu.memory_space<vmem>>
          %dma_start3A_254 = tpu.memref_squeeze %dma_start3A_253 : memref<1x128xi32, #tpu.memory_space<vmem>> -> memref<128xi32, #tpu.memory_space<vmem>>
          %dma_start3A_255 = arith.constant 0 : i32
          %dma_start3A_256 = arith.constant 0 : i32
          %dma_start3A_257 = tpu.memref_slice %arg2[%dma_start3A_255, %dma_start3A_256] : memref<160000x128xf32, #tpu.memory_space<hbm>> -> memref<160000x128xf32, #tpu.memory_space<hbm>>
          tpu.enqueue_indirect_dma source(%dma_start3A_257 : memref<160000x128xf32, #tpu.memory_space<hbm>>) target(%arg12 : memref<128x128xf32, #tpu.memory_space<vmem>>) offsets(%dma_start3A_254 : memref<128xi32, #tpu.memory_space<vmem>>) semaphore(%arg14 : memref<!tpu.dma_semaphore, #tpu.memory_space<semaphore_mem>>)
        } else {
        }
        %dma_wait3A_243 = arith.constant 0 : i32
        %dma_wait3A_244 = tpu.memref_slice %arg9[%add3A_229, %dma_wait3A_243] : memref<16x128xi32, #tpu.memory_space<vmem>> -> memref<1x128xi32, #tpu.memory_space<vmem>>
        %dma_wait3A_245 = tpu.memref_squeeze %dma_wait3A_244 : memref<1x128xi32, #tpu.memory_space<vmem>> -> memref<128xi32, #tpu.memory_space<vmem>>
        %dma_wait3A_246 = arith.constant 0 : i32
        %dma_wait3A_247 = arith.constant 0 : i32
        %dma_wait3A_248 = tpu.memref_slice %arg2[%dma_wait3A_246, %dma_wait3A_247] : memref<160000x128xf32, #tpu.memory_space<hbm>> -> memref<160000x128xf32, #tpu.memory_space<hbm>>
        tpu.wait_indirect_dma semaphore(%arg15 : memref<!tpu.dma_semaphore, #tpu.memory_space<semaphore_mem>>) src(%dma_wait3A_248 : memref<160000x128xf32, #tpu.memory_space<hbm>>) dst(%arg13 : memref<128x128xf32, #tpu.memory_space<vmem>>)
        %scan3A_249 = arith.constant 0 : i32
        scf.yield %scan3A_249 : i32
      }
      %scan3A_222 = arith.constant 8 : i32
      %scan3A_223 = arith.constant 0 : i32
      scf.yield %scan3A_223 : i32
    }
    %scan3A_131 = arith.constant 10 : i32
    %broadcast_in_dim3A_132 = arith.constant 40000 : i32
    %broadcast_in_dim3A_133 = vector.broadcast %broadcast_in_dim3A_132 : i32 to vector<16xi32>
    %mul3A_134 = arith.constant 10000 : i32
    %mul3A_135 = arith.muli %add3A_97, %mul3A_134 : i32
    %add3A_136 = vector.broadcast %mul3A_135 : i32 to vector<16xi32>
    %add3A_137 = arith.addi %broadcast_in_dim3A_133, %add3A_136 : vector<16xi32>
    %scan3A_138 = arith.constant 0 : i32
    %scan3A_139 = arith.constant 0 : i32
    %scan3A_140 = arith.constant 10 : i32
    %scan3A_141 = arith.addi %scan3A_139, %scan3A_140 : i32
    %scan3A_142 = arith.constant 1 : i32
    %scan3A_143 = scf.for %scan3A_193 = %scan3A_139 to %scan3A_141 step %scan3A_142 iter_args(%scan3A_194 = %scan3A_138) -> (i32)  : i32 {
      %mul3A_195 = arith.constant 16 : i32
      %mul3A_196 = arith.muli %scan3A_193, %mul3A_195 : i32
      %run_scoped3A = arith.constant 1 : i32
      "tpu.region"() ({
        %run_scoped3A_224 = tpu.sem_alloc : memref<!tpu.dma_semaphore, #tpu.memory_space<semaphore_mem>>
        %dma_start3A_225 = arith.constant 0 : i32
        %dma_start3A_226 = tpu.memref_slice %arg3[%run_scoped3A, %arg1, %mul3A_196, %dma_start3A_225] : memref<4x16x160x128xi32, #tpu.memory_space<hbm>> -> memref<1x1x16x128xi32, #tpu.memory_space<hbm>>
        %dma_start3A_227 = tpu.memref_squeeze %dma_start3A_226 : memref<1x1x16x128xi32, #tpu.memory_space<hbm>> -> memref<16x128xi32, #tpu.memory_space<hbm>>
        %dma_start3A_228 = arith.constant 0 : i32
        %dma_start3A_229 = tpu.memref_slice %arg3[%run_scoped3A, %arg1, %mul3A_196, %dma_start3A_228] : memref<4x16x160x128xi32, #tpu.memory_space<hbm>> -> memref<1x1x16x128xi32, #tpu.memory_space<hbm>>
        %dma_start3A_230 = tpu.memref_squeeze %dma_start3A_229 : memref<1x1x16x128xi32, #tpu.memory_space<hbm>> -> memref<16x128xi32, #tpu.memory_space<hbm>>
        tpu.enqueue_dma source(%dma_start3A_230 : memref<16x128xi32, #tpu.memory_space<hbm>>) target(%arg9 : memref<16x128xi32, #tpu.memory_space<vmem>>) target_semaphore(%run_scoped3A_224 : memref<!tpu.dma_semaphore, #tpu.memory_space<semaphore_mem>>)
        %dma_wait3A = arith.constant 0 : i32
        %dma_wait3A_231 = tpu.memref_slice %arg3[%run_scoped3A, %arg1, %mul3A_196, %dma_wait3A] : memref<4x16x160x128xi32, #tpu.memory_space<hbm>> -> memref<1x1x16x128xi32, #tpu.memory_space<hbm>>
        %dma_wait3A_232 = tpu.memref_squeeze %dma_wait3A_231 : memref<1x1x16x128xi32, #tpu.memory_space<hbm>> -> memref<16x128xi32, #tpu.memory_space<hbm>>
        %dma_wait3A_233 = arith.constant 0 : i32
        %dma_wait3A_234 = tpu.memref_slice %arg3[%run_scoped3A, %arg1, %mul3A_196, %dma_wait3A_233] : memref<4x16x160x128xi32, #tpu.memory_space<hbm>> -> memref<1x1x16x128xi32, #tpu.memory_space<hbm>>
        %dma_wait3A_235 = tpu.memref_squeeze %dma_wait3A_234 : memref<1x1x16x128xi32, #tpu.memory_space<hbm>> -> memref<16x128xi32, #tpu.memory_space<hbm>>
        tpu.wait_dma2 semaphore(%run_scoped3A_224 : memref<!tpu.dma_semaphore, #tpu.memory_space<semaphore_mem>>) src(%dma_wait3A_235 : memref<16x128xi32, #tpu.memory_space<hbm>>) dst(%arg9 : memref<16x128xi32, #tpu.memory_space<vmem>>)
        tpu.yield
      }) : () -> ()
      %mul3A_197 = arith.constant 16 : i32
      %mul3A_198 = arith.muli %scan3A_193, %mul3A_197 : i32
      %run_scoped3A_199 = arith.constant 1 : i32
      "tpu.region"() ({
        %run_scoped3A_224 = tpu.sem_alloc : memref<!tpu.dma_semaphore, #tpu.memory_space<semaphore_mem>>
        %dma_start3A_225 = arith.constant 0 : i32
        %dma_start3A_226 = tpu.memref_slice %arg4[%run_scoped3A_199, %arg1, %mul3A_198, %dma_start3A_225] : memref<4x16x160x128xi32, #tpu.memory_space<hbm>> -> memref<1x1x16x128xi32, #tpu.memory_space<hbm>>
        %dma_start3A_227 = tpu.memref_squeeze %dma_start3A_226 : memref<1x1x16x128xi32, #tpu.memory_space<hbm>> -> memref<16x128xi32, #tpu.memory_space<hbm>>
        %dma_start3A_228 = arith.constant 0 : i32
        %dma_start3A_229 = tpu.memref_slice %arg4[%run_scoped3A_199, %arg1, %mul3A_198, %dma_start3A_228] : memref<4x16x160x128xi32, #tpu.memory_space<hbm>> -> memref<1x1x16x128xi32, #tpu.memory_space<hbm>>
        %dma_start3A_230 = tpu.memref_squeeze %dma_start3A_229 : memref<1x1x16x128xi32, #tpu.memory_space<hbm>> -> memref<16x128xi32, #tpu.memory_space<hbm>>
        tpu.enqueue_dma source(%dma_start3A_230 : memref<16x128xi32, #tpu.memory_space<hbm>>) target(%arg10 : memref<16x128xi32, #tpu.memory_space<vmem>>) target_semaphore(%run_scoped3A_224 : memref<!tpu.dma_semaphore, #tpu.memory_space<semaphore_mem>>)
        %dma_wait3A = arith.constant 0 : i32
        %dma_wait3A_231 = tpu.memref_slice %arg4[%run_scoped3A_199, %arg1, %mul3A_198, %dma_wait3A] : memref<4x16x160x128xi32, #tpu.memory_space<hbm>> -> memref<1x1x16x128xi32, #tpu.memory_space<hbm>>
        %dma_wait3A_232 = tpu.memref_squeeze %dma_wait3A_231 : memref<1x1x16x128xi32, #tpu.memory_space<hbm>> -> memref<16x128xi32, #tpu.memory_space<hbm>>
        %dma_wait3A_233 = arith.constant 0 : i32
        %dma_wait3A_234 = tpu.memref_slice %arg4[%run_scoped3A_199, %arg1, %mul3A_198, %dma_wait3A_233] : memref<4x16x160x128xi32, #tpu.memory_space<hbm>> -> memref<1x1x16x128xi32, #tpu.memory_space<hbm>>
        %dma_wait3A_235 = tpu.memref_squeeze %dma_wait3A_234 : memref<1x1x16x128xi32, #tpu.memory_space<hbm>> -> memref<16x128xi32, #tpu.memory_space<hbm>>
        tpu.wait_dma2 semaphore(%run_scoped3A_224 : memref<!tpu.dma_semaphore, #tpu.memory_space<semaphore_mem>>) src(%dma_wait3A_235 : memref<16x128xi32, #tpu.memory_space<hbm>>) dst(%arg10 : memref<16x128xi32, #tpu.memory_space<vmem>>)
        tpu.yield
      }) : () -> ()
      %mul3A_200 = arith.constant 16 : i32
      %mul3A_201 = arith.muli %scan3A_193, %mul3A_200 : i32
      %run_scoped3A_202 = arith.constant 1 : i32
      "tpu.region"() ({
        %run_scoped3A_224 = tpu.sem_alloc : memref<!tpu.dma_semaphore, #tpu.memory_space<semaphore_mem>>
        %dma_start3A_225 = arith.constant 0 : i32
        %dma_start3A_226 = tpu.memref_slice %arg5[%run_scoped3A_202, %arg1, %mul3A_201, %dma_start3A_225] : memref<4x16x160x128xf32, #tpu.memory_space<hbm>> -> memref<1x1x16x128xf32, #tpu.memory_space<hbm>>
        %dma_start3A_227 = tpu.memref_squeeze %dma_start3A_226 : memref<1x1x16x128xf32, #tpu.memory_space<hbm>> -> memref<16x128xf32, #tpu.memory_space<hbm>>
        %dma_start3A_228 = arith.constant 0 : i32
        %dma_start3A_229 = tpu.memref_slice %arg5[%run_scoped3A_202, %arg1, %mul3A_201, %dma_start3A_228] : memref<4x16x160x128xf32, #tpu.memory_space<hbm>> -> memref<1x1x16x128xf32, #tpu.memory_space<hbm>>
        %dma_start3A_230 = tpu.memref_squeeze %dma_start3A_229 : memref<1x1x16x128xf32, #tpu.memory_space<hbm>> -> memref<16x128xf32, #tpu.memory_space<hbm>>
        tpu.enqueue_dma source(%dma_start3A_230 : memref<16x128xf32, #tpu.memory_space<hbm>>) target(%arg11 : memref<16x128xf32, #tpu.memory_space<vmem>>) target_semaphore(%run_scoped3A_224 : memref<!tpu.dma_semaphore, #tpu.memory_space<semaphore_mem>>)
        %dma_wait3A = arith.constant 0 : i32
        %dma_wait3A_231 = tpu.memref_slice %arg5[%run_scoped3A_202, %arg1, %mul3A_201, %dma_wait3A] : memref<4x16x160x128xf32, #tpu.memory_space<hbm>> -> memref<1x1x16x128xf32, #tpu.memory_space<hbm>>
        %dma_wait3A_232 = tpu.memref_squeeze %dma_wait3A_231 : memref<1x1x16x128xf32, #tpu.memory_space<hbm>> -> memref<16x128xf32, #tpu.memory_space<hbm>>
        %dma_wait3A_233 = arith.constant 0 : i32
        %dma_wait3A_234 = tpu.memref_slice %arg5[%run_scoped3A_202, %arg1, %mul3A_201, %dma_wait3A_233] : memref<4x16x160x128xf32, #tpu.memory_space<hbm>> -> memref<1x1x16x128xf32, #tpu.memory_space<hbm>>
        %dma_wait3A_235 = tpu.memref_squeeze %dma_wait3A_234 : memref<1x1x16x128xf32, #tpu.memory_space<hbm>> -> memref<16x128xf32, #tpu.memory_space<hbm>>
        tpu.wait_dma2 semaphore(%run_scoped3A_224 : memref<!tpu.dma_semaphore, #tpu.memory_space<semaphore_mem>>) src(%dma_wait3A_235 : memref<16x128xf32, #tpu.memory_space<hbm>>) dst(%arg11 : memref<16x128xf32, #tpu.memory_space<vmem>>)
        tpu.yield
      }) : () -> ()
      %scan3A_203 = arith.constant 0 : i32
      %scan3A_204 = arith.constant 0 : i32
      %scan3A_205 = arith.constant 16 : i32
      %scan3A_206 = arith.addi %scan3A_204, %scan3A_205 : i32
      %scan3A_207 = arith.constant 1 : i32
      %scan3A_208 = scf.for %scan3A_224 = %scan3A_204 to %scan3A_206 step %scan3A_207 iter_args(%scan3A_225 = %scan3A_203) -> (i32)  : i32 {
        %get3A = arith.index_cast %scan3A_224 : i32 to index
        %get3A_226 = arith.constant 0 : index
        %get3A_227 = tpu.vector_load %arg9[%get3A, %get3A_226] {strides = array<i32>} : memref<16x128xi32, #tpu.memory_space<vmem>>, vector<1x16xi32>,
        %get3A_228 = vector.shape_cast %get3A_227 : vector<1x16xi32> to vector<16xi32>
        %add3A_229 = arith.addi %get3A_228, %add3A_137 : vector<16xi32>
        %swap3A = arith.index_cast %scan3A_224 : i32 to index
        %swap3A_230 = arith.constant 0 : index
        %swap3A_231 = tpu.vector_load %arg9[%swap3A, %swap3A_230] {strides = array<i32>} : memref<16x128xi32, #tpu.memory_space<vmem>>, vector<1x16xi32>,
        %swap3A_232 = vector.shape_cast %swap3A_231 : vector<1x16xi32> to vector<16xi32>
        %swap3A_233 = vector.shape_cast %add3A_229 : vector<16xi32> to vector<1x16xi32>
        tpu.vector_store %arg9[%swap3A, %swap3A_230], %swap3A_233 {strides = array<i32>} : memref<16x128xi32, #tpu.memory_space<vmem>>, vector<1x16xi32>,
        %get3A_234 = arith.index_cast %scan3A_224 : i32 to index
        %get3A_235 = arith.constant 16 : index
        %get3A_236 = tpu.vector_load %arg9[%get3A_234, %get3A_235] {strides = array<i32>} : memref<16x128xi32, #tpu.memory_space<vmem>>, vector<1x16xi32>,
        %get3A_237 = vector.shape_cast %get3A_236 : vector<1x16xi32> to vector<16xi32>
        %add3A_238 = arith.addi %get3A_237, %add3A_137 : vector<16xi32>
        %swap3A_239 = arith.index_cast %scan3A_224 : i32 to index
        %swap3A_240 = arith.constant 16 : index
        %swap3A_241 = tpu.vector_load %arg9[%swap3A_239, %swap3A_240] {strides = array<i32>} : memref<16x128xi32, #tpu.memory_space<vmem>>, vector<1x16xi32>,
        %swap3A_242 = vector.shape_cast %swap3A_241 : vector<1x16xi32> to vector<16xi32>
        %swap3A_243 = vector.shape_cast %add3A_238 : vector<16xi32> to vector<1x16xi32>
        tpu.vector_store %arg9[%swap3A_239, %swap3A_240], %swap3A_243 {strides = array<i32>} : memref<16x128xi32, #tpu.memory_space<vmem>>, vector<1x16xi32>,
        %get3A_244 = arith.index_cast %scan3A_224 : i32 to index
        %get3A_245 = arith.constant 32 : index
        %get3A_246 = tpu.vector_load %arg9[%get3A_244, %get3A_245] {strides = array<i32>} : memref<16x128xi32, #tpu.memory_space<vmem>>, vector<1x16xi32>,
        %get3A_247 = vector.shape_cast %get3A_246 : vector<1x16xi32> to vector<16xi32>
        %add3A_248 = arith.addi %get3A_247, %add3A_137 : vector<16xi32>
        %swap3A_249 = arith.index_cast %scan3A_224 : i32 to index
        %swap3A_250 = arith.constant 32 : index
        %swap3A_251 = tpu.vector_load %arg9[%swap3A_249, %swap3A_250] {strides = array<i32>} : memref<16x128xi32, #tpu.memory_space<vmem>>, vector<1x16xi32>,
        %swap3A_252 = vector.shape_cast %swap3A_251 : vector<1x16xi32> to vector<16xi32>
        %swap3A_253 = vector.shape_cast %add3A_248 : vector<16xi32> to vector<1x16xi32>
        tpu.vector_store %arg9[%swap3A_249, %swap3A_250], %swap3A_253 {strides = array<i32>} : memref<16x128xi32, #tpu.memory_space<vmem>>, vector<1x16xi32>,
        %get3A_254 = arith.index_cast %scan3A_224 : i32 to index
        %get3A_255 = arith.constant 48 : index
        %get3A_256 = tpu.vector_load %arg9[%get3A_254, %get3A_255] {strides = array<i32>} : memref<16x128xi32, #tpu.memory_space<vmem>>, vector<1x16xi32>,
        %get3A_257 = vector.shape_cast %get3A_256 : vector<1x16xi32> to vector<16xi32>
        %add3A_258 = arith.addi %get3A_257, %add3A_137 : vector<16xi32>
        %swap3A_259 = arith.index_cast %scan3A_224 : i32 to index
        %swap3A_260 = arith.constant 48 : index
        %swap3A_261 = tpu.vector_load %arg9[%swap3A_259, %swap3A_260] {strides = array<i32>} : memref<16x128xi32, #tpu.memory_space<vmem>>, vector<1x16xi32>,
        %swap3A_262 = vector.shape_cast %swap3A_261 : vector<1x16xi32> to vector<16xi32>
        %swap3A_263 = vector.shape_cast %add3A_258 : vector<16xi32> to vector<1x16xi32>
        tpu.vector_store %arg9[%swap3A_259, %swap3A_260], %swap3A_263 {strides = array<i32>} : memref<16x128xi32, #tpu.memory_space<vmem>>, vector<1x16xi32>,
        %get3A_264 = arith.index_cast %scan3A_224 : i32 to index
        %get3A_265 = arith.constant 64 : index
        %get3A_266 = tpu.vector_load %arg9[%get3A_264, %get3A_265] {strides = array<i32>} : memref<16x128xi32, #tpu.memory_space<vmem>>, vector<1x16xi32>,
        %get3A_267 = vector.shape_cast %get3A_266 : vector<1x16xi32> to vector<16xi32>
        %add3A_268 = arith.addi %get3A_267, %add3A_137 : vector<16xi32>
        %swap3A_269 = arith.index_cast %scan3A_224 : i32 to index
        %swap3A_270 = arith.constant 64 : index
        %swap3A_271 = tpu.vector_load %arg9[%swap3A_269, %swap3A_270] {strides = array<i32>} : memref<16x128xi32, #tpu.memory_space<vmem>>, vector<1x16xi32>,
        %swap3A_272 = vector.shape_cast %swap3A_271 : vector<1x16xi32> to vector<16xi32>
        %swap3A_273 = vector.shape_cast %add3A_268 : vector<16xi32> to vector<1x16xi32>
        tpu.vector_store %arg9[%swap3A_269, %swap3A_270], %swap3A_273 {strides = array<i32>} : memref<16x128xi32, #tpu.memory_space<vmem>>, vector<1x16xi32>,
        %get3A_274 = arith.index_cast %scan3A_224 : i32 to index
        %get3A_275 = arith.constant 80 : index
        %get3A_276 = tpu.vector_load %arg9[%get3A_274, %get3A_275] {strides = array<i32>} : memref<16x128xi32, #tpu.memory_space<vmem>>, vector<1x16xi32>,
        %get3A_277 = vector.shape_cast %get3A_276 : vector<1x16xi32> to vector<16xi32>
        %add3A_278 = arith.addi %get3A_277, %add3A_137 : vector<16xi32>
        %swap3A_279 = arith.index_cast %scan3A_224 : i32 to index
        %swap3A_280 = arith.constant 80 : index
        %swap3A_281 = tpu.vector_load %arg9[%swap3A_279, %swap3A_280] {strides = array<i32>} : memref<16x128xi32, #tpu.memory_space<vmem>>, vector<1x16xi32>,
        %swap3A_282 = vector.shape_cast %swap3A_281 : vector<1x16xi32> to vector<16xi32>
        %swap3A_283 = vector.shape_cast %add3A_278 : vector<16xi32> to vector<1x16xi32>
        tpu.vector_store %arg9[%swap3A_279, %swap3A_280], %swap3A_283 {strides = array<i32>} : memref<16x128xi32, #tpu.memory_space<vmem>>, vector<1x16xi32>,
        %get3A_284 = arith.index_cast %scan3A_224 : i32 to index
        %get3A_285 = arith.constant 96 : index
        %get3A_286 = tpu.vector_load %arg9[%get3A_284, %get3A_285] {strides = array<i32>} : memref<16x128xi32, #tpu.memory_space<vmem>>, vector<1x16xi32>,
        %get3A_287 = vector.shape_cast %get3A_286 : vector<1x16xi32> to vector<16xi32>
        %add3A_288 = arith.addi %get3A_287, %add3A_137 : vector<16xi32>
        %swap3A_289 = arith.index_cast %scan3A_224 : i32 to index
        %swap3A_290 = arith.constant 96 : index
        %swap3A_291 = tpu.vector_load %arg9[%swap3A_289, %swap3A_290] {strides = array<i32>} : memref<16x128xi32, #tpu.memory_space<vmem>>, vector<1x16xi32>,
        %swap3A_292 = vector.shape_cast %swap3A_291 : vector<1x16xi32> to vector<16xi32>
        %swap3A_293 = vector.shape_cast %add3A_288 : vector<16xi32> to vector<1x16xi32>
        tpu.vector_store %arg9[%swap3A_289, %swap3A_290], %swap3A_293 {strides = array<i32>} : memref<16x128xi32, #tpu.memory_space<vmem>>, vector<1x16xi32>,
        %get3A_294 = arith.index_cast %scan3A_224 : i32 to index
        %get3A_295 = arith.constant 112 : index
        %get3A_296 = tpu.vector_load %arg9[%get3A_294, %get3A_295] {strides = array<i32>} : memref<16x128xi32, #tpu.memory_space<vmem>>, vector<1x16xi32>,
        %get3A_297 = vector.shape_cast %get3A_296 : vector<1x16xi32> to vector<16xi32>
        %add3A_298 = arith.addi %get3A_297, %add3A_137 : vector<16xi32>
        %swap3A_299 = arith.index_cast %scan3A_224 : i32 to index
        %swap3A_300 = arith.constant 112 : index
        %swap3A_301 = tpu.vector_load %arg9[%swap3A_299, %swap3A_300] {strides = array<i32>} : memref<16x128xi32, #tpu.memory_space<vmem>>, vector<1x16xi32>,
        %swap3A_302 = vector.shape_cast %swap3A_301 : vector<1x16xi32> to vector<16xi32>
        %swap3A_303 = vector.shape_cast %add3A_298 : vector<16xi32> to vector<1x16xi32>
        tpu.vector_store %arg9[%swap3A_299, %swap3A_300], %swap3A_303 {strides = array<i32>} : memref<16x128xi32, #tpu.memory_space<vmem>>, vector<1x16xi32>,
        %scan3A_304 = arith.constant 0 : i32
        scf.yield %scan3A_304 : i32
      }
      %scan3A_209 = arith.constant 16 : i32
      %dma_start3A = arith.constant 0 : i32
      %dma_start3A_210 = arith.constant 0 : i32
      %dma_start3A_211 = tpu.memref_slice %arg9[%dma_start3A, %dma_start3A_210] : memref<16x128xi32, #tpu.memory_space<vmem>> -> memref<1x128xi32, #tpu.memory_space<vmem>>
      %dma_start3A_212 = tpu.memref_squeeze %dma_start3A_211 : memref<1x128xi32, #tpu.memory_space<vmem>> -> memref<128xi32, #tpu.memory_space<vmem>>
      %dma_start3A_213 = arith.constant 0 : i32
      %dma_start3A_214 = arith.constant 0 : i32
      %dma_start3A_215 = tpu.memref_slice %arg2[%dma_start3A_213, %dma_start3A_214] : memref<160000x128xf32, #tpu.memory_space<hbm>> -> memref<160000x128xf32, #tpu.memory_space<hbm>>
      tpu.enqueue_indirect_dma source(%dma_start3A_215 : memref<160000x128xf32, #tpu.memory_space<hbm>>) target(%arg12 : memref<128x128xf32, #tpu.memory_space<vmem>>) offsets(%dma_start3A_212 : memref<128xi32, #tpu.memory_space<vmem>>) semaphore(%arg14 : memref<!tpu.dma_semaphore, #tpu.memory_space<semaphore_mem>>)
      %scan3A_216 = arith.constant 0 : i32
      %scan3A_217 = arith.constant 0 : i32
      %scan3A_218 = arith.constant 8 : i32
      %scan3A_219 = arith.addi %scan3A_217, %scan3A_218 : i32
      %scan3A_220 = arith.constant 1 : i32
      %scan3A_221 = scf.for %scan3A_224 = %scan3A_217 to %scan3A_219 step %scan3A_220 iter_args(%scan3A_225 = %scan3A_216) -> (i32)  : i32 {
        %mul3A_226 = arith.constant 2 : i32
        %mul3A_227 = arith.muli %mul3A_226, %scan3A_224 : i32
        %add3A_228 = arith.constant 1 : i32
        %add3A_229 = arith.addi %mul3A_227, %add3A_228 : i32
        %dma_start3A_230 = arith.constant 0 : i32
        %dma_start3A_231 = tpu.memref_slice %arg9[%add3A_229, %dma_start3A_230] : memref<16x128xi32, #tpu.memory_space<vmem>> -> memref<1x128xi32, #tpu.memory_space<vmem>>
        %dma_start3A_232 = tpu.memref_squeeze %dma_start3A_231 : memref<1x128xi32, #tpu.memory_space<vmem>> -> memref<128xi32, #tpu.memory_space<vmem>>
        %dma_start3A_233 = arith.constant 0 : i32
        %dma_start3A_234 = arith.constant 0 : i32
        %dma_start3A_235 = tpu.memref_slice %arg2[%dma_start3A_233, %dma_start3A_234] : memref<160000x128xf32, #tpu.memory_space<hbm>> -> memref<160000x128xf32, #tpu.memory_space<hbm>>
        tpu.enqueue_indirect_dma source(%dma_start3A_235 : memref<160000x128xf32, #tpu.memory_space<hbm>>) target(%arg13 : memref<128x128xf32, #tpu.memory_space<vmem>>) offsets(%dma_start3A_232 : memref<128xi32, #tpu.memory_space<vmem>>) semaphore(%arg15 : memref<!tpu.dma_semaphore, #tpu.memory_space<semaphore_mem>>)
        %dma_wait3A = arith.constant 0 : i32
        %dma_wait3A_236 = tpu.memref_slice %arg9[%mul3A_227, %dma_wait3A] : memref<16x128xi32, #tpu.memory_space<vmem>> -> memref<1x128xi32, #tpu.memory_space<vmem>>
        %dma_wait3A_237 = tpu.memref_squeeze %dma_wait3A_236 : memref<1x128xi32, #tpu.memory_space<vmem>> -> memref<128xi32, #tpu.memory_space<vmem>>
        %dma_wait3A_238 = arith.constant 0 : i32
        %dma_wait3A_239 = arith.constant 0 : i32
        %dma_wait3A_240 = tpu.memref_slice %arg2[%dma_wait3A_238, %dma_wait3A_239] : memref<160000x128xf32, #tpu.memory_space<hbm>> -> memref<160000x128xf32, #tpu.memory_space<hbm>>
        tpu.wait_indirect_dma semaphore(%arg14 : memref<!tpu.dma_semaphore, #tpu.memory_space<semaphore_mem>>) src(%dma_wait3A_240 : memref<160000x128xf32, #tpu.memory_space<hbm>>) dst(%arg12 : memref<128x128xf32, #tpu.memory_space<vmem>>)
        %lt3A = arith.constant 7 : i32
        %lt3A_241 = arith.cmpi slt, %scan3A_224, %lt3A : i32
        %convert_element_type3A = arith.extui %lt3A_241 : i1 to i32
        %cond3A = arith.constant 0 : i32
        %cond3A_242 = arith.cmpi ne, %convert_element_type3A, %cond3A : i32
        scf.if %cond3A_242 {
          %add3A_250 = arith.constant 2 : i32
          %add3A_251 = arith.addi %mul3A_227, %add3A_250 : i32
          %dma_start3A_252 = arith.constant 0 : i32
          %dma_start3A_253 = tpu.memref_slice %arg9[%add3A_251, %dma_start3A_252] : memref<16x128xi32, #tpu.memory_space<vmem>> -> memref<1x128xi32, #tpu.memory_space<vmem>>
          %dma_start3A_254 = tpu.memref_squeeze %dma_start3A_253 : memref<1x128xi32, #tpu.memory_space<vmem>> -> memref<128xi32, #tpu.memory_space<vmem>>
          %dma_start3A_255 = arith.constant 0 : i32
          %dma_start3A_256 = arith.constant 0 : i32
          %dma_start3A_257 = tpu.memref_slice %arg2[%dma_start3A_255, %dma_start3A_256] : memref<160000x128xf32, #tpu.memory_space<hbm>> -> memref<160000x128xf32, #tpu.memory_space<hbm>>
          tpu.enqueue_indirect_dma source(%dma_start3A_257 : memref<160000x128xf32, #tpu.memory_space<hbm>>) target(%arg12 : memref<128x128xf32, #tpu.memory_space<vmem>>) offsets(%dma_start3A_254 : memref<128xi32, #tpu.memory_space<vmem>>) semaphore(%arg14 : memref<!tpu.dma_semaphore, #tpu.memory_space<semaphore_mem>>)
        } else {
        }
        %dma_wait3A_243 = arith.constant 0 : i32
        %dma_wait3A_244 = tpu.memref_slice %arg9[%add3A_229, %dma_wait3A_243] : memref<16x128xi32, #tpu.memory_space<vmem>> -> memref<1x128xi32, #tpu.memory_space<vmem>>
        %dma_wait3A_245 = tpu.memref_squeeze %dma_wait3A_244 : memref<1x128xi32, #tpu.memory_space<vmem>> -> memref<128xi32, #tpu.memory_space<vmem>>
        %dma_wait3A_246 = arith.constant 0 : i32
        %dma_wait3A_247 = arith.constant 0 : i32
        %dma_wait3A_248 = tpu.memref_slice %arg2[%dma_wait3A_246, %dma_wait3A_247] : memref<160000x128xf32, #tpu.memory_space<hbm>> -> memref<160000x128xf32, #tpu.memory_space<hbm>>
        tpu.wait_indirect_dma semaphore(%arg15 : memref<!tpu.dma_semaphore, #tpu.memory_space<semaphore_mem>>) src(%dma_wait3A_248 : memref<160000x128xf32, #tpu.memory_space<hbm>>) dst(%arg13 : memref<128x128xf32, #tpu.memory_space<vmem>>)
        %scan3A_249 = arith.constant 0 : i32
        scf.yield %scan3A_249 : i32
      }
      %scan3A_222 = arith.constant 8 : i32
      %scan3A_223 = arith.constant 0 : i32
      scf.yield %scan3A_223 : i32
    }
    %scan3A_144 = arith.constant 10 : i32
    %broadcast_in_dim3A_145 = arith.constant 80000 : i32
    %broadcast_in_dim3A_146 = vector.broadcast %broadcast_in_dim3A_145 : i32 to vector<16xi32>
    %mul3A_147 = arith.constant 10000 : i32
    %mul3A_148 = arith.muli %add3A_97, %mul3A_147 : i32
    %add3A_149 = vector.broadcast %mul3A_148 : i32 to vector<16xi32>
    %add3A_150 = arith.addi %broadcast_in_dim3A_146, %add3A_149 : vector<16xi32>
    %scan3A_151 = arith.constant 0 : i32
    %scan3A_152 = arith.constant 0 : i32
    %scan3A_153 = arith.constant 10 : i32
    %scan3A_154 = arith.addi %scan3A_152, %scan3A_153 : i32
    %scan3A_155 = arith.constant 1 : i32
    %scan3A_156 = scf.for %scan3A_193 = %scan3A_152 to %scan3A_154 step %scan3A_155 iter_args(%scan3A_194 = %scan3A_151) -> (i32)  : i32 {
      %mul3A_195 = arith.constant 16 : i32
      %mul3A_196 = arith.muli %scan3A_193, %mul3A_195 : i32
      %run_scoped3A = arith.constant 2 : i32
      "tpu.region"() ({
        %run_scoped3A_224 = tpu.sem_alloc : memref<!tpu.dma_semaphore, #tpu.memory_space<semaphore_mem>>
        %dma_start3A_225 = arith.constant 0 : i32
        %dma_start3A_226 = tpu.memref_slice %arg3[%run_scoped3A, %arg1, %mul3A_196, %dma_start3A_225] : memref<4x16x160x128xi32, #tpu.memory_space<hbm>> -> memref<1x1x16x128xi32, #tpu.memory_space<hbm>>
        %dma_start3A_227 = tpu.memref_squeeze %dma_start3A_226 : memref<1x1x16x128xi32, #tpu.memory_space<hbm>> -> memref<16x128xi32, #tpu.memory_space<hbm>>
        %dma_start3A_228 = arith.constant 0 : i32
        %dma_start3A_229 = tpu.memref_slice %arg3[%run_scoped3A, %arg1, %mul3A_196, %dma_start3A_228] : memref<4x16x160x128xi32, #tpu.memory_space<hbm>> -> memref<1x1x16x128xi32, #tpu.memory_space<hbm>>
        %dma_start3A_230 = tpu.memref_squeeze %dma_start3A_229 : memref<1x1x16x128xi32, #tpu.memory_space<hbm>> -> memref<16x128xi32, #tpu.memory_space<hbm>>
        tpu.enqueue_dma source(%dma_start3A_230 : memref<16x128xi32, #tpu.memory_space<hbm>>) target(%arg9 : memref<16x128xi32, #tpu.memory_space<vmem>>) target_semaphore(%run_scoped3A_224 : memref<!tpu.dma_semaphore, #tpu.memory_space<semaphore_mem>>)
        %dma_wait3A = arith.constant 0 : i32
        %dma_wait3A_231 = tpu.memref_slice %arg3[%run_scoped3A, %arg1, %mul3A_196, %dma_wait3A] : memref<4x16x160x128xi32, #tpu.memory_space<hbm>> -> memref<1x1x16x128xi32, #tpu.memory_space<hbm>>
        %dma_wait3A_232 = tpu.memref_squeeze %dma_wait3A_231 : memref<1x1x16x128xi32, #tpu.memory_space<hbm>> -> memref<16x128xi32, #tpu.memory_space<hbm>>
        %dma_wait3A_233 = arith.constant 0 : i32
        %dma_wait3A_234 = tpu.memref_slice %arg3[%run_scoped3A, %arg1, %mul3A_196, %dma_wait3A_233] : memref<4x16x160x128xi32, #tpu.memory_space<hbm>> -> memref<1x1x16x128xi32, #tpu.memory_space<hbm>>
        %dma_wait3A_235 = tpu.memref_squeeze %dma_wait3A_234 : memref<1x1x16x128xi32, #tpu.memory_space<hbm>> -> memref<16x128xi32, #tpu.memory_space<hbm>>
        tpu.wait_dma2 semaphore(%run_scoped3A_224 : memref<!tpu.dma_semaphore, #tpu.memory_space<semaphore_mem>>) src(%dma_wait3A_235 : memref<16x128xi32, #tpu.memory_space<hbm>>) dst(%arg9 : memref<16x128xi32, #tpu.memory_space<vmem>>)
        tpu.yield
      }) : () -> ()
      %mul3A_197 = arith.constant 16 : i32
      %mul3A_198 = arith.muli %scan3A_193, %mul3A_197 : i32
      %run_scoped3A_199 = arith.constant 2 : i32
      "tpu.region"() ({
        %run_scoped3A_224 = tpu.sem_alloc : memref<!tpu.dma_semaphore, #tpu.memory_space<semaphore_mem>>
        %dma_start3A_225 = arith.constant 0 : i32
        %dma_start3A_226 = tpu.memref_slice %arg4[%run_scoped3A_199, %arg1, %mul3A_198, %dma_start3A_225] : memref<4x16x160x128xi32, #tpu.memory_space<hbm>> -> memref<1x1x16x128xi32, #tpu.memory_space<hbm>>
        %dma_start3A_227 = tpu.memref_squeeze %dma_start3A_226 : memref<1x1x16x128xi32, #tpu.memory_space<hbm>> -> memref<16x128xi32, #tpu.memory_space<hbm>>
        %dma_start3A_228 = arith.constant 0 : i32
        %dma_start3A_229 = tpu.memref_slice %arg4[%run_scoped3A_199, %arg1, %mul3A_198, %dma_start3A_228] : memref<4x16x160x128xi32, #tpu.memory_space<hbm>> -> memref<1x1x16x128xi32, #tpu.memory_space<hbm>>
        %dma_start3A_230 = tpu.memref_squeeze %dma_start3A_229 : memref<1x1x16x128xi32, #tpu.memory_space<hbm>> -> memref<16x128xi32, #tpu.memory_space<hbm>>
        tpu.enqueue_dma source(%dma_start3A_230 : memref<16x128xi32, #tpu.memory_space<hbm>>) target(%arg10 : memref<16x128xi32, #tpu.memory_space<vmem>>) target_semaphore(%run_scoped3A_224 : memref<!tpu.dma_semaphore, #tpu.memory_space<semaphore_mem>>)
        %dma_wait3A = arith.constant 0 : i32
        %dma_wait3A_231 = tpu.memref_slice %arg4[%run_scoped3A_199, %arg1, %mul3A_198, %dma_wait3A] : memref<4x16x160x128xi32, #tpu.memory_space<hbm>> -> memref<1x1x16x128xi32, #tpu.memory_space<hbm>>
        %dma_wait3A_232 = tpu.memref_squeeze %dma_wait3A_231 : memref<1x1x16x128xi32, #tpu.memory_space<hbm>> -> memref<16x128xi32, #tpu.memory_space<hbm>>
        %dma_wait3A_233 = arith.constant 0 : i32
        %dma_wait3A_234 = tpu.memref_slice %arg4[%run_scoped3A_199, %arg1, %mul3A_198, %dma_wait3A_233] : memref<4x16x160x128xi32, #tpu.memory_space<hbm>> -> memref<1x1x16x128xi32, #tpu.memory_space<hbm>>
        %dma_wait3A_235 = tpu.memref_squeeze %dma_wait3A_234 : memref<1x1x16x128xi32, #tpu.memory_space<hbm>> -> memref<16x128xi32, #tpu.memory_space<hbm>>
        tpu.wait_dma2 semaphore(%run_scoped3A_224 : memref<!tpu.dma_semaphore, #tpu.memory_space<semaphore_mem>>) src(%dma_wait3A_235 : memref<16x128xi32, #tpu.memory_space<hbm>>) dst(%arg10 : memref<16x128xi32, #tpu.memory_space<vmem>>)
        tpu.yield
      }) : () -> ()
      %mul3A_200 = arith.constant 16 : i32
      %mul3A_201 = arith.muli %scan3A_193, %mul3A_200 : i32
      %run_scoped3A_202 = arith.constant 2 : i32
      "tpu.region"() ({
        %run_scoped3A_224 = tpu.sem_alloc : memref<!tpu.dma_semaphore, #tpu.memory_space<semaphore_mem>>
        %dma_start3A_225 = arith.constant 0 : i32
        %dma_start3A_226 = tpu.memref_slice %arg5[%run_scoped3A_202, %arg1, %mul3A_201, %dma_start3A_225] : memref<4x16x160x128xf32, #tpu.memory_space<hbm>> -> memref<1x1x16x128xf32, #tpu.memory_space<hbm>>
        %dma_start3A_227 = tpu.memref_squeeze %dma_start3A_226 : memref<1x1x16x128xf32, #tpu.memory_space<hbm>> -> memref<16x128xf32, #tpu.memory_space<hbm>>
        %dma_start3A_228 = arith.constant 0 : i32
        %dma_start3A_229 = tpu.memref_slice %arg5[%run_scoped3A_202, %arg1, %mul3A_201, %dma_start3A_228] : memref<4x16x160x128xf32, #tpu.memory_space<hbm>> -> memref<1x1x16x128xf32, #tpu.memory_space<hbm>>
        %dma_start3A_230 = tpu.memref_squeeze %dma_start3A_229 : memref<1x1x16x128xf32, #tpu.memory_space<hbm>> -> memref<16x128xf32, #tpu.memory_space<hbm>>
        tpu.enqueue_dma source(%dma_start3A_230 : memref<16x128xf32, #tpu.memory_space<hbm>>) target(%arg11 : memref<16x128xf32, #tpu.memory_space<vmem>>) target_semaphore(%run_scoped3A_224 : memref<!tpu.dma_semaphore, #tpu.memory_space<semaphore_mem>>)
        %dma_wait3A = arith.constant 0 : i32
        %dma_wait3A_231 = tpu.memref_slice %arg5[%run_scoped3A_202, %arg1, %mul3A_201, %dma_wait3A] : memref<4x16x160x128xf32, #tpu.memory_space<hbm>> -> memref<1x1x16x128xf32, #tpu.memory_space<hbm>>
        %dma_wait3A_232 = tpu.memref_squeeze %dma_wait3A_231 : memref<1x1x16x128xf32, #tpu.memory_space<hbm>> -> memref<16x128xf32, #tpu.memory_space<hbm>>
        %dma_wait3A_233 = arith.constant 0 : i32
        %dma_wait3A_234 = tpu.memref_slice %arg5[%run_scoped3A_202, %arg1, %mul3A_201, %dma_wait3A_233] : memref<4x16x160x128xf32, #tpu.memory_space<hbm>> -> memref<1x1x16x128xf32, #tpu.memory_space<hbm>>
        %dma_wait3A_235 = tpu.memref_squeeze %dma_wait3A_234 : memref<1x1x16x128xf32, #tpu.memory_space<hbm>> -> memref<16x128xf32, #tpu.memory_space<hbm>>
        tpu.wait_dma2 semaphore(%run_scoped3A_224 : memref<!tpu.dma_semaphore, #tpu.memory_space<semaphore_mem>>) src(%dma_wait3A_235 : memref<16x128xf32, #tpu.memory_space<hbm>>) dst(%arg11 : memref<16x128xf32, #tpu.memory_space<vmem>>)
        tpu.yield
      }) : () -> ()
      %scan3A_203 = arith.constant 0 : i32
      %scan3A_204 = arith.constant 0 : i32
      %scan3A_205 = arith.constant 16 : i32
      %scan3A_206 = arith.addi %scan3A_204, %scan3A_205 : i32
      %scan3A_207 = arith.constant 1 : i32
      %scan3A_208 = scf.for %scan3A_224 = %scan3A_204 to %scan3A_206 step %scan3A_207 iter_args(%scan3A_225 = %scan3A_203) -> (i32)  : i32 {
        %get3A = arith.index_cast %scan3A_224 : i32 to index
        %get3A_226 = arith.constant 0 : index
        %get3A_227 = tpu.vector_load %arg9[%get3A, %get3A_226] {strides = array<i32>} : memref<16x128xi32, #tpu.memory_space<vmem>>, vector<1x16xi32>,
        %get3A_228 = vector.shape_cast %get3A_227 : vector<1x16xi32> to vector<16xi32>
        %add3A_229 = arith.addi %get3A_228, %add3A_150 : vector<16xi32>
        %swap3A = arith.index_cast %scan3A_224 : i32 to index
        %swap3A_230 = arith.constant 0 : index
        %swap3A_231 = tpu.vector_load %arg9[%swap3A, %swap3A_230] {strides = array<i32>} : memref<16x128xi32, #tpu.memory_space<vmem>>, vector<1x16xi32>,
        %swap3A_232 = vector.shape_cast %swap3A_231 : vector<1x16xi32> to vector<16xi32>
        %swap3A_233 = vector.shape_cast %add3A_229 : vector<16xi32> to vector<1x16xi32>
        tpu.vector_store %arg9[%swap3A, %swap3A_230], %swap3A_233 {strides = array<i32>} : memref<16x128xi32, #tpu.memory_space<vmem>>, vector<1x16xi32>,
        %get3A_234 = arith.index_cast %scan3A_224 : i32 to index
        %get3A_235 = arith.constant 16 : index
        %get3A_236 = tpu.vector_load %arg9[%get3A_234, %get3A_235] {strides = array<i32>} : memref<16x128xi32, #tpu.memory_space<vmem>>, vector<1x16xi32>,
        %get3A_237 = vector.shape_cast %get3A_236 : vector<1x16xi32> to vector<16xi32>
        %add3A_238 = arith.addi %get3A_237, %add3A_150 : vector<16xi32>
        %swap3A_239 = arith.index_cast %scan3A_224 : i32 to index
        %swap3A_240 = arith.constant 16 : index
        %swap3A_241 = tpu.vector_load %arg9[%swap3A_239, %swap3A_240] {strides = array<i32>} : memref<16x128xi32, #tpu.memory_space<vmem>>, vector<1x16xi32>,
        %swap3A_242 = vector.shape_cast %swap3A_241 : vector<1x16xi32> to vector<16xi32>
        %swap3A_243 = vector.shape_cast %add3A_238 : vector<16xi32> to vector<1x16xi32>
        tpu.vector_store %arg9[%swap3A_239, %swap3A_240], %swap3A_243 {strides = array<i32>} : memref<16x128xi32, #tpu.memory_space<vmem>>, vector<1x16xi32>,
        %get3A_244 = arith.index_cast %scan3A_224 : i32 to index
        %get3A_245 = arith.constant 32 : index
        %get3A_246 = tpu.vector_load %arg9[%get3A_244, %get3A_245] {strides = array<i32>} : memref<16x128xi32, #tpu.memory_space<vmem>>, vector<1x16xi32>,
        %get3A_247 = vector.shape_cast %get3A_246 : vector<1x16xi32> to vector<16xi32>
        %add3A_248 = arith.addi %get3A_247, %add3A_150 : vector<16xi32>
        %swap3A_249 = arith.index_cast %scan3A_224 : i32 to index
        %swap3A_250 = arith.constant 32 : index
        %swap3A_251 = tpu.vector_load %arg9[%swap3A_249, %swap3A_250] {strides = array<i32>} : memref<16x128xi32, #tpu.memory_space<vmem>>, vector<1x16xi32>,
        %swap3A_252 = vector.shape_cast %swap3A_251 : vector<1x16xi32> to vector<16xi32>
        %swap3A_253 = vector.shape_cast %add3A_248 : vector<16xi32> to vector<1x16xi32>
        tpu.vector_store %arg9[%swap3A_249, %swap3A_250], %swap3A_253 {strides = array<i32>} : memref<16x128xi32, #tpu.memory_space<vmem>>, vector<1x16xi32>,
        %get3A_254 = arith.index_cast %scan3A_224 : i32 to index
        %get3A_255 = arith.constant 48 : index
        %get3A_256 = tpu.vector_load %arg9[%get3A_254, %get3A_255] {strides = array<i32>} : memref<16x128xi32, #tpu.memory_space<vmem>>, vector<1x16xi32>,
        %get3A_257 = vector.shape_cast %get3A_256 : vector<1x16xi32> to vector<16xi32>
        %add3A_258 = arith.addi %get3A_257, %add3A_150 : vector<16xi32>
        %swap3A_259 = arith.index_cast %scan3A_224 : i32 to index
        %swap3A_260 = arith.constant 48 : index
        %swap3A_261 = tpu.vector_load %arg9[%swap3A_259, %swap3A_260] {strides = array<i32>} : memref<16x128xi32, #tpu.memory_space<vmem>>, vector<1x16xi32>,
        %swap3A_262 = vector.shape_cast %swap3A_261 : vector<1x16xi32> to vector<16xi32>
        %swap3A_263 = vector.shape_cast %add3A_258 : vector<16xi32> to vector<1x16xi32>
        tpu.vector_store %arg9[%swap3A_259, %swap3A_260], %swap3A_263 {strides = array<i32>} : memref<16x128xi32, #tpu.memory_space<vmem>>, vector<1x16xi32>,
        %get3A_264 = arith.index_cast %scan3A_224 : i32 to index
        %get3A_265 = arith.constant 64 : index
        %get3A_266 = tpu.vector_load %arg9[%get3A_264, %get3A_265] {strides = array<i32>} : memref<16x128xi32, #tpu.memory_space<vmem>>, vector<1x16xi32>,
        %get3A_267 = vector.shape_cast %get3A_266 : vector<1x16xi32> to vector<16xi32>
        %add3A_268 = arith.addi %get3A_267, %add3A_150 : vector<16xi32>
        %swap3A_269 = arith.index_cast %scan3A_224 : i32 to index
        %swap3A_270 = arith.constant 64 : index
        %swap3A_271 = tpu.vector_load %arg9[%swap3A_269, %swap3A_270] {strides = array<i32>} : memref<16x128xi32, #tpu.memory_space<vmem>>, vector<1x16xi32>,
        %swap3A_272 = vector.shape_cast %swap3A_271 : vector<1x16xi32> to vector<16xi32>
        %swap3A_273 = vector.shape_cast %add3A_268 : vector<16xi32> to vector<1x16xi32>
        tpu.vector_store %arg9[%swap3A_269, %swap3A_270], %swap3A_273 {strides = array<i32>} : memref<16x128xi32, #tpu.memory_space<vmem>>, vector<1x16xi32>,
        %get3A_274 = arith.index_cast %scan3A_224 : i32 to index
        %get3A_275 = arith.constant 80 : index
        %get3A_276 = tpu.vector_load %arg9[%get3A_274, %get3A_275] {strides = array<i32>} : memref<16x128xi32, #tpu.memory_space<vmem>>, vector<1x16xi32>,
        %get3A_277 = vector.shape_cast %get3A_276 : vector<1x16xi32> to vector<16xi32>
        %add3A_278 = arith.addi %get3A_277, %add3A_150 : vector<16xi32>
        %swap3A_279 = arith.index_cast %scan3A_224 : i32 to index
        %swap3A_280 = arith.constant 80 : index
        %swap3A_281 = tpu.vector_load %arg9[%swap3A_279, %swap3A_280] {strides = array<i32>} : memref<16x128xi32, #tpu.memory_space<vmem>>, vector<1x16xi32>,
        %swap3A_282 = vector.shape_cast %swap3A_281 : vector<1x16xi32> to vector<16xi32>
        %swap3A_283 = vector.shape_cast %add3A_278 : vector<16xi32> to vector<1x16xi32>
        tpu.vector_store %arg9[%swap3A_279, %swap3A_280], %swap3A_283 {strides = array<i32>} : memref<16x128xi32, #tpu.memory_space<vmem>>, vector<1x16xi32>,
        %get3A_284 = arith.index_cast %scan3A_224 : i32 to index
        %get3A_285 = arith.constant 96 : index
        %get3A_286 = tpu.vector_load %arg9[%get3A_284, %get3A_285] {strides = array<i32>} : memref<16x128xi32, #tpu.memory_space<vmem>>, vector<1x16xi32>,
        %get3A_287 = vector.shape_cast %get3A_286 : vector<1x16xi32> to vector<16xi32>
        %add3A_288 = arith.addi %get3A_287, %add3A_150 : vector<16xi32>
        %swap3A_289 = arith.index_cast %scan3A_224 : i32 to index
        %swap3A_290 = arith.constant 96 : index
        %swap3A_291 = tpu.vector_load %arg9[%swap3A_289, %swap3A_290] {strides = array<i32>} : memref<16x128xi32, #tpu.memory_space<vmem>>, vector<1x16xi32>,
        %swap3A_292 = vector.shape_cast %swap3A_291 : vector<1x16xi32> to vector<16xi32>
        %swap3A_293 = vector.shape_cast %add3A_288 : vector<16xi32> to vector<1x16xi32>
        tpu.vector_store %arg9[%swap3A_289, %swap3A_290], %swap3A_293 {strides = array<i32>} : memref<16x128xi32, #tpu.memory_space<vmem>>, vector<1x16xi32>,
        %get3A_294 = arith.index_cast %scan3A_224 : i32 to index
        %get3A_295 = arith.constant 112 : index
        %get3A_296 = tpu.vector_load %arg9[%get3A_294, %get3A_295] {strides = array<i32>} : memref<16x128xi32, #tpu.memory_space<vmem>>, vector<1x16xi32>,
        %get3A_297 = vector.shape_cast %get3A_296 : vector<1x16xi32> to vector<16xi32>
        %add3A_298 = arith.addi %get3A_297, %add3A_150 : vector<16xi32>
        %swap3A_299 = arith.index_cast %scan3A_224 : i32 to index
        %swap3A_300 = arith.constant 112 : index
        %swap3A_301 = tpu.vector_load %arg9[%swap3A_299, %swap3A_300] {strides = array<i32>} : memref<16x128xi32, #tpu.memory_space<vmem>>, vector<1x16xi32>,
        %swap3A_302 = vector.shape_cast %swap3A_301 : vector<1x16xi32> to vector<16xi32>
        %swap3A_303 = vector.shape_cast %add3A_298 : vector<16xi32> to vector<1x16xi32>
        tpu.vector_store %arg9[%swap3A_299, %swap3A_300], %swap3A_303 {strides = array<i32>} : memref<16x128xi32, #tpu.memory_space<vmem>>, vector<1x16xi32>,
        %scan3A_304 = arith.constant 0 : i32
        scf.yield %scan3A_304 : i32
      }
      %scan3A_209 = arith.constant 16 : i32
      %dma_start3A = arith.constant 0 : i32
      %dma_start3A_210 = arith.constant 0 : i32
      %dma_start3A_211 = tpu.memref_slice %arg9[%dma_start3A, %dma_start3A_210] : memref<16x128xi32, #tpu.memory_space<vmem>> -> memref<1x128xi32, #tpu.memory_space<vmem>>
      %dma_start3A_212 = tpu.memref_squeeze %dma_start3A_211 : memref<1x128xi32, #tpu.memory_space<vmem>> -> memref<128xi32, #tpu.memory_space<vmem>>
      %dma_start3A_213 = arith.constant 0 : i32
      %dma_start3A_214 = arith.constant 0 : i32
      %dma_start3A_215 = tpu.memref_slice %arg2[%dma_start3A_213, %dma_start3A_214] : memref<160000x128xf32, #tpu.memory_space<hbm>> -> memref<160000x128xf32, #tpu.memory_space<hbm>>
      tpu.enqueue_indirect_dma source(%dma_start3A_215 : memref<160000x128xf32, #tpu.memory_space<hbm>>) target(%arg12 : memref<128x128xf32, #tpu.memory_space<vmem>>) offsets(%dma_start3A_212 : memref<128xi32, #tpu.memory_space<vmem>>) semaphore(%arg14 : memref<!tpu.dma_semaphore, #tpu.memory_space<semaphore_mem>>)
      %scan3A_216 = arith.constant 0 : i32
      %scan3A_217 = arith.constant 0 : i32
      %scan3A_218 = arith.constant 8 : i32
      %scan3A_219 = arith.addi %scan3A_217, %scan3A_218 : i32
      %scan3A_220 = arith.constant 1 : i32
      %scan3A_221 = scf.for %scan3A_224 = %scan3A_217 to %scan3A_219 step %scan3A_220 iter_args(%scan3A_225 = %scan3A_216) -> (i32)  : i32 {
        %mul3A_226 = arith.constant 2 : i32
        %mul3A_227 = arith.muli %mul3A_226, %scan3A_224 : i32
        %add3A_228 = arith.constant 1 : i32
        %add3A_229 = arith.addi %mul3A_227, %add3A_228 : i32
        %dma_start3A_230 = arith.constant 0 : i32
        %dma_start3A_231 = tpu.memref_slice %arg9[%add3A_229, %dma_start3A_230] : memref<16x128xi32, #tpu.memory_space<vmem>> -> memref<1x128xi32, #tpu.memory_space<vmem>>
        %dma_start3A_232 = tpu.memref_squeeze %dma_start3A_231 : memref<1x128xi32, #tpu.memory_space<vmem>> -> memref<128xi32, #tpu.memory_space<vmem>>
        %dma_start3A_233 = arith.constant 0 : i32
        %dma_start3A_234 = arith.constant 0 : i32
        %dma_start3A_235 = tpu.memref_slice %arg2[%dma_start3A_233, %dma_start3A_234] : memref<160000x128xf32, #tpu.memory_space<hbm>> -> memref<160000x128xf32, #tpu.memory_space<hbm>>
        tpu.enqueue_indirect_dma source(%dma_start3A_235 : memref<160000x128xf32, #tpu.memory_space<hbm>>) target(%arg13 : memref<128x128xf32, #tpu.memory_space<vmem>>) offsets(%dma_start3A_232 : memref<128xi32, #tpu.memory_space<vmem>>) semaphore(%arg15 : memref<!tpu.dma_semaphore, #tpu.memory_space<semaphore_mem>>)
        %dma_wait3A = arith.constant 0 : i32
        %dma_wait3A_236 = tpu.memref_slice %arg9[%mul3A_227, %dma_wait3A] : memref<16x128xi32, #tpu.memory_space<vmem>> -> memref<1x128xi32, #tpu.memory_space<vmem>>
        %dma_wait3A_237 = tpu.memref_squeeze %dma_wait3A_236 : memref<1x128xi32, #tpu.memory_space<vmem>> -> memref<128xi32, #tpu.memory_space<vmem>>
        %dma_wait3A_238 = arith.constant 0 : i32
        %dma_wait3A_239 = arith.constant 0 : i32
        %dma_wait3A_240 = tpu.memref_slice %arg2[%dma_wait3A_238, %dma_wait3A_239] : memref<160000x128xf32, #tpu.memory_space<hbm>> -> memref<160000x128xf32, #tpu.memory_space<hbm>>
        tpu.wait_indirect_dma semaphore(%arg14 : memref<!tpu.dma_semaphore, #tpu.memory_space<semaphore_mem>>) src(%dma_wait3A_240 : memref<160000x128xf32, #tpu.memory_space<hbm>>) dst(%arg12 : memref<128x128xf32, #tpu.memory_space<vmem>>)
        %lt3A = arith.constant 7 : i32
        %lt3A_241 = arith.cmpi slt, %scan3A_224, %lt3A : i32
        %convert_element_type3A = arith.extui %lt3A_241 : i1 to i32
        %cond3A = arith.constant 0 : i32
        %cond3A_242 = arith.cmpi ne, %convert_element_type3A, %cond3A : i32
        scf.if %cond3A_242 {
          %add3A_250 = arith.constant 2 : i32
          %add3A_251 = arith.addi %mul3A_227, %add3A_250 : i32
          %dma_start3A_252 = arith.constant 0 : i32
          %dma_start3A_253 = tpu.memref_slice %arg9[%add3A_251, %dma_start3A_252] : memref<16x128xi32, #tpu.memory_space<vmem>> -> memref<1x128xi32, #tpu.memory_space<vmem>>
          %dma_start3A_254 = tpu.memref_squeeze %dma_start3A_253 : memref<1x128xi32, #tpu.memory_space<vmem>> -> memref<128xi32, #tpu.memory_space<vmem>>
          %dma_start3A_255 = arith.constant 0 : i32
          %dma_start3A_256 = arith.constant 0 : i32
          %dma_start3A_257 = tpu.memref_slice %arg2[%dma_start3A_255, %dma_start3A_256] : memref<160000x128xf32, #tpu.memory_space<hbm>> -> memref<160000x128xf32, #tpu.memory_space<hbm>>
          tpu.enqueue_indirect_dma source(%dma_start3A_257 : memref<160000x128xf32, #tpu.memory_space<hbm>>) target(%arg12 : memref<128x128xf32, #tpu.memory_space<vmem>>) offsets(%dma_start3A_254 : memref<128xi32, #tpu.memory_space<vmem>>) semaphore(%arg14 : memref<!tpu.dma_semaphore, #tpu.memory_space<semaphore_mem>>)
        } else {
        }
        %dma_wait3A_243 = arith.constant 0 : i32
        %dma_wait3A_244 = tpu.memref_slice %arg9[%add3A_229, %dma_wait3A_243] : memref<16x128xi32, #tpu.memory_space<vmem>> -> memref<1x128xi32, #tpu.memory_space<vmem>>
        %dma_wait3A_245 = tpu.memref_squeeze %dma_wait3A_244 : memref<1x128xi32, #tpu.memory_space<vmem>> -> memref<128xi32, #tpu.memory_space<vmem>>
        %dma_wait3A_246 = arith.constant 0 : i32
        %dma_wait3A_247 = arith.constant 0 : i32
        %dma_wait3A_248 = tpu.memref_slice %arg2[%dma_wait3A_246, %dma_wait3A_247] : memref<160000x128xf32, #tpu.memory_space<hbm>> -> memref<160000x128xf32, #tpu.memory_space<hbm>>
        tpu.wait_indirect_dma semaphore(%arg15 : memref<!tpu.dma_semaphore, #tpu.memory_space<semaphore_mem>>) src(%dma_wait3A_248 : memref<160000x128xf32, #tpu.memory_space<hbm>>) dst(%arg13 : memref<128x128xf32, #tpu.memory_space<vmem>>)
        %scan3A_249 = arith.constant 0 : i32
        scf.yield %scan3A_249 : i32
      }
      %scan3A_222 = arith.constant 8 : i32
      %scan3A_223 = arith.constant 0 : i32
      scf.yield %scan3A_223 : i32
    }
    %scan3A_157 = arith.constant 10 : i32
    %broadcast_in_dim3A_158 = arith.constant 120000 : i32
    %broadcast_in_dim3A_159 = vector.broadcast %broadcast_in_dim3A_158 : i32 to vector<16xi32>
    %mul3A_160 = arith.constant 10000 : i32
    %mul3A_161 = arith.muli %add3A_97, %mul3A_160 : i32
    %add3A_162 = vector.broadcast %mul3A_161 : i32 to vector<16xi32>
    %add3A_163 = arith.addi %broadcast_in_dim3A_159, %add3A_162 : vector<16xi32>
    %scan3A_164 = arith.constant 0 : i32
    %scan3A_165 = arith.constant 0 : i32
    %scan3A_166 = arith.constant 10 : i32
    %scan3A_167 = arith.addi %scan3A_165, %scan3A_166 : i32
    %scan3A_168 = arith.constant 1 : i32
    %scan3A_169 = scf.for %scan3A_193 = %scan3A_165 to %scan3A_167 step %scan3A_168 iter_args(%scan3A_194 = %scan3A_164) -> (i32)  : i32 {
      %mul3A_195 = arith.constant 16 : i32
      %mul3A_196 = arith.muli %scan3A_193, %mul3A_195 : i32
      %run_scoped3A = arith.constant 3 : i32
      "tpu.region"() ({
        %run_scoped3A_224 = tpu.sem_alloc : memref<!tpu.dma_semaphore, #tpu.memory_space<semaphore_mem>>
        %dma_start3A_225 = arith.constant 0 : i32
        %dma_start3A_226 = tpu.memref_slice %arg3[%run_scoped3A, %arg1, %mul3A_196, %dma_start3A_225] : memref<4x16x160x128xi32, #tpu.memory_space<hbm>> -> memref<1x1x16x128xi32, #tpu.memory_space<hbm>>
        %dma_start3A_227 = tpu.memref_squeeze %dma_start3A_226 : memref<1x1x16x128xi32, #tpu.memory_space<hbm>> -> memref<16x128xi32, #tpu.memory_space<hbm>>
        %dma_start3A_228 = arith.constant 0 : i32
        %dma_start3A_229 = tpu.memref_slice %arg3[%run_scoped3A, %arg1, %mul3A_196, %dma_start3A_228] : memref<4x16x160x128xi32, #tpu.memory_space<hbm>> -> memref<1x1x16x128xi32, #tpu.memory_space<hbm>>
        %dma_start3A_230 = tpu.memref_squeeze %dma_start3A_229 : memref<1x1x16x128xi32, #tpu.memory_space<hbm>> -> memref<16x128xi32, #tpu.memory_space<hbm>>
        tpu.enqueue_dma source(%dma_start3A_230 : memref<16x128xi32, #tpu.memory_space<hbm>>) target(%arg9 : memref<16x128xi32, #tpu.memory_space<vmem>>) target_semaphore(%run_scoped3A_224 : memref<!tpu.dma_semaphore, #tpu.memory_space<semaphore_mem>>)
        %dma_wait3A = arith.constant 0 : i32
        %dma_wait3A_231 = tpu.memref_slice %arg3[%run_scoped3A, %arg1, %mul3A_196, %dma_wait3A] : memref<4x16x160x128xi32, #tpu.memory_space<hbm>> -> memref<1x1x16x128xi32, #tpu.memory_space<hbm>>
        %dma_wait3A_232 = tpu.memref_squeeze %dma_wait3A_231 : memref<1x1x16x128xi32, #tpu.memory_space<hbm>> -> memref<16x128xi32, #tpu.memory_space<hbm>>
        %dma_wait3A_233 = arith.constant 0 : i32
        %dma_wait3A_234 = tpu.memref_slice %arg3[%run_scoped3A, %arg1, %mul3A_196, %dma_wait3A_233] : memref<4x16x160x128xi32, #tpu.memory_space<hbm>> -> memref<1x1x16x128xi32, #tpu.memory_space<hbm>>
        %dma_wait3A_235 = tpu.memref_squeeze %dma_wait3A_234 : memref<1x1x16x128xi32, #tpu.memory_space<hbm>> -> memref<16x128xi32, #tpu.memory_space<hbm>>
        tpu.wait_dma2 semaphore(%run_scoped3A_224 : memref<!tpu.dma_semaphore, #tpu.memory_space<semaphore_mem>>) src(%dma_wait3A_235 : memref<16x128xi32, #tpu.memory_space<hbm>>) dst(%arg9 : memref<16x128xi32, #tpu.memory_space<vmem>>)
        tpu.yield
      }) : () -> ()
      %mul3A_197 = arith.constant 16 : i32
      %mul3A_198 = arith.muli %scan3A_193, %mul3A_197 : i32
      %run_scoped3A_199 = arith.constant 3 : i32
      "tpu.region"() ({
        %run_scoped3A_224 = tpu.sem_alloc : memref<!tpu.dma_semaphore, #tpu.memory_space<semaphore_mem>>
        %dma_start3A_225 = arith.constant 0 : i32
        %dma_start3A_226 = tpu.memref_slice %arg4[%run_scoped3A_199, %arg1, %mul3A_198, %dma_start3A_225] : memref<4x16x160x128xi32, #tpu.memory_space<hbm>> -> memref<1x1x16x128xi32, #tpu.memory_space<hbm>>
        %dma_start3A_227 = tpu.memref_squeeze %dma_start3A_226 : memref<1x1x16x128xi32, #tpu.memory_space<hbm>> -> memref<16x128xi32, #tpu.memory_space<hbm>>
        %dma_start3A_228 = arith.constant 0 : i32
        %dma_start3A_229 = tpu.memref_slice %arg4[%run_scoped3A_199, %arg1, %mul3A_198, %dma_start3A_228] : memref<4x16x160x128xi32, #tpu.memory_space<hbm>> -> memref<1x1x16x128xi32, #tpu.memory_space<hbm>>
        %dma_start3A_230 = tpu.memref_squeeze %dma_start3A_229 : memref<1x1x16x128xi32, #tpu.memory_space<hbm>> -> memref<16x128xi32, #tpu.memory_space<hbm>>
        tpu.enqueue_dma source(%dma_start3A_230 : memref<16x128xi32, #tpu.memory_space<hbm>>) target(%arg10 : memref<16x128xi32, #tpu.memory_space<vmem>>) target_semaphore(%run_scoped3A_224 : memref<!tpu.dma_semaphore, #tpu.memory_space<semaphore_mem>>)
        %dma_wait3A = arith.constant 0 : i32
        %dma_wait3A_231 = tpu.memref_slice %arg4[%run_scoped3A_199, %arg1, %mul3A_198, %dma_wait3A] : memref<4x16x160x128xi32, #tpu.memory_space<hbm>> -> memref<1x1x16x128xi32, #tpu.memory_space<hbm>>
        %dma_wait3A_232 = tpu.memref_squeeze %dma_wait3A_231 : memref<1x1x16x128xi32, #tpu.memory_space<hbm>> -> memref<16x128xi32, #tpu.memory_space<hbm>>
        %dma_wait3A_233 = arith.constant 0 : i32
        %dma_wait3A_234 = tpu.memref_slice %arg4[%run_scoped3A_199, %arg1, %mul3A_198, %dma_wait3A_233] : memref<4x16x160x128xi32, #tpu.memory_space<hbm>> -> memref<1x1x16x128xi32, #tpu.memory_space<hbm>>
        %dma_wait3A_235 = tpu.memref_squeeze %dma_wait3A_234 : memref<1x1x16x128xi32, #tpu.memory_space<hbm>> -> memref<16x128xi32, #tpu.memory_space<hbm>>
        tpu.wait_dma2 semaphore(%run_scoped3A_224 : memref<!tpu.dma_semaphore, #tpu.memory_space<semaphore_mem>>) src(%dma_wait3A_235 : memref<16x128xi32, #tpu.memory_space<hbm>>) dst(%arg10 : memref<16x128xi32, #tpu.memory_space<vmem>>)
        tpu.yield
      }) : () -> ()
      %mul3A_200 = arith.constant 16 : i32
      %mul3A_201 = arith.muli %scan3A_193, %mul3A_200 : i32
      %run_scoped3A_202 = arith.constant 3 : i32
      "tpu.region"() ({
        %run_scoped3A_224 = tpu.sem_alloc : memref<!tpu.dma_semaphore, #tpu.memory_space<semaphore_mem>>
        %dma_start3A_225 = arith.constant 0 : i32
        %dma_start3A_226 = tpu.memref_slice %arg5[%run_scoped3A_202, %arg1, %mul3A_201, %dma_start3A_225] : memref<4x16x160x128xf32, #tpu.memory_space<hbm>> -> memref<1x1x16x128xf32, #tpu.memory_space<hbm>>
        %dma_start3A_227 = tpu.memref_squeeze %dma_start3A_226 : memref<1x1x16x128xf32, #tpu.memory_space<hbm>> -> memref<16x128xf32, #tpu.memory_space<hbm>>
        %dma_start3A_228 = arith.constant 0 : i32
        %dma_start3A_229 = tpu.memref_slice %arg5[%run_scoped3A_202, %arg1, %mul3A_201, %dma_start3A_228] : memref<4x16x160x128xf32, #tpu.memory_space<hbm>> -> memref<1x1x16x128xf32, #tpu.memory_space<hbm>>
        %dma_start3A_230 = tpu.memref_squeeze %dma_start3A_229 : memref<1x1x16x128xf32, #tpu.memory_space<hbm>> -> memref<16x128xf32, #tpu.memory_space<hbm>>
        tpu.enqueue_dma source(%dma_start3A_230 : memref<16x128xf32, #tpu.memory_space<hbm>>) target(%arg11 : memref<16x128xf32, #tpu.memory_space<vmem>>) target_semaphore(%run_scoped3A_224 : memref<!tpu.dma_semaphore, #tpu.memory_space<semaphore_mem>>)
        %dma_wait3A = arith.constant 0 : i32
        %dma_wait3A_231 = tpu.memref_slice %arg5[%run_scoped3A_202, %arg1, %mul3A_201, %dma_wait3A] : memref<4x16x160x128xf32, #tpu.memory_space<hbm>> -> memref<1x1x16x128xf32, #tpu.memory_space<hbm>>
        %dma_wait3A_232 = tpu.memref_squeeze %dma_wait3A_231 : memref<1x1x16x128xf32, #tpu.memory_space<hbm>> -> memref<16x128xf32, #tpu.memory_space<hbm>>
        %dma_wait3A_233 = arith.constant 0 : i32
        %dma_wait3A_234 = tpu.memref_slice %arg5[%run_scoped3A_202, %arg1, %mul3A_201, %dma_wait3A_233] : memref<4x16x160x128xf32, #tpu.memory_space<hbm>> -> memref<1x1x16x128xf32, #tpu.memory_space<hbm>>
        %dma_wait3A_235 = tpu.memref_squeeze %dma_wait3A_234 : memref<1x1x16x128xf32, #tpu.memory_space<hbm>> -> memref<16x128xf32, #tpu.memory_space<hbm>>
        tpu.wait_dma2 semaphore(%run_scoped3A_224 : memref<!tpu.dma_semaphore, #tpu.memory_space<semaphore_mem>>) src(%dma_wait3A_235 : memref<16x128xf32, #tpu.memory_space<hbm>>) dst(%arg11 : memref<16x128xf32, #tpu.memory_space<vmem>>)
        tpu.yield
      }) : () -> ()
      %scan3A_203 = arith.constant 0 : i32
      %scan3A_204 = arith.constant 0 : i32
      %scan3A_205 = arith.constant 16 : i32
      %scan3A_206 = arith.addi %scan3A_204, %scan3A_205 : i32
      %scan3A_207 = arith.constant 1 : i32
      %scan3A_208 = scf.for %scan3A_224 = %scan3A_204 to %scan3A_206 step %scan3A_207 iter_args(%scan3A_225 = %scan3A_203) -> (i32)  : i32 {
        %get3A = arith.index_cast %scan3A_224 : i32 to index
        %get3A_226 = arith.constant 0 : index
        %get3A_227 = tpu.vector_load %arg9[%get3A, %get3A_226] {strides = array<i32>} : memref<16x128xi32, #tpu.memory_space<vmem>>, vector<1x16xi32>,
        %get3A_228 = vector.shape_cast %get3A_227 : vector<1x16xi32> to vector<16xi32>
        %add3A_229 = arith.addi %get3A_228, %add3A_163 : vector<16xi32>
        %swap3A = arith.index_cast %scan3A_224 : i32 to index
        %swap3A_230 = arith.constant 0 : index
        %swap3A_231 = tpu.vector_load %arg9[%swap3A, %swap3A_230] {strides = array<i32>} : memref<16x128xi32, #tpu.memory_space<vmem>>, vector<1x16xi32>,
        %swap3A_232 = vector.shape_cast %swap3A_231 : vector<1x16xi32> to vector<16xi32>
        %swap3A_233 = vector.shape_cast %add3A_229 : vector<16xi32> to vector<1x16xi32>
        tpu.vector_store %arg9[%swap3A, %swap3A_230], %swap3A_233 {strides = array<i32>} : memref<16x128xi32, #tpu.memory_space<vmem>>, vector<1x16xi32>,
        %get3A_234 = arith.index_cast %scan3A_224 : i32 to index
        %get3A_235 = arith.constant 16 : index
        %get3A_236 = tpu.vector_load %arg9[%get3A_234, %get3A_235] {strides = array<i32>} : memref<16x128xi32, #tpu.memory_space<vmem>>, vector<1x16xi32>,
        %get3A_237 = vector.shape_cast %get3A_236 : vector<1x16xi32> to vector<16xi32>
        %add3A_238 = arith.addi %get3A_237, %add3A_163 : vector<16xi32>
        %swap3A_239 = arith.index_cast %scan3A_224 : i32 to index
        %swap3A_240 = arith.constant 16 : index
        %swap3A_241 = tpu.vector_load %arg9[%swap3A_239, %swap3A_240] {strides = array<i32>} : memref<16x128xi32, #tpu.memory_space<vmem>>, vector<1x16xi32>,
        %swap3A_242 = vector.shape_cast %swap3A_241 : vector<1x16xi32> to vector<16xi32>
        %swap3A_243 = vector.shape_cast %add3A_238 : vector<16xi32> to vector<1x16xi32>
        tpu.vector_store %arg9[%swap3A_239, %swap3A_240], %swap3A_243 {strides = array<i32>} : memref<16x128xi32, #tpu.memory_space<vmem>>, vector<1x16xi32>,
        %get3A_244 = arith.index_cast %scan3A_224 : i32 to index
        %get3A_245 = arith.constant 32 : index
        %get3A_246 = tpu.vector_load %arg9[%get3A_244, %get3A_245] {strides = array<i32>} : memref<16x128xi32, #tpu.memory_space<vmem>>, vector<1x16xi32>,
        %get3A_247 = vector.shape_cast %get3A_246 : vector<1x16xi32> to vector<16xi32>
        %add3A_248 = arith.addi %get3A_247, %add3A_163 : vector<16xi32>
        %swap3A_249 = arith.index_cast %scan3A_224 : i32 to index
        %swap3A_250 = arith.constant 32 : index
        %swap3A_251 = tpu.vector_load %arg9[%swap3A_249, %swap3A_250] {strides = array<i32>} : memref<16x128xi32, #tpu.memory_space<vmem>>, vector<1x16xi32>,
        %swap3A_252 = vector.shape_cast %swap3A_251 : vector<1x16xi32> to vector<16xi32>
        %swap3A_253 = vector.shape_cast %add3A_248 : vector<16xi32> to vector<1x16xi32>
        tpu.vector_store %arg9[%swap3A_249, %swap3A_250], %swap3A_253 {strides = array<i32>} : memref<16x128xi32, #tpu.memory_space<vmem>>, vector<1x16xi32>,
        %get3A_254 = arith.index_cast %scan3A_224 : i32 to index
        %get3A_255 = arith.constant 48 : index
        %get3A_256 = tpu.vector_load %arg9[%get3A_254, %get3A_255] {strides = array<i32>} : memref<16x128xi32, #tpu.memory_space<vmem>>, vector<1x16xi32>,
        %get3A_257 = vector.shape_cast %get3A_256 : vector<1x16xi32> to vector<16xi32>
        %add3A_258 = arith.addi %get3A_257, %add3A_163 : vector<16xi32>
        %swap3A_259 = arith.index_cast %scan3A_224 : i32 to index
        %swap3A_260 = arith.constant 48 : index
        %swap3A_261 = tpu.vector_load %arg9[%swap3A_259, %swap3A_260] {strides = array<i32>} : memref<16x128xi32, #tpu.memory_space<vmem>>, vector<1x16xi32>,
        %swap3A_262 = vector.shape_cast %swap3A_261 : vector<1x16xi32> to vector<16xi32>
        %swap3A_263 = vector.shape_cast %add3A_258 : vector<16xi32> to vector<1x16xi32>
        tpu.vector_store %arg9[%swap3A_259, %swap3A_260], %swap3A_263 {strides = array<i32>} : memref<16x128xi32, #tpu.memory_space<vmem>>, vector<1x16xi32>,
        %get3A_264 = arith.index_cast %scan3A_224 : i32 to index
        %get3A_265 = arith.constant 64 : index
        %get3A_266 = tpu.vector_load %arg9[%get3A_264, %get3A_265] {strides = array<i32>} : memref<16x128xi32, #tpu.memory_space<vmem>>, vector<1x16xi32>,
        %get3A_267 = vector.shape_cast %get3A_266 : vector<1x16xi32> to vector<16xi32>
        %add3A_268 = arith.addi %get3A_267, %add3A_163 : vector<16xi32>
        %swap3A_269 = arith.index_cast %scan3A_224 : i32 to index
        %swap3A_270 = arith.constant 64 : index
        %swap3A_271 = tpu.vector_load %arg9[%swap3A_269, %swap3A_270] {strides = array<i32>} : memref<16x128xi32, #tpu.memory_space<vmem>>, vector<1x16xi32>,
        %swap3A_272 = vector.shape_cast %swap3A_271 : vector<1x16xi32> to vector<16xi32>
        %swap3A_273 = vector.shape_cast %add3A_268 : vector<16xi32> to vector<1x16xi32>
        tpu.vector_store %arg9[%swap3A_269, %swap3A_270], %swap3A_273 {strides = array<i32>} : memref<16x128xi32, #tpu.memory_space<vmem>>, vector<1x16xi32>,
        %get3A_274 = arith.index_cast %scan3A_224 : i32 to index
        %get3A_275 = arith.constant 80 : index
        %get3A_276 = tpu.vector_load %arg9[%get3A_274, %get3A_275] {strides = array<i32>} : memref<16x128xi32, #tpu.memory_space<vmem>>, vector<1x16xi32>,
        %get3A_277 = vector.shape_cast %get3A_276 : vector<1x16xi32> to vector<16xi32>
        %add3A_278 = arith.addi %get3A_277, %add3A_163 : vector<16xi32>
        %swap3A_279 = arith.index_cast %scan3A_224 : i32 to index
        %swap3A_280 = arith.constant 80 : index
        %swap3A_281 = tpu.vector_load %arg9[%swap3A_279, %swap3A_280] {strides = array<i32>} : memref<16x128xi32, #tpu.memory_space<vmem>>, vector<1x16xi32>,
        %swap3A_282 = vector.shape_cast %swap3A_281 : vector<1x16xi32> to vector<16xi32>
        %swap3A_283 = vector.shape_cast %add3A_278 : vector<16xi32> to vector<1x16xi32>
        tpu.vector_store %arg9[%swap3A_279, %swap3A_280], %swap3A_283 {strides = array<i32>} : memref<16x128xi32, #tpu.memory_space<vmem>>, vector<1x16xi32>,
        %get3A_284 = arith.index_cast %scan3A_224 : i32 to index
        %get3A_285 = arith.constant 96 : index
        %get3A_286 = tpu.vector_load %arg9[%get3A_284, %get3A_285] {strides = array<i32>} : memref<16x128xi32, #tpu.memory_space<vmem>>, vector<1x16xi32>,
        %get3A_287 = vector.shape_cast %get3A_286 : vector<1x16xi32> to vector<16xi32>
        %add3A_288 = arith.addi %get3A_287, %add3A_163 : vector<16xi32>
        %swap3A_289 = arith.index_cast %scan3A_224 : i32 to index
        %swap3A_290 = arith.constant 96 : index
        %swap3A_291 = tpu.vector_load %arg9[%swap3A_289, %swap3A_290] {strides = array<i32>} : memref<16x128xi32, #tpu.memory_space<vmem>>, vector<1x16xi32>,
        %swap3A_292 = vector.shape_cast %swap3A_291 : vector<1x16xi32> to vector<16xi32>
        %swap3A_293 = vector.shape_cast %add3A_288 : vector<16xi32> to vector<1x16xi32>
        tpu.vector_store %arg9[%swap3A_289, %swap3A_290], %swap3A_293 {strides = array<i32>} : memref<16x128xi32, #tpu.memory_space<vmem>>, vector<1x16xi32>,
        %get3A_294 = arith.index_cast %scan3A_224 : i32 to index
        %get3A_295 = arith.constant 112 : index
        %get3A_296 = tpu.vector_load %arg9[%get3A_294, %get3A_295] {strides = array<i32>} : memref<16x128xi32, #tpu.memory_space<vmem>>, vector<1x16xi32>,
        %get3A_297 = vector.shape_cast %get3A_296 : vector<1x16xi32> to vector<16xi32>
        %add3A_298 = arith.addi %get3A_297, %add3A_163 : vector<16xi32>
        %swap3A_299 = arith.index_cast %scan3A_224 : i32 to index
        %swap3A_300 = arith.constant 112 : index
        %swap3A_301 = tpu.vector_load %arg9[%swap3A_299, %swap3A_300] {strides = array<i32>} : memref<16x128xi32, #tpu.memory_space<vmem>>, vector<1x16xi32>,
        %swap3A_302 = vector.shape_cast %swap3A_301 : vector<1x16xi32> to vector<16xi32>
        %swap3A_303 = vector.shape_cast %add3A_298 : vector<16xi32> to vector<1x16xi32>
        tpu.vector_store %arg9[%swap3A_299, %swap3A_300], %swap3A_303 {strides = array<i32>} : memref<16x128xi32, #tpu.memory_space<vmem>>, vector<1x16xi32>,
        %scan3A_304 = arith.constant 0 : i32
        scf.yield %scan3A_304 : i32
      }
      %scan3A_209 = arith.constant 16 : i32
      %dma_start3A = arith.constant 0 : i32
      %dma_start3A_210 = arith.constant 0 : i32
      %dma_start3A_211 = tpu.memref_slice %arg9[%dma_start3A, %dma_start3A_210] : memref<16x128xi32, #tpu.memory_space<vmem>> -> memref<1x128xi32, #tpu.memory_space<vmem>>
      %dma_start3A_212 = tpu.memref_squeeze %dma_start3A_211 : memref<1x128xi32, #tpu.memory_space<vmem>> -> memref<128xi32, #tpu.memory_space<vmem>>
      %dma_start3A_213 = arith.constant 0 : i32
      %dma_start3A_214 = arith.constant 0 : i32
      %dma_start3A_215 = tpu.memref_slice %arg2[%dma_start3A_213, %dma_start3A_214] : memref<160000x128xf32, #tpu.memory_space<hbm>> -> memref<160000x128xf32, #tpu.memory_space<hbm>>
      tpu.enqueue_indirect_dma source(%dma_start3A_215 : memref<160000x128xf32, #tpu.memory_space<hbm>>) target(%arg12 : memref<128x128xf32, #tpu.memory_space<vmem>>) offsets(%dma_start3A_212 : memref<128xi32, #tpu.memory_space<vmem>>) semaphore(%arg14 : memref<!tpu.dma_semaphore, #tpu.memory_space<semaphore_mem>>)
      %scan3A_216 = arith.constant 0 : i32
      %scan3A_217 = arith.constant 0 : i32
      %scan3A_218 = arith.constant 8 : i32
      %scan3A_219 = arith.addi %scan3A_217, %scan3A_218 : i32
      %scan3A_220 = arith.constant 1 : i32
      %scan3A_221 = scf.for %scan3A_224 = %scan3A_217 to %scan3A_219 step %scan3A_220 iter_args(%scan3A_225 = %scan3A_216) -> (i32)  : i32 {
        %mul3A_226 = arith.constant 2 : i32
        %mul3A_227 = arith.muli %mul3A_226, %scan3A_224 : i32
        %add3A_228 = arith.constant 1 : i32
        %add3A_229 = arith.addi %mul3A_227, %add3A_228 : i32
        %dma_start3A_230 = arith.constant 0 : i32
        %dma_start3A_231 = tpu.memref_slice %arg9[%add3A_229, %dma_start3A_230] : memref<16x128xi32, #tpu.memory_space<vmem>> -> memref<1x128xi32, #tpu.memory_space<vmem>>
        %dma_start3A_232 = tpu.memref_squeeze %dma_start3A_231 : memref<1x128xi32, #tpu.memory_space<vmem>> -> memref<128xi32, #tpu.memory_space<vmem>>
        %dma_start3A_233 = arith.constant 0 : i32
        %dma_start3A_234 = arith.constant 0 : i32
        %dma_start3A_235 = tpu.memref_slice %arg2[%dma_start3A_233, %dma_start3A_234] : memref<160000x128xf32, #tpu.memory_space<hbm>> -> memref<160000x128xf32, #tpu.memory_space<hbm>>
        tpu.enqueue_indirect_dma source(%dma_start3A_235 : memref<160000x128xf32, #tpu.memory_space<hbm>>) target(%arg13 : memref<128x128xf32, #tpu.memory_space<vmem>>) offsets(%dma_start3A_232 : memref<128xi32, #tpu.memory_space<vmem>>) semaphore(%arg15 : memref<!tpu.dma_semaphore, #tpu.memory_space<semaphore_mem>>)
        %dma_wait3A = arith.constant 0 : i32
        %dma_wait3A_236 = tpu.memref_slice %arg9[%mul3A_227, %dma_wait3A] : memref<16x128xi32, #tpu.memory_space<vmem>> -> memref<1x128xi32, #tpu.memory_space<vmem>>
        %dma_wait3A_237 = tpu.memref_squeeze %dma_wait3A_236 : memref<1x128xi32, #tpu.memory_space<vmem>> -> memref<128xi32, #tpu.memory_space<vmem>>
        %dma_wait3A_238 = arith.constant 0 : i32
        %dma_wait3A_239 = arith.constant 0 : i32
        %dma_wait3A_240 = tpu.memref_slice %arg2[%dma_wait3A_238, %dma_wait3A_239] : memref<160000x128xf32, #tpu.memory_space<hbm>> -> memref<160000x128xf32, #tpu.memory_space<hbm>>
        tpu.wait_indirect_dma semaphore(%arg14 : memref<!tpu.dma_semaphore, #tpu.memory_space<semaphore_mem>>) src(%dma_wait3A_240 : memref<160000x128xf32, #tpu.memory_space<hbm>>) dst(%arg12 : memref<128x128xf32, #tpu.memory_space<vmem>>)
        %lt3A = arith.constant 7 : i32
        %lt3A_241 = arith.cmpi slt, %scan3A_224, %lt3A : i32
        %convert_element_type3A = arith.extui %lt3A_241 : i1 to i32
        %cond3A = arith.constant 0 : i32
        %cond3A_242 = arith.cmpi ne, %convert_element_type3A, %cond3A : i32
        scf.if %cond3A_242 {
          %add3A_250 = arith.constant 2 : i32
          %add3A_251 = arith.addi %mul3A_227, %add3A_250 : i32
          %dma_start3A_252 = arith.constant 0 : i32
          %dma_start3A_253 = tpu.memref_slice %arg9[%add3A_251, %dma_start3A_252] : memref<16x128xi32, #tpu.memory_space<vmem>> -> memref<1x128xi32, #tpu.memory_space<vmem>>
          %dma_start3A_254 = tpu.memref_squeeze %dma_start3A_253 : memref<1x128xi32, #tpu.memory_space<vmem>> -> memref<128xi32, #tpu.memory_space<vmem>>
          %dma_start3A_255 = arith.constant 0 : i32
          %dma_start3A_256 = arith.constant 0 : i32
          %dma_start3A_257 = tpu.memref_slice %arg2[%dma_start3A_255, %dma_start3A_256] : memref<160000x128xf32, #tpu.memory_space<hbm>> -> memref<160000x128xf32, #tpu.memory_space<hbm>>
          tpu.enqueue_indirect_dma source(%dma_start3A_257 : memref<160000x128xf32, #tpu.memory_space<hbm>>) target(%arg12 : memref<128x128xf32, #tpu.memory_space<vmem>>) offsets(%dma_start3A_254 : memref<128xi32, #tpu.memory_space<vmem>>) semaphore(%arg14 : memref<!tpu.dma_semaphore, #tpu.memory_space<semaphore_mem>>)
        } else {
        }
        %dma_wait3A_243 = arith.constant 0 : i32
        %dma_wait3A_244 = tpu.memref_slice %arg9[%add3A_229, %dma_wait3A_243] : memref<16x128xi32, #tpu.memory_space<vmem>> -> memref<1x128xi32, #tpu.memory_space<vmem>>
        %dma_wait3A_245 = tpu.memref_squeeze %dma_wait3A_244 : memref<1x128xi32, #tpu.memory_space<vmem>> -> memref<128xi32, #tpu.memory_space<vmem>>
        %dma_wait3A_246 = arith.constant 0 : i32
        %dma_wait3A_247 = arith.constant 0 : i32
        %dma_wait3A_248 = tpu.memref_slice %arg2[%dma_wait3A_246, %dma_wait3A_247] : memref<160000x128xf32, #tpu.memory_space<hbm>> -> memref<160000x128xf32, #tpu.memory_space<hbm>>
        tpu.wait_indirect_dma semaphore(%arg15 : memref<!tpu.dma_semaphore, #tpu.memory_space<semaphore_mem>>) src(%dma_wait3A_248 : memref<160000x128xf32, #tpu.memory_space<hbm>>) dst(%arg13 : memref<128x128xf32, #tpu.memory_space<vmem>>)
        %scan3A_249 = arith.constant 0 : i32
        scf.yield %scan3A_249 : i32
      }
      %scan3A_222 = arith.constant 8 : i32
      %scan3A_223 = arith.constant 0 : i32
      scf.yield %scan3A_223 : i32
    }
    %scan3A_170 = arith.constant 10 : i32
    %barrier3A_171 = arith.constant 0 : index
    tpu.barrier barrier_id(%barrier3A_171)
    %mul3A_172 = arith.constant 640 : i32
    %mul3A_173 = arith.muli %arg1, %mul3A_172 : i32
    %add3A_174 = arith.constant 0 : i32
    %add3A_175 = arith.addi %mul3A_173, %add3A_174 : i32
    "tpu.region"() ({
      %run_scoped3A = tpu.sem_alloc : memref<!tpu.dma_semaphore, #tpu.memory_space<semaphore_mem>>
      %dma_start3A = arith.constant 0 : i32
      %dma_start3A_193 = tpu.memref_slice %arg7[%add3A_97, %add3A_175, %dma_start3A] : memref<4x10240x128xf32, #tpu.memory_space<hbm>> -> memref<1x128x128xf32, #tpu.memory_space<hbm>>
      %dma_start3A_194 = tpu.memref_squeeze %dma_start3A_193 : memref<1x128x128xf32, #tpu.memory_space<hbm>> -> memref<128x128xf32, #tpu.memory_space<hbm>>
      %dma_start3A_195 = arith.constant 0 : i32
      %dma_start3A_196 = tpu.memref_slice %arg8[%add3A_175, %dma_start3A_195] : memref<10240x128xf32, #tpu.memory_space<vmem_shared>> -> memref<128x128xf32, #tpu.memory_space<vmem_shared>>
      tpu.enqueue_dma source(%dma_start3A_196 : memref<128x128xf32, #tpu.memory_space<vmem_shared>>) target(%dma_start3A_194 : memref<128x128xf32, #tpu.memory_space<hbm>>) target_semaphore(%run_scoped3A : memref<!tpu.dma_semaphore, #tpu.memory_space<semaphore_mem>>)
      %dma_wait3A = arith.constant 0 : i32
      %dma_wait3A_197 = tpu.memref_slice %arg7[%add3A_97, %add3A_175, %dma_wait3A] : memref<4x10240x128xf32, #tpu.memory_space<hbm>> -> memref<1x128x128xf32, #tpu.memory_space<hbm>>
      %dma_wait3A_198 = tpu.memref_squeeze %dma_wait3A_197 : memref<1x128x128xf32, #tpu.memory_space<hbm>> -> memref<128x128xf32, #tpu.memory_space<hbm>>
      %dma_wait3A_199 = arith.constant 0 : i32
      %dma_wait3A_200 = tpu.memref_slice %arg8[%add3A_175, %dma_wait3A_199] : memref<10240x128xf32, #tpu.memory_space<vmem_shared>> -> memref<128x128xf32, #tpu.memory_space<vmem_shared>>
      tpu.wait_dma2 semaphore(%run_scoped3A : memref<!tpu.dma_semaphore, #tpu.memory_space<semaphore_mem>>) src(%dma_wait3A_200 : memref<128x128xf32, #tpu.memory_space<vmem_shared>>) dst(%dma_wait3A_198 : memref<128x128xf32, #tpu.memory_space<hbm>>)
      tpu.yield
    }) : () -> ()
    %mul3A_176 = arith.constant 640 : i32
    %mul3A_177 = arith.muli %arg1, %mul3A_176 : i32
    %add3A_178 = arith.constant 128 : i32
    %add3A_179 = arith.addi %mul3A_177, %add3A_178 : i32
    "tpu.region"() ({
      %run_scoped3A = tpu.sem_alloc : memref<!tpu.dma_semaphore, #tpu.memory_space<semaphore_mem>>
      %dma_start3A = arith.constant 0 : i32
      %dma_start3A_193 = tpu.memref_slice %arg7[%add3A_97, %add3A_179, %dma_start3A] : memref<4x10240x128xf32, #tpu.memory_space<hbm>> -> memref<1x128x128xf32, #tpu.memory_space<hbm>>
      %dma_start3A_194 = tpu.memref_squeeze %dma_start3A_193 : memref<1x128x128xf32, #tpu.memory_space<hbm>> -> memref<128x128xf32, #tpu.memory_space<hbm>>
      %dma_start3A_195 = arith.constant 0 : i32
      %dma_start3A_196 = tpu.memref_slice %arg8[%add3A_179, %dma_start3A_195] : memref<10240x128xf32, #tpu.memory_space<vmem_shared>> -> memref<128x128xf32, #tpu.memory_space<vmem_shared>>
      tpu.enqueue_dma source(%dma_start3A_196 : memref<128x128xf32, #tpu.memory_space<vmem_shared>>) target(%dma_start3A_194 : memref<128x128xf32, #tpu.memory_space<hbm>>) target_semaphore(%run_scoped3A : memref<!tpu.dma_semaphore, #tpu.memory_space<semaphore_mem>>)
      %dma_wait3A = arith.constant 0 : i32
      %dma_wait3A_197 = tpu.memref_slice %arg7[%add3A_97, %add3A_179, %dma_wait3A] : memref<4x10240x128xf32, #tpu.memory_space<hbm>> -> memref<1x128x128xf32, #tpu.memory_space<hbm>>
      %dma_wait3A_198 = tpu.memref_squeeze %dma_wait3A_197 : memref<1x128x128xf32, #tpu.memory_space<hbm>> -> memref<128x128xf32, #tpu.memory_space<hbm>>
      %dma_wait3A_199 = arith.constant 0 : i32
      %dma_wait3A_200 = tpu.memref_slice %arg8[%add3A_179, %dma_wait3A_199] : memref<10240x128xf32, #tpu.memory_space<vmem_shared>> -> memref<128x128xf32, #tpu.memory_space<vmem_shared>>
      tpu.wait_dma2 semaphore(%run_scoped3A : memref<!tpu.dma_semaphore, #tpu.memory_space<semaphore_mem>>) src(%dma_wait3A_200 : memref<128x128xf32, #tpu.memory_space<vmem_shared>>) dst(%dma_wait3A_198 : memref<128x128xf32, #tpu.memory_space<hbm>>)
      tpu.yield
    }) : () -> ()
    %mul3A_180 = arith.constant 640 : i32
    %mul3A_181 = arith.muli %arg1, %mul3A_180 : i32
    %add3A_182 = arith.constant 256 : i32
    %add3A_183 = arith.addi %mul3A_181, %add3A_182 : i32
    "tpu.region"() ({
      %run_scoped3A = tpu.sem_alloc : memref<!tpu.dma_semaphore, #tpu.memory_space<semaphore_mem>>
      %dma_start3A = arith.constant 0 : i32
      %dma_start3A_193 = tpu.memref_slice %arg7[%add3A_97, %add3A_183, %dma_start3A] : memref<4x10240x128xf32, #tpu.memory_space<hbm>> -> memref<1x128x128xf32, #tpu.memory_space<hbm>>
      %dma_start3A_194 = tpu.memref_squeeze %dma_start3A_193 : memref<1x128x128xf32, #tpu.memory_space<hbm>> -> memref<128x128xf32, #tpu.memory_space<hbm>>
      %dma_start3A_195 = arith.constant 0 : i32
      %dma_start3A_196 = tpu.memref_slice %arg8[%add3A_183, %dma_start3A_195] : memref<10240x128xf32, #tpu.memory_space<vmem_shared>> -> memref<128x128xf32, #tpu.memory_space<vmem_shared>>
      tpu.enqueue_dma source(%dma_start3A_196 : memref<128x128xf32, #tpu.memory_space<vmem_shared>>) target(%dma_start3A_194 : memref<128x128xf32, #tpu.memory_space<hbm>>) target_semaphore(%run_scoped3A : memref<!tpu.dma_semaphore, #tpu.memory_space<semaphore_mem>>)
      %dma_wait3A = arith.constant 0 : i32
      %dma_wait3A_197 = tpu.memref_slice %arg7[%add3A_97, %add3A_183, %dma_wait3A] : memref<4x10240x128xf32, #tpu.memory_space<hbm>> -> memref<1x128x128xf32, #tpu.memory_space<hbm>>
      %dma_wait3A_198 = tpu.memref_squeeze %dma_wait3A_197 : memref<1x128x128xf32, #tpu.memory_space<hbm>> -> memref<128x128xf32, #tpu.memory_space<hbm>>
      %dma_wait3A_199 = arith.constant 0 : i32
      %dma_wait3A_200 = tpu.memref_slice %arg8[%add3A_183, %dma_wait3A_199] : memref<10240x128xf32, #tpu.memory_space<vmem_shared>> -> memref<128x128xf32, #tpu.memory_space<vmem_shared>>
      tpu.wait_dma2 semaphore(%run_scoped3A : memref<!tpu.dma_semaphore, #tpu.memory_space<semaphore_mem>>) src(%dma_wait3A_200 : memref<128x128xf32, #tpu.memory_space<vmem_shared>>) dst(%dma_wait3A_198 : memref<128x128xf32, #tpu.memory_space<hbm>>)
      tpu.yield
    }) : () -> ()
    %mul3A_184 = arith.constant 640 : i32
    %mul3A_185 = arith.muli %arg1, %mul3A_184 : i32
    %add3A_186 = arith.constant 384 : i32
    %add3A_187 = arith.addi %mul3A_185, %add3A_186 : i32
    "tpu.region"() ({
      %run_scoped3A = tpu.sem_alloc : memref<!tpu.dma_semaphore, #tpu.memory_space<semaphore_mem>>
      %dma_start3A = arith.constant 0 : i32
      %dma_start3A_193 = tpu.memref_slice %arg7[%add3A_97, %add3A_187, %dma_start3A] : memref<4x10240x128xf32, #tpu.memory_space<hbm>> -> memref<1x128x128xf32, #tpu.memory_space<hbm>>
      %dma_start3A_194 = tpu.memref_squeeze %dma_start3A_193 : memref<1x128x128xf32, #tpu.memory_space<hbm>> -> memref<128x128xf32, #tpu.memory_space<hbm>>
      %dma_start3A_195 = arith.constant 0 : i32
      %dma_start3A_196 = tpu.memref_slice %arg8[%add3A_187, %dma_start3A_195] : memref<10240x128xf32, #tpu.memory_space<vmem_shared>> -> memref<128x128xf32, #tpu.memory_space<vmem_shared>>
      tpu.enqueue_dma source(%dma_start3A_196 : memref<128x128xf32, #tpu.memory_space<vmem_shared>>) target(%dma_start3A_194 : memref<128x128xf32, #tpu.memory_space<hbm>>) target_semaphore(%run_scoped3A : memref<!tpu.dma_semaphore, #tpu.memory_space<semaphore_mem>>)
      %dma_wait3A = arith.constant 0 : i32
      %dma_wait3A_197 = tpu.memref_slice %arg7[%add3A_97, %add3A_187, %dma_wait3A] : memref<4x10240x128xf32, #tpu.memory_space<hbm>> -> memref<1x128x128xf32, #tpu.memory_space<hbm>>
      %dma_wait3A_198 = tpu.memref_squeeze %dma_wait3A_197 : memref<1x128x128xf32, #tpu.memory_space<hbm>> -> memref<128x128xf32, #tpu.memory_space<hbm>>
      %dma_wait3A_199 = arith.constant 0 : i32
      %dma_wait3A_200 = tpu.memref_slice %arg8[%add3A_187, %dma_wait3A_199] : memref<10240x128xf32, #tpu.memory_space<vmem_shared>> -> memref<128x128xf32, #tpu.memory_space<vmem_shared>>
      tpu.wait_dma2 semaphore(%run_scoped3A : memref<!tpu.dma_semaphore, #tpu.memory_space<semaphore_mem>>) src(%dma_wait3A_200 : memref<128x128xf32, #tpu.memory_space<vmem_shared>>) dst(%dma_wait3A_198 : memref<128x128xf32, #tpu.memory_space<hbm>>)
      tpu.yield
    }) : () -> ()
    %mul3A_188 = arith.constant 640 : i32
    %mul3A_189 = arith.muli %arg1, %mul3A_188 : i32
    %add3A_190 = arith.constant 512 : i32
    %add3A_191 = arith.addi %mul3A_189, %add3A_190 : i32
    "tpu.region"() ({
      %run_scoped3A = tpu.sem_alloc : memref<!tpu.dma_semaphore, #tpu.memory_space<semaphore_mem>>
      %dma_start3A = arith.constant 0 : i32
      %dma_start3A_193 = tpu.memref_slice %arg7[%add3A_97, %add3A_191, %dma_start3A] : memref<4x10240x128xf32, #tpu.memory_space<hbm>> -> memref<1x128x128xf32, #tpu.memory_space<hbm>>
      %dma_start3A_194 = tpu.memref_squeeze %dma_start3A_193 : memref<1x128x128xf32, #tpu.memory_space<hbm>> -> memref<128x128xf32, #tpu.memory_space<hbm>>
      %dma_start3A_195 = arith.constant 0 : i32
      %dma_start3A_196 = tpu.memref_slice %arg8[%add3A_191, %dma_start3A_195] : memref<10240x128xf32, #tpu.memory_space<vmem_shared>> -> memref<128x128xf32, #tpu.memory_space<vmem_shared>>
      tpu.enqueue_dma source(%dma_start3A_196 : memref<128x128xf32, #tpu.memory_space<vmem_shared>>) target(%dma_start3A_194 : memref<128x128xf32, #tpu.memory_space<hbm>>) target_semaphore(%run_scoped3A : memref<!tpu.dma_semaphore, #tpu.memory_space<semaphore_mem>>)
      %dma_wait3A = arith.constant 0 : i32
      %dma_wait3A_197 = tpu.memref_slice %arg7[%add3A_97, %add3A_191, %dma_wait3A] : memref<4x10240x128xf32, #tpu.memory_space<hbm>> -> memref<1x128x128xf32, #tpu.memory_space<hbm>>
      %dma_wait3A_198 = tpu.memref_squeeze %dma_wait3A_197 : memref<1x128x128xf32, #tpu.memory_space<hbm>> -> memref<128x128xf32, #tpu.memory_space<hbm>>
      %dma_wait3A_199 = arith.constant 0 : i32
      %dma_wait3A_200 = tpu.memref_slice %arg8[%add3A_191, %dma_wait3A_199] : memref<10240x128xf32, #tpu.memory_space<vmem_shared>> -> memref<128x128xf32, #tpu.memory_space<vmem_shared>>
      tpu.wait_dma2 semaphore(%run_scoped3A : memref<!tpu.dma_semaphore, #tpu.memory_space<semaphore_mem>>) src(%dma_wait3A_200 : memref<128x128xf32, #tpu.memory_space<vmem_shared>>) dst(%dma_wait3A_198 : memref<128x128xf32, #tpu.memory_space<hbm>>)
      tpu.yield
    }) : () -> ()
    %barrier3A_192 = arith.constant 0 : index
    tpu.barrier barrier_id(%barrier3A_192)
    return
  }
}

module attributes {stable_mosaic.version = 14 : i64} {
  func.func @_mm_body(%arg0: i32, %arg1: i32, %arg2: memref<1x400x128xf32, #tpu.memory_space<vmem>>, %arg3: memref<1x128x128xf32, #tpu.memory_space<vmem>>, %arg4: memref<1x400x128xf32, #tpu.memory_space<vmem>>) attributes {dimension_semantics = [#tpu.dimension_semantics<arbitrary>, #tpu.dimension_semantics<arbitrary>], iteration_bounds = array<i64: 16, 25>, scalar_prefetch = 0 : i64, scratch_operands = 0 : i64, tpu.core_type = #tpu.core_type<tc>, window_params = [{transform_indices = @transform_0, window_bounds = array<i64: 1, 400, 128>}, {transform_indices = @transform_1, window_bounds = array<i64: 1, 128, 128>}, {transform_indices = @transform_2, window_bounds = array<i64: 1, 400, 128>}]} {
    %get3A = arith.constant 0 : index
    %get3A_0 = arith.constant 0 : index
    %get3A_1 = arith.constant 0 : index
    %get3A_2 = vector.load %arg2[%get3A, %get3A_0, %get3A_1] : memref<1x400x128xf32, #tpu.memory_space<vmem>>, vector<1x400x128xf32>
    %get3A_3 = vector.shape_cast %get3A_2 : vector<1x400x128xf32> to vector<400x128xf32>
    %get3A_4 = arith.constant 0 : index
    %get3A_5 = arith.constant 0 : index
    %get3A_6 = arith.constant 0 : index
    %get3A_7 = vector.load %arg3[%get3A_4, %get3A_5, %get3A_6] : memref<1x128x128xf32, #tpu.memory_space<vmem>>, vector<1x128x128xf32>
    %get3A_8 = vector.shape_cast %get3A_7 : vector<1x128x128xf32> to vector<128x128xf32>
    %dot_general3A = arith.constant dense<0.000000e+00> : vector<400x128xf32>
    %dot_general3A_9 = tpu.matmul %get3A_3, %get3A_8, %dot_general3A {dimension_numbers = #tpu.dot_dimension_numbers<[1], [0], [0], [1], [0, 0, 1, 1], [], []>, transpose_lhs_hint = false} : vector<400x128xf32>, vector<128x128xf32>, vector<400x128xf32> -> vector<400x128xf32>
    %swap3A = arith.constant 0 : index
    %swap3A_10 = arith.constant 0 : index
    %swap3A_11 = arith.constant 0 : index
    %swap3A_12 = vector.load %arg4[%swap3A, %swap3A_10, %swap3A_11] : memref<1x400x128xf32, #tpu.memory_space<vmem>>, vector<1x400x128xf32>
    %swap3A_13 = vector.shape_cast %swap3A_12 : vector<1x400x128xf32> to vector<400x128xf32>
    %swap3A_14 = vector.shape_cast %dot_general3A_9 : vector<400x128xf32> to vector<1x400x128xf32>
    tpu.vector_store %arg4[%swap3A, %swap3A_10, %swap3A_11], %swap3A_14 {strides = array<i32>} : memref<1x400x128xf32, #tpu.memory_space<vmem>>, vector<1x400x128xf32>,
    return
  }
  func.func @transform_0(%arg0: i32, %arg1: i32) -> (i32, i32, i32) {
    %jit3A = arith.constant 4 : i32
    %eq3A = arith.constant 0 : i32
    %eq3A_0 = arith.cmpi eq, %jit3A, %eq3A : i32
    %jit3A_1 = arith.constant 1 : i32
    %select_n3A = arith.select %eq3A_0, %jit3A_1, %jit3A : i32
    %rem3A = arith.remsi %arg0, %select_n3A : i32
    %ne3A = arith.constant 0 : i32
    %ne3A_2 = arith.cmpi ne, %rem3A, %ne3A : i32
    %lt3A = arith.constant 0 : i32
    %lt3A_3 = arith.cmpi slt, %rem3A, %lt3A : i32
    %lt3A_4 = arith.constant 0 : i32
    %lt3A_5 = arith.cmpi slt, %select_n3A, %lt3A_4 : i32
    %ne3A_6 = arith.xori %lt3A_3, %lt3A_5 : i1
    %and3A = arith.andi %ne3A_6, %ne3A_2 : i1
    %add3A = arith.addi %rem3A, %select_n3A : i32
    %select_n3A_7 = arith.select %and3A, %add3A, %rem3A : i32
    %c0_i32 = arith.constant 0 : i32
    %c0_i32_8 = arith.constant 0 : i32
    return %select_n3A_7, %arg1, %c0_i32 : i32, i32, i32
  }
  func.func @transform_1(%arg0: i32, %arg1: i32) -> (i32, i32, i32) {
    %jit3A = arith.constant 4 : i32
    %div3A = arith.divsi %arg0, %jit3A : i32
    %sign3A = arith.constant 0 : i32
    %sign3A_0 = arith.cmpi sgt, %arg0, %sign3A : i32
    %sign3A_1 = arith.extui %sign3A_0 : i1 to i32
    %sign3A_2 = arith.constant 0 : i32
    %sign3A_3 = arith.cmpi slt, %arg0, %sign3A_2 : i32
    %sign3A_4 = arith.extui %sign3A_3 : i1 to i32
    %sign3A_5 = arith.subi %sign3A_1, %sign3A_4 : i32
    %sign3A_6 = arith.constant 0 : i32
    %sign3A_7 = arith.cmpi sgt, %jit3A, %sign3A_6 : i32
    %sign3A_8 = arith.extui %sign3A_7 : i1 to i32
    %sign3A_9 = arith.constant 0 : i32
    %sign3A_10 = arith.cmpi slt, %jit3A, %sign3A_9 : i32
    %sign3A_11 = arith.extui %sign3A_10 : i1 to i32
    %sign3A_12 = arith.subi %sign3A_8, %sign3A_11 : i32
    %ne3A = arith.cmpi ne, %sign3A_5, %sign3A_12 : i32
    %rem3A = arith.remsi %arg0, %jit3A : i32
    %ne3A_13 = arith.constant 0 : i32
    %ne3A_14 = arith.cmpi ne, %rem3A, %ne3A_13 : i32
    %and3A = arith.andi %ne3A, %ne3A_14 : i1
    %sub3A = arith.constant 1 : i32
    %sub3A_15 = arith.subi %div3A, %sub3A : i32
    %select_n3A = arith.select %and3A, %sub3A_15, %div3A : i32
    %c0_i32 = arith.constant 0 : i32
    %c0_i32_16 = arith.constant 0 : i32
    %c0_i32_17 = arith.constant 0 : i32
    return %select_n3A, %c0_i32, %c0_i32_16 : i32, i32, i32
  }
  func.func @transform_2(%arg0: i32, %arg1: i32) -> (i32, i32, i32) {
    %c0_i32 = arith.constant 0 : i32
    %c0_i32_0 = arith.constant 0 : i32
    return %arg0, %arg1, %c0_i32 : i32, i32, i32
  }
}

</mosaic_0001>

<sc_bundles>
// kernel: kernel.4.cloned.1.call-start
scs
__scs_entry_jumppad:
0x0: {  	(pc) =	sbr.rel $0x88, $3  }
0x1: {  	(tag) =	ssettag $0x0;
	lr =	simm.s32 $0x1  }
0x2: {  	[smem:$0x3F9C] =	sst lr;
	_ =	strace $0xD0000000  }
0x3: {  	_ = 	snop  }
0x4: {  	_ = 	snop  }
0x5: {  	_ = 	snop  }
0x6: {  	_ = 	snop  }
0x7: {  	_ = 	snop  }
__scs_overlays_trampoline_lowered:
0x8: {  	[smem:$0x3FAB] =	sst s0  }
0x9: {  	[smem:$0x3FAC] =	sst s1  }
0xa: {  	[smem:$0x3FAD] =	sst s2  }
0xb: {  	[smem:$0x3FAE] =	sst s3  }
0xc: {  	[smem:$0x3FAF] =	sst s4  }
0xd: {  	[smem:$0x3FB0] =	sst s5  }
0xe: {  	[smem:$0x3FB1] =	sst s6  }
0xf: {  	[smem:$0x3FB2] =	sst s7  }
0x10: {  	[smem:$0x3FB3] =	sst s8  }
0x11: {  	[smem:$0x3FB4] =	sst s9;
	s0 =	simm.s32 @!p0 $0x0  }
0x12: {  	s1 =	sld [smem:$0x3F9A];
	s0 =	simm.s32 @p0 $0x1  }
0x13: {  	[smem:$0x3FB5] =	sst s0;
	s0 =	simm.s32 @!p1 $0x0  }
0x14: {  	s2 =	sld [smem:$0x3F99];
	s0 =	simm.s32 @p1 $0x1  }
0x15: {  	[smem:$0x3FB6] =	sst s0;
	s0 =	simm.s32 @!p2 $0x0  }
0x16: {  	s3 =	sld [smem:$0x3FDB];
	s0 =	simm.s32 @p2 $0x1  }
0x17: {  	s4 =	simm.s32 $0x1BF5;
	[smem:$0x3FB8] =	sst s0  }
0x18: {  	s0 =	sld [smem:$0x3F9B];
	_ =	swait.ge [sflag:s4], $0x0  }
0x19: {  	s7 =	sld [smem:$0x3F9C]  }
0x1a: {  	s8 =	sadd.s32 $0xFFFFE003, lr  }
0x1b: {  	s9 =	sadd.s32 $0xFFFFFEF7, lr;
	s5 =	simm.s32 $0xFFFFFFFF;
	p2 =	slt.u32 s8, $0xFFFFF086  }
0x1c: {  	p1 =	slt.u32 s9, $0xF7A;
	s5 =	simm.s32 @!p2 $0x0  }
0x1d: {  	s5 =	simm.s32 @p1 $0x1;
	p0 =	seq.s32 s7, s2  }
0x1e: {  	s7 =	smul.u32 @!p0 $0xF7A, s2;
	p2 =	seq.s32 @!p0 s5, $0x0  }
0x1f: {  	s9 =	smul.u32 $0xF7A, s1;
	s8 =	simm.s32 @!p0 $0x1BF5;
	p2 =	por !p2, p0  }
0x20: {  	[sflag:s8] =	ssyncset.s32 @!p0 $0xFFFFF086;
	s6 =	sadd.s32 @!p0 s3, s7;
	s7 =	simm.s32 @!p0 $0x108  }
0x21: {  	s3 =	sadd.s32 s3, s9;
	s6 =	sadd.s32 @!p0 $0x88, s6;
	s7 =	simm.s32 @p2 $0x1082  }
0x22: {  	[simem:s7], [sflag:s8] =	dma.local @!p0 [hbm:s6], $0xF7A  }
0x23: {  	s9 =	sor.u32 $0xD0000000, s2;
	s6 =	simm.s32 $0x108;
	_ =	swait.ge @!p0 [sflag:s8], $0x0  }
0x24: {  	s3 =	sadd.s32 $0x88, s3;
	s6 =	simm.s32 @!p1 $0x1082;
	[sflag:s4] =	ssyncset.s32 $0xFFFFF086  }
0x25: {  	[simem:s6], [sflag:s4] =	dma.local [hbm:s3], $0xF7A  }
0x26: {  	[smem:$0x3F9C] =	sst s1;
	(tag) =	ssettag s2;
	_ =	strace s9  }
0x27: {  	s1 =	sld [smem:$0x3FAC]  }
0x28: {  	s2 =	sld [smem:$0x3FAD]  }
0x29: {  	s4 =	sld [smem:$0x3FAF]  }
0x2a: {  	p0 =	seq.s32 s5, $0x0;
	s5 =	sld [smem:$0x3FB0]  }
0x2b: {  	s6 =	sld [smem:$0x3FB1]  }
0x2c: {  	s7 =	sld [smem:$0x3FB2]  }
0x2d: {  	s3 =	simm.s32 $0x108;
	s8 =	sld [smem:$0x3FB3]  }
0x2e: {  	s3 =	simm.s32 @!p0 $0x1082;
	s9 =	sld [smem:$0x3FB4]  }
0x2f: {  	lr =	sadd.s32 s0, s3;
	s0 =	sld [smem:$0x3FAB]  }
0x30: {  	s3 =	sld [smem:$0x3FAE]  }
0x31: {  	[smem:$0x3FB7] =	sst s10  }
0x32: {  	s10 =	sld [smem:$0x3FB5];
	_ =	sdelay $0x3  }
0x33: {  	p0 =	seq.s32 s10, $0x1;
	s10 =	sld [smem:$0x3FB7];
	_ =	sdelay $0x3  }
0x34: {  	[smem:$0x3FB7] =	sst s10  }
0x35: {  	s10 =	sld [smem:$0x3FB6];
	_ =	sdelay $0x3  }
0x36: {  	p1 =	seq.s32 s10, $0x1;
	s10 =	sld [smem:$0x3FB7];
	_ =	sdelay $0x3  }
0x37: {  	[smem:$0x3FB7] =	sst s10  }
0x38: {  	s10 =	sld [smem:$0x3FB8]  }
0x39: {  	_ = 	snop;
	(pc) =	sbr.ind lr, $3  }
0x3a: {  	_ = 	snop  }
0x3b: {  	_ = 	snop  }
0x3c: {  	p2 =	seq.s32 s10, $0x1;
	s10 =	sld [smem:$0x3FB7]  }
0x3d: {  	_ =	shalt  }
0x3e: {  	_ =	shalt  }
0x3f: {  	_ =	shalt  }
0x40: {  	_ =	shalt  }
0x41: {  	_ =	shalt  }
0x42: {  	_ =	shalt  }
0x43: {  	_ =	shalt  }
0x44: {  	_ =	shalt  }
0x45: {  	_ =	shalt  }
0x46: {  	_ =	shalt  }
0x47: {  	_ =	shalt  }
0x48: {  	_ =	shalt  }
0x49: {  	_ =	shalt  }
0x4a: {  	_ =	shalt  }
0x4b: {  	_ =	shalt  }
0x4c: {  	_ =	shalt  }
0x4d: {  	_ =	shalt  }
0x4e: {  	_ =	shalt  }
0x4f: {  	_ =	shalt  }
0x50: {  	_ =	shalt  }
0x51: {  	_ =	shalt  }
0x52: {  	_ =	shalt  }
0x53: {  	_ =	shalt  }
0x54: {  	_ =	shalt  }
0x55: {  	_ =	shalt  }
0x56: {  	_ =	shalt  }
0x57: {  	_ =	shalt  }
0x58: {  	_ =	shalt  }
0x59: {  	_ =	shalt  }
0x5a: {  	_ =	shalt  }
0x5b: {  	_ =	shalt  }
0x5c: {  	_ =	shalt  }
0x5d: {  	_ =	shalt  }
0x5e: {  	_ =	shalt  }
0x5f: {  	_ =	shalt  }
0x60: {  	_ =	shalt  }
0x61: {  	_ =	shalt  }
0x62: {  	_ =	shalt  }
0x63: {  	_ =	shalt  }
0x64: {  	_ =	shalt  }
0x65: {  	_ =	shalt  }
0x66: {  	_ =	shalt  }
0x67: {  	_ =	shalt  }
0x68: {  	_ =	shalt  }
0x69: {  	_ =	shalt  }
0x6a: {  	_ =	shalt  }
0x6b: {  	_ =	shalt  }
0x6c: {  	_ =	shalt  }
0x6d: {  	_ =	shalt  }
0x6e: {  	_ =	shalt  }
0x6f: {  	_ =	shalt  }
0x70: {  	_ =	shalt  }
0x71: {  	_ =	shalt  }
0x72: {  	_ =	shalt  }
0x73: {  	_ =	shalt  }
0x74: {  	_ =	shalt  }
0x75: {  	_ =	shalt  }
0x76: {  	_ =	shalt  }
0x77: {  	_ =	shalt  }
0x78: {  	_ =	shalt  }
0x79: {  	_ =	shalt  }
0x7a: {  	_ =	shalt  }
0x7b: {  	_ =	shalt  }
0x7c: {  	_ =	shalt  }
0x7d: {  	_ =	shalt  }
0x7e: {  	_ =	shalt  }
0x7f: {  	_ =	shalt  }
0x80: {  	_ =	shalt  }
0x81: {  	_ =	shalt  }
0x82: {  	_ =	shalt  }
0x83: {  	_ =	shalt  }
0x84: {  	_ =	shalt  }
0x85: {  	_ =	shalt  }
0x86: {  	_ =	shalt  }
0x87: {  	_ =	shalt  }
.Lfunc_end0:
.L_simem_size_0:
called_computation_lowered:
.L_overlay_start_0:
0x88: {  	s2 =	sld [smem:$0x3FD9]  }
0x89: {  	s3 =	sld [smem:$0x3FFE];
	_ =	sdelay $0x1  }
0x8a: {  	s1 =	srdreg.scid  }
0x8b: {  	s0 =	sand.u32 $0x1, s1  }
0x8c: {  	s17 =	sshll.u32 s0, $0xA;
	s2 =	sadd.s32 s3, s2  }
0x8d: {  	s2 =	sadd.s32 s2, s17  }
0x8e: {  	[smem:$0x3FC3] =	sst s2  }
0x8f: {  	_ = 	snop  }
0x90: {  	s2 =	sld [smem:$0x3FD0];
	(tm) =	ssettm $0x1  }
0x91: {  	s18 =	sld [smem:$0x3FFB];
	_ =	sdelay $0x3  }
0x92: {  	_ =	strace s18  }
0x93: {  	s3 =	sld [smem:$0x3FFC];
	_ =	sdelay $0x3  }
0x94: {  	_ =	strace s3  }
0x95: {  	s3 =	sld [smem:$0x3FFD];
	_ =	sdelay $0x3  }
0x96: {  	_ =	strace s3  }
0x97: {  	_ =	strace $0x8FFFFFFF  }
0x98: {  	s19 =	sld [smem:$0x3FDB];
	_ =	sdelay $0x1  }
0x99: {  	s4 =	simm.s32 $_scs_section_size  }
0x9a: {  	s5 =	simm.s32 $_size__tile_overlayer_lowered;
	s6 =	simm.s32 $_tile_overlayer_lowered  }
0x9b: {  	s22 =	simm.s32 $0x1BFF;
	s21 =	sshll.u32 s6, $0x1;
	s3 =	sadd.s32 s4, s19  }
0x9c: {  	s7 =	simm.s32 $0x0;
	s20 =	sshll.u32 s5, $0x1;
	s5 =	sadd.s32 s21, s3  }
0x9d: {  	[timem:s7], [sflag:s22] =	dma.local [hbm:s5], s20  }
0x9e: {  	_ =	swait.ge [sflag:s22], s20  }
0x9f: {  	s4 =	ssub.s32 $0x0, s20;
	[sflag:s22] =	ssyncset.done $0x0  }
0xa0: {  	[sflag:s22] =	ssyncadd.s32 s4;
	_ =	sdelay $0x1  }
0xa1: {  	s23 =	simm.s32 $0x1B8B  }
0xa2: {  	_ =	swait.ge [sflag:s23], $0x1  }
0xa3: {  	[sflag:s23] =	ssyncset.done $0x0  }
0xa4: {  	s25 =	simm.s32 $0x1B8E;
	s24 =	sld [smem:$0x3FFE];
	[sflag:s23] =	ssyncadd.s32 $0xFFFFFFFF  }
0xa5: {  	s26 =	simm.s32 $execute0_lowered;
	[smem:$0x3FD2] =	sst s25  }
0xa6: {  	s5 =	sshll.u32 s26, $0x1;
	_ =	strace $0x80000046;
	[dreg:$0x1] =	wrdreg $0xFFFFFFFF  }
0xa7: {  	s28 =	simm.s32 $_size_execute0_lowered;
	s3 =	sadd.s32 s3, s5;
	[dreg:$0x0] =	wrdreg $0x0  }
0xa8: {  	s5 =	sshll.u32 s28, $0x1;
	[dreg:$0x2] =	wrdreg s3  }
0xa9: {  	[dreg:$0x3] =	wrdreg s5  }
0xaa: {  	[dreg:$0x4] =	wrdreg $0xC0  }
0xab: {  	_ =	task [dreg:s7], $0x5FFFF  }
0xac: {  	[dreg:$0x1] =	wrdreg $0xFFFFFFFF  }
0xad: {  	[dreg:$0x0] =	wrdreg $0x60  }
0xae: {  	[dreg:$0x2] =	wrdreg s24  }
0xaf: {  	[dreg:$0x3] =	wrdreg s2  }
0xb0: {  	[dreg:$0x4] =	wrdreg $0x0  }
0xb1: {  	[dreg:$0x5] =	wrdreg $0x9  }
0xb2: {  	_ =	task.clear_ibuf [dreg:s7], $0x6FFFF;
	_ =	strace $0x90000046  }
0xb3: {  	s29 =	simm.s32 $0x9;
	_ =	strace $0x80000048  }
0xb4: {  	_ =	swait.ge [sflag:s29], $0x1  }
0xb5: {  	[sflag:s29] =	ssyncadd.s32 $0xFFFFFFFF  }
0xb6: {  	_ =	strace $0x90000048  }
0xb7: {  	_ =	sfence  }
0xb8: {  	s30 =	sld [smem:$0x0];
	_ =	sdelay $0x2  }
0xb9: {  	s31 =	sshll.u32 s1, $0xD;
	s1 =	sshrl.u32 s1, $0x2  }
0xba: {  	s3 =	sand.u32 $0x4000, s31;
	s1 =	sadd.s32 s1, s30  }
0xbb: {  	s0 =	sor.u32 s3, s0;
	s1 =	sshll.u32 s1, $0x11  }
0xbc: {  	s0 =	sor.u32 s1, s0  }
0xbd: {  	s0 =	sadd.s32 $0x8F2B, s0  }
0xbe: {  	[sflag:s0] =	ssyncadd.remote.s32 $0x1  }
0xbf: {  	_ =	sfence.sel $0xFFFF  }
0xc0: {  	[dreg:$0x0] =	wrdreg $0xFFFFFFFF;
	(pc) =	sbr.abs _section_cstart, $3  }
0xc1: {  	[dreg:$0x1] =	wrdreg $0xFFFFFFFF  }
0xc2: {  	_ =	task.clear_ibuf [dreg:s7], $0x2FFFF;
	_ =	strace $0x9FFFFFFF  }
0xc3: {  	(tm) =	ssettm $0x7FFFFFFF  }
tec
execute0_lowered:
.L_overlay_start_1:
0x0: {  	(tag) =	ssettag $0x1  }
0x1: {  	s0 =	rddreg [dreg:$0x0]  }
0x2: {  	s1 =	rddreg [dreg:$0x2]  }
0x3: {  	s2 =	simm.s32 $0x0;
	s25 =	srdreg.scid;
	s18 =	stileid.u32  }
0x4: {  	s29 =	simm.s32 $0x15800;
	s30 =	simm.s32 $0x3;
	s31 =	simm.s32 $0x14000  }
0x5: {  	[smem:$0x7FF] =	sst s2;
	s2 =	sand.u32 $0x1, s25;
	s3 =	smul.u32 $0x50000, s18  }
0x6: {  	s4 =	sadd.s32 $0x52E00, s0;
	s6 =	smul.u32 $0x14000, s18;
	s7 =	sadd.s32 $0x2C4600, s0  }
0x7: {  	_ =	strace $0x80000047;
	s5 =	ssub.s32 $0x2, s2;
	s10 =	smul.u32 $0x280000, s2  }
0x8: {  	s13 =	sshllo.u32 s2, $0x1;
	s8 =	sshrl.u32 s5, $0x1;
	s3 =	sshrl.u32 s3, $0x2  }
0x9: {  	s26 =	sadd.s32 $0x4000, s6;
	s28 =	sadd.s32 $0x8000, s6;
	s9 =	sadd.s32 $0xC000, s6  }
0xa: {  	s20 =	sadd.s32 $0x10000, s6;
	s22 =	smul.u32 $0x140000, s13;
	s3 =	sadd.s32 s3, s1  }
0xb: {  	s5 =	ssub.s32 s5, s8;
	s11 =	sadd.s32 s26, s1;
	[dreg:$0x4] =	wrdreg s3  }
0xc: {  	s17 =	sadd.s32 s28, s1;
	s19 =	sadd.s32 s9, s1;
	[dreg:$0x5] =	wrdreg s11  }
0xd: {  	s12 =	sadd.s32 s6, s10;
	s1 =	sadd.s32 s20, s1;
	[dreg:$0x6] =	wrdreg s17  }
0xe: {  	s14 =	sadd.s32 s10, s26;
	s15 =	sadd.s32 s10, s28;
	[dreg:$0x7] =	wrdreg s19  }
0xf: {  	s16 =	sadd.s32 s10, s9;
	[dreg:$0x8] =	wrdreg s1;
	s21 =	sshrl.u32 s12, $0x3  }
0x10: {  	s17 =	sadd.s32 s10, s20;
	s6 =	sadd.s32 s6, s22;
	s3 =	sadd.s32 s26, s22  }
0x11: {  	s8 =	sadd.s32 s28, s22;
	s9 =	sadd.s32 s9, s22;
	s11 =	sadd.s32 s20, s22  }
0x12: {  	s10 =	sadd.s32 $0x2AE00, s0;
	s23 =	sshrl.u32 s14, $0x3;
	s24 =	sshrl.u32 s15, $0x3  }
0x13: {  	s25 =	sshrl.u32 s16, $0x3;
	s20 =	smul.u32 $0x5000, s18;
	s22 =	sadd.s32 $0x2E00, s0  }
0x14: {  	s0 =	sadd.s32 $0x2C3E00, s0;
	s18 =	simm.s32 $0x14280;
	s1 =	sadd.s32 s7, s21  }
0x15: {  	s26 =	sadd.s32 s7, s25;
	s28 =	sshrl.u32 s17, $0x3;
	s12 =	sshrl.u32 s6, $0x3  }
0x16: {  	s3 =	sshrl.u32 s3, $0x3;
	s15 =	sshrl.u32 s8, $0x3;
	s16 =	sshrl.u32 s9, $0x3  }
0x17: {  	s17 =	sshrl.u32 s11, $0x3;
	[dreg:$0x14] =	wrdreg s0;
	s21 =	smul.u32 $0x4E20, s2  }
0x18: {  	s2 =	simm.s32 $0x80;
	s11 =	simm.s32 $0x14080;
	[dreg:$0x9] =	wrdreg s1  }
0x19: {  	s6 =	simm.s32 $0x14580;
	s8 =	simm.s32 $0x14680;
	[dreg:$0xc] =	wrdreg s26  }
0x1a: {  	s9 =	simm.s32 $0x14700;
	s1 =	sadd.s32 s7, s23;
	[dreg:$0x13] =	wrdreg s20  }
0x1b: {  	s14 =	sadd.s32 s7, s3;
	s19 =	sadd.s32 s7, s17;
	[dreg:$0xa] =	wrdreg s1  }
0x1c: {  	s23 =	smul.u32 $0x2710, s13;
	s25 =	sadd.s32 $0x50000, s20;
	[dreg:$0xf] =	wrdreg s14  }
0x1d: {  	s26 =	sadd.s32 $0xA0000, s20;
	s3 =	simm.s32 $0x15000;
	[dreg:$0x12] =	wrdreg s19  }
0x1e: {  	s13 =	simm.s32 $0x1;
	s17 =	simm.s32 $0x14200;
	[dreg:$0x16] =	wrdreg s25  }
0x1f: {  	s1 =	sadd.s32 s7, s24;
	s24 =	smax.u32 s5, $0x1;
	[dreg:$0x17] =	wrdreg s26  }
0x20: {  	s14 =	simm.s32 $0x14100;
	s19 =	simm.s32 $0x14300;
	s5 =	simm.s32 $0x14500  }
0x21: {  	v0 =	vmov s21;
	s21 =	simm.s32 $0x14780;
	[dreg:$0xb] =	wrdreg s1;
	s1 =	sadd.s32 s7, s28  }
0x22: {  	[dreg:$0x15] =	wrdreg s24;
	s28 =	sadd.s32 $0xF0000, s20;
	s20 =	simm.s32 $0x14380  }
0x23: {  	v1 =	vmov s23;
	s24 =	simm.s32 $0x14400;
	s23 =	simm.s32 $0x14480;
	[dreg:$0xd] =	wrdreg s1  }
0x24: {  	s1 =	sadd.s32 s7, s12;
	[dreg:$0x18] =	wrdreg s28;
	s12 =	simm.s32 $0x19800  }
0x25: {  	[dreg:$0xe] =	wrdreg s1;
	s1 =	sadd.s32 s7, s15;
	s15 =	simm.s32 $0x2  }
0x26: {  	v2 =	vadd.s32 $0x9C40, v0;
	v3 =	vadd.s32 $0x13880, v0;
	v4 =	vadd.s32 $0x1D4C0, v0;
	[dreg:$0x10] =	wrdreg s1;
	s1 =	sadd.s32 s7, s16;
	s16 =	simm.s32 $0x14180  }
0x27: {  	v5 =	vadd.s32 $0x9C40, v1;
	v6 =	vadd.s32 $0x13880, v1;
	v7 =	vadd.s32 $0x1D4C0, v1;
	s7 =	simm.s32 $0x14600;
	[dreg:$0x11] =	wrdreg s1;
	s1 =	simm.s32 $0x0  }
.LBB2_1:
0x28: {  	[dreg:$0x19] =	wrdreg s1  }
0x29: {  	s0 =	simm.s32 $0x0;
	s26 =	rddreg [dreg:$0x14]  }
0x2a: {  	[tilespmem:s29], [sflag:$0x3] =	stream.linear.gather [hbm4b:s26+s0], $0x4000, $0x38;
	[tilespmem:$0x1D800] =	vst v63  }
0x2b: {  	_ =	swait.ge [sflag:s30], $0x4000  }
0x2c: {  	[sflag:s30] =	ssyncset.done $0x0  }
0x2d: {  	s28 =	rddreg [dreg:$0x4];
	[sflag:s30] =	ssyncadd.s32 $0xFFFFC000  }
0x2e: {  	[spmem:s28] =	stream.linear.scatter [tilespmem:s29], [sflag:$0x3], $0x4000, $0x38;
	[tilespmem:$0x1D800] =	vst v63  }
0x2f: {  	_ =	swait.ge [sflag:s30], $0x4000  }
0x30: {  	[sflag:s30] =	ssyncset.done $0x0  }
0x31: {  	s1 =	rddreg [dreg:$0x5];
	[sflag:s30] =	ssyncadd.s32 $0xFFFFC000  }
0x32: {  	[spmem:s1] =	stream.linear.scatter [tilespmem:s29], [sflag:$0x3], $0x4000, $0x38;
	[tilespmem:$0x1D800] =	vst v63  }
0x33: {  	_ =	swait.ge [sflag:s30], $0x4000  }
0x34: {  	[sflag:s30] =	ssyncset.done $0x0  }
0x35: {  	s25 =	rddreg [dreg:$0x6];
	[sflag:s30] =	ssyncadd.s32 $0xFFFFC000  }
0x36: {  	[spmem:s25] =	stream.linear.scatter [tilespmem:s29], [sflag:$0x3], $0x4000, $0x38;
	[tilespmem:$0x1D800] =	vst v63  }
0x37: {  	_ =	swait.ge [sflag:s30], $0x4000  }
0x38: {  	[sflag:s30] =	ssyncset.done $0x0  }
0x39: {  	s26 =	rddreg [dreg:$0x7];
	[sflag:s30] =	ssyncadd.s32 $0xFFFFC000  }
0x3a: {  	[spmem:s26] =	stream.linear.scatter [tilespmem:s29], [sflag:$0x3], $0x4000, $0x38;
	[tilespmem:$0x1D800] =	vst v63  }
0x3b: {  	_ =	swait.ge [sflag:s30], $0x4000  }
0x3c: {  	[sflag:s30] =	ssyncset.done $0x0  }
0x3d: {  	s28 =	rddreg [dreg:$0x8];
	[sflag:s30] =	ssyncadd.s32 $0xFFFFC000  }
0x3e: {  	[spmem:s28] =	stream.linear.scatter [tilespmem:s29], [sflag:$0x3], $0x4000, $0x38;
	[tilespmem:$0x1D800] =	vst v63  }
0x3f: {  	_ =	swait.ge [sflag:s30], $0x4000  }
0x40: {  	[sflag:s30] =	ssyncset.done $0x0  }
0x41: {  	[sflag:s30] =	ssyncadd.s32 $0xFFFFC000  }
0x42: {  	s26 =	simm.s32 $0x0;
	[bflag:$0x0] =	sbarrier.arrive $0xFFFF  }
.LBB2_2:
0x43: {  	s1 =	sshll.u32 s26, $0xB;
	s0 =	rddreg [dreg:$0x13]  }
0x44: {  	s1 =	sadd.s32 s0, s1  }
0x45: {  	s25 =	rddreg [dreg:$0x1];
	s1 =	sshrl.u32 s1, $0x3  }
0x46: {  	s28 =	simm.s32 $0x0;
	s25 =	sadd.s32 s25, s1  }
0x47: {  	[tilespmem:s31], [sflag:$0x3] =	stream.linear.gather [hbm4b:s25+s28], $0x800, $0x38;
	[tilespmem:$0x1D800] =	vst v63  }
0x48: {  	_ =	swait.ge [sflag:s30], $0x800  }
0x49: {  	[sflag:s30] =	ssyncset.done $0x0  }
0x4a: {  	s0 =	simm.s32 $0x14800;
	s25 =	sadd.s32 s10, s1;
	[sflag:s30] =	ssyncadd.s32 $0xFFFFF800  }
0x4b: {  	[tilespmem:s0], [sflag:$0x3] =	stream.linear.gather [hbm4b:s25+s28], $0x800, $0x38;
	[tilespmem:$0x1D800] =	vst v63  }
0x4c: {  	_ =	swait.ge [sflag:s30], $0x800  }
0x4d: {  	[sflag:s30] =	ssyncset.done $0x0  }
0x4e: {  	s1 =	sadd.s32 s22, s1;
	[sflag:s30] =	ssyncadd.s32 $0xFFFFF800  }
0x4f: {  	[tilespmem:s3], [sflag:$0x3] =	stream.linear.gather [hbm4b:s1+s28], $0x800, $0x38;
	[tilespmem:$0x1D800] =	vst v63  }
0x50: {  	_ =	swait.ge [sflag:s30], $0x800  }
0x51: {  	[sflag:s30] =	ssyncset.done $0x0  }
0x52: {  	s25 =	simm.s32 $0x0;
	[sflag:s30] =	ssyncadd.s32 $0xFFFFF800  }
0x53: {  	v10 =	vld [tilespmem:s25+$0x14000]  }
0x54: {  	v12 =	vld [tilespmem:s25+$0x14010]  }
0x55: {  	v11 =	vld [tilespmem:s25+$0x14020]  }
0x56: {  	v9 =	vld [tilespmem:s25+$0x14030]  }
0x57: {  	v8 =	vld [tilespmem:s25+$0x14040]  }
0x58: {  	v13 =	vadd.s32 v0, v10;
	v10 =	vld [tilespmem:s25+$0x14050]  }
0x59: {  	s28 =	simm.s32 $0x200;
	[tilespmem:s25+$0x14000] =	vst v13;
	v13 =	vadd.s32 v0, v12;
	v12 =	vld [tilespmem:s25+$0x14060]  }
.LBB2_3:
0x5a: {  	s1 =	sshra.s32 s28, $0x2;
	p0 =	sne.s32 s28, $0x1E00;
	[tilespmem:s25+$0x14010] =	vst v13;
	v11 =	vadd.s32 v0, v11;
	v13 =	vld [tilespmem:s25+$0x14070]  }
0x5b: {  	v14 =	vld [tilespmem:s1+$0x14000];
	[tilespmem:s25+$0x14020] =	vst v11;
	v9 =	vadd.s32 v0, v9  }
0x5c: {  	v15 =	vld [tilespmem:s1+$0x14010];
	[tilespmem:s25+$0x14030] =	vst v9;
	v8 =	vadd.s32 v0, v8  }
.Ltmp0:
0x5d: {  	v11 =	vld [tilespmem:s1+$0x14020];
	[tilespmem:s25+$0x14040] =	vst v8;
	v8 =	vadd.s32 v0, v10;
	(pc) =	sbr.rel @p0 .LBB2_3-.Ltmp0, $4  }
0x5e: {  	v9 =	vld [tilespmem:s1+$0x14030];
	[tilespmem:s25+$0x14050] =	vst v8;
	v10 =	vadd.s32 v0, v12  }
0x5f: {  	v8 =	vld [tilespmem:s1+$0x14040];
	[tilespmem:s25+$0x14060] =	vst v10;
	v12 =	vadd.s32 v0, v13  }
0x60: {  	v13 =	vadd.s32 v0, v14;
	v10 =	vld [tilespmem:s1+$0x14050];
	[tilespmem:s25+$0x14070] =	vst v12;
	s25 =	smov.u32 s1  }
0x61: {  	s28 =	sadd.s32 $0x200, s28;
	[tilespmem:s25+$0x14000] =	vst v13;
	v13 =	vadd.s32 v0, v15;
	v12 =	vld [tilespmem:s25+$0x14060]  }
0x62: {  	[tilespmem:s25+$0x14010] =	vst v13;
	v11 =	vadd.s32 v0, v11;
	v63 =	vld [tilespmem:s25+$0x14070]  }
0x63: {  	[tilespmem:s25+$0x14020] =	vst v11;
	v9 =	vadd.s32 v0, v9  }
0x64: {  	[tilespmem:s25+$0x14030] =	vst v9;
	v8 =	vadd.s32 v0, v8  }
0x65: {  	[tilespmem:s25+$0x14040] =	vst v8;
	v8 =	vadd.s32 v0, v10  }
0x66: {  	[tilespmem:s25+$0x14050] =	vst v8;
	v8 =	vadd.s32 v0, v12  }
0x67: {  	[tilespmem:s25+$0x14060] =	vst v8;
	v8 =	vadd.s32 v0, v63  }
0x68: {  	[tilespmem:s25+$0x14070] =	vst v8  }
0x69: {  	[tilespmem:s29], [sflag:$0x1] =	stream.indirect.gather [hbm4b:s4+s2], $0x80, s31, s2, $0xb8;
	[tilespmem:$0x1D800] =	vst v63  }
0x6a: {  	_ = 	snop  }
0x6b: {  	[tilespmem:s12], [sflag:$0x2] =	stream.indirect.gather [hbm4b:s4+s2], $0x80, s11, s2, $0xb8;
	[tilespmem:$0x1D800] =	vst v63  }
0x6c: {  	_ =	swait.ge [sflag:s13], $0x4000  }
0x6d: {  	[sflag:s13] =	ssyncset.done $0x0  }
0x6e: {  	[sflag:s13] =	ssyncadd.s32 $0xFFFFC000  }
0x6f: {  	[tilespmem:s29], [sflag:$0x1] =	stream.indirect.gather [hbm4b:s4+s2], $0x80, s14, s2, $0xb8;
	[tilespmem:$0x1D800] =	vst v63  }
0x70: {  	_ =	swait.ge [sflag:s15], $0x4000  }
0x71: {  	[sflag:s15] =	ssyncset.done $0x0  }
0x72: {  	[sflag:s15] =	ssyncadd.s32 $0xFFFFC000  }
0x73: {  	[tilespmem:s12], [sflag:$0x2] =	stream.indirect.gather [hbm4b:s4+s2], $0x80, s16, s2, $0xb8;
	[tilespmem:$0x1D800] =	vst v63  }
0x74: {  	_ =	swait.ge [sflag:s13], $0x4000  }
0x75: {  	[sflag:s13] =	ssyncset.done $0x0  }
0x76: {  	[sflag:s13] =	ssyncadd.s32 $0xFFFFC000  }
0x77: {  	[tilespmem:s29], [sflag:$0x1] =	stream.indirect.gather [hbm4b:s4+s2], $0x80, s17, s2, $0xb8;
	[tilespmem:$0x1D800] =	vst v63  }
0x78: {  	_ =	swait.ge [sflag:s15], $0x4000  }
0x79: {  	[sflag:s15] =	ssyncset.done $0x0  }
0x7a: {  	[sflag:s15] =	ssyncadd.s32 $0xFFFFC000  }
0x7b: {  	[tilespmem:s12], [sflag:$0x2] =	stream.indirect.gather [hbm4b:s4+s2], $0x80, s18, s2, $0xb8;
	[tilespmem:$0x1D800] =	vst v63  }
0x7c: {  	_ =	swait.ge [sflag:s13], $0x4000  }
0x7d: {  	[sflag:s13] =	ssyncset.done $0x0  }
0x7e: {  	[sflag:s13] =	ssyncadd.s32 $0xFFFFC000  }
0x7f: {  	[tilespmem:s29], [sflag:$0x1] =	stream.indirect.gather [hbm4b:s4+s2], $0x80, s19, s2, $0xb8;
	[tilespmem:$0x1D800] =	vst v63  }
0x80: {  	_ =	swait.ge [sflag:s15], $0x4000  }
0x81: {  	[sflag:s15] =	ssyncset.done $0x0  }
0x82: {  	[sflag:s15] =	ssyncadd.s32 $0xFFFFC000  }
0x83: {  	[tilespmem:s12], [sflag:$0x2] =	stream.indirect.gather [hbm4b:s4+s2], $0x80, s20, s2, $0xb8;
	[tilespmem:$0x1D800] =	vst v63  }
0x84: {  	_ =	swait.ge [sflag:s13], $0x4000  }
0x85: {  	[sflag:s13] =	ssyncset.done $0x0  }
0x86: {  	[sflag:s13] =	ssyncadd.s32 $0xFFFFC000  }
0x87: {  	[tilespmem:s29], [sflag:$0x1] =	stream.indirect.gather [hbm4b:s4+s2], $0x80, s24, s2, $0xb8;
	[tilespmem:$0x1D800] =	vst v63  }
0x88: {  	_ =	swait.ge [sflag:s15], $0x4000  }
0x89: {  	[sflag:s15] =	ssyncset.done $0x0  }
0x8a: {  	[sflag:s15] =	ssyncadd.s32 $0xFFFFC000  }
0x8b: {  	[tilespmem:s12], [sflag:$0x2] =	stream.indirect.gather [hbm4b:s4+s2], $0x80, s23, s2, $0xb8;
	[tilespmem:$0x1D800] =	vst v63  }
0x8c: {  	_ =	swait.ge [sflag:s13], $0x4000  }
0x8d: {  	[sflag:s13] =	ssyncset.done $0x0  }
0x8e: {  	[sflag:s13] =	ssyncadd.s32 $0xFFFFC000  }
0x8f: {  	[tilespmem:s29], [sflag:$0x1] =	stream.indirect.gather [hbm4b:s4+s2], $0x80, s5, s2, $0xb8;
	[tilespmem:$0x1D800] =	vst v63  }
0x90: {  	_ =	swait.ge [sflag:s15], $0x4000  }
0x91: {  	[sflag:s15] =	ssyncset.done $0x0  }
0x92: {  	[sflag:s15] =	ssyncadd.s32 $0xFFFFC000  }
0x93: {  	[tilespmem:s12], [sflag:$0x2] =	stream.indirect.gather [hbm4b:s4+s2], $0x80, s6, s2, $0xb8;
	[tilespmem:$0x1D800] =	vst v63  }
0x94: {  	_ =	swait.ge [sflag:s13], $0x4000  }
0x95: {  	[sflag:s13] =	ssyncset.done $0x0  }
0x96: {  	[sflag:s13] =	ssyncadd.s32 $0xFFFFC000  }
0x97: {  	[tilespmem:s29], [sflag:$0x1] =	stream.indirect.gather [hbm4b:s4+s2], $0x80, s7, s2, $0xb8;
	[tilespmem:$0x1D800] =	vst v63  }
0x98: {  	_ =	swait.ge [sflag:s15], $0x4000  }
0x99: {  	[sflag:s15] =	ssyncset.done $0x0  }
0x9a: {  	[sflag:s15] =	ssyncadd.s32 $0xFFFFC000  }
0x9b: {  	[tilespmem:s12], [sflag:$0x2] =	stream.indirect.gather [hbm4b:s4+s2], $0x80, s8, s2, $0xb8;
	[tilespmem:$0x1D800] =	vst v63  }
0x9c: {  	_ =	swait.ge [sflag:s13], $0x4000  }
0x9d: {  	[sflag:s13] =	ssyncset.done $0x0  }
0x9e: {  	[sflag:s13] =	ssyncadd.s32 $0xFFFFC000  }
0x9f: {  	[tilespmem:s29], [sflag:$0x1] =	stream.indirect.gather [hbm4b:s4+s2], $0x80, s9, s2, $0xb8;
	[tilespmem:$0x1D800] =	vst v63  }
0xa0: {  	_ =	swait.ge [sflag:s15], $0x4000  }
0xa1: {  	[sflag:s15] =	ssyncset.done $0x0  }
0xa2: {  	s26 =	sadd.s32 $0x1, s26;
	[sflag:s15] =	ssyncadd.s32 $0xFFFFC000  }
0xa3: {  	[tilespmem:s12], [sflag:$0x2] =	stream.indirect.gather [hbm4b:s4+s2], $0x80, s21, s2, $0xb8;
	[tilespmem:$0x1D800] =	vst v63  }
0xa4: {  	p0 =	sne.s32 s26, $0xA;
	_ =	swait.ge [sflag:s13], $0x4000  }
.Ltmp1:
0xa5: {  	[sflag:s13] =	ssyncset.done $0x0;
	(pc) =	sbr.rel @p0 .LBB2_2-.Ltmp1, $4  }
0xa6: {  	[sflag:s13] =	ssyncadd.s32 $0xFFFFC000  }
0xa7: {  	_ =	swait.ge [sflag:s15], $0x4000  }
0xa8: {  	[sflag:s15] =	ssyncset.done $0x0  }
0xa9: {  	s25 =	simm.s32 $0x0;
	[sflag:s15] =	ssyncadd.s32 $0xFFFFC000  }
0xaa: {  	s28 =	simm.s32 $0x0  }
.LBB2_6:
0xab: {  	s1 =	sshll.u32 s28, $0xB;
	s0 =	rddreg [dreg:$0x16]  }
0xac: {  	s1 =	sadd.s32 s1, s0  }
0xad: {  	s26 =	rddreg [dreg:$0x1];
	s1 =	sshrl.u32 s1, $0x3  }
0xae: {  	s26 =	sadd.s32 s26, s1  }
0xaf: {  	[tilespmem:s31], [sflag:$0x3] =	stream.linear.gather [hbm4b:s26+s25], $0x800, $0x38;
	[tilespmem:$0x1D800] =	vst v63  }
0xb0: {  	_ =	swait.ge [sflag:s30], $0x800  }
0xb1: {  	[sflag:s30] =	ssyncset.done $0x0  }
0xb2: {  	s0 =	simm.s32 $0x14800;
	s26 =	sadd.s32 s10, s1;
	[sflag:s30] =	ssyncadd.s32 $0xFFFFF800  }
0xb3: {  	[tilespmem:s0], [sflag:$0x3] =	stream.linear.gather [hbm4b:s26+s25], $0x800, $0x38;
	[tilespmem:$0x1D800] =	vst v63  }
0xb4: {  	_ =	swait.ge [sflag:s30], $0x800  }
0xb5: {  	[sflag:s30] =	ssyncset.done $0x0  }
0xb6: {  	s1 =	sadd.s32 s22, s1;
	[sflag:s30] =	ssyncadd.s32 $0xFFFFF800  }
0xb7: {  	[tilespmem:s3], [sflag:$0x3] =	stream.linear.gather [hbm4b:s1+s25], $0x800, $0x38;
	[tilespmem:$0x1D800] =	vst v63  }
0xb8: {  	_ =	swait.ge [sflag:s30], $0x800  }
0xb9: {  	[sflag:s30] =	ssyncset.done $0x0  }
0xba: {  	s26 =	simm.s32 $0x0;
	[sflag:s30] =	ssyncadd.s32 $0xFFFFF800  }
0xbb: {  	v10 =	vld [tilespmem:s26+$0x14000]  }
0xbc: {  	v12 =	vld [tilespmem:s26+$0x14010]  }
0xbd: {  	v11 =	vld [tilespmem:s26+$0x14020]  }
0xbe: {  	v9 =	vld [tilespmem:s26+$0x14030]  }
0xbf: {  	v8 =	vld [tilespmem:s26+$0x14040]  }
0xc0: {  	v13 =	vadd.s32 v2, v10;
	v10 =	vld [tilespmem:s26+$0x14050]  }
0xc1: {  	s1 =	simm.s32 $0x200;
	[tilespmem:s26+$0x14000] =	vst v13;
	v13 =	vadd.s32 v2, v12;
	v12 =	vld [tilespmem:s26+$0x14060]  }
.LBB2_7:
0xc2: {  	s0 =	sshra.s32 s1, $0x2;
	p0 =	sne.s32 s1, $0x1E00;
	[tilespmem:s26+$0x14010] =	vst v13;
	v11 =	vadd.s32 v2, v11;
	v13 =	vld [tilespmem:s26+$0x14070]  }
0xc3: {  	v14 =	vld [tilespmem:s0+$0x14000];
	[tilespmem:s26+$0x14020] =	vst v11;
	v9 =	vadd.s32 v2, v9  }
0xc4: {  	v15 =	vld [tilespmem:s0+$0x14010];
	[tilespmem:s26+$0x14030] =	vst v9;
	v8 =	vadd.s32 v2, v8  }
.Ltmp2:
0xc5: {  	v11 =	vld [tilespmem:s0+$0x14020];
	[tilespmem:s26+$0x14040] =	vst v8;
	v8 =	vadd.s32 v2, v10;
	(pc) =	sbr.rel @p0 .LBB2_7-.Ltmp2, $4  }
0xc6: {  	v9 =	vld [tilespmem:s0+$0x14030];
	[tilespmem:s26+$0x14050] =	vst v8;
	v10 =	vadd.s32 v2, v12  }
0xc7: {  	v8 =	vld [tilespmem:s0+$0x14040];
	[tilespmem:s26+$0x14060] =	vst v10;
	v12 =	vadd.s32 v2, v13  }
0xc8: {  	v13 =	vadd.s32 v2, v14;
	v10 =	vld [tilespmem:s0+$0x14050];
	[tilespmem:s26+$0x14070] =	vst v12;
	s26 =	smov.u32 s0  }
0xc9: {  	s1 =	sadd.s32 $0x200, s1;
	[tilespmem:s26+$0x14000] =	vst v13;
	v13 =	vadd.s32 v2, v15;
	v12 =	vld [tilespmem:s26+$0x14060]  }
0xca: {  	[tilespmem:s26+$0x14010] =	vst v13;
	v11 =	vadd.s32 v2, v11;
	v63 =	vld [tilespmem:s26+$0x14070]  }
0xcb: {  	[tilespmem:s26+$0x14020] =	vst v11;
	v9 =	vadd.s32 v2, v9  }
0xcc: {  	[tilespmem:s26+$0x14030] =	vst v9;
	v8 =	vadd.s32 v2, v8  }
0xcd: {  	[tilespmem:s26+$0x14040] =	vst v8;
	v8 =	vadd.s32 v2, v10  }
0xce: {  	[tilespmem:s26+$0x14050] =	vst v8;
	v8 =	vadd.s32 v2, v12  }
0xcf: {  	[tilespmem:s26+$0x14060] =	vst v8;
	v8 =	vadd.s32 v2, v63  }
0xd0: {  	[tilespmem:s26+$0x14070] =	vst v8  }
0xd1: {  	[tilespmem:s29], [sflag:$0x1] =	stream.indirect.gather [hbm4b:s4+s2], $0x80, s31, s2, $0xb8;
	[tilespmem:$0x1D800] =	vst v63  }
0xd2: {  	_ = 	snop  }
0xd3: {  	[tilespmem:s12], [sflag:$0x2] =	stream.indirect.gather [hbm4b:s4+s2], $0x80, s11, s2, $0xb8;
	[tilespmem:$0x1D800] =	vst v63  }
0xd4: {  	_ =	swait.ge [sflag:s13], $0x4000  }
0xd5: {  	[sflag:s13] =	ssyncset.done $0x0  }
0xd6: {  	[sflag:s13] =	ssyncadd.s32 $0xFFFFC000  }
0xd7: {  	[tilespmem:s29], [sflag:$0x1] =	stream.indirect.gather [hbm4b:s4+s2], $0x80, s14, s2, $0xb8;
	[tilespmem:$0x1D800] =	vst v63  }
0xd8: {  	_ =	swait.ge [sflag:s15], $0x4000  }
0xd9: {  	[sflag:s15] =	ssyncset.done $0x0  }
0xda: {  	[sflag:s15] =	ssyncadd.s32 $0xFFFFC000  }
0xdb: {  	[tilespmem:s12], [sflag:$0x2] =	stream.indirect.gather [hbm4b:s4+s2], $0x80, s16, s2, $0xb8;
	[tilespmem:$0x1D800] =	vst v63  }
0xdc: {  	_ =	swait.ge [sflag:s13], $0x4000  }
0xdd: {  	[sflag:s13] =	ssyncset.done $0x0  }
0xde: {  	[sflag:s13] =	ssyncadd.s32 $0xFFFFC000  }
0xdf: {  	[tilespmem:s29], [sflag:$0x1] =	stream.indirect.gather [hbm4b:s4+s2], $0x80, s17, s2, $0xb8;
	[tilespmem:$0x1D800] =	vst v63  }
0xe0: {  	_ =	swait.ge [sflag:s15], $0x4000  }
0xe1: {  	[sflag:s15] =	ssyncset.done $0x0  }
0xe2: {  	[sflag:s15] =	ssyncadd.s32 $0xFFFFC000  }
0xe3: {  	[tilespmem:s12], [sflag:$0x2] =	stream.indirect.gather [hbm4b:s4+s2], $0x80, s18, s2, $0xb8;
	[tilespmem:$0x1D800] =	vst v63  }
0xe4: {  	_ =	swait.ge [sflag:s13], $0x4000  }
0xe5: {  	[sflag:s13] =	ssyncset.done $0x0  }
0xe6: {  	[sflag:s13] =	ssyncadd.s32 $0xFFFFC000  }
0xe7: {  	[tilespmem:s29], [sflag:$0x1] =	stream.indirect.gather [hbm4b:s4+s2], $0x80, s19, s2, $0xb8;
	[tilespmem:$0x1D800] =	vst v63  }
0xe8: {  	_ =	swait.ge [sflag:s15], $0x4000  }
0xe9: {  	[sflag:s15] =	ssyncset.done $0x0  }
0xea: {  	[sflag:s15] =	ssyncadd.s32 $0xFFFFC000  }
0xeb: {  	[tilespmem:s12], [sflag:$0x2] =	stream.indirect.gather [hbm4b:s4+s2], $0x80, s20, s2, $0xb8;
	[tilespmem:$0x1D800] =	vst v63  }
0xec: {  	_ =	swait.ge [sflag:s13], $0x4000  }
0xed: {  	[sflag:s13] =	ssyncset.done $0x0  }
0xee: {  	[sflag:s13] =	ssyncadd.s32 $0xFFFFC000  }
0xef: {  	[tilespmem:s29], [sflag:$0x1] =	stream.indirect.gather [hbm4b:s4+s2], $0x80, s24, s2, $0xb8;
	[tilespmem:$0x1D800] =	vst v63  }
0xf0: {  	_ =	swait.ge [sflag:s15], $0x4000  }
0xf1: {  	[sflag:s15] =	ssyncset.done $0x0  }
0xf2: {  	[sflag:s15] =	ssyncadd.s32 $0xFFFFC000  }
0xf3: {  	[tilespmem:s12], [sflag:$0x2] =	stream.indirect.gather [hbm4b:s4+s2], $0x80, s23, s2, $0xb8;
	[tilespmem:$0x1D800] =	vst v63  }
0xf4: {  	_ =	swait.ge [sflag:s13], $0x4000  }
0xf5: {  	[sflag:s13] =	ssyncset.done $0x0  }
0xf6: {  	[sflag:s13] =	ssyncadd.s32 $0xFFFFC000  }
0xf7: {  	[tilespmem:s29], [sflag:$0x1] =	stream.indirect.gather [hbm4b:s4+s2], $0x80, s5, s2, $0xb8;
	[tilespmem:$0x1D800] =	vst v63  }
0xf8: {  	_ =	swait.ge [sflag:s15], $0x4000  }
0xf9: {  	[sflag:s15] =	ssyncset.done $0x0  }
0xfa: {  	[sflag:s15] =	ssyncadd.s32 $0xFFFFC000  }
0xfb: {  	[tilespmem:s12], [sflag:$0x2] =	stream.indirect.gather [hbm4b:s4+s2], $0x80, s6, s2, $0xb8;
	[tilespmem:$0x1D800] =	vst v63  }
0xfc: {  	_ =	swait.ge [sflag:s13], $0x4000  }
0xfd: {  	[sflag:s13] =	ssyncset.done $0x0  }
0xfe: {  	[sflag:s13] =	ssyncadd.s32 $0xFFFFC000  }
0xff: {  	[tilespmem:s29], [sflag:$0x1] =	stream.indirect.gather [hbm4b:s4+s2], $0x80, s7, s2, $0xb8;
	[tilespmem:$0x1D800] =	vst v63  }
0x100: {  	_ =	swait.ge [sflag:s15], $0x4000  }
0x101: {  	[sflag:s15] =	ssyncset.done $0x0  }
0x102: {  	[sflag:s15] =	ssyncadd.s32 $0xFFFFC000  }
0x103: {  	[tilespmem:s12], [sflag:$0x2] =	stream.indirect.gather [hbm4b:s4+s2], $0x80, s8, s2, $0xb8;
	[tilespmem:$0x1D800] =	vst v63  }
0x104: {  	_ =	swait.ge [sflag:s13], $0x4000  }
0x105: {  	[sflag:s13] =	ssyncset.done $0x0  }
0x106: {  	[sflag:s13] =	ssyncadd.s32 $0xFFFFC000  }
0x107: {  	[tilespmem:s29], [sflag:$0x1] =	stream.indirect.gather [hbm4b:s4+s2], $0x80, s9, s2, $0xb8;
	[tilespmem:$0x1D800] =	vst v63  }
0x108: {  	_ =	swait.ge [sflag:s15], $0x4000  }
0x109: {  	[sflag:s15] =	ssyncset.done $0x0  }
0x10a: {  	s28 =	sadd.s32 $0x1, s28;
	[sflag:s15] =	ssyncadd.s32 $0xFFFFC000  }
0x10b: {  	[tilespmem:s12], [sflag:$0x2] =	stream.indirect.gather [hbm4b:s4+s2], $0x80, s21, s2, $0xb8;
	[tilespmem:$0x1D800] =	vst v63  }
0x10c: {  	p0 =	sne.s32 s28, $0xA;
	_ =	swait.ge [sflag:s13], $0x4000  }
.Ltmp3:
0x10d: {  	[sflag:s13] =	ssyncset.done $0x0;
	(pc) =	sbr.rel @p0 .LBB2_6-.Ltmp3, $4  }
0x10e: {  	[sflag:s13] =	ssyncadd.s32 $0xFFFFC000  }
0x10f: {  	_ =	swait.ge [sflag:s15], $0x4000  }
0x110: {  	[sflag:s15] =	ssyncset.done $0x0  }
0x111: {  	s26 =	simm.s32 $0x0;
	[sflag:s15] =	ssyncadd.s32 $0xFFFFC000  }
0x112: {  	s28 =	simm.s32 $0x0  }
.LBB2_10:
0x113: {  	s0 =	sshll.u32 s28, $0xB;
	s1 =	rddreg [dreg:$0x17]  }
0x114: {  	s0 =	sadd.s32 s0, s1  }
0x115: {  	s25 =	rddreg [dreg:$0x1];
	s0 =	sshrl.u32 s0, $0x3  }
0x116: {  	s1 =	sadd.s32 s25, s0  }
0x117: {  	[tilespmem:s31], [sflag:$0x3] =	stream.linear.gather [hbm4b:s1+s26], $0x800, $0x38;
	[tilespmem:$0x1D800] =	vst v63  }
0x118: {  	_ =	swait.ge [sflag:s30], $0x800  }
0x119: {  	[sflag:s30] =	ssyncset.done $0x0  }
0x11a: {  	s25 =	simm.s32 $0x14800;
	s1 =	sadd.s32 s10, s0;
	[sflag:s30] =	ssyncadd.s32 $0xFFFFF800  }
0x11b: {  	[tilespmem:s25], [sflag:$0x3] =	stream.linear.gather [hbm4b:s1+s26], $0x800, $0x38;
	[tilespmem:$0x1D800] =	vst v63  }
0x11c: {  	_ =	swait.ge [sflag:s30], $0x800  }
0x11d: {  	[sflag:s30] =	ssyncset.done $0x0  }
0x11e: {  	s0 =	sadd.s32 s22, s0;
	[sflag:s30] =	ssyncadd.s32 $0xFFFFF800  }
0x11f: {  	[tilespmem:s3], [sflag:$0x3] =	stream.linear.gather [hbm4b:s0+s26], $0x800, $0x38;
	[tilespmem:$0x1D800] =	vst v63  }
0x120: {  	_ =	swait.ge [sflag:s30], $0x800  }
0x121: {  	[sflag:s30] =	ssyncset.done $0x0  }
0x122: {  	s25 =	simm.s32 $0x0;
	[sflag:s30] =	ssyncadd.s32 $0xFFFFF800  }
0x123: {  	v10 =	vld [tilespmem:s25+$0x14000]  }
0x124: {  	v12 =	vld [tilespmem:s25+$0x14010]  }
0x125: {  	v11 =	vld [tilespmem:s25+$0x14020]  }
0x126: {  	v9 =	vld [tilespmem:s25+$0x14030]  }
0x127: {  	v8 =	vld [tilespmem:s25+$0x14040]  }
0x128: {  	v13 =	vadd.s32 v3, v10;
	v10 =	vld [tilespmem:s25+$0x14050]  }
0x129: {  	s1 =	simm.s32 $0x200;
	[tilespmem:s25+$0x14000] =	vst v13;
	v13 =	vadd.s32 v3, v12;
	v12 =	vld [tilespmem:s25+$0x14060]  }
.LBB2_11:
0x12a: {  	s0 =	sshra.s32 s1, $0x2;
	p0 =	sne.s32 s1, $0x1E00;
	[tilespmem:s25+$0x14010] =	vst v13;
	v11 =	vadd.s32 v3, v11;
	v13 =	vld [tilespmem:s25+$0x14070]  }
0x12b: {  	v14 =	vld [tilespmem:s0+$0x14000];
	[tilespmem:s25+$0x14020] =	vst v11;
	v9 =	vadd.s32 v3, v9  }
0x12c: {  	v15 =	vld [tilespmem:s0+$0x14010];
	[tilespmem:s25+$0x14030] =	vst v9;
	v8 =	vadd.s32 v3, v8  }
.Ltmp4:
0x12d: {  	v11 =	vld [tilespmem:s0+$0x14020];
	[tilespmem:s25+$0x14040] =	vst v8;
	v8 =	vadd.s32 v3, v10;
	(pc) =	sbr.rel @p0 .LBB2_11-.Ltmp4, $4  }
0x12e: {  	v9 =	vld [tilespmem:s0+$0x14030];
	[tilespmem:s25+$0x14050] =	vst v8;
	v10 =	vadd.s32 v3, v12  }
0x12f: {  	v8 =	vld [tilespmem:s0+$0x14040];
	[tilespmem:s25+$0x14060] =	vst v10;
	v12 =	vadd.s32 v3, v13  }
0x130: {  	v13 =	vadd.s32 v3, v14;
	v10 =	vld [tilespmem:s0+$0x14050];
	[tilespmem:s25+$0x14070] =	vst v12;
	s25 =	smov.u32 s0  }
0x131: {  	s1 =	sadd.s32 $0x200, s1;
	[tilespmem:s25+$0x14000] =	vst v13;
	v13 =	vadd.s32 v3, v15;
	v12 =	vld [tilespmem:s25+$0x14060]  }
0x132: {  	[tilespmem:s25+$0x14010] =	vst v13;
	v11 =	vadd.s32 v3, v11;
	v63 =	vld [tilespmem:s25+$0x14070]  }
0x133: {  	[tilespmem:s25+$0x14020] =	vst v11;
	v9 =	vadd.s32 v3, v9  }
0x134: {  	[tilespmem:s25+$0x14030] =	vst v9;
	v8 =	vadd.s32 v3, v8  }
0x135: {  	[tilespmem:s25+$0x14040] =	vst v8;
	v8 =	vadd.s32 v3, v10  }
0x136: {  	[tilespmem:s25+$0x14050] =	vst v8;
	v8 =	vadd.s32 v3, v12  }
0x137: {  	[tilespmem:s25+$0x14060] =	vst v8;
	v8 =	vadd.s32 v3, v63  }
0x138: {  	[tilespmem:s25+$0x14070] =	vst v8  }
0x139: {  	[tilespmem:s29], [sflag:$0x1] =	stream.indirect.gather [hbm4b:s4+s2], $0x80, s31, s2, $0xb8;
	[tilespmem:$0x1D800] =	vst v63  }
0x13a: {  	_ = 	snop  }
0x13b: {  	[tilespmem:s12], [sflag:$0x2] =	stream.indirect.gather [hbm4b:s4+s2], $0x80, s11, s2, $0xb8;
	[tilespmem:$0x1D800] =	vst v63  }
0x13c: {  	_ =	swait.ge [sflag:s13], $0x4000  }
0x13d: {  	[sflag:s13] =	ssyncset.done $0x0  }
0x13e: {  	[sflag:s13] =	ssyncadd.s32 $0xFFFFC000  }
0x13f: {  	[tilespmem:s29], [sflag:$0x1] =	stream.indirect.gather [hbm4b:s4+s2], $0x80, s14, s2, $0xb8;
	[tilespmem:$0x1D800] =	vst v63  }
0x140: {  	_ =	swait.ge [sflag:s15], $0x4000  }
0x141: {  	[sflag:s15] =	ssyncset.done $0x0  }
0x142: {  	[sflag:s15] =	ssyncadd.s32 $0xFFFFC000  }
0x143: {  	[tilespmem:s12], [sflag:$0x2] =	stream.indirect.gather [hbm4b:s4+s2], $0x80, s16, s2, $0xb8;
	[tilespmem:$0x1D800] =	vst v63  }
0x144: {  	_ =	swait.ge [sflag:s13], $0x4000  }
0x145: {  	[sflag:s13] =	ssyncset.done $0x0  }
0x146: {  	[sflag:s13] =	ssyncadd.s32 $0xFFFFC000  }
0x147: {  	[tilespmem:s29], [sflag:$0x1] =	stream.indirect.gather [hbm4b:s4+s2], $0x80, s17, s2, $0xb8;
	[tilespmem:$0x1D800] =	vst v63  }
0x148: {  	_ =	swait.ge [sflag:s15], $0x4000  }
0x149: {  	[sflag:s15] =	ssyncset.done $0x0  }
0x14a: {  	[sflag:s15] =	ssyncadd.s32 $0xFFFFC000  }
0x14b: {  	[tilespmem:s12], [sflag:$0x2] =	stream.indirect.gather [hbm4b:s4+s2], $0x80, s18, s2, $0xb8;
	[tilespmem:$0x1D800] =	vst v63  }
0x14c: {  	_ =	swait.ge [sflag:s13], $0x4000  }
0x14d: {  	[sflag:s13] =	ssyncset.done $0x0  }
0x14e: {  	[sflag:s13] =	ssyncadd.s32 $0xFFFFC000  }
0x14f: {  	[tilespmem:s29], [sflag:$0x1] =	stream.indirect.gather [hbm4b:s4+s2], $0x80, s19, s2, $0xb8;
	[tilespmem:$0x1D800] =	vst v63  }
0x150: {  	_ =	swait.ge [sflag:s15], $0x4000  }
0x151: {  	[sflag:s15] =	ssyncset.done $0x0  }
0x152: {  	[sflag:s15] =	ssyncadd.s32 $0xFFFFC000  }
0x153: {  	[tilespmem:s12], [sflag:$0x2] =	stream.indirect.gather [hbm4b:s4+s2], $0x80, s20, s2, $0xb8;
	[tilespmem:$0x1D800] =	vst v63  }
0x154: {  	_ =	swait.ge [sflag:s13], $0x4000  }
0x155: {  	[sflag:s13] =	ssyncset.done $0x0  }
0x156: {  	[sflag:s13] =	ssyncadd.s32 $0xFFFFC000  }
0x157: {  	[tilespmem:s29], [sflag:$0x1] =	stream.indirect.gather [hbm4b:s4+s2], $0x80, s24, s2, $0xb8;
	[tilespmem:$0x1D800] =	vst v63  }
0x158: {  	_ =	swait.ge [sflag:s15], $0x4000  }
0x159: {  	[sflag:s15] =	ssyncset.done $0x0  }
0x15a: {  	[sflag:s15] =	ssyncadd.s32 $0xFFFFC000  }
0x15b: {  	[tilespmem:s12], [sflag:$0x2] =	stream.indirect.gather [hbm4b:s4+s2], $0x80, s23, s2, $0xb8;
	[tilespmem:$0x1D800] =	vst v63  }
0x15c: {  	_ =	swait.ge [sflag:s13], $0x4000  }
0x15d: {  	[sflag:s13] =	ssyncset.done $0x0  }
0x15e: {  	[sflag:s13] =	ssyncadd.s32 $0xFFFFC000  }
0x15f: {  	[tilespmem:s29], [sflag:$0x1] =	stream.indirect.gather [hbm4b:s4+s2], $0x80, s5, s2, $0xb8;
	[tilespmem:$0x1D800] =	vst v63  }
0x160: {  	_ =	swait.ge [sflag:s15], $0x4000  }
0x161: {  	[sflag:s15] =	ssyncset.done $0x0  }
0x162: {  	[sflag:s15] =	ssyncadd.s32 $0xFFFFC000  }
0x163: {  	[tilespmem:s12], [sflag:$0x2] =	stream.indirect.gather [hbm4b:s4+s2], $0x80, s6, s2, $0xb8;
	[tilespmem:$0x1D800] =	vst v63  }
0x164: {  	_ =	swait.ge [sflag:s13], $0x4000  }
0x165: {  	[sflag:s13] =	ssyncset.done $0x0  }
0x166: {  	[sflag:s13] =	ssyncadd.s32 $0xFFFFC000  }
0x167: {  	[tilespmem:s29], [sflag:$0x1] =	stream.indirect.gather [hbm4b:s4+s2], $0x80, s7, s2, $0xb8;
	[tilespmem:$0x1D800] =	vst v63  }
0x168: {  	_ =	swait.ge [sflag:s15], $0x4000  }
0x169: {  	[sflag:s15] =	ssyncset.done $0x0  }
0x16a: {  	[sflag:s15] =	ssyncadd.s32 $0xFFFFC000  }
0x16b: {  	[tilespmem:s12], [sflag:$0x2] =	stream.indirect.gather [hbm4b:s4+s2], $0x80, s8, s2, $0xb8;
	[tilespmem:$0x1D800] =	vst v63  }
0x16c: {  	_ =	swait.ge [sflag:s13], $0x4000  }
0x16d: {  	[sflag:s13] =	ssyncset.done $0x0  }
0x16e: {  	[sflag:s13] =	ssyncadd.s32 $0xFFFFC000  }
0x16f: {  	[tilespmem:s29], [sflag:$0x1] =	stream.indirect.gather [hbm4b:s4+s2], $0x80, s9, s2, $0xb8;
	[tilespmem:$0x1D800] =	vst v63  }
0x170: {  	_ =	swait.ge [sflag:s15], $0x4000  }
0x171: {  	[sflag:s15] =	ssyncset.done $0x0  }
0x172: {  	s28 =	sadd.s32 $0x1, s28;
	[sflag:s15] =	ssyncadd.s32 $0xFFFFC000  }
0x173: {  	[tilespmem:s12], [sflag:$0x2] =	stream.indirect.gather [hbm4b:s4+s2], $0x80, s21, s2, $0xb8;
	[tilespmem:$0x1D800] =	vst v63  }
0x174: {  	p0 =	sne.s32 s28, $0xA;
	_ =	swait.ge [sflag:s13], $0x4000  }
.Ltmp5:
0x175: {  	[sflag:s13] =	ssyncset.done $0x0;
	(pc) =	sbr.rel @p0 .LBB2_10-.Ltmp5, $4  }
0x176: {  	[sflag:s13] =	ssyncadd.s32 $0xFFFFC000  }
0x177: {  	_ =	swait.ge [sflag:s15], $0x4000  }
0x178: {  	[sflag:s15] =	ssyncset.done $0x0  }
0x179: {  	s25 =	simm.s32 $0x0;
	[sflag:s15] =	ssyncadd.s32 $0xFFFFC000  }
0x17a: {  	s26 =	simm.s32 $0x0  }
.LBB2_14:
0x17b: {  	s0 =	sshll.u32 s26, $0xB;
	s1 =	rddreg [dreg:$0x18]  }
0x17c: {  	s0 =	sadd.s32 s0, s1  }
0x17d: {  	s1 =	rddreg [dreg:$0x1];
	s0 =	sshrl.u32 s0, $0x3  }
0x17e: {  	s1 =	sadd.s32 s1, s0  }
0x17f: {  	[tilespmem:s31], [sflag:$0x3] =	stream.linear.gather [hbm4b:s1+s25], $0x800, $0x38;
	[tilespmem:$0x1D800] =	vst v63  }
0x180: {  	_ =	swait.ge [sflag:s30], $0x800  }
0x181: {  	[sflag:s30] =	ssyncset.done $0x0  }
0x182: {  	s28 =	simm.s32 $0x14800;
	s1 =	sadd.s32 s10, s0;
	[sflag:s30] =	ssyncadd.s32 $0xFFFFF800  }
0x183: {  	[tilespmem:s28], [sflag:$0x3] =	stream.linear.gather [hbm4b:s1+s25], $0x800, $0x38;
	[tilespmem:$0x1D800] =	vst v63  }
0x184: {  	_ =	swait.ge [sflag:s30], $0x800  }
0x185: {  	[sflag:s30] =	ssyncset.done $0x0  }
0x186: {  	s0 =	sadd.s32 s22, s0;
	[sflag:s30] =	ssyncadd.s32 $0xFFFFF800  }
0x187: {  	[tilespmem:s3], [sflag:$0x3] =	stream.linear.gather [hbm4b:s0+s25], $0x800, $0x38;
	[tilespmem:$0x1D800] =	vst v63  }
0x188: {  	_ =	swait.ge [sflag:s30], $0x800  }
0x189: {  	[sflag:s30] =	ssyncset.done $0x0  }
0x18a: {  	s28 =	simm.s32 $0x0;
	[sflag:s30] =	ssyncadd.s32 $0xFFFFF800  }
0x18b: {  	v10 =	vld [tilespmem:s28+$0x14000]  }
0x18c: {  	v12 =	vld [tilespmem:s28+$0x14010]  }
0x18d: {  	v11 =	vld [tilespmem:s28+$0x14020]  }
0x18e: {  	v9 =	vld [tilespmem:s28+$0x14030]  }
0x18f: {  	v8 =	vld [tilespmem:s28+$0x14040]  }
0x190: {  	v13 =	vadd.s32 v4, v10;
	v10 =	vld [tilespmem:s28+$0x14050]  }
0x191: {  	s1 =	simm.s32 $0x200;
	[tilespmem:s28+$0x14000] =	vst v13;
	v13 =	vadd.s32 v4, v12;
	v12 =	vld [tilespmem:s28+$0x14060]  }
.LBB2_15:
0x192: {  	s0 =	sshra.s32 s1, $0x2;
	p0 =	sne.s32 s1, $0x1E00;
	[tilespmem:s28+$0x14010] =	vst v13;
	v11 =	vadd.s32 v4, v11;
	v13 =	vld [tilespmem:s28+$0x14070]  }
0x193: {  	v14 =	vld [tilespmem:s0+$0x14000];
	[tilespmem:s28+$0x14020] =	vst v11;
	v9 =	vadd.s32 v4, v9  }
0x194: {  	v15 =	vld [tilespmem:s0+$0x14010];
	[tilespmem:s28+$0x14030] =	vst v9;
	v8 =	vadd.s32 v4, v8  }
.Ltmp6:
0x195: {  	v11 =	vld [tilespmem:s0+$0x14020];
	[tilespmem:s28+$0x14040] =	vst v8;
	v8 =	vadd.s32 v4, v10;
	(pc) =	sbr.rel @p0 .LBB2_15-.Ltmp6, $4  }
0x196: {  	v9 =	vld [tilespmem:s0+$0x14030];
	[tilespmem:s28+$0x14050] =	vst v8;
	v10 =	vadd.s32 v4, v12  }
0x197: {  	v8 =	vld [tilespmem:s0+$0x14040];
	[tilespmem:s28+$0x14060] =	vst v10;
	v12 =	vadd.s32 v4, v13  }
0x198: {  	v13 =	vadd.s32 v4, v14;
	v10 =	vld [tilespmem:s0+$0x14050];
	[tilespmem:s28+$0x14070] =	vst v12;
	s28 =	smov.u32 s0  }
0x199: {  	s1 =	sadd.s32 $0x200, s1;
	[tilespmem:s28+$0x14000] =	vst v13;
	v13 =	vadd.s32 v4, v15;
	v12 =	vld [tilespmem:s28+$0x14060]  }
0x19a: {  	[tilespmem:s28+$0x14010] =	vst v13;
	v11 =	vadd.s32 v4, v11;
	v63 =	vld [tilespmem:s28+$0x14070]  }
0x19b: {  	[tilespmem:s28+$0x14020] =	vst v11;
	v9 =	vadd.s32 v4, v9  }
0x19c: {  	[tilespmem:s28+$0x14030] =	vst v9;
	v8 =	vadd.s32 v4, v8  }
0x19d: {  	[tilespmem:s28+$0x14040] =	vst v8;
	v8 =	vadd.s32 v4, v10  }
0x19e: {  	[tilespmem:s28+$0x14050] =	vst v8;
	v8 =	vadd.s32 v4, v12  }
0x19f: {  	[tilespmem:s28+$0x14060] =	vst v8;
	v8 =	vadd.s32 v4, v63  }
0x1a0: {  	[tilespmem:s28+$0x14070] =	vst v8  }
0x1a1: {  	[tilespmem:s29], [sflag:$0x1] =	stream.indirect.gather [hbm4b:s4+s2], $0x80, s31, s2, $0xb8;
	[tilespmem:$0x1D800] =	vst v63  }
0x1a2: {  	_ = 	snop  }
0x1a3: {  	[tilespmem:s12], [sflag:$0x2] =	stream.indirect.gather [hbm4b:s4+s2], $0x80, s11, s2, $0xb8;
	[tilespmem:$0x1D800] =	vst v63  }
0x1a4: {  	_ =	swait.ge [sflag:s13], $0x4000  }
0x1a5: {  	[sflag:s13] =	ssyncset.done $0x0  }
0x1a6: {  	[sflag:s13] =	ssyncadd.s32 $0xFFFFC000  }
0x1a7: {  	[tilespmem:s29], [sflag:$0x1] =	stream.indirect.gather [hbm4b:s4+s2], $0x80, s14, s2, $0xb8;
	[tilespmem:$0x1D800] =	vst v63  }
0x1a8: {  	_ =	swait.ge [sflag:s15], $0x4000  }
0x1a9: {  	[sflag:s15] =	ssyncset.done $0x0  }
0x1aa: {  	[sflag:s15] =	ssyncadd.s32 $0xFFFFC000  }
0x1ab: {  	[tilespmem:s12], [sflag:$0x2] =	stream.indirect.gather [hbm4b:s4+s2], $0x80, s16, s2, $0xb8;
	[tilespmem:$0x1D800] =	vst v63  }
0x1ac: {  	_ =	swait.ge [sflag:s13], $0x4000  }
0x1ad: {  	[sflag:s13] =	ssyncset.done $0x0  }
0x1ae: {  	[sflag:s13] =	ssyncadd.s32 $0xFFFFC000  }
0x1af: {  	[tilespmem:s29], [sflag:$0x1] =	stream.indirect.gather [hbm4b:s4+s2], $0x80, s17, s2, $0xb8;
	[tilespmem:$0x1D800] =	vst v63  }
0x1b0: {  	_ =	swait.ge [sflag:s15], $0x4000  }
0x1b1: {  	[sflag:s15] =	ssyncset.done $0x0  }
0x1b2: {  	[sflag:s15] =	ssyncadd.s32 $0xFFFFC000  }
0x1b3: {  	[tilespmem:s12], [sflag:$0x2] =	stream.indirect.gather [hbm4b:s4+s2], $0x80, s18, s2, $0xb8;
	[tilespmem:$0x1D800] =	vst v63  }
0x1b4: {  	_ =	swait.ge [sflag:s13], $0x4000  }
0x1b5: {  	[sflag:s13] =	ssyncset.done $0x0  }
0x1b6: {  	[sflag:s13] =	ssyncadd.s32 $0xFFFFC000  }
0x1b7: {  	[tilespmem:s29], [sflag:$0x1] =	stream.indirect.gather [hbm4b:s4+s2], $0x80, s19, s2, $0xb8;
	[tilespmem:$0x1D800] =	vst v63  }
0x1b8: {  	_ =	swait.ge [sflag:s15], $0x4000  }
0x1b9: {  	[sflag:s15] =	ssyncset.done $0x0  }
0x1ba: {  	[sflag:s15] =	ssyncadd.s32 $0xFFFFC000  }
0x1bb: {  	[tilespmem:s12], [sflag:$0x2] =	stream.indirect.gather [hbm4b:s4+s2], $0x80, s20, s2, $0xb8;
	[tilespmem:$0x1D800] =	vst v63  }
0x1bc: {  	_ =	swait.ge [sflag:s13], $0x4000  }
0x1bd: {  	[sflag:s13] =	ssyncset.done $0x0  }
0x1be: {  	[sflag:s13] =	ssyncadd.s32 $0xFFFFC000  }
0x1bf: {  	[tilespmem:s29], [sflag:$0x1] =	stream.indirect.gather [hbm4b:s4+s2], $0x80, s24, s2, $0xb8;
	[tilespmem:$0x1D800] =	vst v63  }
0x1c0: {  	_ =	swait.ge [sflag:s15], $0x4000  }
0x1c1: {  	[sflag:s15] =	ssyncset.done $0x0  }
0x1c2: {  	[sflag:s15] =	ssyncadd.s32 $0xFFFFC000  }
0x1c3: {  	[tilespmem:s12], [sflag:$0x2] =	stream.indirect.gather [hbm4b:s4+s2], $0x80, s23, s2, $0xb8;
	[tilespmem:$0x1D800] =	vst v63  }
0x1c4: {  	_ =	swait.ge [sflag:s13], $0x4000  }
0x1c5: {  	[sflag:s13] =	ssyncset.done $0x0  }
0x1c6: {  	[sflag:s13] =	ssyncadd.s32 $0xFFFFC000  }
0x1c7: {  	[tilespmem:s29], [sflag:$0x1] =	stream.indirect.gather [hbm4b:s4+s2], $0x80, s5, s2, $0xb8;
	[tilespmem:$0x1D800] =	vst v63  }
0x1c8: {  	_ =	swait.ge [sflag:s15], $0x4000  }
0x1c9: {  	[sflag:s15] =	ssyncset.done $0x0  }
0x1ca: {  	[sflag:s15] =	ssyncadd.s32 $0xFFFFC000  }
0x1cb: {  	[tilespmem:s12], [sflag:$0x2] =	stream.indirect.gather [hbm4b:s4+s2], $0x80, s6, s2, $0xb8;
	[tilespmem:$0x1D800] =	vst v63  }
0x1cc: {  	_ =	swait.ge [sflag:s13], $0x4000  }
0x1cd: {  	[sflag:s13] =	ssyncset.done $0x0  }
0x1ce: {  	[sflag:s13] =	ssyncadd.s32 $0xFFFFC000  }
0x1cf: {  	[tilespmem:s29], [sflag:$0x1] =	stream.indirect.gather [hbm4b:s4+s2], $0x80, s7, s2, $0xb8;
	[tilespmem:$0x1D800] =	vst v63  }
0x1d0: {  	_ =	swait.ge [sflag:s15], $0x4000  }
0x1d1: {  	[sflag:s15] =	ssyncset.done $0x0  }
0x1d2: {  	[sflag:s15] =	ssyncadd.s32 $0xFFFFC000  }
0x1d3: {  	[tilespmem:s12], [sflag:$0x2] =	stream.indirect.gather [hbm4b:s4+s2], $0x80, s8, s2, $0xb8;
	[tilespmem:$0x1D800] =	vst v63  }
0x1d4: {  	_ =	swait.ge [sflag:s13], $0x4000  }
0x1d5: {  	[sflag:s13] =	ssyncset.done $0x0  }
0x1d6: {  	[sflag:s13] =	ssyncadd.s32 $0xFFFFC000  }
0x1d7: {  	[tilespmem:s29], [sflag:$0x1] =	stream.indirect.gather [hbm4b:s4+s2], $0x80, s9, s2, $0xb8;
	[tilespmem:$0x1D800] =	vst v63  }
0x1d8: {  	_ =	swait.ge [sflag:s15], $0x4000  }
0x1d9: {  	[sflag:s15] =	ssyncset.done $0x0  }
0x1da: {  	s26 =	sadd.s32 $0x1, s26;
	[sflag:s15] =	ssyncadd.s32 $0xFFFFC000  }
0x1db: {  	[tilespmem:s12], [sflag:$0x2] =	stream.indirect.gather [hbm4b:s4+s2], $0x80, s21, s2, $0xb8;
	[tilespmem:$0x1D800] =	vst v63  }
0x1dc: {  	p0 =	sne.s32 s26, $0xA;
	_ =	swait.ge [sflag:s13], $0x4000  }
.Ltmp7:
0x1dd: {  	[sflag:s13] =	ssyncset.done $0x0;
	(pc) =	sbr.rel @p0 .LBB2_14-.Ltmp7, $4  }
0x1de: {  	[sflag:s13] =	ssyncadd.s32 $0xFFFFC000  }
0x1df: {  	_ =	swait.ge [sflag:s15], $0x4000  }
0x1e0: {  	[sflag:s15] =	ssyncset.done $0x0  }
0x1e1: {  	[sflag:s15] =	ssyncadd.s32 $0xFFFFC000  }
0x1e2: {  	[bflag:$0x0] =	sbarrier.arrive $0xFFFF  }
0x1e3: {  	s0 =	stileid.u32;
	s25 =	rddreg [dreg:$0x4]  }
0x1e4: {  	s0 =	sshll.u32 s0, $0x6;
	s26 =	rddreg [dreg:$0x9];
	s25 =	sshrl.u32 s25, $0x3  }
0x1e5: {  	s1 =	sor.u32 $0x1C03, s0;
	[dreg:$0x1b] =	wrdreg s25  }
0x1e6: {  	[hbm:s26], [sflag:s1] =	dma.local [spmem:s25], $0x800  }
0x1e7: {  	_ =	swait.ge [sflag:s30], $0x800  }
0x1e8: {  	s26 =	rddreg [dreg:$0x5]  }
0x1e9: {  	[sflag:s30] =	ssyncset.done $0x0;
	s0 =	sshrl.u32 s26, $0x3;
	s26 =	rddreg [dreg:$0xa]  }
0x1ea: {  	[sflag:s30] =	ssyncadd.s32 $0xFFFFF800;
	[dreg:$0x1c] =	wrdreg s0  }
0x1eb: {  	[hbm:s26], [sflag:s1] =	dma.local [spmem:s0], $0x800  }
0x1ec: {  	_ =	swait.ge [sflag:s30], $0x800  }
0x1ed: {  	s26 =	rddreg [dreg:$0x6]  }
0x1ee: {  	[sflag:s30] =	ssyncset.done $0x0;
	s0 =	sshrl.u32 s26, $0x3;
	s26 =	rddreg [dreg:$0xb]  }
0x1ef: {  	[sflag:s30] =	ssyncadd.s32 $0xFFFFF800;
	[dreg:$0x1d] =	wrdreg s0  }
0x1f0: {  	[hbm:s26], [sflag:s1] =	dma.local [spmem:s0], $0x800  }
0x1f1: {  	_ =	swait.ge [sflag:s30], $0x800  }
0x1f2: {  	s28 =	rddreg [dreg:$0x7]  }
0x1f3: {  	[sflag:s30] =	ssyncset.done $0x0;
	s26 =	rddreg [dreg:$0xc];
	s0 =	sshrl.u32 s28, $0x3  }
0x1f4: {  	[sflag:s30] =	ssyncadd.s32 $0xFFFFF800;
	[dreg:$0x1e] =	wrdreg s0  }
0x1f5: {  	[hbm:s26], [sflag:s1] =	dma.local [spmem:s0], $0x800  }
0x1f6: {  	_ =	swait.ge [sflag:s30], $0x800;
	[dreg:$0x1a] =	wrdreg s1  }
0x1f7: {  	s26 =	rddreg [dreg:$0x8]  }
0x1f8: {  	[sflag:s30] =	ssyncset.done $0x0;
	s25 =	rddreg [dreg:$0xd];
	s0 =	sshrl.u32 s26, $0x3  }
0x1f9: {  	[sflag:s30] =	ssyncadd.s32 $0xFFFFF800;
	[dreg:$0x1f] =	wrdreg s0  }
0x1fa: {  	[hbm:s25], [sflag:s1] =	dma.local [spmem:s0], $0x800  }
0x1fb: {  	_ =	swait.ge [sflag:s30], $0x800  }
0x1fc: {  	[sflag:s30] =	ssyncset.done $0x0  }
0x1fd: {  	[sflag:s30] =	ssyncadd.s32 $0xFFFFF800  }
0x1fe: {  	[bflag:$0x0] =	sbarrier.arrive $0xFFFF  }
0x1ff: {  	s25 =	simm.s32 $0x0;
	s0 =	rddreg [dreg:$0x14]  }
0x200: {  	[tilespmem:s29], [sflag:$0x3] =	stream.linear.gather [hbm4b:s0+s25], $0x4000, $0x38;
	[tilespmem:$0x1D800] =	vst v63  }
0x201: {  	_ =	swait.ge [sflag:s30], $0x4000  }
0x202: {  	[sflag:s30] =	ssyncset.done $0x0  }
0x203: {  	s1 =	rddreg [dreg:$0x4];
	[sflag:s30] =	ssyncadd.s32 $0xFFFFC000  }
0x204: {  	[spmem:s1] =	stream.linear.scatter [tilespmem:s29], [sflag:$0x3], $0x4000, $0x38;
	[tilespmem:$0x1D800] =	vst v63  }
0x205: {  	_ =	swait.ge [sflag:s30], $0x4000  }
0x206: {  	[sflag:s30] =	ssyncset.done $0x0  }
0x207: {  	s1 =	rddreg [dreg:$0x5];
	[sflag:s30] =	ssyncadd.s32 $0xFFFFC000  }
0x208: {  	[spmem:s1] =	stream.linear.scatter [tilespmem:s29], [sflag:$0x3], $0x4000, $0x38;
	[tilespmem:$0x1D800] =	vst v63  }
0x209: {  	_ =	swait.ge [sflag:s30], $0x4000  }
0x20a: {  	[sflag:s30] =	ssyncset.done $0x0  }
0x20b: {  	s1 =	rddreg [dreg:$0x6];
	[sflag:s30] =	ssyncadd.s32 $0xFFFFC000  }
0x20c: {  	[spmem:s1] =	stream.linear.scatter [tilespmem:s29], [sflag:$0x3], $0x4000, $0x38;
	[tilespmem:$0x1D800] =	vst v63  }
0x20d: {  	_ =	swait.ge [sflag:s30], $0x4000  }
0x20e: {  	[sflag:s30] =	ssyncset.done $0x0  }
0x20f: {  	[sflag:s30] =	ssyncadd.s32 $0xFFFFC000  }
0x210: {  	[spmem:s28] =	stream.linear.scatter [tilespmem:s29], [sflag:$0x3], $0x4000, $0x38;
	[tilespmem:$0x1D800] =	vst v63  }
0x211: {  	_ =	swait.ge [sflag:s30], $0x4000  }
0x212: {  	[sflag:s30] =	ssyncset.done $0x0  }
0x213: {  	[sflag:s30] =	ssyncadd.s32 $0xFFFFC000  }
0x214: {  	[spmem:s26] =	stream.linear.scatter [tilespmem:s29], [sflag:$0x3], $0x4000, $0x38;
	[tilespmem:$0x1D800] =	vst v63  }
0x215: {  	_ =	swait.ge [sflag:s30], $0x4000  }
0x216: {  	[sflag:s30] =	ssyncset.done $0x0  }
0x217: {  	[sflag:s30] =	ssyncadd.s32 $0xFFFFC000  }
0x218: {  	s28 =	simm.s32 $0x0;
	[bflag:$0x0] =	sbarrier.arrive $0xFFFF  }
.LBB2_18:
0x219: {  	s0 =	sshll.u32 s28, $0xB;
	s1 =	rddreg [dreg:$0x13]  }
0x21a: {  	s0 =	sadd.s32 s1, s0  }
0x21b: {  	s26 =	rddreg [dreg:$0x1];
	s0 =	sshrl.u32 s0, $0x3  }
0x21c: {  	s1 =	sadd.s32 s26, s0  }
0x21d: {  	[tilespmem:s31], [sflag:$0x3] =	stream.linear.gather [hbm4b:s1+s25], $0x800, $0x38;
	[tilespmem:$0x1D800] =	vst v63  }
0x21e: {  	_ =	swait.ge [sflag:s30], $0x800  }
0x21f: {  	[sflag:s30] =	ssyncset.done $0x0  }
0x220: {  	s26 =	simm.s32 $0x14800;
	s1 =	sadd.s32 s10, s0;
	[sflag:s30] =	ssyncadd.s32 $0xFFFFF800  }
0x221: {  	[tilespmem:s26], [sflag:$0x3] =	stream.linear.gather [hbm4b:s1+s25], $0x800, $0x38;
	[tilespmem:$0x1D800] =	vst v63  }
0x222: {  	_ =	swait.ge [sflag:s30], $0x800  }
0x223: {  	[sflag:s30] =	ssyncset.done $0x0  }
0x224: {  	s0 =	sadd.s32 s22, s0;
	[sflag:s30] =	ssyncadd.s32 $0xFFFFF800  }
0x225: {  	[tilespmem:s3], [sflag:$0x3] =	stream.linear.gather [hbm4b:s0+s25], $0x800, $0x38;
	[tilespmem:$0x1D800] =	vst v63  }
0x226: {  	_ =	swait.ge [sflag:s30], $0x800  }
0x227: {  	[sflag:s30] =	ssyncset.done $0x0  }
0x228: {  	s26 =	simm.s32 $0x0;
	[sflag:s30] =	ssyncadd.s32 $0xFFFFF800  }
0x229: {  	v10 =	vld [tilespmem:s26+$0x14000]  }
0x22a: {  	v12 =	vld [tilespmem:s26+$0x14010]  }
0x22b: {  	v11 =	vld [tilespmem:s26+$0x14020]  }
0x22c: {  	v9 =	vld [tilespmem:s26+$0x14030]  }
0x22d: {  	v8 =	vld [tilespmem:s26+$0x14040]  }
0x22e: {  	v13 =	vadd.s32 v1, v10;
	v10 =	vld [tilespmem:s26+$0x14050]  }
0x22f: {  	s1 =	simm.s32 $0x200;
	[tilespmem:s26+$0x14000] =	vst v13;
	v13 =	vadd.s32 v1, v12;
	v12 =	vld [tilespmem:s26+$0x14060]  }
.LBB2_19:
0x230: {  	s0 =	sshra.s32 s1, $0x2;
	p0 =	sne.s32 s1, $0x1E00;
	[tilespmem:s26+$0x14010] =	vst v13;
	v11 =	vadd.s32 v1, v11;
	v13 =	vld [tilespmem:s26+$0x14070]  }
0x231: {  	v14 =	vld [tilespmem:s0+$0x14000];
	[tilespmem:s26+$0x14020] =	vst v11;
	v9 =	vadd.s32 v1, v9  }
0x232: {  	v15 =	vld [tilespmem:s0+$0x14010];
	[tilespmem:s26+$0x14030] =	vst v9;
	v8 =	vadd.s32 v1, v8  }
.Ltmp8:
0x233: {  	v11 =	vld [tilespmem:s0+$0x14020];
	[tilespmem:s26+$0x14040] =	vst v8;
	v8 =	vadd.s32 v1, v10;
	(pc) =	sbr.rel @p0 .LBB2_19-.Ltmp8, $4  }
0x234: {  	v9 =	vld [tilespmem:s0+$0x14030];
	[tilespmem:s26+$0x14050] =	vst v8;
	v10 =	vadd.s32 v1, v12  }
0x235: {  	v8 =	vld [tilespmem:s0+$0x14040];
	[tilespmem:s26+$0x14060] =	vst v10;
	v12 =	vadd.s32 v1, v13  }
0x236: {  	v13 =	vadd.s32 v1, v14;
	v10 =	vld [tilespmem:s0+$0x14050];
	[tilespmem:s26+$0x14070] =	vst v12;
	s26 =	smov.u32 s0  }
0x237: {  	s1 =	sadd.s32 $0x200, s1;
	[tilespmem:s26+$0x14000] =	vst v13;
	v13 =	vadd.s32 v1, v15;
	v12 =	vld [tilespmem:s26+$0x14060]  }
0x238: {  	[tilespmem:s26+$0x14010] =	vst v13;
	v11 =	vadd.s32 v1, v11;
	v63 =	vld [tilespmem:s26+$0x14070]  }
0x239: {  	[tilespmem:s26+$0x14020] =	vst v11;
	v9 =	vadd.s32 v1, v9  }
0x23a: {  	[tilespmem:s26+$0x14030] =	vst v9;
	v8 =	vadd.s32 v1, v8  }
0x23b: {  	[tilespmem:s26+$0x14040] =	vst v8;
	v8 =	vadd.s32 v1, v10  }
0x23c: {  	[tilespmem:s26+$0x14050] =	vst v8;
	v8 =	vadd.s32 v1, v12  }
0x23d: {  	[tilespmem:s26+$0x14060] =	vst v8;
	v8 =	vadd.s32 v1, v63  }
0x23e: {  	[tilespmem:s26+$0x14070] =	vst v8  }
0x23f: {  	[tilespmem:s29], [sflag:$0x1] =	stream.indirect.gather [hbm4b:s4+s2], $0x80, s31, s2, $0xb8;
	[tilespmem:$0x1D800] =	vst v63  }
0x240: {  	_ = 	snop  }
0x241: {  	[tilespmem:s12], [sflag:$0x2] =	stream.indirect.gather [hbm4b:s4+s2], $0x80, s11, s2, $0xb8;
	[tilespmem:$0x1D800] =	vst v63  }
0x242: {  	_ =	swait.ge [sflag:s13], $0x4000  }
0x243: {  	[sflag:s13] =	ssyncset.done $0x0  }
0x244: {  	[sflag:s13] =	ssyncadd.s32 $0xFFFFC000  }
0x245: {  	[tilespmem:s29], [sflag:$0x1] =	stream.indirect.gather [hbm4b:s4+s2], $0x80, s14, s2, $0xb8;
	[tilespmem:$0x1D800] =	vst v63  }
0x246: {  	_ =	swait.ge [sflag:s15], $0x4000  }
0x247: {  	[sflag:s15] =	ssyncset.done $0x0  }
0x248: {  	[sflag:s15] =	ssyncadd.s32 $0xFFFFC000  }
0x249: {  	[tilespmem:s12], [sflag:$0x2] =	stream.indirect.gather [hbm4b:s4+s2], $0x80, s16, s2, $0xb8;
	[tilespmem:$0x1D800] =	vst v63  }
0x24a: {  	_ =	swait.ge [sflag:s13], $0x4000  }
0x24b: {  	[sflag:s13] =	ssyncset.done $0x0  }
0x24c: {  	[sflag:s13] =	ssyncadd.s32 $0xFFFFC000  }
0x24d: {  	[tilespmem:s29], [sflag:$0x1] =	stream.indirect.gather [hbm4b:s4+s2], $0x80, s17, s2, $0xb8;
	[tilespmem:$0x1D800] =	vst v63  }
0x24e: {  	_ =	swait.ge [sflag:s15], $0x4000  }
0x24f: {  	[sflag:s15] =	ssyncset.done $0x0  }
0x250: {  	[sflag:s15] =	ssyncadd.s32 $0xFFFFC000  }
0x251: {  	[tilespmem:s12], [sflag:$0x2] =	stream.indirect.gather [hbm4b:s4+s2], $0x80, s18, s2, $0xb8;
	[tilespmem:$0x1D800] =	vst v63  }
0x252: {  	_ =	swait.ge [sflag:s13], $0x4000  }
0x253: {  	[sflag:s13] =	ssyncset.done $0x0  }
0x254: {  	[sflag:s13] =	ssyncadd.s32 $0xFFFFC000  }
0x255: {  	[tilespmem:s29], [sflag:$0x1] =	stream.indirect.gather [hbm4b:s4+s2], $0x80, s19, s2, $0xb8;
	[tilespmem:$0x1D800] =	vst v63  }
0x256: {  	_ =	swait.ge [sflag:s15], $0x4000  }
0x257: {  	[sflag:s15] =	ssyncset.done $0x0  }
0x258: {  	[sflag:s15] =	ssyncadd.s32 $0xFFFFC000  }
0x259: {  	[tilespmem:s12], [sflag:$0x2] =	stream.indirect.gather [hbm4b:s4+s2], $0x80, s20, s2, $0xb8;
	[tilespmem:$0x1D800] =	vst v63  }
0x25a: {  	_ =	swait.ge [sflag:s13], $0x4000  }
0x25b: {  	[sflag:s13] =	ssyncset.done $0x0  }
0x25c: {  	[sflag:s13] =	ssyncadd.s32 $0xFFFFC000  }
0x25d: {  	[tilespmem:s29], [sflag:$0x1] =	stream.indirect.gather [hbm4b:s4+s2], $0x80, s24, s2, $0xb8;
	[tilespmem:$0x1D800] =	vst v63  }
0x25e: {  	_ =	swait.ge [sflag:s15], $0x4000  }
0x25f: {  	[sflag:s15] =	ssyncset.done $0x0  }
0x260: {  	[sflag:s15] =	ssyncadd.s32 $0xFFFFC000  }
0x261: {  	[tilespmem:s12], [sflag:$0x2] =	stream.indirect.gather [hbm4b:s4+s2], $0x80, s23, s2, $0xb8;
	[tilespmem:$0x1D800] =	vst v63  }
0x262: {  	_ =	swait.ge [sflag:s13], $0x4000  }
0x263: {  	[sflag:s13] =	ssyncset.done $0x0  }
0x264: {  	[sflag:s13] =	ssyncadd.s32 $0xFFFFC000  }
0x265: {  	[tilespmem:s29], [sflag:$0x1] =	stream.indirect.gather [hbm4b:s4+s2], $0x80, s5, s2, $0xb8;
	[tilespmem:$0x1D800] =	vst v63  }
0x266: {  	_ =	swait.ge [sflag:s15], $0x4000  }
0x267: {  	[sflag:s15] =	ssyncset.done $0x0  }
0x268: {  	[sflag:s15] =	ssyncadd.s32 $0xFFFFC000  }
0x269: {  	[tilespmem:s12], [sflag:$0x2] =	stream.indirect.gather [hbm4b:s4+s2], $0x80, s6, s2, $0xb8;
	[tilespmem:$0x1D800] =	vst v63  }
0x26a: {  	_ =	swait.ge [sflag:s13], $0x4000  }
0x26b: {  	[sflag:s13] =	ssyncset.done $0x0  }
0x26c: {  	[sflag:s13] =	ssyncadd.s32 $0xFFFFC000  }
0x26d: {  	[tilespmem:s29], [sflag:$0x1] =	stream.indirect.gather [hbm4b:s4+s2], $0x80, s7, s2, $0xb8;
	[tilespmem:$0x1D800] =	vst v63  }
0x26e: {  	_ =	swait.ge [sflag:s15], $0x4000  }
0x26f: {  	[sflag:s15] =	ssyncset.done $0x0  }
0x270: {  	[sflag:s15] =	ssyncadd.s32 $0xFFFFC000  }
0x271: {  	[tilespmem:s12], [sflag:$0x2] =	stream.indirect.gather [hbm4b:s4+s2], $0x80, s8, s2, $0xb8;
	[tilespmem:$0x1D800] =	vst v63  }
0x272: {  	_ =	swait.ge [sflag:s13], $0x4000  }
0x273: {  	[sflag:s13] =	ssyncset.done $0x0  }
0x274: {  	[sflag:s13] =	ssyncadd.s32 $0xFFFFC000  }
0x275: {  	[tilespmem:s29], [sflag:$0x1] =	stream.indirect.gather [hbm4b:s4+s2], $0x80, s9, s2, $0xb8;
	[tilespmem:$0x1D800] =	vst v63  }
0x276: {  	_ =	swait.ge [sflag:s15], $0x4000  }
0x277: {  	[sflag:s15] =	ssyncset.done $0x0  }
0x278: {  	s28 =	sadd.s32 $0x1, s28;
	[sflag:s15] =	ssyncadd.s32 $0xFFFFC000  }
0x279: {  	[tilespmem:s12], [sflag:$0x2] =	stream.indirect.gather [hbm4b:s4+s2], $0x80, s21, s2, $0xb8;
	[tilespmem:$0x1D800] =	vst v63  }
0x27a: {  	p0 =	sne.s32 s28, $0xA;
	_ =	swait.ge [sflag:s13], $0x4000  }
.Ltmp9:
0x27b: {  	[sflag:s13] =	ssyncset.done $0x0;
	(pc) =	sbr.rel @p0 .LBB2_18-.Ltmp9, $4  }
0x27c: {  	[sflag:s13] =	ssyncadd.s32 $0xFFFFC000  }
0x27d: {  	_ =	swait.ge [sflag:s15], $0x4000  }
0x27e: {  	[sflag:s15] =	ssyncset.done $0x0  }
0x27f: {  	s26 =	simm.s32 $0x0;
	[sflag:s15] =	ssyncadd.s32 $0xFFFFC000  }
0x280: {  	s28 =	simm.s32 $0x0  }
.LBB2_22:
0x281: {  	s0 =	sshll.u32 s28, $0xB;
	s1 =	rddreg [dreg:$0x16]  }
0x282: {  	s0 =	sadd.s32 s0, s1  }
0x283: {  	s25 =	rddreg [dreg:$0x1];
	s0 =	sshrl.u32 s0, $0x3  }
0x284: {  	s1 =	sadd.s32 s25, s0  }
0x285: {  	[tilespmem:s31], [sflag:$0x3] =	stream.linear.gather [hbm4b:s1+s26], $0x800, $0x38;
	[tilespmem:$0x1D800] =	vst v63  }
0x286: {  	_ =	swait.ge [sflag:s30], $0x800  }
0x287: {  	[sflag:s30] =	ssyncset.done $0x0  }
0x288: {  	s25 =	simm.s32 $0x14800;
	s1 =	sadd.s32 s10, s0;
	[sflag:s30] =	ssyncadd.s32 $0xFFFFF800  }
0x289: {  	[tilespmem:s25], [sflag:$0x3] =	stream.linear.gather [hbm4b:s1+s26], $0x800, $0x38;
	[tilespmem:$0x1D800] =	vst v63  }
0x28a: {  	_ =	swait.ge [sflag:s30], $0x800  }
0x28b: {  	[sflag:s30] =	ssyncset.done $0x0  }
0x28c: {  	s0 =	sadd.s32 s22, s0;
	[sflag:s30] =	ssyncadd.s32 $0xFFFFF800  }
0x28d: {  	[tilespmem:s3], [sflag:$0x3] =	stream.linear.gather [hbm4b:s0+s26], $0x800, $0x38;
	[tilespmem:$0x1D800] =	vst v63  }
0x28e: {  	_ =	swait.ge [sflag:s30], $0x800  }
0x28f: {  	[sflag:s30] =	ssyncset.done $0x0  }
0x290: {  	s25 =	simm.s32 $0x0;
	[sflag:s30] =	ssyncadd.s32 $0xFFFFF800  }
0x291: {  	v10 =	vld [tilespmem:s25+$0x14000]  }
0x292: {  	v12 =	vld [tilespmem:s25+$0x14010]  }
0x293: {  	v11 =	vld [tilespmem:s25+$0x14020]  }
0x294: {  	v9 =	vld [tilespmem:s25+$0x14030]  }
0x295: {  	v8 =	vld [tilespmem:s25+$0x14040]  }
0x296: {  	v13 =	vadd.s32 v5, v10;
	v10 =	vld [tilespmem:s25+$0x14050]  }
0x297: {  	s1 =	simm.s32 $0x200;
	[tilespmem:s25+$0x14000] =	vst v13;
	v13 =	vadd.s32 v5, v12;
	v12 =	vld [tilespmem:s25+$0x14060]  }
.LBB2_23:
0x298: {  	s0 =	sshra.s32 s1, $0x2;
	p0 =	sne.s32 s1, $0x1E00;
	[tilespmem:s25+$0x14010] =	vst v13;
	v11 =	vadd.s32 v5, v11;
	v13 =	vld [tilespmem:s25+$0x14070]  }
0x299: {  	v14 =	vld [tilespmem:s0+$0x14000];
	[tilespmem:s25+$0x14020] =	vst v11;
	v9 =	vadd.s32 v5, v9  }
0x29a: {  	v15 =	vld [tilespmem:s0+$0x14010];
	[tilespmem:s25+$0x14030] =	vst v9;
	v8 =	vadd.s32 v5, v8  }
.Ltmp10:
0x29b: {  	v11 =	vld [tilespmem:s0+$0x14020];
	[tilespmem:s25+$0x14040] =	vst v8;
	v8 =	vadd.s32 v5, v10;
	(pc) =	sbr.rel @p0 .LBB2_23-.Ltmp10, $4  }
0x29c: {  	v9 =	vld [tilespmem:s0+$0x14030];
	[tilespmem:s25+$0x14050] =	vst v8;
	v10 =	vadd.s32 v5, v12  }
0x29d: {  	v8 =	vld [tilespmem:s0+$0x14040];
	[tilespmem:s25+$0x14060] =	vst v10;
	v12 =	vadd.s32 v5, v13  }
0x29e: {  	v13 =	vadd.s32 v5, v14;
	v10 =	vld [tilespmem:s0+$0x14050];
	[tilespmem:s25+$0x14070] =	vst v12;
	s25 =	smov.u32 s0  }
0x29f: {  	s1 =	sadd.s32 $0x200, s1;
	[tilespmem:s25+$0x14000] =	vst v13;
	v13 =	vadd.s32 v5, v15;
	v12 =	vld [tilespmem:s25+$0x14060]  }
0x2a0: {  	[tilespmem:s25+$0x14010] =	vst v13;
	v11 =	vadd.s32 v5, v11;
	v63 =	vld [tilespmem:s25+$0x14070]  }
0x2a1: {  	[tilespmem:s25+$0x14020] =	vst v11;
	v9 =	vadd.s32 v5, v9  }
0x2a2: {  	[tilespmem:s25+$0x14030] =	vst v9;
	v8 =	vadd.s32 v5, v8  }
0x2a3: {  	[tilespmem:s25+$0x14040] =	vst v8;
	v8 =	vadd.s32 v5, v10  }
0x2a4: {  	[tilespmem:s25+$0x14050] =	vst v8;
	v8 =	vadd.s32 v5, v12  }
0x2a5: {  	[tilespmem:s25+$0x14060] =	vst v8;
	v8 =	vadd.s32 v5, v63  }
0x2a6: {  	[tilespmem:s25+$0x14070] =	vst v8  }
0x2a7: {  	[tilespmem:s29], [sflag:$0x1] =	stream.indirect.gather [hbm4b:s4+s2], $0x80, s31, s2, $0xb8;
	[tilespmem:$0x1D800] =	vst v63  }
0x2a8: {  	_ = 	snop  }
0x2a9: {  	[tilespmem:s12], [sflag:$0x2] =	stream.indirect.gather [hbm4b:s4+s2], $0x80, s11, s2, $0xb8;
	[tilespmem:$0x1D800] =	vst v63  }
0x2aa: {  	_ =	swait.ge [sflag:s13], $0x4000  }
0x2ab: {  	[sflag:s13] =	ssyncset.done $0x0  }
0x2ac: {  	[sflag:s13] =	ssyncadd.s32 $0xFFFFC000  }
0x2ad: {  	[tilespmem:s29], [sflag:$0x1] =	stream.indirect.gather [hbm4b:s4+s2], $0x80, s14, s2, $0xb8;
	[tilespmem:$0x1D800] =	vst v63  }
0x2ae: {  	_ =	swait.ge [sflag:s15], $0x4000  }
0x2af: {  	[sflag:s15] =	ssyncset.done $0x0  }
0x2b0: {  	[sflag:s15] =	ssyncadd.s32 $0xFFFFC000  }
0x2b1: {  	[tilespmem:s12], [sflag:$0x2] =	stream.indirect.gather [hbm4b:s4+s2], $0x80, s16, s2, $0xb8;
	[tilespmem:$0x1D800] =	vst v63  }
0x2b2: {  	_ =	swait.ge [sflag:s13], $0x4000  }
0x2b3: {  	[sflag:s13] =	ssyncset.done $0x0  }
0x2b4: {  	[sflag:s13] =	ssyncadd.s32 $0xFFFFC000  }
0x2b5: {  	[tilespmem:s29], [sflag:$0x1] =	stream.indirect.gather [hbm4b:s4+s2], $0x80, s17, s2, $0xb8;
	[tilespmem:$0x1D800] =	vst v63  }
0x2b6: {  	_ =	swait.ge [sflag:s15], $0x4000  }
0x2b7: {  	[sflag:s15] =	ssyncset.done $0x0  }
0x2b8: {  	[sflag:s15] =	ssyncadd.s32 $0xFFFFC000  }
0x2b9: {  	[tilespmem:s12], [sflag:$0x2] =	stream.indirect.gather [hbm4b:s4+s2], $0x80, s18, s2, $0xb8;
	[tilespmem:$0x1D800] =	vst v63  }
0x2ba: {  	_ =	swait.ge [sflag:s13], $0x4000  }
0x2bb: {  	[sflag:s13] =	ssyncset.done $0x0  }
0x2bc: {  	[sflag:s13] =	ssyncadd.s32 $0xFFFFC000  }
0x2bd: {  	[tilespmem:s29], [sflag:$0x1] =	stream.indirect.gather [hbm4b:s4+s2], $0x80, s19, s2, $0xb8;
	[tilespmem:$0x1D800] =	vst v63  }
0x2be: {  	_ =	swait.ge [sflag:s15], $0x4000  }
0x2bf: {  	[sflag:s15] =	ssyncset.done $0x0  }
0x2c0: {  	[sflag:s15] =	ssyncadd.s32 $0xFFFFC000  }
0x2c1: {  	[tilespmem:s12], [sflag:$0x2] =	stream.indirect.gather [hbm4b:s4+s2], $0x80, s20, s2, $0xb8;
	[tilespmem:$0x1D800] =	vst v63  }
0x2c2: {  	_ =	swait.ge [sflag:s13], $0x4000  }
0x2c3: {  	[sflag:s13] =	ssyncset.done $0x0  }
0x2c4: {  	[sflag:s13] =	ssyncadd.s32 $0xFFFFC000  }
0x2c5: {  	[tilespmem:s29], [sflag:$0x1] =	stream.indirect.gather [hbm4b:s4+s2], $0x80, s24, s2, $0xb8;
	[tilespmem:$0x1D800] =	vst v63  }
0x2c6: {  	_ =	swait.ge [sflag:s15], $0x4000  }
0x2c7: {  	[sflag:s15] =	ssyncset.done $0x0  }
0x2c8: {  	[sflag:s15] =	ssyncadd.s32 $0xFFFFC000  }
0x2c9: {  	[tilespmem:s12], [sflag:$0x2] =	stream.indirect.gather [hbm4b:s4+s2], $0x80, s23, s2, $0xb8;
	[tilespmem:$0x1D800] =	vst v63  }
0x2ca: {  	_ =	swait.ge [sflag:s13], $0x4000  }
0x2cb: {  	[sflag:s13] =	ssyncset.done $0x0  }
0x2cc: {  	[sflag:s13] =	ssyncadd.s32 $0xFFFFC000  }
0x2cd: {  	[tilespmem:s29], [sflag:$0x1] =	stream.indirect.gather [hbm4b:s4+s2], $0x80, s5, s2, $0xb8;
	[tilespmem:$0x1D800] =	vst v63  }
0x2ce: {  	_ =	swait.ge [sflag:s15], $0x4000  }
0x2cf: {  	[sflag:s15] =	ssyncset.done $0x0  }
0x2d0: {  	[sflag:s15] =	ssyncadd.s32 $0xFFFFC000  }
0x2d1: {  	[tilespmem:s12], [sflag:$0x2] =	stream.indirect.gather [hbm4b:s4+s2], $0x80, s6, s2, $0xb8;
	[tilespmem:$0x1D800] =	vst v63  }
0x2d2: {  	_ =	swait.ge [sflag:s13], $0x4000  }
0x2d3: {  	[sflag:s13] =	ssyncset.done $0x0  }
0x2d4: {  	[sflag:s13] =	ssyncadd.s32 $0xFFFFC000  }
0x2d5: {  	[tilespmem:s29], [sflag:$0x1] =	stream.indirect.gather [hbm4b:s4+s2], $0x80, s7, s2, $0xb8;
	[tilespmem:$0x1D800] =	vst v63  }
0x2d6: {  	_ =	swait.ge [sflag:s15], $0x4000  }
0x2d7: {  	[sflag:s15] =	ssyncset.done $0x0  }
0x2d8: {  	[sflag:s15] =	ssyncadd.s32 $0xFFFFC000  }
0x2d9: {  	[tilespmem:s12], [sflag:$0x2] =	stream.indirect.gather [hbm4b:s4+s2], $0x80, s8, s2, $0xb8;
	[tilespmem:$0x1D800] =	vst v63  }
0x2da: {  	_ =	swait.ge [sflag:s13], $0x4000  }
0x2db: {  	[sflag:s13] =	ssyncset.done $0x0  }
0x2dc: {  	[sflag:s13] =	ssyncadd.s32 $0xFFFFC000  }
0x2dd: {  	[tilespmem:s29], [sflag:$0x1] =	stream.indirect.gather [hbm4b:s4+s2], $0x80, s9, s2, $0xb8;
	[tilespmem:$0x1D800] =	vst v63  }
0x2de: {  	_ =	swait.ge [sflag:s15], $0x4000  }
0x2df: {  	[sflag:s15] =	ssyncset.done $0x0  }
0x2e0: {  	s28 =	sadd.s32 $0x1, s28;
	[sflag:s15] =	ssyncadd.s32 $0xFFFFC000  }
0x2e1: {  	[tilespmem:s12], [sflag:$0x2] =	stream.indirect.gather [hbm4b:s4+s2], $0x80, s21, s2, $0xb8;
	[tilespmem:$0x1D800] =	vst v63  }
0x2e2: {  	p0 =	sne.s32 s28, $0xA;
	_ =	swait.ge [sflag:s13], $0x4000  }
.Ltmp11:
0x2e3: {  	[sflag:s13] =	ssyncset.done $0x0;
	(pc) =	sbr.rel @p0 .LBB2_22-.Ltmp11, $4  }
0x2e4: {  	[sflag:s13] =	ssyncadd.s32 $0xFFFFC000  }
0x2e5: {  	_ =	swait.ge [sflag:s15], $0x4000  }
0x2e6: {  	[sflag:s15] =	ssyncset.done $0x0  }
0x2e7: {  	s25 =	simm.s32 $0x0;
	[sflag:s15] =	ssyncadd.s32 $0xFFFFC000  }
0x2e8: {  	s28 =	simm.s32 $0x0  }
.LBB2_26:
0x2e9: {  	s0 =	sshll.u32 s28, $0xB;
	s1 =	rddreg [dreg:$0x17]  }
0x2ea: {  	s0 =	sadd.s32 s0, s1  }
0x2eb: {  	s26 =	rddreg [dreg:$0x1];
	s0 =	sshrl.u32 s0, $0x3  }
0x2ec: {  	s1 =	sadd.s32 s26, s0  }
0x2ed: {  	[tilespmem:s31], [sflag:$0x3] =	stream.linear.gather [hbm4b:s1+s25], $0x800, $0x38;
	[tilespmem:$0x1D800] =	vst v63  }
0x2ee: {  	_ =	swait.ge [sflag:s30], $0x800  }
0x2ef: {  	[sflag:s30] =	ssyncset.done $0x0  }
0x2f0: {  	s26 =	simm.s32 $0x14800;
	s1 =	sadd.s32 s10, s0;
	[sflag:s30] =	ssyncadd.s32 $0xFFFFF800  }
0x2f1: {  	[tilespmem:s26], [sflag:$0x3] =	stream.linear.gather [hbm4b:s1+s25], $0x800, $0x38;
	[tilespmem:$0x1D800] =	vst v63  }
0x2f2: {  	_ =	swait.ge [sflag:s30], $0x800  }
0x2f3: {  	[sflag:s30] =	ssyncset.done $0x0  }
0x2f4: {  	s0 =	sadd.s32 s22, s0;
	[sflag:s30] =	ssyncadd.s32 $0xFFFFF800  }
0x2f5: {  	[tilespmem:s3], [sflag:$0x3] =	stream.linear.gather [hbm4b:s0+s25], $0x800, $0x38;
	[tilespmem:$0x1D800] =	vst v63  }
0x2f6: {  	_ =	swait.ge [sflag:s30], $0x800  }
0x2f7: {  	[sflag:s30] =	ssyncset.done $0x0  }
0x2f8: {  	s26 =	simm.s32 $0x0;
	[sflag:s30] =	ssyncadd.s32 $0xFFFFF800  }
0x2f9: {  	v10 =	vld [tilespmem:s26+$0x14000]  }
0x2fa: {  	v12 =	vld [tilespmem:s26+$0x14010]  }
0x2fb: {  	v11 =	vld [tilespmem:s26+$0x14020]  }
0x2fc: {  	v9 =	vld [tilespmem:s26+$0x14030]  }
0x2fd: {  	v8 =	vld [tilespmem:s26+$0x14040]  }
0x2fe: {  	v13 =	vadd.s32 v6, v10;
	v10 =	vld [tilespmem:s26+$0x14050]  }
0x2ff: {  	s1 =	simm.s32 $0x200;
	[tilespmem:s26+$0x14000] =	vst v13;
	v13 =	vadd.s32 v6, v12;
	v12 =	vld [tilespmem:s26+$0x14060]  }
.LBB2_27:
0x300: {  	s0 =	sshra.s32 s1, $0x2;
	p0 =	sne.s32 s1, $0x1E00;
	[tilespmem:s26+$0x14010] =	vst v13;
	v11 =	vadd.s32 v6, v11;
	v13 =	vld [tilespmem:s26+$0x14070]  }
0x301: {  	v14 =	vld [tilespmem:s0+$0x14000];
	[tilespmem:s26+$0x14020] =	vst v11;
	v9 =	vadd.s32 v6, v9  }
0x302: {  	v15 =	vld [tilespmem:s0+$0x14010];
	[tilespmem:s26+$0x14030] =	vst v9;
	v8 =	vadd.s32 v6, v8  }
.Ltmp12:
0x303: {  	v11 =	vld [tilespmem:s0+$0x14020];
	[tilespmem:s26+$0x14040] =	vst v8;
	v8 =	vadd.s32 v6, v10;
	(pc) =	sbr.rel @p0 .LBB2_27-.Ltmp12, $4  }
0x304: {  	v9 =	vld [tilespmem:s0+$0x14030];
	[tilespmem:s26+$0x14050] =	vst v8;
	v10 =	vadd.s32 v6, v12  }
0x305: {  	v8 =	vld [tilespmem:s0+$0x14040];
	[tilespmem:s26+$0x14060] =	vst v10;
	v12 =	vadd.s32 v6, v13  }
0x306: {  	v13 =	vadd.s32 v6, v14;
	v10 =	vld [tilespmem:s0+$0x14050];
	[tilespmem:s26+$0x14070] =	vst v12;
	s26 =	smov.u32 s0  }
0x307: {  	s1 =	sadd.s32 $0x200, s1;
	[tilespmem:s26+$0x14000] =	vst v13;
	v13 =	vadd.s32 v6, v15;
	v12 =	vld [tilespmem:s26+$0x14060]  }
0x308: {  	[tilespmem:s26+$0x14010] =	vst v13;
	v11 =	vadd.s32 v6, v11;
	v63 =	vld [tilespmem:s26+$0x14070]  }
0x309: {  	[tilespmem:s26+$0x14020] =	vst v11;
	v9 =	vadd.s32 v6, v9  }
0x30a: {  	[tilespmem:s26+$0x14030] =	vst v9;
	v8 =	vadd.s32 v6, v8  }
0x30b: {  	[tilespmem:s26+$0x14040] =	vst v8;
	v8 =	vadd.s32 v6, v10  }
0x30c: {  	[tilespmem:s26+$0x14050] =	vst v8;
	v8 =	vadd.s32 v6, v12  }
0x30d: {  	[tilespmem:s26+$0x14060] =	vst v8;
	v8 =	vadd.s32 v6, v63  }
0x30e: {  	[tilespmem:s26+$0x14070] =	vst v8  }
0x30f: {  	[tilespmem:s29], [sflag:$0x1] =	stream.indirect.gather [hbm4b:s4+s2], $0x80, s31, s2, $0xb8;
	[tilespmem:$0x1D800] =	vst v63  }
0x310: {  	_ = 	snop  }
0x311: {  	[tilespmem:s12], [sflag:$0x2] =	stream.indirect.gather [hbm4b:s4+s2], $0x80, s11, s2, $0xb8;
	[tilespmem:$0x1D800] =	vst v63  }
0x312: {  	_ =	swait.ge [sflag:s13], $0x4000  }
0x313: {  	[sflag:s13] =	ssyncset.done $0x0  }
0x314: {  	[sflag:s13] =	ssyncadd.s32 $0xFFFFC000  }
0x315: {  	[tilespmem:s29], [sflag:$0x1] =	stream.indirect.gather [hbm4b:s4+s2], $0x80, s14, s2, $0xb8;
	[tilespmem:$0x1D800] =	vst v63  }
0x316: {  	_ =	swait.ge [sflag:s15], $0x4000  }
0x317: {  	[sflag:s15] =	ssyncset.done $0x0  }
0x318: {  	[sflag:s15] =	ssyncadd.s32 $0xFFFFC000  }
0x319: {  	[tilespmem:s12], [sflag:$0x2] =	stream.indirect.gather [hbm4b:s4+s2], $0x80, s16, s2, $0xb8;
	[tilespmem:$0x1D800] =	vst v63  }
0x31a: {  	_ =	swait.ge [sflag:s13], $0x4000  }
0x31b: {  	[sflag:s13] =	ssyncset.done $0x0  }
0x31c: {  	[sflag:s13] =	ssyncadd.s32 $0xFFFFC000  }
0x31d: {  	[tilespmem:s29], [sflag:$0x1] =	stream.indirect.gather [hbm4b:s4+s2], $0x80, s17, s2, $0xb8;
	[tilespmem:$0x1D800] =	vst v63  }
0x31e: {  	_ =	swait.ge [sflag:s15], $0x4000  }
0x31f: {  	[sflag:s15] =	ssyncset.done $0x0  }
0x320: {  	[sflag:s15] =	ssyncadd.s32 $0xFFFFC000  }
0x321: {  	[tilespmem:s12], [sflag:$0x2] =	stream.indirect.gather [hbm4b:s4+s2], $0x80, s18, s2, $0xb8;
	[tilespmem:$0x1D800] =	vst v63  }
0x322: {  	_ =	swait.ge [sflag:s13], $0x4000  }
0x323: {  	[sflag:s13] =	ssyncset.done $0x0  }
0x324: {  	[sflag:s13] =	ssyncadd.s32 $0xFFFFC000  }
0x325: {  	[tilespmem:s29], [sflag:$0x1] =	stream.indirect.gather [hbm4b:s4+s2], $0x80, s19, s2, $0xb8;
	[tilespmem:$0x1D800] =	vst v63  }
0x326: {  	_ =	swait.ge [sflag:s15], $0x4000  }
0x327: {  	[sflag:s15] =	ssyncset.done $0x0  }
0x328: {  	[sflag:s15] =	ssyncadd.s32 $0xFFFFC000  }
0x329: {  	[tilespmem:s12], [sflag:$0x2] =	stream.indirect.gather [hbm4b:s4+s2], $0x80, s20, s2, $0xb8;
	[tilespmem:$0x1D800] =	vst v63  }
0x32a: {  	_ =	swait.ge [sflag:s13], $0x4000  }
0x32b: {  	[sflag:s13] =	ssyncset.done $0x0  }
0x32c: {  	[sflag:s13] =	ssyncadd.s32 $0xFFFFC000  }
0x32d: {  	[tilespmem:s29], [sflag:$0x1] =	stream.indirect.gather [hbm4b:s4+s2], $0x80, s24, s2, $0xb8;
	[tilespmem:$0x1D800] =	vst v63  }
0x32e: {  	_ =	swait.ge [sflag:s15], $0x4000  }
0x32f: {  	[sflag:s15] =	ssyncset.done $0x0  }
0x330: {  	[sflag:s15] =	ssyncadd.s32 $0xFFFFC000  }
0x331: {  	[tilespmem:s12], [sflag:$0x2] =	stream.indirect.gather [hbm4b:s4+s2], $0x80, s23, s2, $0xb8;
	[tilespmem:$0x1D800] =	vst v63  }
0x332: {  	_ =	swait.ge [sflag:s13], $0x4000  }
0x333: {  	[sflag:s13] =	ssyncset.done $0x0  }
0x334: {  	[sflag:s13] =	ssyncadd.s32 $0xFFFFC000  }
0x335: {  	[tilespmem:s29], [sflag:$0x1] =	stream.indirect.gather [hbm4b:s4+s2], $0x80, s5, s2, $0xb8;
	[tilespmem:$0x1D800] =	vst v63  }
0x336: {  	_ =	swait.ge [sflag:s15], $0x4000  }
0x337: {  	[sflag:s15] =	ssyncset.done $0x0  }
0x338: {  	[sflag:s15] =	ssyncadd.s32 $0xFFFFC000  }
0x339: {  	[tilespmem:s12], [sflag:$0x2] =	stream.indirect.gather [hbm4b:s4+s2], $0x80, s6, s2, $0xb8;
	[tilespmem:$0x1D800] =	vst v63  }
0x33a: {  	_ =	swait.ge [sflag:s13], $0x4000  }
0x33b: {  	[sflag:s13] =	ssyncset.done $0x0  }
0x33c: {  	[sflag:s13] =	ssyncadd.s32 $0xFFFFC000  }
0x33d: {  	[tilespmem:s29], [sflag:$0x1] =	stream.indirect.gather [hbm4b:s4+s2], $0x80, s7, s2, $0xb8;
	[tilespmem:$0x1D800] =	vst v63  }
0x33e: {  	_ =	swait.ge [sflag:s15], $0x4000  }
0x33f: {  	[sflag:s15] =	ssyncset.done $0x0  }
0x340: {  	[sflag:s15] =	ssyncadd.s32 $0xFFFFC000  }
0x341: {  	[tilespmem:s12], [sflag:$0x2] =	stream.indirect.gather [hbm4b:s4+s2], $0x80, s8, s2, $0xb8;
	[tilespmem:$0x1D800] =	vst v63  }
0x342: {  	_ =	swait.ge [sflag:s13], $0x4000  }
0x343: {  	[sflag:s13] =	ssyncset.done $0x0  }
0x344: {  	[sflag:s13] =	ssyncadd.s32 $0xFFFFC000  }
0x345: {  	[tilespmem:s29], [sflag:$0x1] =	stream.indirect.gather [hbm4b:s4+s2], $0x80, s9, s2, $0xb8;
	[tilespmem:$0x1D800] =	vst v63  }
0x346: {  	_ =	swait.ge [sflag:s15], $0x4000  }
0x347: {  	[sflag:s15] =	ssyncset.done $0x0  }
0x348: {  	s28 =	sadd.s32 $0x1, s28;
	[sflag:s15] =	ssyncadd.s32 $0xFFFFC000  }
0x349: {  	[tilespmem:s12], [sflag:$0x2] =	stream.indirect.gather [hbm4b:s4+s2], $0x80, s21, s2, $0xb8;
	[tilespmem:$0x1D800] =	vst v63  }
0x34a: {  	p0 =	sne.s32 s28, $0xA;
	_ =	swait.ge [sflag:s13], $0x4000  }
.Ltmp13:
0x34b: {  	[sflag:s13] =	ssyncset.done $0x0;
	(pc) =	sbr.rel @p0 .LBB2_26-.Ltmp13, $4  }
0x34c: {  	[sflag:s13] =	ssyncadd.s32 $0xFFFFC000  }
0x34d: {  	_ =	swait.ge [sflag:s15], $0x4000  }
0x34e: {  	[sflag:s15] =	ssyncset.done $0x0  }
0x34f: {  	s26 =	simm.s32 $0x0;
	[sflag:s15] =	ssyncadd.s32 $0xFFFFC000  }
0x350: {  	s25 =	simm.s32 $0x0  }
.LBB2_30:
0x351: {  	s0 =	sshll.u32 s25, $0xB;
	s1 =	rddreg [dreg:$0x18]  }
0x352: {  	s0 =	sadd.s32 s0, s1  }
0x353: {  	s1 =	rddreg [dreg:$0x1];
	s0 =	sshrl.u32 s0, $0x3  }
0x354: {  	s1 =	sadd.s32 s1, s0  }
0x355: {  	[tilespmem:s31], [sflag:$0x3] =	stream.linear.gather [hbm4b:s1+s26], $0x800, $0x38;
	[tilespmem:$0x1D800] =	vst v63  }
0x356: {  	_ =	swait.ge [sflag:s30], $0x800  }
0x357: {  	[sflag:s30] =	ssyncset.done $0x0  }
0x358: {  	s28 =	simm.s32 $0x14800;
	s1 =	sadd.s32 s10, s0;
	[sflag:s30] =	ssyncadd.s32 $0xFFFFF800  }
0x359: {  	[tilespmem:s28], [sflag:$0x3] =	stream.linear.gather [hbm4b:s1+s26], $0x800, $0x38;
	[tilespmem:$0x1D800] =	vst v63  }
0x35a: {  	_ =	swait.ge [sflag:s30], $0x800  }
0x35b: {  	[sflag:s30] =	ssyncset.done $0x0  }
0x35c: {  	s0 =	sadd.s32 s22, s0;
	[sflag:s30] =	ssyncadd.s32 $0xFFFFF800  }
0x35d: {  	[tilespmem:s3], [sflag:$0x3] =	stream.linear.gather [hbm4b:s0+s26], $0x800, $0x38;
	[tilespmem:$0x1D800] =	vst v63  }
0x35e: {  	_ =	swait.ge [sflag:s30], $0x800  }
0x35f: {  	[sflag:s30] =	ssyncset.done $0x0  }
0x360: {  	s28 =	simm.s32 $0x0;
	[sflag:s30] =	ssyncadd.s32 $0xFFFFF800  }
0x361: {  	v10 =	vld [tilespmem:s28+$0x14000]  }
0x362: {  	v12 =	vld [tilespmem:s28+$0x14010]  }
0x363: {  	v11 =	vld [tilespmem:s28+$0x14020]  }
0x364: {  	v9 =	vld [tilespmem:s28+$0x14030]  }
0x365: {  	v8 =	vld [tilespmem:s28+$0x14040]  }
0x366: {  	v13 =	vadd.s32 v7, v10;
	v10 =	vld [tilespmem:s28+$0x14050]  }
0x367: {  	s1 =	simm.s32 $0x200;
	[tilespmem:s28+$0x14000] =	vst v13;
	v13 =	vadd.s32 v7, v12;
	v12 =	vld [tilespmem:s28+$0x14060]  }
.LBB2_31:
0x368: {  	s0 =	sshra.s32 s1, $0x2;
	p0 =	sne.s32 s1, $0x1E00;
	[tilespmem:s28+$0x14010] =	vst v13;
	v11 =	vadd.s32 v7, v11;
	v13 =	vld [tilespmem:s28+$0x14070]  }
0x369: {  	v14 =	vld [tilespmem:s0+$0x14000];
	[tilespmem:s28+$0x14020] =	vst v11;
	v9 =	vadd.s32 v7, v9  }
0x36a: {  	v15 =	vld [tilespmem:s0+$0x14010];
	[tilespmem:s28+$0x14030] =	vst v9;
	v8 =	vadd.s32 v7, v8  }
.Ltmp14:
0x36b: {  	v11 =	vld [tilespmem:s0+$0x14020];
	[tilespmem:s28+$0x14040] =	vst v8;
	v8 =	vadd.s32 v7, v10;
	(pc) =	sbr.rel @p0 .LBB2_31-.Ltmp14, $4  }
0x36c: {  	v9 =	vld [tilespmem:s0+$0x14030];
	[tilespmem:s28+$0x14050] =	vst v8;
	v10 =	vadd.s32 v7, v12  }
0x36d: {  	v8 =	vld [tilespmem:s0+$0x14040];
	[tilespmem:s28+$0x14060] =	vst v10;
	v12 =	vadd.s32 v7, v13  }
0x36e: {  	v13 =	vadd.s32 v7, v14;
	v10 =	vld [tilespmem:s0+$0x14050];
	[tilespmem:s28+$0x14070] =	vst v12;
	s28 =	smov.u32 s0  }
0x36f: {  	s1 =	sadd.s32 $0x200, s1;
	[tilespmem:s28+$0x14000] =	vst v13;
	v13 =	vadd.s32 v7, v15;
	v12 =	vld [tilespmem:s28+$0x14060]  }
0x370: {  	[tilespmem:s28+$0x14010] =	vst v13;
	v11 =	vadd.s32 v7, v11;
	v63 =	vld [tilespmem:s28+$0x14070]  }
0x371: {  	[tilespmem:s28+$0x14020] =	vst v11;
	v9 =	vadd.s32 v7, v9  }
0x372: {  	[tilespmem:s28+$0x14030] =	vst v9;
	v8 =	vadd.s32 v7, v8  }
0x373: {  	[tilespmem:s28+$0x14040] =	vst v8;
	v8 =	vadd.s32 v7, v10  }
0x374: {  	[tilespmem:s28+$0x14050] =	vst v8;
	v8 =	vadd.s32 v7, v12  }
0x375: {  	[tilespmem:s28+$0x14060] =	vst v8;
	v8 =	vadd.s32 v7, v63  }
0x376: {  	[tilespmem:s28+$0x14070] =	vst v8  }
0x377: {  	[tilespmem:s29], [sflag:$0x1] =	stream.indirect.gather [hbm4b:s4+s2], $0x80, s31, s2, $0xb8;
	[tilespmem:$0x1D800] =	vst v63  }
0x378: {  	_ = 	snop  }
0x379: {  	[tilespmem:s12], [sflag:$0x2] =	stream.indirect.gather [hbm4b:s4+s2], $0x80, s11, s2, $0xb8;
	[tilespmem:$0x1D800] =	vst v63  }
0x37a: {  	_ =	swait.ge [sflag:s13], $0x4000  }
0x37b: {  	[sflag:s13] =	ssyncset.done $0x0  }
0x37c: {  	[sflag:s13] =	ssyncadd.s32 $0xFFFFC000  }
0x37d: {  	[tilespmem:s29], [sflag:$0x1] =	stream.indirect.gather [hbm4b:s4+s2], $0x80, s14, s2, $0xb8;
	[tilespmem:$0x1D800] =	vst v63  }
0x37e: {  	_ =	swait.ge [sflag:s15], $0x4000  }
0x37f: {  	[sflag:s15] =	ssyncset.done $0x0  }
0x380: {  	[sflag:s15] =	ssyncadd.s32 $0xFFFFC000  }
0x381: {  	[tilespmem:s12], [sflag:$0x2] =	stream.indirect.gather [hbm4b:s4+s2], $0x80, s16, s2, $0xb8;
	[tilespmem:$0x1D800] =	vst v63  }
0x382: {  	_ =	swait.ge [sflag:s13], $0x4000  }
0x383: {  	[sflag:s13] =	ssyncset.done $0x0  }
0x384: {  	[sflag:s13] =	ssyncadd.s32 $0xFFFFC000  }
0x385: {  	[tilespmem:s29], [sflag:$0x1] =	stream.indirect.gather [hbm4b:s4+s2], $0x80, s17, s2, $0xb8;
	[tilespmem:$0x1D800] =	vst v63  }
0x386: {  	_ =	swait.ge [sflag:s15], $0x4000  }
0x387: {  	[sflag:s15] =	ssyncset.done $0x0  }
0x388: {  	[sflag:s15] =	ssyncadd.s32 $0xFFFFC000  }
0x389: {  	[tilespmem:s12], [sflag:$0x2] =	stream.indirect.gather [hbm4b:s4+s2], $0x80, s18, s2, $0xb8;
	[tilespmem:$0x1D800] =	vst v63  }
0x38a: {  	_ =	swait.ge [sflag:s13], $0x4000  }
0x38b: {  	[sflag:s13] =	ssyncset.done $0x0  }
0x38c: {  	[sflag:s13] =	ssyncadd.s32 $0xFFFFC000  }
0x38d: {  	[tilespmem:s29], [sflag:$0x1] =	stream.indirect.gather [hbm4b:s4+s2], $0x80, s19, s2, $0xb8;
	[tilespmem:$0x1D800] =	vst v63  }
0x38e: {  	_ =	swait.ge [sflag:s15], $0x4000  }
0x38f: {  	[sflag:s15] =	ssyncset.done $0x0  }
0x390: {  	[sflag:s15] =	ssyncadd.s32 $0xFFFFC000  }
0x391: {  	[tilespmem:s12], [sflag:$0x2] =	stream.indirect.gather [hbm4b:s4+s2], $0x80, s20, s2, $0xb8;
	[tilespmem:$0x1D800] =	vst v63  }
0x392: {  	_ =	swait.ge [sflag:s13], $0x4000  }
0x393: {  	[sflag:s13] =	ssyncset.done $0x0  }
0x394: {  	[sflag:s13] =	ssyncadd.s32 $0xFFFFC000  }
0x395: {  	[tilespmem:s29], [sflag:$0x1] =	stream.indirect.gather [hbm4b:s4+s2], $0x80, s24, s2, $0xb8;
	[tilespmem:$0x1D800] =	vst v63  }
0x396: {  	_ =	swait.ge [sflag:s15], $0x4000  }
0x397: {  	[sflag:s15] =	ssyncset.done $0x0  }
0x398: {  	[sflag:s15] =	ssyncadd.s32 $0xFFFFC000  }
0x399: {  	[tilespmem:s12], [sflag:$0x2] =	stream.indirect.gather [hbm4b:s4+s2], $0x80, s23, s2, $0xb8;
	[tilespmem:$0x1D800] =	vst v63  }
0x39a: {  	_ =	swait.ge [sflag:s13], $0x4000  }
0x39b: {  	[sflag:s13] =	ssyncset.done $0x0  }
0x39c: {  	[sflag:s13] =	ssyncadd.s32 $0xFFFFC000  }
0x39d: {  	[tilespmem:s29], [sflag:$0x1] =	stream.indirect.gather [hbm4b:s4+s2], $0x80, s5, s2, $0xb8;
	[tilespmem:$0x1D800] =	vst v63  }
0x39e: {  	_ =	swait.ge [sflag:s15], $0x4000  }
0x39f: {  	[sflag:s15] =	ssyncset.done $0x0  }
0x3a0: {  	[sflag:s15] =	ssyncadd.s32 $0xFFFFC000  }
0x3a1: {  	[tilespmem:s12], [sflag:$0x2] =	stream.indirect.gather [hbm4b:s4+s2], $0x80, s6, s2, $0xb8;
	[tilespmem:$0x1D800] =	vst v63  }
0x3a2: {  	_ =	swait.ge [sflag:s13], $0x4000  }
0x3a3: {  	[sflag:s13] =	ssyncset.done $0x0  }
0x3a4: {  	[sflag:s13] =	ssyncadd.s32 $0xFFFFC000  }
0x3a5: {  	[tilespmem:s29], [sflag:$0x1] =	stream.indirect.gather [hbm4b:s4+s2], $0x80, s7, s2, $0xb8;
	[tilespmem:$0x1D800] =	vst v63  }
0x3a6: {  	_ =	swait.ge [sflag:s15], $0x4000  }
0x3a7: {  	[sflag:s15] =	ssyncset.done $0x0  }
0x3a8: {  	[sflag:s15] =	ssyncadd.s32 $0xFFFFC000  }
0x3a9: {  	[tilespmem:s12], [sflag:$0x2] =	stream.indirect.gather [hbm4b:s4+s2], $0x80, s8, s2, $0xb8;
	[tilespmem:$0x1D800] =	vst v63  }
0x3aa: {  	_ =	swait.ge [sflag:s13], $0x4000  }
0x3ab: {  	[sflag:s13] =	ssyncset.done $0x0  }
0x3ac: {  	[sflag:s13] =	ssyncadd.s32 $0xFFFFC000  }
0x3ad: {  	[tilespmem:s29], [sflag:$0x1] =	stream.indirect.gather [hbm4b:s4+s2], $0x80, s9, s2, $0xb8;
	[tilespmem:$0x1D800] =	vst v63  }
0x3ae: {  	_ =	swait.ge [sflag:s15], $0x4000  }
0x3af: {  	[sflag:s15] =	ssyncset.done $0x0  }
0x3b0: {  	s25 =	sadd.s32 $0x1, s25;
	[sflag:s15] =	ssyncadd.s32 $0xFFFFC000  }
0x3b1: {  	[tilespmem:s12], [sflag:$0x2] =	stream.indirect.gather [hbm4b:s4+s2], $0x80, s21, s2, $0xb8;
	[tilespmem:$0x1D800] =	vst v63  }
0x3b2: {  	p0 =	sne.s32 s25, $0xA;
	_ =	swait.ge [sflag:s13], $0x4000  }
.Ltmp15:
0x3b3: {  	[sflag:s13] =	ssyncset.done $0x0;
	(pc) =	sbr.rel @p0 .LBB2_30-.Ltmp15, $4  }
0x3b4: {  	[sflag:s13] =	ssyncadd.s32 $0xFFFFC000  }
0x3b5: {  	_ =	swait.ge [sflag:s15], $0x4000  }
0x3b6: {  	[sflag:s15] =	ssyncset.done $0x0  }
0x3b7: {  	[sflag:s15] =	ssyncadd.s32 $0xFFFFC000  }
0x3b8: {  	[bflag:$0x0] =	sbarrier.arrive $0xFFFF  }
0x3b9: {  	s0 =	rddreg [dreg:$0xe]  }
0x3ba: {  	s1 =	rddreg [dreg:$0x1a]  }
0x3bb: {  	s25 =	rddreg [dreg:$0x1b]  }
0x3bc: {  	[hbm:s0], [sflag:s1] =	dma.local [spmem:s25], $0x800  }
0x3bd: {  	_ =	swait.ge [sflag:s30], $0x800  }
0x3be: {  	[sflag:s30] =	ssyncset.done $0x0;
	s26 =	rddreg [dreg:$0xf]  }
0x3bf: {  	s28 =	rddreg [dreg:$0x1c];
	[sflag:s30] =	ssyncadd.s32 $0xFFFFF800  }
0x3c0: {  	[hbm:s26], [sflag:s1] =	dma.local [spmem:s28], $0x800  }
0x3c1: {  	_ =	swait.ge [sflag:s30], $0x800  }
0x3c2: {  	[sflag:s30] =	ssyncset.done $0x0;
	s26 =	rddreg [dreg:$0x10]  }
0x3c3: {  	s28 =	rddreg [dreg:$0x1d];
	[sflag:s30] =	ssyncadd.s32 $0xFFFFF800  }
0x3c4: {  	[hbm:s26], [sflag:s1] =	dma.local [spmem:s28], $0x800  }
0x3c5: {  	_ =	swait.ge [sflag:s30], $0x800  }
0x3c6: {  	[sflag:s30] =	ssyncset.done $0x0;
	s26 =	rddreg [dreg:$0x11]  }
0x3c7: {  	s28 =	rddreg [dreg:$0x1e];
	[sflag:s30] =	ssyncadd.s32 $0xFFFFF800  }
0x3c8: {  	[hbm:s26], [sflag:s1] =	dma.local [spmem:s28], $0x800  }
0x3c9: {  	_ =	swait.ge [sflag:s30], $0x800  }
0x3ca: {  	[sflag:s30] =	ssyncset.done $0x0;
	s26 =	rddreg [dreg:$0x12]  }
0x3cb: {  	s28 =	rddreg [dreg:$0x1f];
	[sflag:s30] =	ssyncadd.s32 $0xFFFFF800  }
0x3cc: {  	[hbm:s26], [sflag:s1] =	dma.local [spmem:s28], $0x800  }
0x3cd: {  	_ =	swait.ge [sflag:s30], $0x800  }
0x3ce: {  	s26 =	rddreg [dreg:$0x19]  }
0x3cf: {  	s28 =	rddreg [dreg:$0x15];
	s1 =	sadd.s32 $0x1, s26  }
0x3d0: {  	p0 =	sne.s32 s1, s28  }
.Ltmp16:
0x3d1: {  	_ = 	snop;
	(pc) =	sbr.rel @p0 .LBB2_1-.Ltmp16, $3  }
0x3d2: {  	[sflag:s30] =	ssyncset.done $0x0  }
0x3d3: {  	[sflag:s30] =	ssyncadd.s32 $0xFFFFF800  }
0x3d4: {  	[bflag:$0x0] =	sbarrier.arrive $0xFFFF;
	_ =	sdelay $0x1  }
0x3d5: {  	_ =	sfence.sel $0x180000  }
0x3d6: {  	[bflag:$0x0] =	sbarrier.arrive $0xFFFF  }
0x3d7: {  	_ =	strace $0x90000047  }
0x3d8: {  	s0 =	stileid.u32;
	[bflag:$0x2] =	sbarrier.arrive $0xFFFF  }
0x3d9: {  	p0 =	sne.s32 s0, $0x0;
	s0 =	rddreg [dreg:$0x3]  }
0x3da: {  	s0 =	sadd.s32 @!p0 $0x100000, s0  }
0x3db: {  	[sflag:s0] =	ssyncadd.tile.s32 @!p0 $0x1;
	_ =	shalt  }
.Lfunc_end2:
_tile_overlayer_lowered:
.L_overlay_start_2:
0x3dc: {  	(tag) =	ssettag $0x2  }
0x3dd: {  	s0 =	rddreg [dreg:$0x0];
	s2 =	stileid.u32  }
0x3de: {  	s1 =	rddreg [dreg:$0x1];
	p0 =	sne.s32 s2, $0x0  }
0x3df: {  	s3 =	rddreg [dreg:$0x2];
	[bflag:$0x3] =	sbarrier.arrive $0xFFFF;
	s2 =	simm.s32 @!p0 $0x1C03  }
0x3e0: {  	[timem:s3], [sflag:s2] =	dma.local @!p0 [hbm:s0], s1  }
0x3e1: {  	s0 =	simm.s32 @!p0 $0x3  }
0x3e2: {  	_ =	swait.ge @!p0 [sflag:s0], s1  }
0x3e3: {  	s1 =	ssub.s32 @!p0 $0x0, s1;
	[sflag:s0] =	ssyncset.done @!p0 $0x0  }
0x3e4: {  	[sflag:s0] =	ssyncadd.s32 @!p0 s1  }
0x3e5: {  	[bflag:$0x3] =	sbarrier.arrive $0xFFFF  }
0x3e6: {  	_ =	shalt  }

</sc_bundles>
